<compile_context>
chip_gen: v7x
topology: tpu7x:2x2x1
jax: 0.10.2.dev20260603
libtpu: 0.0.44.dev20260713+nightly
codegen_flags: <defaults>
</compile_context>

<pallas_src>
import functools

import jax
import jax.numpy as jnp
from jax import lax
from jax.experimental import pallas as pl
from jax.experimental.pallas import tpu as pltpu
from jax.experimental.pallas import tpu_sc as plsc

_B = 64
_BEAM = 4
_V = 100000
_CUR = 8
_EOS = 2
_NEG_INF = -1e20
_ROW = _BEAM * _V
_LANES = 128
_SUB = _ROW // _LANES

_NW_WORKERS = 32
_BPW = _B // _NW_WORKERS
_CHUNK = 20000
_NCHUNK = _BPW * _ROW // _CHUNK
_WIN = 2000
_NWIN = _ROW // _WIN
_FILL = -1.0e30
_BIGI = 2 ** 30
_CBUF = 512


def _sc_topk_body(scores_hbm, alive_hbm, vals_hbm, idx_hbm,
                  buf0, buf1, mw, rbuf, cval, cidx, asv, outv, outi,
                  sem0, sem1):
    wid = lax.axis_index("s") * 2 + lax.axis_index("c")
    base = wid * (_BPW * _ROW)

    pltpu.sync_copy(alive_hbm.at[pl.ds(wid * (_BPW * _BEAM), _BPW * _BEAM)],
                    asv.at[pl.ds(0, _BPW * _BEAM)])
    av = asv[...]

    def _chunk_src(c):
        return scores_hbm.at[pl.ds(base + c * _CHUNK, _CHUNK)]

    def _compute_chunk(buf, chunk_i):
        for j in range(_CHUNK // _WIN):
            def inner(t, accs):
                o = j * _WIN + t * 80
                return tuple(
                    jnp.maximum(a, buf[pl.ds(o + 16 * q, 16)])
                    for q, a in enumerate(accs))
            init = tuple(jnp.full((16,), _FILL, jnp.float32) for _ in range(5))
            a0, a1, a2, a3, a4 = lax.fori_loop(0, _WIN // 80, inner, init)
            acc = jnp.maximum(jnp.maximum(jnp.maximum(a0, a1),
                                          jnp.maximum(a2, a3)), a4)
            mw[pl.ds((chunk_i * (_CHUNK // _WIN) + j) * 16, 16)] = acc

    pltpu.async_copy(_chunk_src(0), buf0, sem0)

    def outer(i, carry):
        pltpu.async_copy(_chunk_src(2 * i + 1), buf1, sem1)
        pltpu.make_async_copy(_chunk_src(0), buf0, sem0).wait()
        _compute_chunk(buf0, 2 * i)

        @pl.when(i < _NCHUNK // 2 - 1)
        def _():
            pltpu.async_copy(_chunk_src(2 * i + 2), buf0, sem0)

        pltpu.make_async_copy(_chunk_src(1), buf1, sem1).wait()
        _compute_chunk(buf1, 2 * i + 1)
        return carry

    lax.fori_loop(0, _NCHUNK // 2, outer, jnp.int32(0))

    lane = lax.iota(jnp.int32, 16)
    ovec = jnp.full((16,), _FILL, jnp.float32)
    oivec = jnp.full((16,), 0, jnp.int32)

    for lb in range(_BPW):
        mwbase = lb * _NWIN * 16
        s0 = av[lb * _BEAM + 0]
        s1 = av[lb * _BEAM + 1]
        s2 = av[lb * _BEAM + 2]
        s3 = av[lb * _BEAM + 3]
        wps = _V // _WIN

        def _sk(wi):
            return jnp.where(wi < wps, s0,
                             jnp.where(wi < 2 * wps, s1,
                                       jnp.where(wi < 3 * wps, s2, s3)))

        def tins(wi, carry):
            t1, t2, t3, t4 = carry
            x = mw[pl.ds(mwbase + wi * 16, 16)] + _sk(wi)
            d = jnp.minimum(t1, x)
            t1 = jnp.maximum(t1, x)
            d2 = jnp.minimum(t2, d)
            t2 = jnp.maximum(t2, d)
            d3 = jnp.minimum(t3, d2)
            t3 = jnp.maximum(t3, d2)
            t4 = jnp.maximum(t4, d3)
            return (t1, t2, t3, t4)

        fill = jnp.full((16,), _FILL, jnp.float32)
        t1, t2, t3, t4 = lax.fori_loop(0, _NWIN, tins, (fill, fill, fill, fill))

        T = jnp.float32(0)
        for r in range(4):
            mm = jnp.maximum(jnp.maximum(t1, t2), jnp.maximum(t3, t4))
            T = jnp.max(mm)
            if r < 3:
                t1 = jnp.where(t1 == T, _FILL, t1)
                t2 = jnp.where(t2 == T, _FILL, t2)
                t3 = jnp.where(t3 == T, _FILL, t3)
                t4 = jnp.where(t4 == T, _FILL, t4)

        for q in range(_CBUF // 16):
            cval[pl.ds(q * 16, 16)] = fill
            cidx[pl.ds(q * 16, 16)] = jnp.full((16,), _BIGI, jnp.int32)

        def rw(wi, off):
            a = mw[pl.ds(mwbase + wi * 16, 16)]
            sk = _sk(wi)
            wmax = jnp.max(a) + sk

            def do_rescan(off):
                pltpu.sync_copy(
                    scores_hbm.at[pl.ds(base + lb * _ROW + wi * _WIN, _WIN)],
                    rbuf)

                def rv(t, off):
                    y = rbuf[pl.ds(t * 16, 16)] + sk
                    msk = y >= T
                    iv = lane + (wi * _WIN + t * 16)
                    plsc.store_compressed(cval.at[pl.ds(off, 16)], y, mask=msk)
                    plsc.store_compressed(cidx.at[pl.ds(off, 16)], iv, mask=msk)
                    cnt = plsc.all_reduce_population_count(msk)
                    return jnp.minimum(off + jnp.max(cnt),
                                       jnp.int32(_CBUF - 16))

                return lax.fori_loop(0, _WIN // 16, rv, off)

            return lax.cond(wmax >= T, do_rescan, lambda o: o, off)

        lax.fori_loop(0, _NWIN, rw, jnp.int32(0))

        for r in range(4):
            def scan_best(q, carry):
                vb, vi = carry
                v = cval[pl.ds(q * 16, 16)]
                ix = cidx[pl.ds(q * 16, 16)]
                better = (v > vb) | ((v == vb) & (ix < vi))
                return (jnp.where(better, v, vb), jnp.where(better, ix, vi))

            vb, vi = lax.fori_loop(
                0, _CBUF // 16, scan_best,
                (fill, jnp.full((16,), _BIGI, jnp.int32)))
            m = jnp.max(vb)
            mi = jnp.min(jnp.where(vb == m, vi, _BIGI))

            def rem(q, carry):
                ix = cidx[pl.ds(q * 16, 16)]
                v = cval[pl.ds(q * 16, 16)]
                cval[pl.ds(q * 16, 16)] = jnp.where(ix == mi, _FILL, v)
                return carry

            lax.fori_loop(0, _CBUF // 16, rem, jnp.int32(0))
            pos = lb * _BEAM + r
            ovec = jnp.where(lane == pos, m, ovec)
            oivec = jnp.where(lane == pos, mi, oivec)

    outv[...] = ovec
    outi[...] = oivec
    n_out = _BPW * _BEAM
    pltpu.sync_copy(outv.at[pl.ds(0, n_out)], vals_hbm.at[pl.ds(wid * n_out, n_out)])
    pltpu.sync_copy(outi.at[pl.ds(0, n_out)], idx_hbm.at[pl.ds(wid * n_out, n_out)])


_sc_topk = functools.partial(
    pl.kernel,
    mesh=plsc.VectorSubcoreMesh(core_axis_name="c", subcore_axis_name="s"),
    compiler_params=pltpu.CompilerParams(needs_layout_passes=False),
    out_type=[
        jax.ShapeDtypeStruct((_B * _BEAM,), jnp.float32),
        jax.ShapeDtypeStruct((_B * _BEAM,), jnp.int32),
    ],
    scratch_types=[
        pltpu.VMEM((_CHUNK,), jnp.float32),
        pltpu.VMEM((_CHUNK,), jnp.float32),
        pltpu.VMEM((_BPW * _NWIN * 16,), jnp.float32),
        pltpu.VMEM((_WIN,), jnp.float32),
        pltpu.VMEM((_CBUF,), jnp.float32),
        pltpu.VMEM((_CBUF,), jnp.int32),
        pltpu.VMEM((16,), jnp.float32),
        pltpu.VMEM((16,), jnp.float32),
        pltpu.VMEM((16,), jnp.int32),
        pltpu.SemaphoreType.DMA,
        pltpu.SemaphoreType.DMA,
    ],
)(_sc_topk_body)


def _topk_body(score_ref, alive_ref, vals_ref, idx_ref):
    b = pl.program_id(0)
    x = score_ref[0]
    ridx = jax.lax.broadcasted_iota(jnp.int32, (_SUB, _LANES), 0)
    cidx = jax.lax.broadcasted_iota(jnp.int32, (_SUB, _LANES), 1)
    idx = ridx * _LANES + cidx
    s0 = alive_ref[b, 0]
    s1 = alive_ref[b, 1]
    s2 = alive_ref[b, 2]
    s3 = alive_ref[b, 3]
    add = jnp.where(idx < _V, s0, jnp.where(idx < 2 * _V, s1,
                    jnp.where(idx < 3 * _V, s2, s3)))
    y = x + add
    big = jnp.int32(2 ** 30)
    for r in range(_BEAM):
        m = jnp.max(y)
        sel = jnp.min(jnp.where(y == m, idx, big))
        vals_ref[0, 0, r] = m
        idx_ref[0, 0, r] = sel
        y = jnp.where(idx == sel, _NEG_INF, y)


def _finish_body(vals_ref, idx_ref, hyp_ref, ts_ref, as_ref, fm_ref, tok_ref, hyp_out_ref):
    top_scores = vals_ref[:, 0, :]
    index = idx_ref[:, 0, :]
    tokens = index % _V
    origin = index // _V
    hyp = hyp_ref[...]
    lane = jax.lax.broadcasted_iota(jnp.int32, (_B, _BEAM * _CUR), 1)
    grp = lane // _CUR
    zero32 = jnp.zeros((_B, _BEAM * _CUR), jnp.int32)
    origin_e = zero32
    for j in range(_BEAM):
        origin_e = jnp.where(grp == j, origin[:, j:j + 1], origin_e)
    cand = zero32
    for k in range(_BEAM):
        tile_k = jnp.concatenate([hyp[:, k * _CUR:(k + 1) * _CUR]] * _BEAM, axis=1)
        cand = jnp.where(origin_e == k, tile_k, cand)
    flags = (tokens == _EOS).astype(jnp.float32)
    alive_masked = top_scores + flags * _NEG_INF
    finish_masked = top_scores + (1.0 - flags) * _NEG_INF
    iota4 = jax.lax.broadcasted_iota(jnp.int32, (_B, _BEAM), 1)
    am = alive_masked
    new_scores = []
    new_idx = []
    for r in range(_BEAM):
        m = jnp.max(am, axis=1, keepdims=True)
        sel = jnp.min(jnp.where(am == m, iota4, _BEAM), axis=1, keepdims=True)
        new_scores.append(m)
        new_idx.append(sel)
        am = jnp.where(iota4 == sel, _NEG_INF, am)
    alive_scores_new = jnp.concatenate(new_scores, axis=1)
    alive_idx = jnp.concatenate(new_idx, axis=1)
    aidx_e = zero32
    for j in range(_BEAM):
        aidx_e = jnp.where(grp == j, alive_idx[:, j:j + 1], aidx_e)
    new_hyp = zero32
    new_tok = jnp.zeros((_B, _BEAM), jnp.int32)
    for k in range(_BEAM):
        tile_k = jnp.concatenate([cand[:, k * _CUR:(k + 1) * _CUR]] * _BEAM, axis=1)
        new_hyp = jnp.where(aidx_e == k, tile_k, new_hyp)
        new_tok = jnp.where(alive_idx == k, tokens[:, k:k + 1], new_tok)
    ts_ref[...] = top_scores
    as_ref[...] = alive_scores_new
    fm_ref[...] = finish_masked
    tok_ref[...] = tokens
    hyp_out_ref[...] = jnp.concatenate(
        [jnp.concatenate([new_hyp[:, j * _CUR:(j + 1) * _CUR],
                          new_tok[:, j:j + 1]], axis=1)
         for j in range(_BEAM)], axis=1)


def kernel(out, alive_scores, alive_hypotheses):
    vals_flat, idx_flat = _sc_topk(out.reshape(-1), alive_scores.reshape(-1))
    vals = vals_flat.reshape(_B, 1, _BEAM)
    idx = idx_flat.reshape(_B, 1, _BEAM)

    ts, asn, fm, tok, hyp_new = pl.pallas_call(
        _finish_body,
        out_shape=[
            jax.ShapeDtypeStruct((_B, _BEAM), jnp.float32),
            jax.ShapeDtypeStruct((_B, _BEAM), jnp.float32),
            jax.ShapeDtypeStruct((_B, _BEAM), jnp.float32),
            jax.ShapeDtypeStruct((_B, _BEAM), jnp.int32),
            jax.ShapeDtypeStruct((_B, _BEAM * (_CUR + 1)), jnp.int32),
        ],
    )(vals, idx, alive_hypotheses.reshape(_B, _BEAM * _CUR))
    return (ts, asn, fm, tok, hyp_new.reshape(_B * _BEAM, _CUR + 1))

# --- scband reference (transcript-rebuilt; emitter-appended) ---
"""Pipeline reference for scband-translator-90666759619093 (READ-ONLY COPY).

The authoritative reference and input builder live on the scoring server;
editing this copy changes nothing except your own understanding.
"""

import jax, jax.numpy as jnp
import numpy as np

B = 64
BEAM = 4
V = 100000
CUR = 8
EOS = 2
NEG_INF = -1e20


def setup_inputs(seed: int = 0) -> dict:
    key = jax.random.key(seed)
    k1, k2, k3 = jax.random.split(key, 3)
    out = jax.random.normal(k1, (B, BEAM, V), dtype=jnp.float32)
    alive_scores = jax.random.normal(k2, (B, BEAM), dtype=jnp.float32)
    alive_hypotheses = jax.random.randint(k3, (B * BEAM, CUR), 0, V, dtype=jnp.int32)
    return {"out": out, "alive_scores": alive_scores, "alive_hypotheses": alive_hypotheses}


def reference(out, alive_scores, alive_hypotheses):
    # One beam-search expansion step (the top-k masking core of Translator.forward).
    # beam_scores = alive_scores.unsqueeze(-1) + out
    beam_scores = alive_scores[:, :, None] + out  # [B, BEAM, V]
    # top_scores, index = beam_scores.view(batch, -1).topk(beam_size)
    top_scores, index = jax.lax.top_k(beam_scores.reshape(B, BEAM * V), BEAM)
    origin = index // V  # which beam each candidate came from
    tokens = index % V   # the new token id
    beam_index_expander = (jnp.arange(B, dtype=jnp.int32) * BEAM)[:, None]
    origin_flat = (origin.astype(jnp.int32) + beam_index_expander).reshape(-1)
    # candidate_seqs = alive_hypotheses.index_select(0, origin); cat new tokens
    candidate_seqs = jnp.take(alive_hypotheses, origin_flat, axis=0)
    candidate_seqs = jnp.concatenate([candidate_seqs, tokens.reshape(-1, 1).astype(jnp.int32)], axis=-1)
    # flags = tokens == eos; masked scores
    flags = (tokens == EOS).astype(jnp.float32)
    alive_masked_scores = top_scores + flags * NEG_INF
    finish_masked_scores = top_scores + (1.0 - flags) * NEG_INF
    # alive_scores, alive_indices = alive_masked_scores.topk(beam_size)
    alive_scores_new, alive_indices = jax.lax.top_k(alive_masked_scores, BEAM)
    alive_indices_flat = (alive_indices.astype(jnp.int32) + beam_index_expander).reshape(-1)
    alive_hypotheses_new = jnp.take(candidate_seqs, alive_indices_flat, axis=0)
    return (top_scores, alive_scores_new, finish_masked_scores, tokens, alive_hypotheses_new)

if __name__ == "__main__":
    import jax
    _d = setup_inputs()
    print(jax.jit(kernel)(*tuple(_d.values())))

</pallas_src>

<mosaic_0001>
#map = affine_map<(d0, d1) -> (0)>
module attributes {stable_mosaic.version = 14 : i64} {
  func.func @_sc_topk_body(%arg0: i32, %arg1: i32, %arg2: memref<25600000xf32, #tpu.memory_space<hbm>>, %arg3: memref<256xf32, #tpu.memory_space<hbm>>, %arg4: memref<256xf32, #tpu.memory_space<hbm>>, %arg5: memref<256xi32, #tpu.memory_space<hbm>>, %arg6: memref<20000xf32, #tpu.memory_space<vmem>>, %arg7: memref<20000xf32, #tpu.memory_space<vmem>>, %arg8: memref<6400xf32, #tpu.memory_space<vmem>>, %arg9: memref<2000xf32, #tpu.memory_space<vmem>>, %arg10: memref<512xf32, #tpu.memory_space<vmem>>, %arg11: memref<512xi32, #tpu.memory_space<vmem>>, %arg12: memref<16xf32, #tpu.memory_space<vmem>>, %arg13: memref<16xf32, #tpu.memory_space<vmem>>, %arg14: memref<16xi32, #tpu.memory_space<vmem>>, %arg15: memref<!tpu.dma_semaphore, #tpu.memory_space<semaphore_mem>>, %arg16: memref<!tpu.dma_semaphore, #tpu.memory_space<semaphore_mem>>) attributes {dimension_semantics = [#tpu.dimension_semantics<core_parallel>, #tpu.dimension_semantics<subcore_parallel>], iteration_bounds = array<i64: 2, 16>, scalar_prefetch = 0 : i64, scratch_operands = 11 : i64, tpu.core_type = #tpu.core_type<sc_vector_subcore>, window_params = [{transform_indices = #map}, {transform_indices = #map}, {transform_indices = #map}, {transform_indices = #map}]} {
    %mul3A = arith.constant 2 : i32
    %mul3A_0 = arith.muli %arg1, %mul3A : i32
    %add3A = arith.addi %mul3A_0, %arg0 : i32
    %mul3A_1 = arith.constant 800000 : i32
    %mul3A_2 = arith.muli %add3A, %mul3A_1 : i32
    %mul3A_3 = arith.constant 8 : i32
    %mul3A_4 = arith.muli %add3A, %mul3A_3 : i32
    "tpu.region"() ({
      %run_scoped3A = tpu.sem_alloc : memref<!tpu.dma_semaphore, #tpu.memory_space<semaphore_mem>>
      %dma_start3A_950 = arith.constant 0 : i32
      %dma_start3A_951 = tpu.memref_slice %arg12[%dma_start3A_950] : memref<16xf32, #tpu.memory_space<vmem>> -> memref<8xf32, #tpu.memory_space<vmem>>
      %dma_start3A_952 = tpu.memref_slice %arg3[%mul3A_4] : memref<256xf32, #tpu.memory_space<hbm>> -> memref<8xf32, #tpu.memory_space<hbm>>
      %dma_start3A_953 = arith.constant 0 : i32
      %dma_start3A_954 = tpu.memref_slice %arg12[%dma_start3A_953] : memref<16xf32, #tpu.memory_space<vmem>> -> memref<8xf32, #tpu.memory_space<vmem>>
      %dma_start3A_955 = tpu.memref_slice %arg3[%mul3A_4] : memref<256xf32, #tpu.memory_space<hbm>> -> memref<8xf32, #tpu.memory_space<hbm>>
      tpu.enqueue_dma source(%dma_start3A_955 : memref<8xf32, #tpu.memory_space<hbm>>) target(%dma_start3A_954 : memref<8xf32, #tpu.memory_space<vmem>>) target_semaphore(%run_scoped3A : memref<!tpu.dma_semaphore, #tpu.memory_space<semaphore_mem>>)
      %dma_wait3A = arith.constant 0 : i32
      %dma_wait3A_956 = tpu.memref_slice %arg12[%dma_wait3A] : memref<16xf32, #tpu.memory_space<vmem>> -> memref<8xf32, #tpu.memory_space<vmem>>
      %dma_wait3A_957 = tpu.memref_slice %arg3[%mul3A_4] : memref<256xf32, #tpu.memory_space<hbm>> -> memref<8xf32, #tpu.memory_space<hbm>>
      %dma_wait3A_958 = arith.constant 0 : i32
      %dma_wait3A_959 = tpu.memref_slice %arg12[%dma_wait3A_958] : memref<16xf32, #tpu.memory_space<vmem>> -> memref<8xf32, #tpu.memory_space<vmem>>
      %dma_wait3A_960 = tpu.memref_slice %arg3[%mul3A_4] : memref<256xf32, #tpu.memory_space<hbm>> -> memref<8xf32, #tpu.memory_space<hbm>>
      tpu.wait_dma2 semaphore(%run_scoped3A : memref<!tpu.dma_semaphore, #tpu.memory_space<semaphore_mem>>) src(%dma_wait3A_960 : memref<8xf32, #tpu.memory_space<hbm>>) dst(%dma_wait3A_959 : memref<8xf32, #tpu.memory_space<vmem>>)
      tpu.yield
    }) : () -> ()
    %get3A = arith.constant 0 : index
    %get3A_5 = tpu.vector_load %arg12[%get3A] {strides = array<i32>} : memref<16xf32, #tpu.memory_space<vmem>>, vector<16xf32>,
    %add3A_6 = arith.constant 0 : i32
    %add3A_7 = arith.addi %mul3A_2, %add3A_6 : i32
    %dma_start3A = tpu.memref_slice %arg2[%add3A_7] : memref<25600000xf32, #tpu.memory_space<hbm>> -> memref<20000xf32, #tpu.memory_space<hbm>>
    %dma_start3A_8 = tpu.memref_slice %arg2[%add3A_7] : memref<25600000xf32, #tpu.memory_space<hbm>> -> memref<20000xf32, #tpu.memory_space<hbm>>
    tpu.enqueue_dma source(%dma_start3A_8 : memref<20000xf32, #tpu.memory_space<hbm>>) target(%arg6 : memref<20000xf32, #tpu.memory_space<vmem>>) target_semaphore(%arg15 : memref<!tpu.dma_semaphore, #tpu.memory_space<semaphore_mem>>)
    %scan3A = arith.constant 0 : i32
    %scan3A_9 = arith.constant 0 : i32
    %scan3A_10 = arith.constant 20 : i32
    %scan3A_11 = arith.addi %scan3A_9, %scan3A_10 : i32
    %scan3A_12 = arith.constant 1 : i32
    scf.for %scan3A_950 = %scan3A_9 to %scan3A_11 step %scan3A_12  : i32 {
      %mul3A_951 = arith.constant 2 : i32
      %mul3A_952 = arith.muli %mul3A_951, %scan3A_950 : i32
      %add3A_953 = arith.constant 1 : i32
      %add3A_954 = arith.addi %mul3A_952, %add3A_953 : i32
      %mul3A_955 = arith.constant 20000 : i32
      %mul3A_956 = arith.muli %add3A_954, %mul3A_955 : i32
      %add3A_957 = arith.addi %mul3A_2, %mul3A_956 : i32
      %dma_start3A_958 = tpu.memref_slice %arg2[%add3A_957] : memref<25600000xf32, #tpu.memory_space<hbm>> -> memref<20000xf32, #tpu.memory_space<hbm>>
      %dma_start3A_959 = tpu.memref_slice %arg2[%add3A_957] : memref<25600000xf32, #tpu.memory_space<hbm>> -> memref<20000xf32, #tpu.memory_space<hbm>>
      tpu.enqueue_dma source(%dma_start3A_959 : memref<20000xf32, #tpu.memory_space<hbm>>) target(%arg7 : memref<20000xf32, #tpu.memory_space<vmem>>) target_semaphore(%arg16 : memref<!tpu.dma_semaphore, #tpu.memory_space<semaphore_mem>>)
      %add3A_960 = arith.constant 0 : i32
      %add3A_961 = arith.addi %mul3A_2, %add3A_960 : i32
      %dma_wait3A = tpu.memref_slice %arg2[%add3A_961] : memref<25600000xf32, #tpu.memory_space<hbm>> -> memref<20000xf32, #tpu.memory_space<hbm>>
      %dma_wait3A_962 = tpu.memref_slice %arg2[%add3A_961] : memref<25600000xf32, #tpu.memory_space<hbm>> -> memref<20000xf32, #tpu.memory_space<hbm>>
      tpu.wait_dma2 semaphore(%arg15 : memref<!tpu.dma_semaphore, #tpu.memory_space<semaphore_mem>>) src(%dma_wait3A_962 : memref<20000xf32, #tpu.memory_space<hbm>>) dst(%arg6 : memref<20000xf32, #tpu.memory_space<vmem>>)
      %mul3A_963 = arith.constant 2 : i32
      %mul3A_964 = arith.muli %mul3A_963, %scan3A_950 : i32
      %broadcast_in_dim3A_965 = arith.constant -1.000000e+30 : f32
      %broadcast_in_dim3A_966 = vector.broadcast %broadcast_in_dim3A_965 : f32 to vector<16xf32>
      %broadcast_in_dim3A_967 = arith.constant -1.000000e+30 : f32
      %broadcast_in_dim3A_968 = vector.broadcast %broadcast_in_dim3A_967 : f32 to vector<16xf32>
      %broadcast_in_dim3A_969 = arith.constant -1.000000e+30 : f32
      %broadcast_in_dim3A_970 = vector.broadcast %broadcast_in_dim3A_969 : f32 to vector<16xf32>
      %broadcast_in_dim3A_971 = arith.constant -1.000000e+30 : f32
      %broadcast_in_dim3A_972 = vector.broadcast %broadcast_in_dim3A_971 : f32 to vector<16xf32>
      %broadcast_in_dim3A_973 = arith.constant -1.000000e+30 : f32
      %broadcast_in_dim3A_974 = vector.broadcast %broadcast_in_dim3A_973 : f32 to vector<16xf32>
      %scan3A_975 = arith.constant 0 : i32
      %scan3A_976 = arith.constant 25 : i32
      %scan3A_977 = arith.addi %scan3A_975, %scan3A_976 : i32
      %scan3A_978 = arith.constant 1 : i32
      %scan3A_979:5 = scf.for %scan3A_1535 = %scan3A_975 to %scan3A_977 step %scan3A_978 iter_args(%scan3A_1536 = %broadcast_in_dim3A_966, %scan3A_1537 = %broadcast_in_dim3A_968, %scan3A_1538 = %broadcast_in_dim3A_970, %scan3A_1539 = %broadcast_in_dim3A_972, %scan3A_1540 = %broadcast_in_dim3A_974) -> (vector<16xf32>, vector<16xf32>, vector<16xf32>, vector<16xf32>, vector<16xf32>)  : i32 {
        %mul3A_1541 = arith.constant 80 : i32
        %mul3A_1542 = arith.muli %scan3A_1535, %mul3A_1541 : i32
        %add3A_1543 = arith.constant 0 : i32
        %add3A_1544 = arith.addi %add3A_1543, %mul3A_1542 : i32
        %add3A_1545 = arith.constant 0 : i32
        %add3A_1546 = arith.addi %add3A_1544, %add3A_1545 : i32
        %get3A_1547 = arith.index_cast %add3A_1546 : i32 to index
        %get3A_1548 = tpu.vector_load %arg6[%get3A_1547] {strides = array<i32>} : memref<20000xf32, #tpu.memory_space<vmem>>, vector<16xf32>,
        %max3A_1549 = arith.maximumf %scan3A_1536, %get3A_1548 : vector<16xf32>
        %add3A_1550 = arith.constant 16 : i32
        %add3A_1551 = arith.addi %add3A_1544, %add3A_1550 : i32
        %get3A_1552 = arith.index_cast %add3A_1551 : i32 to index
        %get3A_1553 = tpu.vector_load %arg6[%get3A_1552] {strides = array<i32>} : memref<20000xf32, #tpu.memory_space<vmem>>, vector<16xf32>,
        %max3A_1554 = arith.maximumf %scan3A_1537, %get3A_1553 : vector<16xf32>
        %add3A_1555 = arith.constant 32 : i32
        %add3A_1556 = arith.addi %add3A_1544, %add3A_1555 : i32
        %get3A_1557 = arith.index_cast %add3A_1556 : i32 to index
        %get3A_1558 = tpu.vector_load %arg6[%get3A_1557] {strides = array<i32>} : memref<20000xf32, #tpu.memory_space<vmem>>, vector<16xf32>,
        %max3A_1559 = arith.maximumf %scan3A_1538, %get3A_1558 : vector<16xf32>
        %add3A_1560 = arith.constant 48 : i32
        %add3A_1561 = arith.addi %add3A_1544, %add3A_1560 : i32
        %get3A_1562 = arith.index_cast %add3A_1561 : i32 to index
        %get3A_1563 = tpu.vector_load %arg6[%get3A_1562] {strides = array<i32>} : memref<20000xf32, #tpu.memory_space<vmem>>, vector<16xf32>,
        %max3A_1564 = arith.maximumf %scan3A_1539, %get3A_1563 : vector<16xf32>
        %add3A_1565 = arith.constant 64 : i32
        %add3A_1566 = arith.addi %add3A_1544, %add3A_1565 : i32
        %get3A_1567 = arith.index_cast %add3A_1566 : i32 to index
        %get3A_1568 = tpu.vector_load %arg6[%get3A_1567] {strides = array<i32>} : memref<20000xf32, #tpu.memory_space<vmem>>, vector<16xf32>,
        %max3A_1569 = arith.maximumf %scan3A_1540, %get3A_1568 : vector<16xf32>
        scf.yield %max3A_1549, %max3A_1554, %max3A_1559, %max3A_1564, %max3A_1569 : vector<16xf32>, vector<16xf32>, vector<16xf32>, vector<16xf32>, vector<16xf32>
      }
      %scan3A_980 = arith.constant 25 : i32
      %max3A_981 = arith.maximumf %scan3A_979#0, %scan3A_979#1 : vector<16xf32>
      %max3A_982 = arith.maximumf %scan3A_979#2, %scan3A_979#3 : vector<16xf32>
      %max3A_983 = arith.maximumf %max3A_981, %max3A_982 : vector<16xf32>
      %max3A_984 = arith.maximumf %max3A_983, %scan3A_979#4 : vector<16xf32>
      %mul3A_985 = arith.constant 10 : i32
      %mul3A_986 = arith.muli %mul3A_964, %mul3A_985 : i32
      %add3A_987 = arith.constant 0 : i32
      %add3A_988 = arith.addi %mul3A_986, %add3A_987 : i32
      %mul3A_989 = arith.constant 16 : i32
      %mul3A_990 = arith.muli %add3A_988, %mul3A_989 : i32
      %swap3A_991 = arith.index_cast %mul3A_990 : i32 to index
      %swap3A_992 = tpu.vector_load %arg8[%swap3A_991] {strides = array<i32>} : memref<6400xf32, #tpu.memory_space<vmem>>, vector<16xf32>,
      tpu.vector_store %arg8[%swap3A_991], %max3A_984 {strides = array<i32>} : memref<6400xf32, #tpu.memory_space<vmem>>, vector<16xf32>,
      %broadcast_in_dim3A_993 = arith.constant -1.000000e+30 : f32
      %broadcast_in_dim3A_994 = vector.broadcast %broadcast_in_dim3A_993 : f32 to vector<16xf32>
      %broadcast_in_dim3A_995 = arith.constant -1.000000e+30 : f32
      %broadcast_in_dim3A_996 = vector.broadcast %broadcast_in_dim3A_995 : f32 to vector<16xf32>
      %broadcast_in_dim3A_997 = arith.constant -1.000000e+30 : f32
      %broadcast_in_dim3A_998 = vector.broadcast %broadcast_in_dim3A_997 : f32 to vector<16xf32>
      %broadcast_in_dim3A_999 = arith.constant -1.000000e+30 : f32
      %broadcast_in_dim3A_1000 = vector.broadcast %broadcast_in_dim3A_999 : f32 to vector<16xf32>
      %broadcast_in_dim3A_1001 = arith.constant -1.000000e+30 : f32
      %broadcast_in_dim3A_1002 = vector.broadcast %broadcast_in_dim3A_1001 : f32 to vector<16xf32>
      %scan3A_1003 = arith.constant 0 : i32
      %scan3A_1004 = arith.constant 25 : i32
      %scan3A_1005 = arith.addi %scan3A_1003, %scan3A_1004 : i32
      %scan3A_1006 = arith.constant 1 : i32
      %scan3A_1007:5 = scf.for %scan3A_1535 = %scan3A_1003 to %scan3A_1005 step %scan3A_1006 iter_args(%scan3A_1536 = %broadcast_in_dim3A_994, %scan3A_1537 = %broadcast_in_dim3A_996, %scan3A_1538 = %broadcast_in_dim3A_998, %scan3A_1539 = %broadcast_in_dim3A_1000, %scan3A_1540 = %broadcast_in_dim3A_1002) -> (vector<16xf32>, vector<16xf32>, vector<16xf32>, vector<16xf32>, vector<16xf32>)  : i32 {
        %mul3A_1541 = arith.constant 80 : i32
        %mul3A_1542 = arith.muli %scan3A_1535, %mul3A_1541 : i32
        %add3A_1543 = arith.constant 2000 : i32
        %add3A_1544 = arith.addi %add3A_1543, %mul3A_1542 : i32
        %add3A_1545 = arith.constant 0 : i32
        %add3A_1546 = arith.addi %add3A_1544, %add3A_1545 : i32
        %get3A_1547 = arith.index_cast %add3A_1546 : i32 to index
        %get3A_1548 = tpu.vector_load %arg6[%get3A_1547] {strides = array<i32>} : memref<20000xf32, #tpu.memory_space<vmem>>, vector<16xf32>,
        %max3A_1549 = arith.maximumf %scan3A_1536, %get3A_1548 : vector<16xf32>
        %add3A_1550 = arith.constant 16 : i32
        %add3A_1551 = arith.addi %add3A_1544, %add3A_1550 : i32
        %get3A_1552 = arith.index_cast %add3A_1551 : i32 to index
        %get3A_1553 = tpu.vector_load %arg6[%get3A_1552] {strides = array<i32>} : memref<20000xf32, #tpu.memory_space<vmem>>, vector<16xf32>,
        %max3A_1554 = arith.maximumf %scan3A_1537, %get3A_1553 : vector<16xf32>
        %add3A_1555 = arith.constant 32 : i32
        %add3A_1556 = arith.addi %add3A_1544, %add3A_1555 : i32
        %get3A_1557 = arith.index_cast %add3A_1556 : i32 to index
        %get3A_1558 = tpu.vector_load %arg6[%get3A_1557] {strides = array<i32>} : memref<20000xf32, #tpu.memory_space<vmem>>, vector<16xf32>,
        %max3A_1559 = arith.maximumf %scan3A_1538, %get3A_1558 : vector<16xf32>
        %add3A_1560 = arith.constant 48 : i32
        %add3A_1561 = arith.addi %add3A_1544, %add3A_1560 : i32
        %get3A_1562 = arith.index_cast %add3A_1561 : i32 to index
        %get3A_1563 = tpu.vector_load %arg6[%get3A_1562] {strides = array<i32>} : memref<20000xf32, #tpu.memory_space<vmem>>, vector<16xf32>,
        %max3A_1564 = arith.maximumf %scan3A_1539, %get3A_1563 : vector<16xf32>
        %add3A_1565 = arith.constant 64 : i32
        %add3A_1566 = arith.addi %add3A_1544, %add3A_1565 : i32
        %get3A_1567 = arith.index_cast %add3A_1566 : i32 to index
        %get3A_1568 = tpu.vector_load %arg6[%get3A_1567] {strides = array<i32>} : memref<20000xf32, #tpu.memory_space<vmem>>, vector<16xf32>,
        %max3A_1569 = arith.maximumf %scan3A_1540, %get3A_1568 : vector<16xf32>
        scf.yield %max3A_1549, %max3A_1554, %max3A_1559, %max3A_1564, %max3A_1569 : vector<16xf32>, vector<16xf32>, vector<16xf32>, vector<16xf32>, vector<16xf32>
      }
      %scan3A_1008 = arith.constant 25 : i32
      %max3A_1009 = arith.maximumf %scan3A_1007#0, %scan3A_1007#1 : vector<16xf32>
      %max3A_1010 = arith.maximumf %scan3A_1007#2, %scan3A_1007#3 : vector<16xf32>
      %max3A_1011 = arith.maximumf %max3A_1009, %max3A_1010 : vector<16xf32>
      %max3A_1012 = arith.maximumf %max3A_1011, %scan3A_1007#4 : vector<16xf32>
      %mul3A_1013 = arith.constant 10 : i32
      %mul3A_1014 = arith.muli %mul3A_964, %mul3A_1013 : i32
      %add3A_1015 = arith.constant 1 : i32
      %add3A_1016 = arith.addi %mul3A_1014, %add3A_1015 : i32
      %mul3A_1017 = arith.constant 16 : i32
      %mul3A_1018 = arith.muli %add3A_1016, %mul3A_1017 : i32
      %swap3A_1019 = arith.index_cast %mul3A_1018 : i32 to index
      %swap3A_1020 = tpu.vector_load %arg8[%swap3A_1019] {strides = array<i32>} : memref<6400xf32, #tpu.memory_space<vmem>>, vector<16xf32>,
      tpu.vector_store %arg8[%swap3A_1019], %max3A_1012 {strides = array<i32>} : memref<6400xf32, #tpu.memory_space<vmem>>, vector<16xf32>,
      %broadcast_in_dim3A_1021 = arith.constant -1.000000e+30 : f32
      %broadcast_in_dim3A_1022 = vector.broadcast %broadcast_in_dim3A_1021 : f32 to vector<16xf32>
      %broadcast_in_dim3A_1023 = arith.constant -1.000000e+30 : f32
      %broadcast_in_dim3A_1024 = vector.broadcast %broadcast_in_dim3A_1023 : f32 to vector<16xf32>
      %broadcast_in_dim3A_1025 = arith.constant -1.000000e+30 : f32
      %broadcast_in_dim3A_1026 = vector.broadcast %broadcast_in_dim3A_1025 : f32 to vector<16xf32>
      %broadcast_in_dim3A_1027 = arith.constant -1.000000e+30 : f32
      %broadcast_in_dim3A_1028 = vector.broadcast %broadcast_in_dim3A_1027 : f32 to vector<16xf32>
      %broadcast_in_dim3A_1029 = arith.constant -1.000000e+30 : f32
      %broadcast_in_dim3A_1030 = vector.broadcast %broadcast_in_dim3A_1029 : f32 to vector<16xf32>
      %scan3A_1031 = arith.constant 0 : i32
      %scan3A_1032 = arith.constant 25 : i32
      %scan3A_1033 = arith.addi %scan3A_1031, %scan3A_1032 : i32
      %scan3A_1034 = arith.constant 1 : i32
      %scan3A_1035:5 = scf.for %scan3A_1535 = %scan3A_1031 to %scan3A_1033 step %scan3A_1034 iter_args(%scan3A_1536 = %broadcast_in_dim3A_1022, %scan3A_1537 = %broadcast_in_dim3A_1024, %scan3A_1538 = %broadcast_in_dim3A_1026, %scan3A_1539 = %broadcast_in_dim3A_1028, %scan3A_1540 = %broadcast_in_dim3A_1030) -> (vector<16xf32>, vector<16xf32>, vector<16xf32>, vector<16xf32>, vector<16xf32>)  : i32 {
        %mul3A_1541 = arith.constant 80 : i32
        %mul3A_1542 = arith.muli %scan3A_1535, %mul3A_1541 : i32
        %add3A_1543 = arith.constant 4000 : i32
        %add3A_1544 = arith.addi %add3A_1543, %mul3A_1542 : i32
        %add3A_1545 = arith.constant 0 : i32
        %add3A_1546 = arith.addi %add3A_1544, %add3A_1545 : i32
        %get3A_1547 = arith.index_cast %add3A_1546 : i32 to index
        %get3A_1548 = tpu.vector_load %arg6[%get3A_1547] {strides = array<i32>} : memref<20000xf32, #tpu.memory_space<vmem>>, vector<16xf32>,
        %max3A_1549 = arith.maximumf %scan3A_1536, %get3A_1548 : vector<16xf32>
        %add3A_1550 = arith.constant 16 : i32
        %add3A_1551 = arith.addi %add3A_1544, %add3A_1550 : i32
        %get3A_1552 = arith.index_cast %add3A_1551 : i32 to index
        %get3A_1553 = tpu.vector_load %arg6[%get3A_1552] {strides = array<i32>} : memref<20000xf32, #tpu.memory_space<vmem>>, vector<16xf32>,
        %max3A_1554 = arith.maximumf %scan3A_1537, %get3A_1553 : vector<16xf32>
        %add3A_1555 = arith.constant 32 : i32
        %add3A_1556 = arith.addi %add3A_1544, %add3A_1555 : i32
        %get3A_1557 = arith.index_cast %add3A_1556 : i32 to index
        %get3A_1558 = tpu.vector_load %arg6[%get3A_1557] {strides = array<i32>} : memref<20000xf32, #tpu.memory_space<vmem>>, vector<16xf32>,
        %max3A_1559 = arith.maximumf %scan3A_1538, %get3A_1558 : vector<16xf32>
        %add3A_1560 = arith.constant 48 : i32
        %add3A_1561 = arith.addi %add3A_1544, %add3A_1560 : i32
        %get3A_1562 = arith.index_cast %add3A_1561 : i32 to index
        %get3A_1563 = tpu.vector_load %arg6[%get3A_1562] {strides = array<i32>} : memref<20000xf32, #tpu.memory_space<vmem>>, vector<16xf32>,
        %max3A_1564 = arith.maximumf %scan3A_1539, %get3A_1563 : vector<16xf32>
        %add3A_1565 = arith.constant 64 : i32
        %add3A_1566 = arith.addi %add3A_1544, %add3A_1565 : i32
        %get3A_1567 = arith.index_cast %add3A_1566 : i32 to index
        %get3A_1568 = tpu.vector_load %arg6[%get3A_1567] {strides = array<i32>} : memref<20000xf32, #tpu.memory_space<vmem>>, vector<16xf32>,
        %max3A_1569 = arith.maximumf %scan3A_1540, %get3A_1568 : vector<16xf32>
        scf.yield %max3A_1549, %max3A_1554, %max3A_1559, %max3A_1564, %max3A_1569 : vector<16xf32>, vector<16xf32>, vector<16xf32>, vector<16xf32>, vector<16xf32>
      }
      %scan3A_1036 = arith.constant 25 : i32
      %max3A_1037 = arith.maximumf %scan3A_1035#0, %scan3A_1035#1 : vector<16xf32>
      %max3A_1038 = arith.maximumf %scan3A_1035#2, %scan3A_1035#3 : vector<16xf32>
      %max3A_1039 = arith.maximumf %max3A_1037, %max3A_1038 : vector<16xf32>
      %max3A_1040 = arith.maximumf %max3A_1039, %scan3A_1035#4 : vector<16xf32>
      %mul3A_1041 = arith.constant 10 : i32
      %mul3A_1042 = arith.muli %mul3A_964, %mul3A_1041 : i32
      %add3A_1043 = arith.constant 2 : i32
      %add3A_1044 = arith.addi %mul3A_1042, %add3A_1043 : i32
      %mul3A_1045 = arith.constant 16 : i32
      %mul3A_1046 = arith.muli %add3A_1044, %mul3A_1045 : i32
      %swap3A_1047 = arith.index_cast %mul3A_1046 : i32 to index
      %swap3A_1048 = tpu.vector_load %arg8[%swap3A_1047] {strides = array<i32>} : memref<6400xf32, #tpu.memory_space<vmem>>, vector<16xf32>,
      tpu.vector_store %arg8[%swap3A_1047], %max3A_1040 {strides = array<i32>} : memref<6400xf32, #tpu.memory_space<vmem>>, vector<16xf32>,
      %broadcast_in_dim3A_1049 = arith.constant -1.000000e+30 : f32
      %broadcast_in_dim3A_1050 = vector.broadcast %broadcast_in_dim3A_1049 : f32 to vector<16xf32>
      %broadcast_in_dim3A_1051 = arith.constant -1.000000e+30 : f32
      %broadcast_in_dim3A_1052 = vector.broadcast %broadcast_in_dim3A_1051 : f32 to vector<16xf32>
      %broadcast_in_dim3A_1053 = arith.constant -1.000000e+30 : f32
      %broadcast_in_dim3A_1054 = vector.broadcast %broadcast_in_dim3A_1053 : f32 to vector<16xf32>
      %broadcast_in_dim3A_1055 = arith.constant -1.000000e+30 : f32
      %broadcast_in_dim3A_1056 = vector.broadcast %broadcast_in_dim3A_1055 : f32 to vector<16xf32>
      %broadcast_in_dim3A_1057 = arith.constant -1.000000e+30 : f32
      %broadcast_in_dim3A_1058 = vector.broadcast %broadcast_in_dim3A_1057 : f32 to vector<16xf32>
      %scan3A_1059 = arith.constant 0 : i32
      %scan3A_1060 = arith.constant 25 : i32
      %scan3A_1061 = arith.addi %scan3A_1059, %scan3A_1060 : i32
      %scan3A_1062 = arith.constant 1 : i32
      %scan3A_1063:5 = scf.for %scan3A_1535 = %scan3A_1059 to %scan3A_1061 step %scan3A_1062 iter_args(%scan3A_1536 = %broadcast_in_dim3A_1050, %scan3A_1537 = %broadcast_in_dim3A_1052, %scan3A_1538 = %broadcast_in_dim3A_1054, %scan3A_1539 = %broadcast_in_dim3A_1056, %scan3A_1540 = %broadcast_in_dim3A_1058) -> (vector<16xf32>, vector<16xf32>, vector<16xf32>, vector<16xf32>, vector<16xf32>)  : i32 {
        %mul3A_1541 = arith.constant 80 : i32
        %mul3A_1542 = arith.muli %scan3A_1535, %mul3A_1541 : i32
        %add3A_1543 = arith.constant 6000 : i32
        %add3A_1544 = arith.addi %add3A_1543, %mul3A_1542 : i32
        %add3A_1545 = arith.constant 0 : i32
        %add3A_1546 = arith.addi %add3A_1544, %add3A_1545 : i32
        %get3A_1547 = arith.index_cast %add3A_1546 : i32 to index
        %get3A_1548 = tpu.vector_load %arg6[%get3A_1547] {strides = array<i32>} : memref<20000xf32, #tpu.memory_space<vmem>>, vector<16xf32>,
        %max3A_1549 = arith.maximumf %scan3A_1536, %get3A_1548 : vector<16xf32>
        %add3A_1550 = arith.constant 16 : i32
        %add3A_1551 = arith.addi %add3A_1544, %add3A_1550 : i32
        %get3A_1552 = arith.index_cast %add3A_1551 : i32 to index
        %get3A_1553 = tpu.vector_load %arg6[%get3A_1552] {strides = array<i32>} : memref<20000xf32, #tpu.memory_space<vmem>>, vector<16xf32>,
        %max3A_1554 = arith.maximumf %scan3A_1537, %get3A_1553 : vector<16xf32>
        %add3A_1555 = arith.constant 32 : i32
        %add3A_1556 = arith.addi %add3A_1544, %add3A_1555 : i32
        %get3A_1557 = arith.index_cast %add3A_1556 : i32 to index
        %get3A_1558 = tpu.vector_load %arg6[%get3A_1557] {strides = array<i32>} : memref<20000xf32, #tpu.memory_space<vmem>>, vector<16xf32>,
        %max3A_1559 = arith.maximumf %scan3A_1538, %get3A_1558 : vector<16xf32>
        %add3A_1560 = arith.constant 48 : i32
        %add3A_1561 = arith.addi %add3A_1544, %add3A_1560 : i32
        %get3A_1562 = arith.index_cast %add3A_1561 : i32 to index
        %get3A_1563 = tpu.vector_load %arg6[%get3A_1562] {strides = array<i32>} : memref<20000xf32, #tpu.memory_space<vmem>>, vector<16xf32>,
        %max3A_1564 = arith.maximumf %scan3A_1539, %get3A_1563 : vector<16xf32>
        %add3A_1565 = arith.constant 64 : i32
        %add3A_1566 = arith.addi %add3A_1544, %add3A_1565 : i32
        %get3A_1567 = arith.index_cast %add3A_1566 : i32 to index
        %get3A_1568 = tpu.vector_load %arg6[%get3A_1567] {strides = array<i32>} : memref<20000xf32, #tpu.memory_space<vmem>>, vector<16xf32>,
        %max3A_1569 = arith.maximumf %scan3A_1540, %get3A_1568 : vector<16xf32>
        scf.yield %max3A_1549, %max3A_1554, %max3A_1559, %max3A_1564, %max3A_1569 : vector<16xf32>, vector<16xf32>, vector<16xf32>, vector<16xf32>, vector<16xf32>
      }
      %scan3A_1064 = arith.constant 25 : i32
      %max3A_1065 = arith.maximumf %scan3A_1063#0, %scan3A_1063#1 : vector<16xf32>
      %max3A_1066 = arith.maximumf %scan3A_1063#2, %scan3A_1063#3 : vector<16xf32>
      %max3A_1067 = arith.maximumf %max3A_1065, %max3A_1066 : vector<16xf32>
      %max3A_1068 = arith.maximumf %max3A_1067, %scan3A_1063#4 : vector<16xf32>
      %mul3A_1069 = arith.constant 10 : i32
      %mul3A_1070 = arith.muli %mul3A_964, %mul3A_1069 : i32
      %add3A_1071 = arith.constant 3 : i32
      %add3A_1072 = arith.addi %mul3A_1070, %add3A_1071 : i32
      %mul3A_1073 = arith.constant 16 : i32
      %mul3A_1074 = arith.muli %add3A_1072, %mul3A_1073 : i32
      %swap3A_1075 = arith.index_cast %mul3A_1074 : i32 to index
      %swap3A_1076 = tpu.vector_load %arg8[%swap3A_1075] {strides = array<i32>} : memref<6400xf32, #tpu.memory_space<vmem>>, vector<16xf32>,
      tpu.vector_store %arg8[%swap3A_1075], %max3A_1068 {strides = array<i32>} : memref<6400xf32, #tpu.memory_space<vmem>>, vector<16xf32>,
      %broadcast_in_dim3A_1077 = arith.constant -1.000000e+30 : f32
      %broadcast_in_dim3A_1078 = vector.broadcast %broadcast_in_dim3A_1077 : f32 to vector<16xf32>
      %broadcast_in_dim3A_1079 = arith.constant -1.000000e+30 : f32
      %broadcast_in_dim3A_1080 = vector.broadcast %broadcast_in_dim3A_1079 : f32 to vector<16xf32>
      %broadcast_in_dim3A_1081 = arith.constant -1.000000e+30 : f32
      %broadcast_in_dim3A_1082 = vector.broadcast %broadcast_in_dim3A_1081 : f32 to vector<16xf32>
      %broadcast_in_dim3A_1083 = arith.constant -1.000000e+30 : f32
      %broadcast_in_dim3A_1084 = vector.broadcast %broadcast_in_dim3A_1083 : f32 to vector<16xf32>
      %broadcast_in_dim3A_1085 = arith.constant -1.000000e+30 : f32
      %broadcast_in_dim3A_1086 = vector.broadcast %broadcast_in_dim3A_1085 : f32 to vector<16xf32>
      %scan3A_1087 = arith.constant 0 : i32
      %scan3A_1088 = arith.constant 25 : i32
      %scan3A_1089 = arith.addi %scan3A_1087, %scan3A_1088 : i32
      %scan3A_1090 = arith.constant 1 : i32
      %scan3A_1091:5 = scf.for %scan3A_1535 = %scan3A_1087 to %scan3A_1089 step %scan3A_1090 iter_args(%scan3A_1536 = %broadcast_in_dim3A_1078, %scan3A_1537 = %broadcast_in_dim3A_1080, %scan3A_1538 = %broadcast_in_dim3A_1082, %scan3A_1539 = %broadcast_in_dim3A_1084, %scan3A_1540 = %broadcast_in_dim3A_1086) -> (vector<16xf32>, vector<16xf32>, vector<16xf32>, vector<16xf32>, vector<16xf32>)  : i32 {
        %mul3A_1541 = arith.constant 80 : i32
        %mul3A_1542 = arith.muli %scan3A_1535, %mul3A_1541 : i32
        %add3A_1543 = arith.constant 8000 : i32
        %add3A_1544 = arith.addi %add3A_1543, %mul3A_1542 : i32
        %add3A_1545 = arith.constant 0 : i32
        %add3A_1546 = arith.addi %add3A_1544, %add3A_1545 : i32
        %get3A_1547 = arith.index_cast %add3A_1546 : i32 to index
        %get3A_1548 = tpu.vector_load %arg6[%get3A_1547] {strides = array<i32>} : memref<20000xf32, #tpu.memory_space<vmem>>, vector<16xf32>,
        %max3A_1549 = arith.maximumf %scan3A_1536, %get3A_1548 : vector<16xf32>
        %add3A_1550 = arith.constant 16 : i32
        %add3A_1551 = arith.addi %add3A_1544, %add3A_1550 : i32
        %get3A_1552 = arith.index_cast %add3A_1551 : i32 to index
        %get3A_1553 = tpu.vector_load %arg6[%get3A_1552] {strides = array<i32>} : memref<20000xf32, #tpu.memory_space<vmem>>, vector<16xf32>,
        %max3A_1554 = arith.maximumf %scan3A_1537, %get3A_1553 : vector<16xf32>
        %add3A_1555 = arith.constant 32 : i32
        %add3A_1556 = arith.addi %add3A_1544, %add3A_1555 : i32
        %get3A_1557 = arith.index_cast %add3A_1556 : i32 to index
        %get3A_1558 = tpu.vector_load %arg6[%get3A_1557] {strides = array<i32>} : memref<20000xf32, #tpu.memory_space<vmem>>, vector<16xf32>,
        %max3A_1559 = arith.maximumf %scan3A_1538, %get3A_1558 : vector<16xf32>
        %add3A_1560 = arith.constant 48 : i32
        %add3A_1561 = arith.addi %add3A_1544, %add3A_1560 : i32
        %get3A_1562 = arith.index_cast %add3A_1561 : i32 to index
        %get3A_1563 = tpu.vector_load %arg6[%get3A_1562] {strides = array<i32>} : memref<20000xf32, #tpu.memory_space<vmem>>, vector<16xf32>,
        %max3A_1564 = arith.maximumf %scan3A_1539, %get3A_1563 : vector<16xf32>
        %add3A_1565 = arith.constant 64 : i32
        %add3A_1566 = arith.addi %add3A_1544, %add3A_1565 : i32
        %get3A_1567 = arith.index_cast %add3A_1566 : i32 to index
        %get3A_1568 = tpu.vector_load %arg6[%get3A_1567] {strides = array<i32>} : memref<20000xf32, #tpu.memory_space<vmem>>, vector<16xf32>,
        %max3A_1569 = arith.maximumf %scan3A_1540, %get3A_1568 : vector<16xf32>
        scf.yield %max3A_1549, %max3A_1554, %max3A_1559, %max3A_1564, %max3A_1569 : vector<16xf32>, vector<16xf32>, vector<16xf32>, vector<16xf32>, vector<16xf32>
      }
      %scan3A_1092 = arith.constant 25 : i32
      %max3A_1093 = arith.maximumf %scan3A_1091#0, %scan3A_1091#1 : vector<16xf32>
      %max3A_1094 = arith.maximumf %scan3A_1091#2, %scan3A_1091#3 : vector<16xf32>
      %max3A_1095 = arith.maximumf %max3A_1093, %max3A_1094 : vector<16xf32>
      %max3A_1096 = arith.maximumf %max3A_1095, %scan3A_1091#4 : vector<16xf32>
      %mul3A_1097 = arith.constant 10 : i32
      %mul3A_1098 = arith.muli %mul3A_964, %mul3A_1097 : i32
      %add3A_1099 = arith.constant 4 : i32
      %add3A_1100 = arith.addi %mul3A_1098, %add3A_1099 : i32
      %mul3A_1101 = arith.constant 16 : i32
      %mul3A_1102 = arith.muli %add3A_1100, %mul3A_1101 : i32
      %swap3A_1103 = arith.index_cast %mul3A_1102 : i32 to index
      %swap3A_1104 = tpu.vector_load %arg8[%swap3A_1103] {strides = array<i32>} : memref<6400xf32, #tpu.memory_space<vmem>>, vector<16xf32>,
      tpu.vector_store %arg8[%swap3A_1103], %max3A_1096 {strides = array<i32>} : memref<6400xf32, #tpu.memory_space<vmem>>, vector<16xf32>,
      %broadcast_in_dim3A_1105 = arith.constant -1.000000e+30 : f32
      %broadcast_in_dim3A_1106 = vector.broadcast %broadcast_in_dim3A_1105 : f32 to vector<16xf32>
      %broadcast_in_dim3A_1107 = arith.constant -1.000000e+30 : f32
      %broadcast_in_dim3A_1108 = vector.broadcast %broadcast_in_dim3A_1107 : f32 to vector<16xf32>
      %broadcast_in_dim3A_1109 = arith.constant -1.000000e+30 : f32
      %broadcast_in_dim3A_1110 = vector.broadcast %broadcast_in_dim3A_1109 : f32 to vector<16xf32>
      %broadcast_in_dim3A_1111 = arith.constant -1.000000e+30 : f32
      %broadcast_in_dim3A_1112 = vector.broadcast %broadcast_in_dim3A_1111 : f32 to vector<16xf32>
      %broadcast_in_dim3A_1113 = arith.constant -1.000000e+30 : f32
      %broadcast_in_dim3A_1114 = vector.broadcast %broadcast_in_dim3A_1113 : f32 to vector<16xf32>
      %scan3A_1115 = arith.constant 0 : i32
      %scan3A_1116 = arith.constant 25 : i32
      %scan3A_1117 = arith.addi %scan3A_1115, %scan3A_1116 : i32
      %scan3A_1118 = arith.constant 1 : i32
      %scan3A_1119:5 = scf.for %scan3A_1535 = %scan3A_1115 to %scan3A_1117 step %scan3A_1118 iter_args(%scan3A_1536 = %broadcast_in_dim3A_1106, %scan3A_1537 = %broadcast_in_dim3A_1108, %scan3A_1538 = %broadcast_in_dim3A_1110, %scan3A_1539 = %broadcast_in_dim3A_1112, %scan3A_1540 = %broadcast_in_dim3A_1114) -> (vector<16xf32>, vector<16xf32>, vector<16xf32>, vector<16xf32>, vector<16xf32>)  : i32 {
        %mul3A_1541 = arith.constant 80 : i32
        %mul3A_1542 = arith.muli %scan3A_1535, %mul3A_1541 : i32
        %add3A_1543 = arith.constant 10000 : i32
        %add3A_1544 = arith.addi %add3A_1543, %mul3A_1542 : i32
        %add3A_1545 = arith.constant 0 : i32
        %add3A_1546 = arith.addi %add3A_1544, %add3A_1545 : i32
        %get3A_1547 = arith.index_cast %add3A_1546 : i32 to index
        %get3A_1548 = tpu.vector_load %arg6[%get3A_1547] {strides = array<i32>} : memref<20000xf32, #tpu.memory_space<vmem>>, vector<16xf32>,
        %max3A_1549 = arith.maximumf %scan3A_1536, %get3A_1548 : vector<16xf32>
        %add3A_1550 = arith.constant 16 : i32
        %add3A_1551 = arith.addi %add3A_1544, %add3A_1550 : i32
        %get3A_1552 = arith.index_cast %add3A_1551 : i32 to index
        %get3A_1553 = tpu.vector_load %arg6[%get3A_1552] {strides = array<i32>} : memref<20000xf32, #tpu.memory_space<vmem>>, vector<16xf32>,
        %max3A_1554 = arith.maximumf %scan3A_1537, %get3A_1553 : vector<16xf32>
        %add3A_1555 = arith.constant 32 : i32
        %add3A_1556 = arith.addi %add3A_1544, %add3A_1555 : i32
        %get3A_1557 = arith.index_cast %add3A_1556 : i32 to index
        %get3A_1558 = tpu.vector_load %arg6[%get3A_1557] {strides = array<i32>} : memref<20000xf32, #tpu.memory_space<vmem>>, vector<16xf32>,
        %max3A_1559 = arith.maximumf %scan3A_1538, %get3A_1558 : vector<16xf32>
        %add3A_1560 = arith.constant 48 : i32
        %add3A_1561 = arith.addi %add3A_1544, %add3A_1560 : i32
        %get3A_1562 = arith.index_cast %add3A_1561 : i32 to index
        %get3A_1563 = tpu.vector_load %arg6[%get3A_1562] {strides = array<i32>} : memref<20000xf32, #tpu.memory_space<vmem>>, vector<16xf32>,
        %max3A_1564 = arith.maximumf %scan3A_1539, %get3A_1563 : vector<16xf32>
        %add3A_1565 = arith.constant 64 : i32
        %add3A_1566 = arith.addi %add3A_1544, %add3A_1565 : i32
        %get3A_1567 = arith.index_cast %add3A_1566 : i32 to index
        %get3A_1568 = tpu.vector_load %arg6[%get3A_1567] {strides = array<i32>} : memref<20000xf32, #tpu.memory_space<vmem>>, vector<16xf32>,
        %max3A_1569 = arith.maximumf %scan3A_1540, %get3A_1568 : vector<16xf32>
        scf.yield %max3A_1549, %max3A_1554, %max3A_1559, %max3A_1564, %max3A_1569 : vector<16xf32>, vector<16xf32>, vector<16xf32>, vector<16xf32>, vector<16xf32>
      }
      %scan3A_1120 = arith.constant 25 : i32
      %max3A_1121 = arith.maximumf %scan3A_1119#0, %scan3A_1119#1 : vector<16xf32>
      %max3A_1122 = arith.maximumf %scan3A_1119#2, %scan3A_1119#3 : vector<16xf32>
      %max3A_1123 = arith.maximumf %max3A_1121, %max3A_1122 : vector<16xf32>
      %max3A_1124 = arith.maximumf %max3A_1123, %scan3A_1119#4 : vector<16xf32>
      %mul3A_1125 = arith.constant 10 : i32
      %mul3A_1126 = arith.muli %mul3A_964, %mul3A_1125 : i32
      %add3A_1127 = arith.constant 5 : i32
      %add3A_1128 = arith.addi %mul3A_1126, %add3A_1127 : i32
      %mul3A_1129 = arith.constant 16 : i32
      %mul3A_1130 = arith.muli %add3A_1128, %mul3A_1129 : i32
      %swap3A_1131 = arith.index_cast %mul3A_1130 : i32 to index
      %swap3A_1132 = tpu.vector_load %arg8[%swap3A_1131] {strides = array<i32>} : memref<6400xf32, #tpu.memory_space<vmem>>, vector<16xf32>,
      tpu.vector_store %arg8[%swap3A_1131], %max3A_1124 {strides = array<i32>} : memref<6400xf32, #tpu.memory_space<vmem>>, vector<16xf32>,
      %broadcast_in_dim3A_1133 = arith.constant -1.000000e+30 : f32
      %broadcast_in_dim3A_1134 = vector.broadcast %broadcast_in_dim3A_1133 : f32 to vector<16xf32>
      %broadcast_in_dim3A_1135 = arith.constant -1.000000e+30 : f32
      %broadcast_in_dim3A_1136 = vector.broadcast %broadcast_in_dim3A_1135 : f32 to vector<16xf32>
      %broadcast_in_dim3A_1137 = arith.constant -1.000000e+30 : f32
      %broadcast_in_dim3A_1138 = vector.broadcast %broadcast_in_dim3A_1137 : f32 to vector<16xf32>
      %broadcast_in_dim3A_1139 = arith.constant -1.000000e+30 : f32
      %broadcast_in_dim3A_1140 = vector.broadcast %broadcast_in_dim3A_1139 : f32 to vector<16xf32>
      %broadcast_in_dim3A_1141 = arith.constant -1.000000e+30 : f32
      %broadcast_in_dim3A_1142 = vector.broadcast %broadcast_in_dim3A_1141 : f32 to vector<16xf32>
      %scan3A_1143 = arith.constant 0 : i32
      %scan3A_1144 = arith.constant 25 : i32
      %scan3A_1145 = arith.addi %scan3A_1143, %scan3A_1144 : i32
      %scan3A_1146 = arith.constant 1 : i32
      %scan3A_1147:5 = scf.for %scan3A_1535 = %scan3A_1143 to %scan3A_1145 step %scan3A_1146 iter_args(%scan3A_1536 = %broadcast_in_dim3A_1134, %scan3A_1537 = %broadcast_in_dim3A_1136, %scan3A_1538 = %broadcast_in_dim3A_1138, %scan3A_1539 = %broadcast_in_dim3A_1140, %scan3A_1540 = %broadcast_in_dim3A_1142) -> (vector<16xf32>, vector<16xf32>, vector<16xf32>, vector<16xf32>, vector<16xf32>)  : i32 {
        %mul3A_1541 = arith.constant 80 : i32
        %mul3A_1542 = arith.muli %scan3A_1535, %mul3A_1541 : i32
        %add3A_1543 = arith.constant 12000 : i32
        %add3A_1544 = arith.addi %add3A_1543, %mul3A_1542 : i32
        %add3A_1545 = arith.constant 0 : i32
        %add3A_1546 = arith.addi %add3A_1544, %add3A_1545 : i32
        %get3A_1547 = arith.index_cast %add3A_1546 : i32 to index
        %get3A_1548 = tpu.vector_load %arg6[%get3A_1547] {strides = array<i32>} : memref<20000xf32, #tpu.memory_space<vmem>>, vector<16xf32>,
        %max3A_1549 = arith.maximumf %scan3A_1536, %get3A_1548 : vector<16xf32>
        %add3A_1550 = arith.constant 16 : i32
        %add3A_1551 = arith.addi %add3A_1544, %add3A_1550 : i32
        %get3A_1552 = arith.index_cast %add3A_1551 : i32 to index
        %get3A_1553 = tpu.vector_load %arg6[%get3A_1552] {strides = array<i32>} : memref<20000xf32, #tpu.memory_space<vmem>>, vector<16xf32>,
        %max3A_1554 = arith.maximumf %scan3A_1537, %get3A_1553 : vector<16xf32>
        %add3A_1555 = arith.constant 32 : i32
        %add3A_1556 = arith.addi %add3A_1544, %add3A_1555 : i32
        %get3A_1557 = arith.index_cast %add3A_1556 : i32 to index
        %get3A_1558 = tpu.vector_load %arg6[%get3A_1557] {strides = array<i32>} : memref<20000xf32, #tpu.memory_space<vmem>>, vector<16xf32>,
        %max3A_1559 = arith.maximumf %scan3A_1538, %get3A_1558 : vector<16xf32>
        %add3A_1560 = arith.constant 48 : i32
        %add3A_1561 = arith.addi %add3A_1544, %add3A_1560 : i32
        %get3A_1562 = arith.index_cast %add3A_1561 : i32 to index
        %get3A_1563 = tpu.vector_load %arg6[%get3A_1562] {strides = array<i32>} : memref<20000xf32, #tpu.memory_space<vmem>>, vector<16xf32>,
        %max3A_1564 = arith.maximumf %scan3A_1539, %get3A_1563 : vector<16xf32>
        %add3A_1565 = arith.constant 64 : i32
        %add3A_1566 = arith.addi %add3A_1544, %add3A_1565 : i32
        %get3A_1567 = arith.index_cast %add3A_1566 : i32 to index
        %get3A_1568 = tpu.vector_load %arg6[%get3A_1567] {strides = array<i32>} : memref<20000xf32, #tpu.memory_space<vmem>>, vector<16xf32>,
        %max3A_1569 = arith.maximumf %scan3A_1540, %get3A_1568 : vector<16xf32>
        scf.yield %max3A_1549, %max3A_1554, %max3A_1559, %max3A_1564, %max3A_1569 : vector<16xf32>, vector<16xf32>, vector<16xf32>, vector<16xf32>, vector<16xf32>
      }
      %scan3A_1148 = arith.constant 25 : i32
      %max3A_1149 = arith.maximumf %scan3A_1147#0, %scan3A_1147#1 : vector<16xf32>
      %max3A_1150 = arith.maximumf %scan3A_1147#2, %scan3A_1147#3 : vector<16xf32>
      %max3A_1151 = arith.maximumf %max3A_1149, %max3A_1150 : vector<16xf32>
      %max3A_1152 = arith.maximumf %max3A_1151, %scan3A_1147#4 : vector<16xf32>
      %mul3A_1153 = arith.constant 10 : i32
      %mul3A_1154 = arith.muli %mul3A_964, %mul3A_1153 : i32
      %add3A_1155 = arith.constant 6 : i32
      %add3A_1156 = arith.addi %mul3A_1154, %add3A_1155 : i32
      %mul3A_1157 = arith.constant 16 : i32
      %mul3A_1158 = arith.muli %add3A_1156, %mul3A_1157 : i32
      %swap3A_1159 = arith.index_cast %mul3A_1158 : i32 to index
      %swap3A_1160 = tpu.vector_load %arg8[%swap3A_1159] {strides = array<i32>} : memref<6400xf32, #tpu.memory_space<vmem>>, vector<16xf32>,
      tpu.vector_store %arg8[%swap3A_1159], %max3A_1152 {strides = array<i32>} : memref<6400xf32, #tpu.memory_space<vmem>>, vector<16xf32>,
      %broadcast_in_dim3A_1161 = arith.constant -1.000000e+30 : f32
      %broadcast_in_dim3A_1162 = vector.broadcast %broadcast_in_dim3A_1161 : f32 to vector<16xf32>
      %broadcast_in_dim3A_1163 = arith.constant -1.000000e+30 : f32
      %broadcast_in_dim3A_1164 = vector.broadcast %broadcast_in_dim3A_1163 : f32 to vector<16xf32>
      %broadcast_in_dim3A_1165 = arith.constant -1.000000e+30 : f32
      %broadcast_in_dim3A_1166 = vector.broadcast %broadcast_in_dim3A_1165 : f32 to vector<16xf32>
      %broadcast_in_dim3A_1167 = arith.constant -1.000000e+30 : f32
      %broadcast_in_dim3A_1168 = vector.broadcast %broadcast_in_dim3A_1167 : f32 to vector<16xf32>
      %broadcast_in_dim3A_1169 = arith.constant -1.000000e+30 : f32
      %broadcast_in_dim3A_1170 = vector.broadcast %broadcast_in_dim3A_1169 : f32 to vector<16xf32>
      %scan3A_1171 = arith.constant 0 : i32
      %scan3A_1172 = arith.constant 25 : i32
      %scan3A_1173 = arith.addi %scan3A_1171, %scan3A_1172 : i32
      %scan3A_1174 = arith.constant 1 : i32
      %scan3A_1175:5 = scf.for %scan3A_1535 = %scan3A_1171 to %scan3A_1173 step %scan3A_1174 iter_args(%scan3A_1536 = %broadcast_in_dim3A_1162, %scan3A_1537 = %broadcast_in_dim3A_1164, %scan3A_1538 = %broadcast_in_dim3A_1166, %scan3A_1539 = %broadcast_in_dim3A_1168, %scan3A_1540 = %broadcast_in_dim3A_1170) -> (vector<16xf32>, vector<16xf32>, vector<16xf32>, vector<16xf32>, vector<16xf32>)  : i32 {
        %mul3A_1541 = arith.constant 80 : i32
        %mul3A_1542 = arith.muli %scan3A_1535, %mul3A_1541 : i32
        %add3A_1543 = arith.constant 14000 : i32
        %add3A_1544 = arith.addi %add3A_1543, %mul3A_1542 : i32
        %add3A_1545 = arith.constant 0 : i32
        %add3A_1546 = arith.addi %add3A_1544, %add3A_1545 : i32
        %get3A_1547 = arith.index_cast %add3A_1546 : i32 to index
        %get3A_1548 = tpu.vector_load %arg6[%get3A_1547] {strides = array<i32>} : memref<20000xf32, #tpu.memory_space<vmem>>, vector<16xf32>,
        %max3A_1549 = arith.maximumf %scan3A_1536, %get3A_1548 : vector<16xf32>
        %add3A_1550 = arith.constant 16 : i32
        %add3A_1551 = arith.addi %add3A_1544, %add3A_1550 : i32
        %get3A_1552 = arith.index_cast %add3A_1551 : i32 to index
        %get3A_1553 = tpu.vector_load %arg6[%get3A_1552] {strides = array<i32>} : memref<20000xf32, #tpu.memory_space<vmem>>, vector<16xf32>,
        %max3A_1554 = arith.maximumf %scan3A_1537, %get3A_1553 : vector<16xf32>
        %add3A_1555 = arith.constant 32 : i32
        %add3A_1556 = arith.addi %add3A_1544, %add3A_1555 : i32
        %get3A_1557 = arith.index_cast %add3A_1556 : i32 to index
        %get3A_1558 = tpu.vector_load %arg6[%get3A_1557] {strides = array<i32>} : memref<20000xf32, #tpu.memory_space<vmem>>, vector<16xf32>,
        %max3A_1559 = arith.maximumf %scan3A_1538, %get3A_1558 : vector<16xf32>
        %add3A_1560 = arith.constant 48 : i32
        %add3A_1561 = arith.addi %add3A_1544, %add3A_1560 : i32
        %get3A_1562 = arith.index_cast %add3A_1561 : i32 to index
        %get3A_1563 = tpu.vector_load %arg6[%get3A_1562] {strides = array<i32>} : memref<20000xf32, #tpu.memory_space<vmem>>, vector<16xf32>,
        %max3A_1564 = arith.maximumf %scan3A_1539, %get3A_1563 : vector<16xf32>
        %add3A_1565 = arith.constant 64 : i32
        %add3A_1566 = arith.addi %add3A_1544, %add3A_1565 : i32
        %get3A_1567 = arith.index_cast %add3A_1566 : i32 to index
        %get3A_1568 = tpu.vector_load %arg6[%get3A_1567] {strides = array<i32>} : memref<20000xf32, #tpu.memory_space<vmem>>, vector<16xf32>,
        %max3A_1569 = arith.maximumf %scan3A_1540, %get3A_1568 : vector<16xf32>
        scf.yield %max3A_1549, %max3A_1554, %max3A_1559, %max3A_1564, %max3A_1569 : vector<16xf32>, vector<16xf32>, vector<16xf32>, vector<16xf32>, vector<16xf32>
      }
      %scan3A_1176 = arith.constant 25 : i32
      %max3A_1177 = arith.maximumf %scan3A_1175#0, %scan3A_1175#1 : vector<16xf32>
      %max3A_1178 = arith.maximumf %scan3A_1175#2, %scan3A_1175#3 : vector<16xf32>
      %max3A_1179 = arith.maximumf %max3A_1177, %max3A_1178 : vector<16xf32>
      %max3A_1180 = arith.maximumf %max3A_1179, %scan3A_1175#4 : vector<16xf32>
      %mul3A_1181 = arith.constant 10 : i32
      %mul3A_1182 = arith.muli %mul3A_964, %mul3A_1181 : i32
      %add3A_1183 = arith.constant 7 : i32
      %add3A_1184 = arith.addi %mul3A_1182, %add3A_1183 : i32
      %mul3A_1185 = arith.constant 16 : i32
      %mul3A_1186 = arith.muli %add3A_1184, %mul3A_1185 : i32
      %swap3A_1187 = arith.index_cast %mul3A_1186 : i32 to index
      %swap3A_1188 = tpu.vector_load %arg8[%swap3A_1187] {strides = array<i32>} : memref<6400xf32, #tpu.memory_space<vmem>>, vector<16xf32>,
      tpu.vector_store %arg8[%swap3A_1187], %max3A_1180 {strides = array<i32>} : memref<6400xf32, #tpu.memory_space<vmem>>, vector<16xf32>,
      %broadcast_in_dim3A_1189 = arith.constant -1.000000e+30 : f32
      %broadcast_in_dim3A_1190 = vector.broadcast %broadcast_in_dim3A_1189 : f32 to vector<16xf32>
      %broadcast_in_dim3A_1191 = arith.constant -1.000000e+30 : f32
      %broadcast_in_dim3A_1192 = vector.broadcast %broadcast_in_dim3A_1191 : f32 to vector<16xf32>
      %broadcast_in_dim3A_1193 = arith.constant -1.000000e+30 : f32
      %broadcast_in_dim3A_1194 = vector.broadcast %broadcast_in_dim3A_1193 : f32 to vector<16xf32>
      %broadcast_in_dim3A_1195 = arith.constant -1.000000e+30 : f32
      %broadcast_in_dim3A_1196 = vector.broadcast %broadcast_in_dim3A_1195 : f32 to vector<16xf32>
      %broadcast_in_dim3A_1197 = arith.constant -1.000000e+30 : f32
      %broadcast_in_dim3A_1198 = vector.broadcast %broadcast_in_dim3A_1197 : f32 to vector<16xf32>
      %scan3A_1199 = arith.constant 0 : i32
      %scan3A_1200 = arith.constant 25 : i32
      %scan3A_1201 = arith.addi %scan3A_1199, %scan3A_1200 : i32
      %scan3A_1202 = arith.constant 1 : i32
      %scan3A_1203:5 = scf.for %scan3A_1535 = %scan3A_1199 to %scan3A_1201 step %scan3A_1202 iter_args(%scan3A_1536 = %broadcast_in_dim3A_1190, %scan3A_1537 = %broadcast_in_dim3A_1192, %scan3A_1538 = %broadcast_in_dim3A_1194, %scan3A_1539 = %broadcast_in_dim3A_1196, %scan3A_1540 = %broadcast_in_dim3A_1198) -> (vector<16xf32>, vector<16xf32>, vector<16xf32>, vector<16xf32>, vector<16xf32>)  : i32 {
        %mul3A_1541 = arith.constant 80 : i32
        %mul3A_1542 = arith.muli %scan3A_1535, %mul3A_1541 : i32
        %add3A_1543 = arith.constant 16000 : i32
        %add3A_1544 = arith.addi %add3A_1543, %mul3A_1542 : i32
        %add3A_1545 = arith.constant 0 : i32
        %add3A_1546 = arith.addi %add3A_1544, %add3A_1545 : i32
        %get3A_1547 = arith.index_cast %add3A_1546 : i32 to index
        %get3A_1548 = tpu.vector_load %arg6[%get3A_1547] {strides = array<i32>} : memref<20000xf32, #tpu.memory_space<vmem>>, vector<16xf32>,
        %max3A_1549 = arith.maximumf %scan3A_1536, %get3A_1548 : vector<16xf32>
        %add3A_1550 = arith.constant 16 : i32
        %add3A_1551 = arith.addi %add3A_1544, %add3A_1550 : i32
        %get3A_1552 = arith.index_cast %add3A_1551 : i32 to index
        %get3A_1553 = tpu.vector_load %arg6[%get3A_1552] {strides = array<i32>} : memref<20000xf32, #tpu.memory_space<vmem>>, vector<16xf32>,
        %max3A_1554 = arith.maximumf %scan3A_1537, %get3A_1553 : vector<16xf32>
        %add3A_1555 = arith.constant 32 : i32
        %add3A_1556 = arith.addi %add3A_1544, %add3A_1555 : i32
        %get3A_1557 = arith.index_cast %add3A_1556 : i32 to index
        %get3A_1558 = tpu.vector_load %arg6[%get3A_1557] {strides = array<i32>} : memref<20000xf32, #tpu.memory_space<vmem>>, vector<16xf32>,
        %max3A_1559 = arith.maximumf %scan3A_1538, %get3A_1558 : vector<16xf32>
        %add3A_1560 = arith.constant 48 : i32
        %add3A_1561 = arith.addi %add3A_1544, %add3A_1560 : i32
        %get3A_1562 = arith.index_cast %add3A_1561 : i32 to index
        %get3A_1563 = tpu.vector_load %arg6[%get3A_1562] {strides = array<i32>} : memref<20000xf32, #tpu.memory_space<vmem>>, vector<16xf32>,
        %max3A_1564 = arith.maximumf %scan3A_1539, %get3A_1563 : vector<16xf32>
        %add3A_1565 = arith.constant 64 : i32
        %add3A_1566 = arith.addi %add3A_1544, %add3A_1565 : i32
        %get3A_1567 = arith.index_cast %add3A_1566 : i32 to index
        %get3A_1568 = tpu.vector_load %arg6[%get3A_1567] {strides = array<i32>} : memref<20000xf32, #tpu.memory_space<vmem>>, vector<16xf32>,
        %max3A_1569 = arith.maximumf %scan3A_1540, %get3A_1568 : vector<16xf32>
        scf.yield %max3A_1549, %max3A_1554, %max3A_1559, %max3A_1564, %max3A_1569 : vector<16xf32>, vector<16xf32>, vector<16xf32>, vector<16xf32>, vector<16xf32>
      }
      %scan3A_1204 = arith.constant 25 : i32
      %max3A_1205 = arith.maximumf %scan3A_1203#0, %scan3A_1203#1 : vector<16xf32>
      %max3A_1206 = arith.maximumf %scan3A_1203#2, %scan3A_1203#3 : vector<16xf32>
      %max3A_1207 = arith.maximumf %max3A_1205, %max3A_1206 : vector<16xf32>
      %max3A_1208 = arith.maximumf %max3A_1207, %scan3A_1203#4 : vector<16xf32>
      %mul3A_1209 = arith.constant 10 : i32
      %mul3A_1210 = arith.muli %mul3A_964, %mul3A_1209 : i32
      %add3A_1211 = arith.constant 8 : i32
      %add3A_1212 = arith.addi %mul3A_1210, %add3A_1211 : i32
      %mul3A_1213 = arith.constant 16 : i32
      %mul3A_1214 = arith.muli %add3A_1212, %mul3A_1213 : i32
      %swap3A_1215 = arith.index_cast %mul3A_1214 : i32 to index
      %swap3A_1216 = tpu.vector_load %arg8[%swap3A_1215] {strides = array<i32>} : memref<6400xf32, #tpu.memory_space<vmem>>, vector<16xf32>,
      tpu.vector_store %arg8[%swap3A_1215], %max3A_1208 {strides = array<i32>} : memref<6400xf32, #tpu.memory_space<vmem>>, vector<16xf32>,
      %broadcast_in_dim3A_1217 = arith.constant -1.000000e+30 : f32
      %broadcast_in_dim3A_1218 = vector.broadcast %broadcast_in_dim3A_1217 : f32 to vector<16xf32>
      %broadcast_in_dim3A_1219 = arith.constant -1.000000e+30 : f32
      %broadcast_in_dim3A_1220 = vector.broadcast %broadcast_in_dim3A_1219 : f32 to vector<16xf32>
      %broadcast_in_dim3A_1221 = arith.constant -1.000000e+30 : f32
      %broadcast_in_dim3A_1222 = vector.broadcast %broadcast_in_dim3A_1221 : f32 to vector<16xf32>
      %broadcast_in_dim3A_1223 = arith.constant -1.000000e+30 : f32
      %broadcast_in_dim3A_1224 = vector.broadcast %broadcast_in_dim3A_1223 : f32 to vector<16xf32>
      %broadcast_in_dim3A_1225 = arith.constant -1.000000e+30 : f32
      %broadcast_in_dim3A_1226 = vector.broadcast %broadcast_in_dim3A_1225 : f32 to vector<16xf32>
      %scan3A_1227 = arith.constant 0 : i32
      %scan3A_1228 = arith.constant 25 : i32
      %scan3A_1229 = arith.addi %scan3A_1227, %scan3A_1228 : i32
      %scan3A_1230 = arith.constant 1 : i32
      %scan3A_1231:5 = scf.for %scan3A_1535 = %scan3A_1227 to %scan3A_1229 step %scan3A_1230 iter_args(%scan3A_1536 = %broadcast_in_dim3A_1218, %scan3A_1537 = %broadcast_in_dim3A_1220, %scan3A_1538 = %broadcast_in_dim3A_1222, %scan3A_1539 = %broadcast_in_dim3A_1224, %scan3A_1540 = %broadcast_in_dim3A_1226) -> (vector<16xf32>, vector<16xf32>, vector<16xf32>, vector<16xf32>, vector<16xf32>)  : i32 {
        %mul3A_1541 = arith.constant 80 : i32
        %mul3A_1542 = arith.muli %scan3A_1535, %mul3A_1541 : i32
        %add3A_1543 = arith.constant 18000 : i32
        %add3A_1544 = arith.addi %add3A_1543, %mul3A_1542 : i32
        %add3A_1545 = arith.constant 0 : i32
        %add3A_1546 = arith.addi %add3A_1544, %add3A_1545 : i32
        %get3A_1547 = arith.index_cast %add3A_1546 : i32 to index
        %get3A_1548 = tpu.vector_load %arg6[%get3A_1547] {strides = array<i32>} : memref<20000xf32, #tpu.memory_space<vmem>>, vector<16xf32>,
        %max3A_1549 = arith.maximumf %scan3A_1536, %get3A_1548 : vector<16xf32>
        %add3A_1550 = arith.constant 16 : i32
        %add3A_1551 = arith.addi %add3A_1544, %add3A_1550 : i32
        %get3A_1552 = arith.index_cast %add3A_1551 : i32 to index
        %get3A_1553 = tpu.vector_load %arg6[%get3A_1552] {strides = array<i32>} : memref<20000xf32, #tpu.memory_space<vmem>>, vector<16xf32>,
        %max3A_1554 = arith.maximumf %scan3A_1537, %get3A_1553 : vector<16xf32>
        %add3A_1555 = arith.constant 32 : i32
        %add3A_1556 = arith.addi %add3A_1544, %add3A_1555 : i32
        %get3A_1557 = arith.index_cast %add3A_1556 : i32 to index
        %get3A_1558 = tpu.vector_load %arg6[%get3A_1557] {strides = array<i32>} : memref<20000xf32, #tpu.memory_space<vmem>>, vector<16xf32>,
        %max3A_1559 = arith.maximumf %scan3A_1538, %get3A_1558 : vector<16xf32>
        %add3A_1560 = arith.constant 48 : i32
        %add3A_1561 = arith.addi %add3A_1544, %add3A_1560 : i32
        %get3A_1562 = arith.index_cast %add3A_1561 : i32 to index
        %get3A_1563 = tpu.vector_load %arg6[%get3A_1562] {strides = array<i32>} : memref<20000xf32, #tpu.memory_space<vmem>>, vector<16xf32>,
        %max3A_1564 = arith.maximumf %scan3A_1539, %get3A_1563 : vector<16xf32>
        %add3A_1565 = arith.constant 64 : i32
        %add3A_1566 = arith.addi %add3A_1544, %add3A_1565 : i32
        %get3A_1567 = arith.index_cast %add3A_1566 : i32 to index
        %get3A_1568 = tpu.vector_load %arg6[%get3A_1567] {strides = array<i32>} : memref<20000xf32, #tpu.memory_space<vmem>>, vector<16xf32>,
        %max3A_1569 = arith.maximumf %scan3A_1540, %get3A_1568 : vector<16xf32>
        scf.yield %max3A_1549, %max3A_1554, %max3A_1559, %max3A_1564, %max3A_1569 : vector<16xf32>, vector<16xf32>, vector<16xf32>, vector<16xf32>, vector<16xf32>
      }
      %scan3A_1232 = arith.constant 25 : i32
      %max3A_1233 = arith.maximumf %scan3A_1231#0, %scan3A_1231#1 : vector<16xf32>
      %max3A_1234 = arith.maximumf %scan3A_1231#2, %scan3A_1231#3 : vector<16xf32>
      %max3A_1235 = arith.maximumf %max3A_1233, %max3A_1234 : vector<16xf32>
      %max3A_1236 = arith.maximumf %max3A_1235, %scan3A_1231#4 : vector<16xf32>
      %mul3A_1237 = arith.constant 10 : i32
      %mul3A_1238 = arith.muli %mul3A_964, %mul3A_1237 : i32
      %add3A_1239 = arith.constant 9 : i32
      %add3A_1240 = arith.addi %mul3A_1238, %add3A_1239 : i32
      %mul3A_1241 = arith.constant 16 : i32
      %mul3A_1242 = arith.muli %add3A_1240, %mul3A_1241 : i32
      %swap3A_1243 = arith.index_cast %mul3A_1242 : i32 to index
      %swap3A_1244 = tpu.vector_load %arg8[%swap3A_1243] {strides = array<i32>} : memref<6400xf32, #tpu.memory_space<vmem>>, vector<16xf32>,
      tpu.vector_store %arg8[%swap3A_1243], %max3A_1236 {strides = array<i32>} : memref<6400xf32, #tpu.memory_space<vmem>>, vector<16xf32>,
      %lt3A = arith.constant 19 : i32
      %lt3A_1245 = arith.cmpi slt, %scan3A_950, %lt3A : i32
      %convert_element_type3A = arith.extui %lt3A_1245 : i1 to i32
      %cond3A = arith.constant 0 : i32
      %cond3A_1246 = arith.cmpi ne, %convert_element_type3A, %cond3A : i32
      scf.if %cond3A_1246 {
        %mul3A_1535 = arith.constant 2 : i32
        %mul3A_1536 = arith.muli %mul3A_1535, %scan3A_950 : i32
        %add3A_1537 = arith.constant 2 : i32
        %add3A_1538 = arith.addi %mul3A_1536, %add3A_1537 : i32
        %mul3A_1539 = arith.constant 20000 : i32
        %mul3A_1540 = arith.muli %add3A_1538, %mul3A_1539 : i32
        %add3A_1541 = arith.addi %mul3A_2, %mul3A_1540 : i32
        %dma_start3A_1542 = tpu.memref_slice %arg2[%add3A_1541] : memref<25600000xf32, #tpu.memory_space<hbm>> -> memref<20000xf32, #tpu.memory_space<hbm>>
        %dma_start3A_1543 = tpu.memref_slice %arg2[%add3A_1541] : memref<25600000xf32, #tpu.memory_space<hbm>> -> memref<20000xf32, #tpu.memory_space<hbm>>
        tpu.enqueue_dma source(%dma_start3A_1543 : memref<20000xf32, #tpu.memory_space<hbm>>) target(%arg6 : memref<20000xf32, #tpu.memory_space<vmem>>) target_semaphore(%arg15 : memref<!tpu.dma_semaphore, #tpu.memory_space<semaphore_mem>>)
      } else {
      }
      %add3A_1247 = arith.constant 20000 : i32
      %add3A_1248 = arith.addi %mul3A_2, %add3A_1247 : i32
      %dma_wait3A_1249 = tpu.memref_slice %arg2[%add3A_1248] : memref<25600000xf32, #tpu.memory_space<hbm>> -> memref<20000xf32, #tpu.memory_space<hbm>>
      %dma_wait3A_1250 = tpu.memref_slice %arg2[%add3A_1248] : memref<25600000xf32, #tpu.memory_space<hbm>> -> memref<20000xf32, #tpu.memory_space<hbm>>
      tpu.wait_dma2 semaphore(%arg16 : memref<!tpu.dma_semaphore, #tpu.memory_space<semaphore_mem>>) src(%dma_wait3A_1250 : memref<20000xf32, #tpu.memory_space<hbm>>) dst(%arg7 : memref<20000xf32, #tpu.memory_space<vmem>>)
      %mul3A_1251 = arith.constant 2 : i32
      %mul3A_1252 = arith.muli %mul3A_1251, %scan3A_950 : i32
      %add3A_1253 = arith.constant 1 : i32
      %add3A_1254 = arith.addi %mul3A_1252, %add3A_1253 : i32
      %broadcast_in_dim3A_1255 = arith.constant -1.000000e+30 : f32
      %broadcast_in_dim3A_1256 = vector.broadcast %broadcast_in_dim3A_1255 : f32 to vector<16xf32>
      %broadcast_in_dim3A_1257 = arith.constant -1.000000e+30 : f32
      %broadcast_in_dim3A_1258 = vector.broadcast %broadcast_in_dim3A_1257 : f32 to vector<16xf32>
      %broadcast_in_dim3A_1259 = arith.constant -1.000000e+30 : f32
      %broadcast_in_dim3A_1260 = vector.broadcast %broadcast_in_dim3A_1259 : f32 to vector<16xf32>
      %broadcast_in_dim3A_1261 = arith.constant -1.000000e+30 : f32
      %broadcast_in_dim3A_1262 = vector.broadcast %broadcast_in_dim3A_1261 : f32 to vector<16xf32>
      %broadcast_in_dim3A_1263 = arith.constant -1.000000e+30 : f32
      %broadcast_in_dim3A_1264 = vector.broadcast %broadcast_in_dim3A_1263 : f32 to vector<16xf32>
      %scan3A_1265 = arith.constant 0 : i32
      %scan3A_1266 = arith.constant 25 : i32
      %scan3A_1267 = arith.addi %scan3A_1265, %scan3A_1266 : i32
      %scan3A_1268 = arith.constant 1 : i32
      %scan3A_1269:5 = scf.for %scan3A_1535 = %scan3A_1265 to %scan3A_1267 step %scan3A_1268 iter_args(%scan3A_1536 = %broadcast_in_dim3A_1256, %scan3A_1537 = %broadcast_in_dim3A_1258, %scan3A_1538 = %broadcast_in_dim3A_1260, %scan3A_1539 = %broadcast_in_dim3A_1262, %scan3A_1540 = %broadcast_in_dim3A_1264) -> (vector<16xf32>, vector<16xf32>, vector<16xf32>, vector<16xf32>, vector<16xf32>)  : i32 {
        %mul3A_1541 = arith.constant 80 : i32
        %mul3A_1542 = arith.muli %scan3A_1535, %mul3A_1541 : i32
        %add3A_1543 = arith.constant 0 : i32
        %add3A_1544 = arith.addi %add3A_1543, %mul3A_1542 : i32
        %add3A_1545 = arith.constant 0 : i32
        %add3A_1546 = arith.addi %add3A_1544, %add3A_1545 : i32
        %get3A_1547 = arith.index_cast %add3A_1546 : i32 to index
        %get3A_1548 = tpu.vector_load %arg7[%get3A_1547] {strides = array<i32>} : memref<20000xf32, #tpu.memory_space<vmem>>, vector<16xf32>,
        %max3A_1549 = arith.maximumf %scan3A_1536, %get3A_1548 : vector<16xf32>
        %add3A_1550 = arith.constant 16 : i32
        %add3A_1551 = arith.addi %add3A_1544, %add3A_1550 : i32
        %get3A_1552 = arith.index_cast %add3A_1551 : i32 to index
        %get3A_1553 = tpu.vector_load %arg7[%get3A_1552] {strides = array<i32>} : memref<20000xf32, #tpu.memory_space<vmem>>, vector<16xf32>,
        %max3A_1554 = arith.maximumf %scan3A_1537, %get3A_1553 : vector<16xf32>
        %add3A_1555 = arith.constant 32 : i32
        %add3A_1556 = arith.addi %add3A_1544, %add3A_1555 : i32
        %get3A_1557 = arith.index_cast %add3A_1556 : i32 to index
        %get3A_1558 = tpu.vector_load %arg7[%get3A_1557] {strides = array<i32>} : memref<20000xf32, #tpu.memory_space<vmem>>, vector<16xf32>,
        %max3A_1559 = arith.maximumf %scan3A_1538, %get3A_1558 : vector<16xf32>
        %add3A_1560 = arith.constant 48 : i32
        %add3A_1561 = arith.addi %add3A_1544, %add3A_1560 : i32
        %get3A_1562 = arith.index_cast %add3A_1561 : i32 to index
        %get3A_1563 = tpu.vector_load %arg7[%get3A_1562] {strides = array<i32>} : memref<20000xf32, #tpu.memory_space<vmem>>, vector<16xf32>,
        %max3A_1564 = arith.maximumf %scan3A_1539, %get3A_1563 : vector<16xf32>
        %add3A_1565 = arith.constant 64 : i32
        %add3A_1566 = arith.addi %add3A_1544, %add3A_1565 : i32
        %get3A_1567 = arith.index_cast %add3A_1566 : i32 to index
        %get3A_1568 = tpu.vector_load %arg7[%get3A_1567] {strides = array<i32>} : memref<20000xf32, #tpu.memory_space<vmem>>, vector<16xf32>,
        %max3A_1569 = arith.maximumf %scan3A_1540, %get3A_1568 : vector<16xf32>
        scf.yield %max3A_1549, %max3A_1554, %max3A_1559, %max3A_1564, %max3A_1569 : vector<16xf32>, vector<16xf32>, vector<16xf32>, vector<16xf32>, vector<16xf32>
      }
      %scan3A_1270 = arith.constant 25 : i32
      %max3A_1271 = arith.maximumf %scan3A_1269#0, %scan3A_1269#1 : vector<16xf32>
      %max3A_1272 = arith.maximumf %scan3A_1269#2, %scan3A_1269#3 : vector<16xf32>
      %max3A_1273 = arith.maximumf %max3A_1271, %max3A_1272 : vector<16xf32>
      %max3A_1274 = arith.maximumf %max3A_1273, %scan3A_1269#4 : vector<16xf32>
      %mul3A_1275 = arith.constant 10 : i32
      %mul3A_1276 = arith.muli %add3A_1254, %mul3A_1275 : i32
      %add3A_1277 = arith.constant 0 : i32
      %add3A_1278 = arith.addi %mul3A_1276, %add3A_1277 : i32
      %mul3A_1279 = arith.constant 16 : i32
      %mul3A_1280 = arith.muli %add3A_1278, %mul3A_1279 : i32
      %swap3A_1281 = arith.index_cast %mul3A_1280 : i32 to index
      %swap3A_1282 = tpu.vector_load %arg8[%swap3A_1281] {strides = array<i32>} : memref<6400xf32, #tpu.memory_space<vmem>>, vector<16xf32>,
      tpu.vector_store %arg8[%swap3A_1281], %max3A_1274 {strides = array<i32>} : memref<6400xf32, #tpu.memory_space<vmem>>, vector<16xf32>,
      %broadcast_in_dim3A_1283 = arith.constant -1.000000e+30 : f32
      %broadcast_in_dim3A_1284 = vector.broadcast %broadcast_in_dim3A_1283 : f32 to vector<16xf32>
      %broadcast_in_dim3A_1285 = arith.constant -1.000000e+30 : f32
      %broadcast_in_dim3A_1286 = vector.broadcast %broadcast_in_dim3A_1285 : f32 to vector<16xf32>
      %broadcast_in_dim3A_1287 = arith.constant -1.000000e+30 : f32
      %broadcast_in_dim3A_1288 = vector.broadcast %broadcast_in_dim3A_1287 : f32 to vector<16xf32>
      %broadcast_in_dim3A_1289 = arith.constant -1.000000e+30 : f32
      %broadcast_in_dim3A_1290 = vector.broadcast %broadcast_in_dim3A_1289 : f32 to vector<16xf32>
      %broadcast_in_dim3A_1291 = arith.constant -1.000000e+30 : f32
      %broadcast_in_dim3A_1292 = vector.broadcast %broadcast_in_dim3A_1291 : f32 to vector<16xf32>
      %scan3A_1293 = arith.constant 0 : i32
      %scan3A_1294 = arith.constant 25 : i32
      %scan3A_1295 = arith.addi %scan3A_1293, %scan3A_1294 : i32
      %scan3A_1296 = arith.constant 1 : i32
      %scan3A_1297:5 = scf.for %scan3A_1535 = %scan3A_1293 to %scan3A_1295 step %scan3A_1296 iter_args(%scan3A_1536 = %broadcast_in_dim3A_1284, %scan3A_1537 = %broadcast_in_dim3A_1286, %scan3A_1538 = %broadcast_in_dim3A_1288, %scan3A_1539 = %broadcast_in_dim3A_1290, %scan3A_1540 = %broadcast_in_dim3A_1292) -> (vector<16xf32>, vector<16xf32>, vector<16xf32>, vector<16xf32>, vector<16xf32>)  : i32 {
        %mul3A_1541 = arith.constant 80 : i32
        %mul3A_1542 = arith.muli %scan3A_1535, %mul3A_1541 : i32
        %add3A_1543 = arith.constant 2000 : i32
        %add3A_1544 = arith.addi %add3A_1543, %mul3A_1542 : i32
        %add3A_1545 = arith.constant 0 : i32
        %add3A_1546 = arith.addi %add3A_1544, %add3A_1545 : i32
        %get3A_1547 = arith.index_cast %add3A_1546 : i32 to index
        %get3A_1548 = tpu.vector_load %arg7[%get3A_1547] {strides = array<i32>} : memref<20000xf32, #tpu.memory_space<vmem>>, vector<16xf32>,
        %max3A_1549 = arith.maximumf %scan3A_1536, %get3A_1548 : vector<16xf32>
        %add3A_1550 = arith.constant 16 : i32
        %add3A_1551 = arith.addi %add3A_1544, %add3A_1550 : i32
        %get3A_1552 = arith.index_cast %add3A_1551 : i32 to index
        %get3A_1553 = tpu.vector_load %arg7[%get3A_1552] {strides = array<i32>} : memref<20000xf32, #tpu.memory_space<vmem>>, vector<16xf32>,
        %max3A_1554 = arith.maximumf %scan3A_1537, %get3A_1553 : vector<16xf32>
        %add3A_1555 = arith.constant 32 : i32
        %add3A_1556 = arith.addi %add3A_1544, %add3A_1555 : i32
        %get3A_1557 = arith.index_cast %add3A_1556 : i32 to index
        %get3A_1558 = tpu.vector_load %arg7[%get3A_1557] {strides = array<i32>} : memref<20000xf32, #tpu.memory_space<vmem>>, vector<16xf32>,
        %max3A_1559 = arith.maximumf %scan3A_1538, %get3A_1558 : vector<16xf32>
        %add3A_1560 = arith.constant 48 : i32
        %add3A_1561 = arith.addi %add3A_1544, %add3A_1560 : i32
        %get3A_1562 = arith.index_cast %add3A_1561 : i32 to index
        %get3A_1563 = tpu.vector_load %arg7[%get3A_1562] {strides = array<i32>} : memref<20000xf32, #tpu.memory_space<vmem>>, vector<16xf32>,
        %max3A_1564 = arith.maximumf %scan3A_1539, %get3A_1563 : vector<16xf32>
        %add3A_1565 = arith.constant 64 : i32
        %add3A_1566 = arith.addi %add3A_1544, %add3A_1565 : i32
        %get3A_1567 = arith.index_cast %add3A_1566 : i32 to index
        %get3A_1568 = tpu.vector_load %arg7[%get3A_1567] {strides = array<i32>} : memref<20000xf32, #tpu.memory_space<vmem>>, vector<16xf32>,
        %max3A_1569 = arith.maximumf %scan3A_1540, %get3A_1568 : vector<16xf32>
        scf.yield %max3A_1549, %max3A_1554, %max3A_1559, %max3A_1564, %max3A_1569 : vector<16xf32>, vector<16xf32>, vector<16xf32>, vector<16xf32>, vector<16xf32>
      }
      %scan3A_1298 = arith.constant 25 : i32
      %max3A_1299 = arith.maximumf %scan3A_1297#0, %scan3A_1297#1 : vector<16xf32>
      %max3A_1300 = arith.maximumf %scan3A_1297#2, %scan3A_1297#3 : vector<16xf32>
      %max3A_1301 = arith.maximumf %max3A_1299, %max3A_1300 : vector<16xf32>
      %max3A_1302 = arith.maximumf %max3A_1301, %scan3A_1297#4 : vector<16xf32>
      %mul3A_1303 = arith.constant 10 : i32
      %mul3A_1304 = arith.muli %add3A_1254, %mul3A_1303 : i32
      %add3A_1305 = arith.constant 1 : i32
      %add3A_1306 = arith.addi %mul3A_1304, %add3A_1305 : i32
      %mul3A_1307 = arith.constant 16 : i32
      %mul3A_1308 = arith.muli %add3A_1306, %mul3A_1307 : i32
      %swap3A_1309 = arith.index_cast %mul3A_1308 : i32 to index
      %swap3A_1310 = tpu.vector_load %arg8[%swap3A_1309] {strides = array<i32>} : memref<6400xf32, #tpu.memory_space<vmem>>, vector<16xf32>,
      tpu.vector_store %arg8[%swap3A_1309], %max3A_1302 {strides = array<i32>} : memref<6400xf32, #tpu.memory_space<vmem>>, vector<16xf32>,
      %broadcast_in_dim3A_1311 = arith.constant -1.000000e+30 : f32
      %broadcast_in_dim3A_1312 = vector.broadcast %broadcast_in_dim3A_1311 : f32 to vector<16xf32>
      %broadcast_in_dim3A_1313 = arith.constant -1.000000e+30 : f32
      %broadcast_in_dim3A_1314 = vector.broadcast %broadcast_in_dim3A_1313 : f32 to vector<16xf32>
      %broadcast_in_dim3A_1315 = arith.constant -1.000000e+30 : f32
      %broadcast_in_dim3A_1316 = vector.broadcast %broadcast_in_dim3A_1315 : f32 to vector<16xf32>
      %broadcast_in_dim3A_1317 = arith.constant -1.000000e+30 : f32
      %broadcast_in_dim3A_1318 = vector.broadcast %broadcast_in_dim3A_1317 : f32 to vector<16xf32>
      %broadcast_in_dim3A_1319 = arith.constant -1.000000e+30 : f32
      %broadcast_in_dim3A_1320 = vector.broadcast %broadcast_in_dim3A_1319 : f32 to vector<16xf32>
      %scan3A_1321 = arith.constant 0 : i32
      %scan3A_1322 = arith.constant 25 : i32
      %scan3A_1323 = arith.addi %scan3A_1321, %scan3A_1322 : i32
      %scan3A_1324 = arith.constant 1 : i32
      %scan3A_1325:5 = scf.for %scan3A_1535 = %scan3A_1321 to %scan3A_1323 step %scan3A_1324 iter_args(%scan3A_1536 = %broadcast_in_dim3A_1312, %scan3A_1537 = %broadcast_in_dim3A_1314, %scan3A_1538 = %broadcast_in_dim3A_1316, %scan3A_1539 = %broadcast_in_dim3A_1318, %scan3A_1540 = %broadcast_in_dim3A_1320) -> (vector<16xf32>, vector<16xf32>, vector<16xf32>, vector<16xf32>, vector<16xf32>)  : i32 {
        %mul3A_1541 = arith.constant 80 : i32
        %mul3A_1542 = arith.muli %scan3A_1535, %mul3A_1541 : i32
        %add3A_1543 = arith.constant 4000 : i32
        %add3A_1544 = arith.addi %add3A_1543, %mul3A_1542 : i32
        %add3A_1545 = arith.constant 0 : i32
        %add3A_1546 = arith.addi %add3A_1544, %add3A_1545 : i32
        %get3A_1547 = arith.index_cast %add3A_1546 : i32 to index
        %get3A_1548 = tpu.vector_load %arg7[%get3A_1547] {strides = array<i32>} : memref<20000xf32, #tpu.memory_space<vmem>>, vector<16xf32>,
        %max3A_1549 = arith.maximumf %scan3A_1536, %get3A_1548 : vector<16xf32>
        %add3A_1550 = arith.constant 16 : i32
        %add3A_1551 = arith.addi %add3A_1544, %add3A_1550 : i32
        %get3A_1552 = arith.index_cast %add3A_1551 : i32 to index
        %get3A_1553 = tpu.vector_load %arg7[%get3A_1552] {strides = array<i32>} : memref<20000xf32, #tpu.memory_space<vmem>>, vector<16xf32>,
        %max3A_1554 = arith.maximumf %scan3A_1537, %get3A_1553 : vector<16xf32>
        %add3A_1555 = arith.constant 32 : i32
        %add3A_1556 = arith.addi %add3A_1544, %add3A_1555 : i32
        %get3A_1557 = arith.index_cast %add3A_1556 : i32 to index
        %get3A_1558 = tpu.vector_load %arg7[%get3A_1557] {strides = array<i32>} : memref<20000xf32, #tpu.memory_space<vmem>>, vector<16xf32>,
        %max3A_1559 = arith.maximumf %scan3A_1538, %get3A_1558 : vector<16xf32>
        %add3A_1560 = arith.constant 48 : i32
        %add3A_1561 = arith.addi %add3A_1544, %add3A_1560 : i32
        %get3A_1562 = arith.index_cast %add3A_1561 : i32 to index
        %get3A_1563 = tpu.vector_load %arg7[%get3A_1562] {strides = array<i32>} : memref<20000xf32, #tpu.memory_space<vmem>>, vector<16xf32>,
        %max3A_1564 = arith.maximumf %scan3A_1539, %get3A_1563 : vector<16xf32>
        %add3A_1565 = arith.constant 64 : i32
        %add3A_1566 = arith.addi %add3A_1544, %add3A_1565 : i32
        %get3A_1567 = arith.index_cast %add3A_1566 : i32 to index
        %get3A_1568 = tpu.vector_load %arg7[%get3A_1567] {strides = array<i32>} : memref<20000xf32, #tpu.memory_space<vmem>>, vector<16xf32>,
        %max3A_1569 = arith.maximumf %scan3A_1540, %get3A_1568 : vector<16xf32>
        scf.yield %max3A_1549, %max3A_1554, %max3A_1559, %max3A_1564, %max3A_1569 : vector<16xf32>, vector<16xf32>, vector<16xf32>, vector<16xf32>, vector<16xf32>
      }
      %scan3A_1326 = arith.constant 25 : i32
      %max3A_1327 = arith.maximumf %scan3A_1325#0, %scan3A_1325#1 : vector<16xf32>
      %max3A_1328 = arith.maximumf %scan3A_1325#2, %scan3A_1325#3 : vector<16xf32>
      %max3A_1329 = arith.maximumf %max3A_1327, %max3A_1328 : vector<16xf32>
      %max3A_1330 = arith.maximumf %max3A_1329, %scan3A_1325#4 : vector<16xf32>
      %mul3A_1331 = arith.constant 10 : i32
      %mul3A_1332 = arith.muli %add3A_1254, %mul3A_1331 : i32
      %add3A_1333 = arith.constant 2 : i32
      %add3A_1334 = arith.addi %mul3A_1332, %add3A_1333 : i32
      %mul3A_1335 = arith.constant 16 : i32
      %mul3A_1336 = arith.muli %add3A_1334, %mul3A_1335 : i32
      %swap3A_1337 = arith.index_cast %mul3A_1336 : i32 to index
      %swap3A_1338 = tpu.vector_load %arg8[%swap3A_1337] {strides = array<i32>} : memref<6400xf32, #tpu.memory_space<vmem>>, vector<16xf32>,
      tpu.vector_store %arg8[%swap3A_1337], %max3A_1330 {strides = array<i32>} : memref<6400xf32, #tpu.memory_space<vmem>>, vector<16xf32>,
      %broadcast_in_dim3A_1339 = arith.constant -1.000000e+30 : f32
      %broadcast_in_dim3A_1340 = vector.broadcast %broadcast_in_dim3A_1339 : f32 to vector<16xf32>
      %broadcast_in_dim3A_1341 = arith.constant -1.000000e+30 : f32
      %broadcast_in_dim3A_1342 = vector.broadcast %broadcast_in_dim3A_1341 : f32 to vector<16xf32>
      %broadcast_in_dim3A_1343 = arith.constant -1.000000e+30 : f32
      %broadcast_in_dim3A_1344 = vector.broadcast %broadcast_in_dim3A_1343 : f32 to vector<16xf32>
      %broadcast_in_dim3A_1345 = arith.constant -1.000000e+30 : f32
      %broadcast_in_dim3A_1346 = vector.broadcast %broadcast_in_dim3A_1345 : f32 to vector<16xf32>
      %broadcast_in_dim3A_1347 = arith.constant -1.000000e+30 : f32
      %broadcast_in_dim3A_1348 = vector.broadcast %broadcast_in_dim3A_1347 : f32 to vector<16xf32>
      %scan3A_1349 = arith.constant 0 : i32
      %scan3A_1350 = arith.constant 25 : i32
      %scan3A_1351 = arith.addi %scan3A_1349, %scan3A_1350 : i32
      %scan3A_1352 = arith.constant 1 : i32
      %scan3A_1353:5 = scf.for %scan3A_1535 = %scan3A_1349 to %scan3A_1351 step %scan3A_1352 iter_args(%scan3A_1536 = %broadcast_in_dim3A_1340, %scan3A_1537 = %broadcast_in_dim3A_1342, %scan3A_1538 = %broadcast_in_dim3A_1344, %scan3A_1539 = %broadcast_in_dim3A_1346, %scan3A_1540 = %broadcast_in_dim3A_1348) -> (vector<16xf32>, vector<16xf32>, vector<16xf32>, vector<16xf32>, vector<16xf32>)  : i32 {
        %mul3A_1541 = arith.constant 80 : i32
        %mul3A_1542 = arith.muli %scan3A_1535, %mul3A_1541 : i32
        %add3A_1543 = arith.constant 6000 : i32
        %add3A_1544 = arith.addi %add3A_1543, %mul3A_1542 : i32
        %add3A_1545 = arith.constant 0 : i32
        %add3A_1546 = arith.addi %add3A_1544, %add3A_1545 : i32
        %get3A_1547 = arith.index_cast %add3A_1546 : i32 to index
        %get3A_1548 = tpu.vector_load %arg7[%get3A_1547] {strides = array<i32>} : memref<20000xf32, #tpu.memory_space<vmem>>, vector<16xf32>,
        %max3A_1549 = arith.maximumf %scan3A_1536, %get3A_1548 : vector<16xf32>
        %add3A_1550 = arith.constant 16 : i32
        %add3A_1551 = arith.addi %add3A_1544, %add3A_1550 : i32
        %get3A_1552 = arith.index_cast %add3A_1551 : i32 to index
        %get3A_1553 = tpu.vector_load %arg7[%get3A_1552] {strides = array<i32>} : memref<20000xf32, #tpu.memory_space<vmem>>, vector<16xf32>,
        %max3A_1554 = arith.maximumf %scan3A_1537, %get3A_1553 : vector<16xf32>
        %add3A_1555 = arith.constant 32 : i32
        %add3A_1556 = arith.addi %add3A_1544, %add3A_1555 : i32
        %get3A_1557 = arith.index_cast %add3A_1556 : i32 to index
        %get3A_1558 = tpu.vector_load %arg7[%get3A_1557] {strides = array<i32>} : memref<20000xf32, #tpu.memory_space<vmem>>, vector<16xf32>,
        %max3A_1559 = arith.maximumf %scan3A_1538, %get3A_1558 : vector<16xf32>
        %add3A_1560 = arith.constant 48 : i32
        %add3A_1561 = arith.addi %add3A_1544, %add3A_1560 : i32
        %get3A_1562 = arith.index_cast %add3A_1561 : i32 to index
        %get3A_1563 = tpu.vector_load %arg7[%get3A_1562] {strides = array<i32>} : memref<20000xf32, #tpu.memory_space<vmem>>, vector<16xf32>,
        %max3A_1564 = arith.maximumf %scan3A_1539, %get3A_1563 : vector<16xf32>
        %add3A_1565 = arith.constant 64 : i32
        %add3A_1566 = arith.addi %add3A_1544, %add3A_1565 : i32
        %get3A_1567 = arith.index_cast %add3A_1566 : i32 to index
        %get3A_1568 = tpu.vector_load %arg7[%get3A_1567] {strides = array<i32>} : memref<20000xf32, #tpu.memory_space<vmem>>, vector<16xf32>,
        %max3A_1569 = arith.maximumf %scan3A_1540, %get3A_1568 : vector<16xf32>
        scf.yield %max3A_1549, %max3A_1554, %max3A_1559, %max3A_1564, %max3A_1569 : vector<16xf32>, vector<16xf32>, vector<16xf32>, vector<16xf32>, vector<16xf32>
      }
      %scan3A_1354 = arith.constant 25 : i32
      %max3A_1355 = arith.maximumf %scan3A_1353#0, %scan3A_1353#1 : vector<16xf32>
      %max3A_1356 = arith.maximumf %scan3A_1353#2, %scan3A_1353#3 : vector<16xf32>
      %max3A_1357 = arith.maximumf %max3A_1355, %max3A_1356 : vector<16xf32>
      %max3A_1358 = arith.maximumf %max3A_1357, %scan3A_1353#4 : vector<16xf32>
      %mul3A_1359 = arith.constant 10 : i32
      %mul3A_1360 = arith.muli %add3A_1254, %mul3A_1359 : i32
      %add3A_1361 = arith.constant 3 : i32
      %add3A_1362 = arith.addi %mul3A_1360, %add3A_1361 : i32
      %mul3A_1363 = arith.constant 16 : i32
      %mul3A_1364 = arith.muli %add3A_1362, %mul3A_1363 : i32
      %swap3A_1365 = arith.index_cast %mul3A_1364 : i32 to index
      %swap3A_1366 = tpu.vector_load %arg8[%swap3A_1365] {strides = array<i32>} : memref<6400xf32, #tpu.memory_space<vmem>>, vector<16xf32>,
      tpu.vector_store %arg8[%swap3A_1365], %max3A_1358 {strides = array<i32>} : memref<6400xf32, #tpu.memory_space<vmem>>, vector<16xf32>,
      %broadcast_in_dim3A_1367 = arith.constant -1.000000e+30 : f32
      %broadcast_in_dim3A_1368 = vector.broadcast %broadcast_in_dim3A_1367 : f32 to vector<16xf32>
      %broadcast_in_dim3A_1369 = arith.constant -1.000000e+30 : f32
      %broadcast_in_dim3A_1370 = vector.broadcast %broadcast_in_dim3A_1369 : f32 to vector<16xf32>
      %broadcast_in_dim3A_1371 = arith.constant -1.000000e+30 : f32
      %broadcast_in_dim3A_1372 = vector.broadcast %broadcast_in_dim3A_1371 : f32 to vector<16xf32>
      %broadcast_in_dim3A_1373 = arith.constant -1.000000e+30 : f32
      %broadcast_in_dim3A_1374 = vector.broadcast %broadcast_in_dim3A_1373 : f32 to vector<16xf32>
      %broadcast_in_dim3A_1375 = arith.constant -1.000000e+30 : f32
      %broadcast_in_dim3A_1376 = vector.broadcast %broadcast_in_dim3A_1375 : f32 to vector<16xf32>
      %scan3A_1377 = arith.constant 0 : i32
      %scan3A_1378 = arith.constant 25 : i32
      %scan3A_1379 = arith.addi %scan3A_1377, %scan3A_1378 : i32
      %scan3A_1380 = arith.constant 1 : i32
      %scan3A_1381:5 = scf.for %scan3A_1535 = %scan3A_1377 to %scan3A_1379 step %scan3A_1380 iter_args(%scan3A_1536 = %broadcast_in_dim3A_1368, %scan3A_1537 = %broadcast_in_dim3A_1370, %scan3A_1538 = %broadcast_in_dim3A_1372, %scan3A_1539 = %broadcast_in_dim3A_1374, %scan3A_1540 = %broadcast_in_dim3A_1376) -> (vector<16xf32>, vector<16xf32>, vector<16xf32>, vector<16xf32>, vector<16xf32>)  : i32 {
        %mul3A_1541 = arith.constant 80 : i32
        %mul3A_1542 = arith.muli %scan3A_1535, %mul3A_1541 : i32
        %add3A_1543 = arith.constant 8000 : i32
        %add3A_1544 = arith.addi %add3A_1543, %mul3A_1542 : i32
        %add3A_1545 = arith.constant 0 : i32
        %add3A_1546 = arith.addi %add3A_1544, %add3A_1545 : i32
        %get3A_1547 = arith.index_cast %add3A_1546 : i32 to index
        %get3A_1548 = tpu.vector_load %arg7[%get3A_1547] {strides = array<i32>} : memref<20000xf32, #tpu.memory_space<vmem>>, vector<16xf32>,
        %max3A_1549 = arith.maximumf %scan3A_1536, %get3A_1548 : vector<16xf32>
        %add3A_1550 = arith.constant 16 : i32
        %add3A_1551 = arith.addi %add3A_1544, %add3A_1550 : i32
        %get3A_1552 = arith.index_cast %add3A_1551 : i32 to index
        %get3A_1553 = tpu.vector_load %arg7[%get3A_1552] {strides = array<i32>} : memref<20000xf32, #tpu.memory_space<vmem>>, vector<16xf32>,
        %max3A_1554 = arith.maximumf %scan3A_1537, %get3A_1553 : vector<16xf32>
        %add3A_1555 = arith.constant 32 : i32
        %add3A_1556 = arith.addi %add3A_1544, %add3A_1555 : i32
        %get3A_1557 = arith.index_cast %add3A_1556 : i32 to index
        %get3A_1558 = tpu.vector_load %arg7[%get3A_1557] {strides = array<i32>} : memref<20000xf32, #tpu.memory_space<vmem>>, vector<16xf32>,
        %max3A_1559 = arith.maximumf %scan3A_1538, %get3A_1558 : vector<16xf32>
        %add3A_1560 = arith.constant 48 : i32
        %add3A_1561 = arith.addi %add3A_1544, %add3A_1560 : i32
        %get3A_1562 = arith.index_cast %add3A_1561 : i32 to index
        %get3A_1563 = tpu.vector_load %arg7[%get3A_1562] {strides = array<i32>} : memref<20000xf32, #tpu.memory_space<vmem>>, vector<16xf32>,
        %max3A_1564 = arith.maximumf %scan3A_1539, %get3A_1563 : vector<16xf32>
        %add3A_1565 = arith.constant 64 : i32
        %add3A_1566 = arith.addi %add3A_1544, %add3A_1565 : i32
        %get3A_1567 = arith.index_cast %add3A_1566 : i32 to index
        %get3A_1568 = tpu.vector_load %arg7[%get3A_1567] {strides = array<i32>} : memref<20000xf32, #tpu.memory_space<vmem>>, vector<16xf32>,
        %max3A_1569 = arith.maximumf %scan3A_1540, %get3A_1568 : vector<16xf32>
        scf.yield %max3A_1549, %max3A_1554, %max3A_1559, %max3A_1564, %max3A_1569 : vector<16xf32>, vector<16xf32>, vector<16xf32>, vector<16xf32>, vector<16xf32>
      }
      %scan3A_1382 = arith.constant 25 : i32
      %max3A_1383 = arith.maximumf %scan3A_1381#0, %scan3A_1381#1 : vector<16xf32>
      %max3A_1384 = arith.maximumf %scan3A_1381#2, %scan3A_1381#3 : vector<16xf32>
      %max3A_1385 = arith.maximumf %max3A_1383, %max3A_1384 : vector<16xf32>
      %max3A_1386 = arith.maximumf %max3A_1385, %scan3A_1381#4 : vector<16xf32>
      %mul3A_1387 = arith.constant 10 : i32
      %mul3A_1388 = arith.muli %add3A_1254, %mul3A_1387 : i32
      %add3A_1389 = arith.constant 4 : i32
      %add3A_1390 = arith.addi %mul3A_1388, %add3A_1389 : i32
      %mul3A_1391 = arith.constant 16 : i32
      %mul3A_1392 = arith.muli %add3A_1390, %mul3A_1391 : i32
      %swap3A_1393 = arith.index_cast %mul3A_1392 : i32 to index
      %swap3A_1394 = tpu.vector_load %arg8[%swap3A_1393] {strides = array<i32>} : memref<6400xf32, #tpu.memory_space<vmem>>, vector<16xf32>,
      tpu.vector_store %arg8[%swap3A_1393], %max3A_1386 {strides = array<i32>} : memref<6400xf32, #tpu.memory_space<vmem>>, vector<16xf32>,
      %broadcast_in_dim3A_1395 = arith.constant -1.000000e+30 : f32
      %broadcast_in_dim3A_1396 = vector.broadcast %broadcast_in_dim3A_1395 : f32 to vector<16xf32>
      %broadcast_in_dim3A_1397 = arith.constant -1.000000e+30 : f32
      %broadcast_in_dim3A_1398 = vector.broadcast %broadcast_in_dim3A_1397 : f32 to vector<16xf32>
      %broadcast_in_dim3A_1399 = arith.constant -1.000000e+30 : f32
      %broadcast_in_dim3A_1400 = vector.broadcast %broadcast_in_dim3A_1399 : f32 to vector<16xf32>
      %broadcast_in_dim3A_1401 = arith.constant -1.000000e+30 : f32
      %broadcast_in_dim3A_1402 = vector.broadcast %broadcast_in_dim3A_1401 : f32 to vector<16xf32>
      %broadcast_in_dim3A_1403 = arith.constant -1.000000e+30 : f32
      %broadcast_in_dim3A_1404 = vector.broadcast %broadcast_in_dim3A_1403 : f32 to vector<16xf32>
      %scan3A_1405 = arith.constant 0 : i32
      %scan3A_1406 = arith.constant 25 : i32
      %scan3A_1407 = arith.addi %scan3A_1405, %scan3A_1406 : i32
      %scan3A_1408 = arith.constant 1 : i32
      %scan3A_1409:5 = scf.for %scan3A_1535 = %scan3A_1405 to %scan3A_1407 step %scan3A_1408 iter_args(%scan3A_1536 = %broadcast_in_dim3A_1396, %scan3A_1537 = %broadcast_in_dim3A_1398, %scan3A_1538 = %broadcast_in_dim3A_1400, %scan3A_1539 = %broadcast_in_dim3A_1402, %scan3A_1540 = %broadcast_in_dim3A_1404) -> (vector<16xf32>, vector<16xf32>, vector<16xf32>, vector<16xf32>, vector<16xf32>)  : i32 {
        %mul3A_1541 = arith.constant 80 : i32
        %mul3A_1542 = arith.muli %scan3A_1535, %mul3A_1541 : i32
        %add3A_1543 = arith.constant 10000 : i32
        %add3A_1544 = arith.addi %add3A_1543, %mul3A_1542 : i32
        %add3A_1545 = arith.constant 0 : i32
        %add3A_1546 = arith.addi %add3A_1544, %add3A_1545 : i32
        %get3A_1547 = arith.index_cast %add3A_1546 : i32 to index
        %get3A_1548 = tpu.vector_load %arg7[%get3A_1547] {strides = array<i32>} : memref<20000xf32, #tpu.memory_space<vmem>>, vector<16xf32>,
        %max3A_1549 = arith.maximumf %scan3A_1536, %get3A_1548 : vector<16xf32>
        %add3A_1550 = arith.constant 16 : i32
        %add3A_1551 = arith.addi %add3A_1544, %add3A_1550 : i32
        %get3A_1552 = arith.index_cast %add3A_1551 : i32 to index
        %get3A_1553 = tpu.vector_load %arg7[%get3A_1552] {strides = array<i32>} : memref<20000xf32, #tpu.memory_space<vmem>>, vector<16xf32>,
        %max3A_1554 = arith.maximumf %scan3A_1537, %get3A_1553 : vector<16xf32>
        %add3A_1555 = arith.constant 32 : i32
        %add3A_1556 = arith.addi %add3A_1544, %add3A_1555 : i32
        %get3A_1557 = arith.index_cast %add3A_1556 : i32 to index
        %get3A_1558 = tpu.vector_load %arg7[%get3A_1557] {strides = array<i32>} : memref<20000xf32, #tpu.memory_space<vmem>>, vector<16xf32>,
        %max3A_1559 = arith.maximumf %scan3A_1538, %get3A_1558 : vector<16xf32>
        %add3A_1560 = arith.constant 48 : i32
        %add3A_1561 = arith.addi %add3A_1544, %add3A_1560 : i32
        %get3A_1562 = arith.index_cast %add3A_1561 : i32 to index
        %get3A_1563 = tpu.vector_load %arg7[%get3A_1562] {strides = array<i32>} : memref<20000xf32, #tpu.memory_space<vmem>>, vector<16xf32>,
        %max3A_1564 = arith.maximumf %scan3A_1539, %get3A_1563 : vector<16xf32>
        %add3A_1565 = arith.constant 64 : i32
        %add3A_1566 = arith.addi %add3A_1544, %add3A_1565 : i32
        %get3A_1567 = arith.index_cast %add3A_1566 : i32 to index
        %get3A_1568 = tpu.vector_load %arg7[%get3A_1567] {strides = array<i32>} : memref<20000xf32, #tpu.memory_space<vmem>>, vector<16xf32>,
        %max3A_1569 = arith.maximumf %scan3A_1540, %get3A_1568 : vector<16xf32>
        scf.yield %max3A_1549, %max3A_1554, %max3A_1559, %max3A_1564, %max3A_1569 : vector<16xf32>, vector<16xf32>, vector<16xf32>, vector<16xf32>, vector<16xf32>
      }
      %scan3A_1410 = arith.constant 25 : i32
      %max3A_1411 = arith.maximumf %scan3A_1409#0, %scan3A_1409#1 : vector<16xf32>
      %max3A_1412 = arith.maximumf %scan3A_1409#2, %scan3A_1409#3 : vector<16xf32>
      %max3A_1413 = arith.maximumf %max3A_1411, %max3A_1412 : vector<16xf32>
      %max3A_1414 = arith.maximumf %max3A_1413, %scan3A_1409#4 : vector<16xf32>
      %mul3A_1415 = arith.constant 10 : i32
      %mul3A_1416 = arith.muli %add3A_1254, %mul3A_1415 : i32
      %add3A_1417 = arith.constant 5 : i32
      %add3A_1418 = arith.addi %mul3A_1416, %add3A_1417 : i32
      %mul3A_1419 = arith.constant 16 : i32
      %mul3A_1420 = arith.muli %add3A_1418, %mul3A_1419 : i32
      %swap3A_1421 = arith.index_cast %mul3A_1420 : i32 to index
      %swap3A_1422 = tpu.vector_load %arg8[%swap3A_1421] {strides = array<i32>} : memref<6400xf32, #tpu.memory_space<vmem>>, vector<16xf32>,
      tpu.vector_store %arg8[%swap3A_1421], %max3A_1414 {strides = array<i32>} : memref<6400xf32, #tpu.memory_space<vmem>>, vector<16xf32>,
      %broadcast_in_dim3A_1423 = arith.constant -1.000000e+30 : f32
      %broadcast_in_dim3A_1424 = vector.broadcast %broadcast_in_dim3A_1423 : f32 to vector<16xf32>
      %broadcast_in_dim3A_1425 = arith.constant -1.000000e+30 : f32
      %broadcast_in_dim3A_1426 = vector.broadcast %broadcast_in_dim3A_1425 : f32 to vector<16xf32>
      %broadcast_in_dim3A_1427 = arith.constant -1.000000e+30 : f32
      %broadcast_in_dim3A_1428 = vector.broadcast %broadcast_in_dim3A_1427 : f32 to vector<16xf32>
      %broadcast_in_dim3A_1429 = arith.constant -1.000000e+30 : f32
      %broadcast_in_dim3A_1430 = vector.broadcast %broadcast_in_dim3A_1429 : f32 to vector<16xf32>
      %broadcast_in_dim3A_1431 = arith.constant -1.000000e+30 : f32
      %broadcast_in_dim3A_1432 = vector.broadcast %broadcast_in_dim3A_1431 : f32 to vector<16xf32>
      %scan3A_1433 = arith.constant 0 : i32
      %scan3A_1434 = arith.constant 25 : i32
      %scan3A_1435 = arith.addi %scan3A_1433, %scan3A_1434 : i32
      %scan3A_1436 = arith.constant 1 : i32
      %scan3A_1437:5 = scf.for %scan3A_1535 = %scan3A_1433 to %scan3A_1435 step %scan3A_1436 iter_args(%scan3A_1536 = %broadcast_in_dim3A_1424, %scan3A_1537 = %broadcast_in_dim3A_1426, %scan3A_1538 = %broadcast_in_dim3A_1428, %scan3A_1539 = %broadcast_in_dim3A_1430, %scan3A_1540 = %broadcast_in_dim3A_1432) -> (vector<16xf32>, vector<16xf32>, vector<16xf32>, vector<16xf32>, vector<16xf32>)  : i32 {
        %mul3A_1541 = arith.constant 80 : i32
        %mul3A_1542 = arith.muli %scan3A_1535, %mul3A_1541 : i32
        %add3A_1543 = arith.constant 12000 : i32
        %add3A_1544 = arith.addi %add3A_1543, %mul3A_1542 : i32
        %add3A_1545 = arith.constant 0 : i32
        %add3A_1546 = arith.addi %add3A_1544, %add3A_1545 : i32
        %get3A_1547 = arith.index_cast %add3A_1546 : i32 to index
        %get3A_1548 = tpu.vector_load %arg7[%get3A_1547] {strides = array<i32>} : memref<20000xf32, #tpu.memory_space<vmem>>, vector<16xf32>,
        %max3A_1549 = arith.maximumf %scan3A_1536, %get3A_1548 : vector<16xf32>
        %add3A_1550 = arith.constant 16 : i32
        %add3A_1551 = arith.addi %add3A_1544, %add3A_1550 : i32
        %get3A_1552 = arith.index_cast %add3A_1551 : i32 to index
        %get3A_1553 = tpu.vector_load %arg7[%get3A_1552] {strides = array<i32>} : memref<20000xf32, #tpu.memory_space<vmem>>, vector<16xf32>,
        %max3A_1554 = arith.maximumf %scan3A_1537, %get3A_1553 : vector<16xf32>
        %add3A_1555 = arith.constant 32 : i32
        %add3A_1556 = arith.addi %add3A_1544, %add3A_1555 : i32
        %get3A_1557 = arith.index_cast %add3A_1556 : i32 to index
        %get3A_1558 = tpu.vector_load %arg7[%get3A_1557] {strides = array<i32>} : memref<20000xf32, #tpu.memory_space<vmem>>, vector<16xf32>,
        %max3A_1559 = arith.maximumf %scan3A_1538, %get3A_1558 : vector<16xf32>
        %add3A_1560 = arith.constant 48 : i32
        %add3A_1561 = arith.addi %add3A_1544, %add3A_1560 : i32
        %get3A_1562 = arith.index_cast %add3A_1561 : i32 to index
        %get3A_1563 = tpu.vector_load %arg7[%get3A_1562] {strides = array<i32>} : memref<20000xf32, #tpu.memory_space<vmem>>, vector<16xf32>,
        %max3A_1564 = arith.maximumf %scan3A_1539, %get3A_1563 : vector<16xf32>
        %add3A_1565 = arith.constant 64 : i32
        %add3A_1566 = arith.addi %add3A_1544, %add3A_1565 : i32
        %get3A_1567 = arith.index_cast %add3A_1566 : i32 to index
        %get3A_1568 = tpu.vector_load %arg7[%get3A_1567] {strides = array<i32>} : memref<20000xf32, #tpu.memory_space<vmem>>, vector<16xf32>,
        %max3A_1569 = arith.maximumf %scan3A_1540, %get3A_1568 : vector<16xf32>
        scf.yield %max3A_1549, %max3A_1554, %max3A_1559, %max3A_1564, %max3A_1569 : vector<16xf32>, vector<16xf32>, vector<16xf32>, vector<16xf32>, vector<16xf32>
      }
      %scan3A_1438 = arith.constant 25 : i32
      %max3A_1439 = arith.maximumf %scan3A_1437#0, %scan3A_1437#1 : vector<16xf32>
      %max3A_1440 = arith.maximumf %scan3A_1437#2, %scan3A_1437#3 : vector<16xf32>
      %max3A_1441 = arith.maximumf %max3A_1439, %max3A_1440 : vector<16xf32>
      %max3A_1442 = arith.maximumf %max3A_1441, %scan3A_1437#4 : vector<16xf32>
      %mul3A_1443 = arith.constant 10 : i32
      %mul3A_1444 = arith.muli %add3A_1254, %mul3A_1443 : i32
      %add3A_1445 = arith.constant 6 : i32
      %add3A_1446 = arith.addi %mul3A_1444, %add3A_1445 : i32
      %mul3A_1447 = arith.constant 16 : i32
      %mul3A_1448 = arith.muli %add3A_1446, %mul3A_1447 : i32
      %swap3A_1449 = arith.index_cast %mul3A_1448 : i32 to index
      %swap3A_1450 = tpu.vector_load %arg8[%swap3A_1449] {strides = array<i32>} : memref<6400xf32, #tpu.memory_space<vmem>>, vector<16xf32>,
      tpu.vector_store %arg8[%swap3A_1449], %max3A_1442 {strides = array<i32>} : memref<6400xf32, #tpu.memory_space<vmem>>, vector<16xf32>,
      %broadcast_in_dim3A_1451 = arith.constant -1.000000e+30 : f32
      %broadcast_in_dim3A_1452 = vector.broadcast %broadcast_in_dim3A_1451 : f32 to vector<16xf32>
      %broadcast_in_dim3A_1453 = arith.constant -1.000000e+30 : f32
      %broadcast_in_dim3A_1454 = vector.broadcast %broadcast_in_dim3A_1453 : f32 to vector<16xf32>
      %broadcast_in_dim3A_1455 = arith.constant -1.000000e+30 : f32
      %broadcast_in_dim3A_1456 = vector.broadcast %broadcast_in_dim3A_1455 : f32 to vector<16xf32>
      %broadcast_in_dim3A_1457 = arith.constant -1.000000e+30 : f32
      %broadcast_in_dim3A_1458 = vector.broadcast %broadcast_in_dim3A_1457 : f32 to vector<16xf32>
      %broadcast_in_dim3A_1459 = arith.constant -1.000000e+30 : f32
      %broadcast_in_dim3A_1460 = vector.broadcast %broadcast_in_dim3A_1459 : f32 to vector<16xf32>
      %scan3A_1461 = arith.constant 0 : i32
      %scan3A_1462 = arith.constant 25 : i32
      %scan3A_1463 = arith.addi %scan3A_1461, %scan3A_1462 : i32
      %scan3A_1464 = arith.constant 1 : i32
      %scan3A_1465:5 = scf.for %scan3A_1535 = %scan3A_1461 to %scan3A_1463 step %scan3A_1464 iter_args(%scan3A_1536 = %broadcast_in_dim3A_1452, %scan3A_1537 = %broadcast_in_dim3A_1454, %scan3A_1538 = %broadcast_in_dim3A_1456, %scan3A_1539 = %broadcast_in_dim3A_1458, %scan3A_1540 = %broadcast_in_dim3A_1460) -> (vector<16xf32>, vector<16xf32>, vector<16xf32>, vector<16xf32>, vector<16xf32>)  : i32 {
        %mul3A_1541 = arith.constant 80 : i32
        %mul3A_1542 = arith.muli %scan3A_1535, %mul3A_1541 : i32
        %add3A_1543 = arith.constant 14000 : i32
        %add3A_1544 = arith.addi %add3A_1543, %mul3A_1542 : i32
        %add3A_1545 = arith.constant 0 : i32
        %add3A_1546 = arith.addi %add3A_1544, %add3A_1545 : i32
        %get3A_1547 = arith.index_cast %add3A_1546 : i32 to index
        %get3A_1548 = tpu.vector_load %arg7[%get3A_1547] {strides = array<i32>} : memref<20000xf32, #tpu.memory_space<vmem>>, vector<16xf32>,
        %max3A_1549 = arith.maximumf %scan3A_1536, %get3A_1548 : vector<16xf32>
        %add3A_1550 = arith.constant 16 : i32
        %add3A_1551 = arith.addi %add3A_1544, %add3A_1550 : i32
        %get3A_1552 = arith.index_cast %add3A_1551 : i32 to index
        %get3A_1553 = tpu.vector_load %arg7[%get3A_1552] {strides = array<i32>} : memref<20000xf32, #tpu.memory_space<vmem>>, vector<16xf32>,
        %max3A_1554 = arith.maximumf %scan3A_1537, %get3A_1553 : vector<16xf32>
        %add3A_1555 = arith.constant 32 : i32
        %add3A_1556 = arith.addi %add3A_1544, %add3A_1555 : i32
        %get3A_1557 = arith.index_cast %add3A_1556 : i32 to index
        %get3A_1558 = tpu.vector_load %arg7[%get3A_1557] {strides = array<i32>} : memref<20000xf32, #tpu.memory_space<vmem>>, vector<16xf32>,
        %max3A_1559 = arith.maximumf %scan3A_1538, %get3A_1558 : vector<16xf32>
        %add3A_1560 = arith.constant 48 : i32
        %add3A_1561 = arith.addi %add3A_1544, %add3A_1560 : i32
        %get3A_1562 = arith.index_cast %add3A_1561 : i32 to index
        %get3A_1563 = tpu.vector_load %arg7[%get3A_1562] {strides = array<i32>} : memref<20000xf32, #tpu.memory_space<vmem>>, vector<16xf32>,
        %max3A_1564 = arith.maximumf %scan3A_1539, %get3A_1563 : vector<16xf32>
        %add3A_1565 = arith.constant 64 : i32
        %add3A_1566 = arith.addi %add3A_1544, %add3A_1565 : i32
        %get3A_1567 = arith.index_cast %add3A_1566 : i32 to index
        %get3A_1568 = tpu.vector_load %arg7[%get3A_1567] {strides = array<i32>} : memref<20000xf32, #tpu.memory_space<vmem>>, vector<16xf32>,
        %max3A_1569 = arith.maximumf %scan3A_1540, %get3A_1568 : vector<16xf32>
        scf.yield %max3A_1549, %max3A_1554, %max3A_1559, %max3A_1564, %max3A_1569 : vector<16xf32>, vector<16xf32>, vector<16xf32>, vector<16xf32>, vector<16xf32>
      }
      %scan3A_1466 = arith.constant 25 : i32
      %max3A_1467 = arith.maximumf %scan3A_1465#0, %scan3A_1465#1 : vector<16xf32>
      %max3A_1468 = arith.maximumf %scan3A_1465#2, %scan3A_1465#3 : vector<16xf32>
      %max3A_1469 = arith.maximumf %max3A_1467, %max3A_1468 : vector<16xf32>
      %max3A_1470 = arith.maximumf %max3A_1469, %scan3A_1465#4 : vector<16xf32>
      %mul3A_1471 = arith.constant 10 : i32
      %mul3A_1472 = arith.muli %add3A_1254, %mul3A_1471 : i32
      %add3A_1473 = arith.constant 7 : i32
      %add3A_1474 = arith.addi %mul3A_1472, %add3A_1473 : i32
      %mul3A_1475 = arith.constant 16 : i32
      %mul3A_1476 = arith.muli %add3A_1474, %mul3A_1475 : i32
      %swap3A_1477 = arith.index_cast %mul3A_1476 : i32 to index
      %swap3A_1478 = tpu.vector_load %arg8[%swap3A_1477] {strides = array<i32>} : memref<6400xf32, #tpu.memory_space<vmem>>, vector<16xf32>,
      tpu.vector_store %arg8[%swap3A_1477], %max3A_1470 {strides = array<i32>} : memref<6400xf32, #tpu.memory_space<vmem>>, vector<16xf32>,
      %broadcast_in_dim3A_1479 = arith.constant -1.000000e+30 : f32
      %broadcast_in_dim3A_1480 = vector.broadcast %broadcast_in_dim3A_1479 : f32 to vector<16xf32>
      %broadcast_in_dim3A_1481 = arith.constant -1.000000e+30 : f32
      %broadcast_in_dim3A_1482 = vector.broadcast %broadcast_in_dim3A_1481 : f32 to vector<16xf32>
      %broadcast_in_dim3A_1483 = arith.constant -1.000000e+30 : f32
      %broadcast_in_dim3A_1484 = vector.broadcast %broadcast_in_dim3A_1483 : f32 to vector<16xf32>
      %broadcast_in_dim3A_1485 = arith.constant -1.000000e+30 : f32
      %broadcast_in_dim3A_1486 = vector.broadcast %broadcast_in_dim3A_1485 : f32 to vector<16xf32>
      %broadcast_in_dim3A_1487 = arith.constant -1.000000e+30 : f32
      %broadcast_in_dim3A_1488 = vector.broadcast %broadcast_in_dim3A_1487 : f32 to vector<16xf32>
      %scan3A_1489 = arith.constant 0 : i32
      %scan3A_1490 = arith.constant 25 : i32
      %scan3A_1491 = arith.addi %scan3A_1489, %scan3A_1490 : i32
      %scan3A_1492 = arith.constant 1 : i32
      %scan3A_1493:5 = scf.for %scan3A_1535 = %scan3A_1489 to %scan3A_1491 step %scan3A_1492 iter_args(%scan3A_1536 = %broadcast_in_dim3A_1480, %scan3A_1537 = %broadcast_in_dim3A_1482, %scan3A_1538 = %broadcast_in_dim3A_1484, %scan3A_1539 = %broadcast_in_dim3A_1486, %scan3A_1540 = %broadcast_in_dim3A_1488) -> (vector<16xf32>, vector<16xf32>, vector<16xf32>, vector<16xf32>, vector<16xf32>)  : i32 {
        %mul3A_1541 = arith.constant 80 : i32
        %mul3A_1542 = arith.muli %scan3A_1535, %mul3A_1541 : i32
        %add3A_1543 = arith.constant 16000 : i32
        %add3A_1544 = arith.addi %add3A_1543, %mul3A_1542 : i32
        %add3A_1545 = arith.constant 0 : i32
        %add3A_1546 = arith.addi %add3A_1544, %add3A_1545 : i32
        %get3A_1547 = arith.index_cast %add3A_1546 : i32 to index
        %get3A_1548 = tpu.vector_load %arg7[%get3A_1547] {strides = array<i32>} : memref<20000xf32, #tpu.memory_space<vmem>>, vector<16xf32>,
        %max3A_1549 = arith.maximumf %scan3A_1536, %get3A_1548 : vector<16xf32>
        %add3A_1550 = arith.constant 16 : i32
        %add3A_1551 = arith.addi %add3A_1544, %add3A_1550 : i32
        %get3A_1552 = arith.index_cast %add3A_1551 : i32 to index
        %get3A_1553 = tpu.vector_load %arg7[%get3A_1552] {strides = array<i32>} : memref<20000xf32, #tpu.memory_space<vmem>>, vector<16xf32>,
        %max3A_1554 = arith.maximumf %scan3A_1537, %get3A_1553 : vector<16xf32>
        %add3A_1555 = arith.constant 32 : i32
        %add3A_1556 = arith.addi %add3A_1544, %add3A_1555 : i32
        %get3A_1557 = arith.index_cast %add3A_1556 : i32 to index
        %get3A_1558 = tpu.vector_load %arg7[%get3A_1557] {strides = array<i32>} : memref<20000xf32, #tpu.memory_space<vmem>>, vector<16xf32>,
        %max3A_1559 = arith.maximumf %scan3A_1538, %get3A_1558 : vector<16xf32>
        %add3A_1560 = arith.constant 48 : i32
        %add3A_1561 = arith.addi %add3A_1544, %add3A_1560 : i32
        %get3A_1562 = arith.index_cast %add3A_1561 : i32 to index
        %get3A_1563 = tpu.vector_load %arg7[%get3A_1562] {strides = array<i32>} : memref<20000xf32, #tpu.memory_space<vmem>>, vector<16xf32>,
        %max3A_1564 = arith.maximumf %scan3A_1539, %get3A_1563 : vector<16xf32>
        %add3A_1565 = arith.constant 64 : i32
        %add3A_1566 = arith.addi %add3A_1544, %add3A_1565 : i32
        %get3A_1567 = arith.index_cast %add3A_1566 : i32 to index
        %get3A_1568 = tpu.vector_load %arg7[%get3A_1567] {strides = array<i32>} : memref<20000xf32, #tpu.memory_space<vmem>>, vector<16xf32>,
        %max3A_1569 = arith.maximumf %scan3A_1540, %get3A_1568 : vector<16xf32>
        scf.yield %max3A_1549, %max3A_1554, %max3A_1559, %max3A_1564, %max3A_1569 : vector<16xf32>, vector<16xf32>, vector<16xf32>, vector<16xf32>, vector<16xf32>
      }
      %scan3A_1494 = arith.constant 25 : i32
      %max3A_1495 = arith.maximumf %scan3A_1493#0, %scan3A_1493#1 : vector<16xf32>
      %max3A_1496 = arith.maximumf %scan3A_1493#2, %scan3A_1493#3 : vector<16xf32>
      %max3A_1497 = arith.maximumf %max3A_1495, %max3A_1496 : vector<16xf32>
      %max3A_1498 = arith.maximumf %max3A_1497, %scan3A_1493#4 : vector<16xf32>
      %mul3A_1499 = arith.constant 10 : i32
      %mul3A_1500 = arith.muli %add3A_1254, %mul3A_1499 : i32
      %add3A_1501 = arith.constant 8 : i32
      %add3A_1502 = arith.addi %mul3A_1500, %add3A_1501 : i32
      %mul3A_1503 = arith.constant 16 : i32
      %mul3A_1504 = arith.muli %add3A_1502, %mul3A_1503 : i32
      %swap3A_1505 = arith.index_cast %mul3A_1504 : i32 to index
      %swap3A_1506 = tpu.vector_load %arg8[%swap3A_1505] {strides = array<i32>} : memref<6400xf32, #tpu.memory_space<vmem>>, vector<16xf32>,
      tpu.vector_store %arg8[%swap3A_1505], %max3A_1498 {strides = array<i32>} : memref<6400xf32, #tpu.memory_space<vmem>>, vector<16xf32>,
      %broadcast_in_dim3A_1507 = arith.constant -1.000000e+30 : f32
      %broadcast_in_dim3A_1508 = vector.broadcast %broadcast_in_dim3A_1507 : f32 to vector<16xf32>
      %broadcast_in_dim3A_1509 = arith.constant -1.000000e+30 : f32
      %broadcast_in_dim3A_1510 = vector.broadcast %broadcast_in_dim3A_1509 : f32 to vector<16xf32>
      %broadcast_in_dim3A_1511 = arith.constant -1.000000e+30 : f32
      %broadcast_in_dim3A_1512 = vector.broadcast %broadcast_in_dim3A_1511 : f32 to vector<16xf32>
      %broadcast_in_dim3A_1513 = arith.constant -1.000000e+30 : f32
      %broadcast_in_dim3A_1514 = vector.broadcast %broadcast_in_dim3A_1513 : f32 to vector<16xf32>
      %broadcast_in_dim3A_1515 = arith.constant -1.000000e+30 : f32
      %broadcast_in_dim3A_1516 = vector.broadcast %broadcast_in_dim3A_1515 : f32 to vector<16xf32>
      %scan3A_1517 = arith.constant 0 : i32
      %scan3A_1518 = arith.constant 25 : i32
      %scan3A_1519 = arith.addi %scan3A_1517, %scan3A_1518 : i32
      %scan3A_1520 = arith.constant 1 : i32
      %scan3A_1521:5 = scf.for %scan3A_1535 = %scan3A_1517 to %scan3A_1519 step %scan3A_1520 iter_args(%scan3A_1536 = %broadcast_in_dim3A_1508, %scan3A_1537 = %broadcast_in_dim3A_1510, %scan3A_1538 = %broadcast_in_dim3A_1512, %scan3A_1539 = %broadcast_in_dim3A_1514, %scan3A_1540 = %broadcast_in_dim3A_1516) -> (vector<16xf32>, vector<16xf32>, vector<16xf32>, vector<16xf32>, vector<16xf32>)  : i32 {
        %mul3A_1541 = arith.constant 80 : i32
        %mul3A_1542 = arith.muli %scan3A_1535, %mul3A_1541 : i32
        %add3A_1543 = arith.constant 18000 : i32
        %add3A_1544 = arith.addi %add3A_1543, %mul3A_1542 : i32
        %add3A_1545 = arith.constant 0 : i32
        %add3A_1546 = arith.addi %add3A_1544, %add3A_1545 : i32
        %get3A_1547 = arith.index_cast %add3A_1546 : i32 to index
        %get3A_1548 = tpu.vector_load %arg7[%get3A_1547] {strides = array<i32>} : memref<20000xf32, #tpu.memory_space<vmem>>, vector<16xf32>,
        %max3A_1549 = arith.maximumf %scan3A_1536, %get3A_1548 : vector<16xf32>
        %add3A_1550 = arith.constant 16 : i32
        %add3A_1551 = arith.addi %add3A_1544, %add3A_1550 : i32
        %get3A_1552 = arith.index_cast %add3A_1551 : i32 to index
        %get3A_1553 = tpu.vector_load %arg7[%get3A_1552] {strides = array<i32>} : memref<20000xf32, #tpu.memory_space<vmem>>, vector<16xf32>,
        %max3A_1554 = arith.maximumf %scan3A_1537, %get3A_1553 : vector<16xf32>
        %add3A_1555 = arith.constant 32 : i32
        %add3A_1556 = arith.addi %add3A_1544, %add3A_1555 : i32
        %get3A_1557 = arith.index_cast %add3A_1556 : i32 to index
        %get3A_1558 = tpu.vector_load %arg7[%get3A_1557] {strides = array<i32>} : memref<20000xf32, #tpu.memory_space<vmem>>, vector<16xf32>,
        %max3A_1559 = arith.maximumf %scan3A_1538, %get3A_1558 : vector<16xf32>
        %add3A_1560 = arith.constant 48 : i32
        %add3A_1561 = arith.addi %add3A_1544, %add3A_1560 : i32
        %get3A_1562 = arith.index_cast %add3A_1561 : i32 to index
        %get3A_1563 = tpu.vector_load %arg7[%get3A_1562] {strides = array<i32>} : memref<20000xf32, #tpu.memory_space<vmem>>, vector<16xf32>,
        %max3A_1564 = arith.maximumf %scan3A_1539, %get3A_1563 : vector<16xf32>
        %add3A_1565 = arith.constant 64 : i32
        %add3A_1566 = arith.addi %add3A_1544, %add3A_1565 : i32
        %get3A_1567 = arith.index_cast %add3A_1566 : i32 to index
        %get3A_1568 = tpu.vector_load %arg7[%get3A_1567] {strides = array<i32>} : memref<20000xf32, #tpu.memory_space<vmem>>, vector<16xf32>,
        %max3A_1569 = arith.maximumf %scan3A_1540, %get3A_1568 : vector<16xf32>
        scf.yield %max3A_1549, %max3A_1554, %max3A_1559, %max3A_1564, %max3A_1569 : vector<16xf32>, vector<16xf32>, vector<16xf32>, vector<16xf32>, vector<16xf32>
      }
      %scan3A_1522 = arith.constant 25 : i32
      %max3A_1523 = arith.maximumf %scan3A_1521#0, %scan3A_1521#1 : vector<16xf32>
      %max3A_1524 = arith.maximumf %scan3A_1521#2, %scan3A_1521#3 : vector<16xf32>
      %max3A_1525 = arith.maximumf %max3A_1523, %max3A_1524 : vector<16xf32>
      %max3A_1526 = arith.maximumf %max3A_1525, %scan3A_1521#4 : vector<16xf32>
      %mul3A_1527 = arith.constant 10 : i32
      %mul3A_1528 = arith.muli %add3A_1254, %mul3A_1527 : i32
      %add3A_1529 = arith.constant 9 : i32
      %add3A_1530 = arith.addi %mul3A_1528, %add3A_1529 : i32
      %mul3A_1531 = arith.constant 16 : i32
      %mul3A_1532 = arith.muli %add3A_1530, %mul3A_1531 : i32
      %swap3A_1533 = arith.index_cast %mul3A_1532 : i32 to index
      %swap3A_1534 = tpu.vector_load %arg8[%swap3A_1533] {strides = array<i32>} : memref<6400xf32, #tpu.memory_space<vmem>>, vector<16xf32>,
      tpu.vector_store %arg8[%swap3A_1533], %max3A_1526 {strides = array<i32>} : memref<6400xf32, #tpu.memory_space<vmem>>, vector<16xf32>,
    }
    %scan3A_13 = arith.constant 20 : i32
    %iota3A = tpu.iota {dimensions = array<i32: 0>} : vector<16xi32>
    %broadcast_in_dim3A = arith.constant -1.000000e+30 : f32
    %broadcast_in_dim3A_14 = vector.broadcast %broadcast_in_dim3A : f32 to vector<16xf32>
    %broadcast_in_dim3A_15 = arith.constant 0 : i32
    %broadcast_in_dim3A_16 = vector.broadcast %broadcast_in_dim3A_15 : i32 to vector<16xi32>
    %slice3A = vector.extract_strided_slice %get3A_5 {offsets = [0], sizes = [1], strides = [1]} : vector<16xf32> to vector<1xf32>
    %squeeze3A = vector.extract %slice3A[0] : f32 from vector<1xf32>
    %slice3A_17 = vector.extract_strided_slice %get3A_5 {offsets = [1], sizes = [1], strides = [1]} : vector<16xf32> to vector<1xf32>
    %squeeze3A_18 = vector.extract %slice3A_17[0] : f32 from vector<1xf32>
    %slice3A_19 = vector.extract_strided_slice %get3A_5 {offsets = [2], sizes = [1], strides = [1]} : vector<16xf32> to vector<1xf32>
    %squeeze3A_20 = vector.extract %slice3A_19[0] : f32 from vector<1xf32>
    %slice3A_21 = vector.extract_strided_slice %get3A_5 {offsets = [3], sizes = [1], strides = [1]} : vector<16xf32> to vector<1xf32>
    %squeeze3A_22 = vector.extract %slice3A_21[0] : f32 from vector<1xf32>
    %broadcast_in_dim3A_23 = arith.constant -1.000000e+30 : f32
    %broadcast_in_dim3A_24 = vector.broadcast %broadcast_in_dim3A_23 : f32 to vector<16xf32>
    %scan3A_25 = arith.constant 0 : i32
    %scan3A_26 = arith.constant 200 : i32
    %scan3A_27 = arith.addi %scan3A_25, %scan3A_26 : i32
    %scan3A_28 = arith.constant 1 : i32
    %scan3A_29:4 = scf.for %scan3A_950 = %scan3A_25 to %scan3A_27 step %scan3A_28 iter_args(%scan3A_951 = %broadcast_in_dim3A_24, %scan3A_952 = %broadcast_in_dim3A_24, %scan3A_953 = %broadcast_in_dim3A_24, %scan3A_954 = %broadcast_in_dim3A_24) -> (vector<16xf32>, vector<16xf32>, vector<16xf32>, vector<16xf32>)  : i32 {
      %mul3A_955 = arith.constant 16 : i32
      %mul3A_956 = arith.muli %scan3A_950, %mul3A_955 : i32
      %add3A_957 = arith.constant 0 : i32
      %add3A_958 = arith.addi %add3A_957, %mul3A_956 : i32
      %get3A_959 = arith.index_cast %add3A_958 : i32 to index
      %get3A_960 = tpu.vector_load %arg8[%get3A_959] {strides = array<i32>} : memref<6400xf32, #tpu.memory_space<vmem>>, vector<16xf32>,
      %lt3A = arith.constant 50 : i32
      %lt3A_961 = arith.cmpi slt, %scan3A_950, %lt3A : i32
      %lt3A_962 = arith.constant 100 : i32
      %lt3A_963 = arith.cmpi slt, %scan3A_950, %lt3A_962 : i32
      %lt3A_964 = arith.constant 150 : i32
      %lt3A_965 = arith.cmpi slt, %scan3A_950, %lt3A_964 : i32
      %select_n3A_966 = arith.select %lt3A_965, %squeeze3A_20, %squeeze3A_22 : f32
      %select_n3A_967 = arith.select %lt3A_963, %squeeze3A_18, %select_n3A_966 : f32
      %select_n3A_968 = arith.select %lt3A_961, %squeeze3A, %select_n3A_967 : f32
      %add3A_969 = vector.broadcast %select_n3A_968 : f32 to vector<16xf32>
      %add3A_970 = arith.addf %get3A_960, %add3A_969 : vector<16xf32>
      %min3A = arith.minimumf %scan3A_951, %add3A_970 : vector<16xf32>
      %max3A_971 = arith.maximumf %scan3A_951, %add3A_970 : vector<16xf32>
      %min3A_972 = arith.minimumf %scan3A_952, %min3A : vector<16xf32>
      %max3A_973 = arith.maximumf %scan3A_952, %min3A : vector<16xf32>
      %min3A_974 = arith.minimumf %scan3A_953, %min3A_972 : vector<16xf32>
      %max3A_975 = arith.maximumf %scan3A_953, %min3A_972 : vector<16xf32>
      %max3A_976 = arith.maximumf %scan3A_954, %min3A_974 : vector<16xf32>
      scf.yield %max3A_971, %max3A_973, %max3A_975, %max3A_976 : vector<16xf32>, vector<16xf32>, vector<16xf32>, vector<16xf32>
    }
    %scan3A_30 = arith.constant 200 : i32
    %max3A = arith.maximumf %scan3A_29#0, %scan3A_29#1 : vector<16xf32>
    %max3A_31 = arith.maximumf %scan3A_29#2, %scan3A_29#3 : vector<16xf32>
    %max3A_32 = arith.maximumf %max3A, %max3A_31 : vector<16xf32>
    %reduce_max3A = arith.constant true
    %reduce_max3A_33 = vector.broadcast %reduce_max3A : i1 to vector<16xi1>
    %reduce_max3A_34 = tpu.scan <max>, %max3A_32 masked %reduce_max3A_33 : vector<16xf32>, vector<16xi1> -> vector<16xf32>
    %reduce_max3A_35 = vector.extract %reduce_max3A_34[15] : f32 from vector<16xf32>
    %eq3A = vector.broadcast %reduce_max3A_35 : f32 to vector<16xf32>
    %eq3A_36 = arith.cmpf oeq, %scan3A_29#0, %eq3A : vector<16xf32>
    %jit3A = arith.constant -1.000000e+30 : f32
    %broadcast_in_dim3A_37 = vector.broadcast %jit3A : f32 to vector<16xf32>
    %select_n3A = arith.select %eq3A_36, %broadcast_in_dim3A_37, %scan3A_29#0 : vector<16xi1>, vector<16xf32>
    %eq3A_38 = vector.broadcast %reduce_max3A_35 : f32 to vector<16xf32>
    %eq3A_39 = arith.cmpf oeq, %scan3A_29#1, %eq3A_38 : vector<16xf32>
    %jit3A_40 = arith.constant -1.000000e+30 : f32
    %broadcast_in_dim3A_41 = vector.broadcast %jit3A_40 : f32 to vector<16xf32>
    %select_n3A_42 = arith.select %eq3A_39, %broadcast_in_dim3A_41, %scan3A_29#1 : vector<16xi1>, vector<16xf32>
    %eq3A_43 = vector.broadcast %reduce_max3A_35 : f32 to vector<16xf32>
    %eq3A_44 = arith.cmpf oeq, %scan3A_29#2, %eq3A_43 : vector<16xf32>
    %jit3A_45 = arith.constant -1.000000e+30 : f32
    %broadcast_in_dim3A_46 = vector.broadcast %jit3A_45 : f32 to vector<16xf32>
    %select_n3A_47 = arith.select %eq3A_44, %broadcast_in_dim3A_46, %scan3A_29#2 : vector<16xi1>, vector<16xf32>
    %eq3A_48 = vector.broadcast %reduce_max3A_35 : f32 to vector<16xf32>
    %eq3A_49 = arith.cmpf oeq, %scan3A_29#3, %eq3A_48 : vector<16xf32>
    %jit3A_50 = arith.constant -1.000000e+30 : f32
    %broadcast_in_dim3A_51 = vector.broadcast %jit3A_50 : f32 to vector<16xf32>
    %select_n3A_52 = arith.select %eq3A_49, %broadcast_in_dim3A_51, %scan3A_29#3 : vector<16xi1>, vector<16xf32>
    %max3A_53 = arith.maximumf %select_n3A, %select_n3A_42 : vector<16xf32>
    %max3A_54 = arith.maximumf %select_n3A_47, %select_n3A_52 : vector<16xf32>
    %max3A_55 = arith.maximumf %max3A_53, %max3A_54 : vector<16xf32>
    %reduce_max3A_56 = arith.constant true
    %reduce_max3A_57 = vector.broadcast %reduce_max3A_56 : i1 to vector<16xi1>
    %reduce_max3A_58 = tpu.scan <max>, %max3A_55 masked %reduce_max3A_57 : vector<16xf32>, vector<16xi1> -> vector<16xf32>
    %reduce_max3A_59 = vector.extract %reduce_max3A_58[15] : f32 from vector<16xf32>
    %eq3A_60 = vector.broadcast %reduce_max3A_59 : f32 to vector<16xf32>
    %eq3A_61 = arith.cmpf oeq, %select_n3A, %eq3A_60 : vector<16xf32>
    %jit3A_62 = arith.constant -1.000000e+30 : f32
    %broadcast_in_dim3A_63 = vector.broadcast %jit3A_62 : f32 to vector<16xf32>
    %select_n3A_64 = arith.select %eq3A_61, %broadcast_in_dim3A_63, %select_n3A : vector<16xi1>, vector<16xf32>
    %eq3A_65 = vector.broadcast %reduce_max3A_59 : f32 to vector<16xf32>
    %eq3A_66 = arith.cmpf oeq, %select_n3A_42, %eq3A_65 : vector<16xf32>
    %jit3A_67 = arith.constant -1.000000e+30 : f32
    %broadcast_in_dim3A_68 = vector.broadcast %jit3A_67 : f32 to vector<16xf32>
    %select_n3A_69 = arith.select %eq3A_66, %broadcast_in_dim3A_68, %select_n3A_42 : vector<16xi1>, vector<16xf32>
    %eq3A_70 = vector.broadcast %reduce_max3A_59 : f32 to vector<16xf32>
    %eq3A_71 = arith.cmpf oeq, %select_n3A_47, %eq3A_70 : vector<16xf32>
    %jit3A_72 = arith.constant -1.000000e+30 : f32
    %broadcast_in_dim3A_73 = vector.broadcast %jit3A_72 : f32 to vector<16xf32>
    %select_n3A_74 = arith.select %eq3A_71, %broadcast_in_dim3A_73, %select_n3A_47 : vector<16xi1>, vector<16xf32>
    %eq3A_75 = vector.broadcast %reduce_max3A_59 : f32 to vector<16xf32>
    %eq3A_76 = arith.cmpf oeq, %select_n3A_52, %eq3A_75 : vector<16xf32>
    %jit3A_77 = arith.constant -1.000000e+30 : f32
    %broadcast_in_dim3A_78 = vector.broadcast %jit3A_77 : f32 to vector<16xf32>
    %select_n3A_79 = arith.select %eq3A_76, %broadcast_in_dim3A_78, %select_n3A_52 : vector<16xi1>, vector<16xf32>
    %max3A_80 = arith.maximumf %select_n3A_64, %select_n3A_69 : vector<16xf32>
    %max3A_81 = arith.maximumf %select_n3A_74, %select_n3A_79 : vector<16xf32>
    %max3A_82 = arith.maximumf %max3A_80, %max3A_81 : vector<16xf32>
    %reduce_max3A_83 = arith.constant true
    %reduce_max3A_84 = vector.broadcast %reduce_max3A_83 : i1 to vector<16xi1>
    %reduce_max3A_85 = tpu.scan <max>, %max3A_82 masked %reduce_max3A_84 : vector<16xf32>, vector<16xi1> -> vector<16xf32>
    %reduce_max3A_86 = vector.extract %reduce_max3A_85[15] : f32 from vector<16xf32>
    %eq3A_87 = vector.broadcast %reduce_max3A_86 : f32 to vector<16xf32>
    %eq3A_88 = arith.cmpf oeq, %select_n3A_64, %eq3A_87 : vector<16xf32>
    %jit3A_89 = arith.constant -1.000000e+30 : f32
    %broadcast_in_dim3A_90 = vector.broadcast %jit3A_89 : f32 to vector<16xf32>
    %select_n3A_91 = arith.select %eq3A_88, %broadcast_in_dim3A_90, %select_n3A_64 : vector<16xi1>, vector<16xf32>
    %eq3A_92 = vector.broadcast %reduce_max3A_86 : f32 to vector<16xf32>
    %eq3A_93 = arith.cmpf oeq, %select_n3A_69, %eq3A_92 : vector<16xf32>
    %jit3A_94 = arith.constant -1.000000e+30 : f32
    %broadcast_in_dim3A_95 = vector.broadcast %jit3A_94 : f32 to vector<16xf32>
    %select_n3A_96 = arith.select %eq3A_93, %broadcast_in_dim3A_95, %select_n3A_69 : vector<16xi1>, vector<16xf32>
    %eq3A_97 = vector.broadcast %reduce_max3A_86 : f32 to vector<16xf32>
    %eq3A_98 = arith.cmpf oeq, %select_n3A_74, %eq3A_97 : vector<16xf32>
    %jit3A_99 = arith.constant -1.000000e+30 : f32
    %broadcast_in_dim3A_100 = vector.broadcast %jit3A_99 : f32 to vector<16xf32>
    %select_n3A_101 = arith.select %eq3A_98, %broadcast_in_dim3A_100, %select_n3A_74 : vector<16xi1>, vector<16xf32>
    %eq3A_102 = vector.broadcast %reduce_max3A_86 : f32 to vector<16xf32>
    %eq3A_103 = arith.cmpf oeq, %select_n3A_79, %eq3A_102 : vector<16xf32>
    %jit3A_104 = arith.constant -1.000000e+30 : f32
    %broadcast_in_dim3A_105 = vector.broadcast %jit3A_104 : f32 to vector<16xf32>
    %select_n3A_106 = arith.select %eq3A_103, %broadcast_in_dim3A_105, %select_n3A_79 : vector<16xi1>, vector<16xf32>
    %max3A_107 = arith.maximumf %select_n3A_91, %select_n3A_96 : vector<16xf32>
    %max3A_108 = arith.maximumf %select_n3A_101, %select_n3A_106 : vector<16xf32>
    %max3A_109 = arith.maximumf %max3A_107, %max3A_108 : vector<16xf32>
    %reduce_max3A_110 = arith.constant true
    %reduce_max3A_111 = vector.broadcast %reduce_max3A_110 : i1 to vector<16xi1>
    %reduce_max3A_112 = tpu.scan <max>, %max3A_109 masked %reduce_max3A_111 : vector<16xf32>, vector<16xi1> -> vector<16xf32>
    %reduce_max3A_113 = vector.extract %reduce_max3A_112[15] : f32 from vector<16xf32>
    %swap3A = arith.constant 0 : index
    %swap3A_114 = tpu.vector_load %arg10[%swap3A] {strides = array<i32>} : memref<512xf32, #tpu.memory_space<vmem>>, vector<16xf32>,
    tpu.vector_store %arg10[%swap3A], %broadcast_in_dim3A_24 {strides = array<i32>} : memref<512xf32, #tpu.memory_space<vmem>>, vector<16xf32>,
    %broadcast_in_dim3A_115 = arith.constant 1073741824 : i32
    %broadcast_in_dim3A_116 = vector.broadcast %broadcast_in_dim3A_115 : i32 to vector<16xi32>
    %swap3A_117 = arith.constant 0 : index
    %swap3A_118 = tpu.vector_load %arg11[%swap3A_117] {strides = array<i32>} : memref<512xi32, #tpu.memory_space<vmem>>, vector<16xi32>,
    tpu.vector_store %arg11[%swap3A_117], %broadcast_in_dim3A_116 {strides = array<i32>} : memref<512xi32, #tpu.memory_space<vmem>>, vector<16xi32>,
    %swap3A_119 = arith.constant 16 : index
    %swap3A_120 = tpu.vector_load %arg10[%swap3A_119] {strides = array<i32>} : memref<512xf32, #tpu.memory_space<vmem>>, vector<16xf32>,
    tpu.vector_store %arg10[%swap3A_119], %broadcast_in_dim3A_24 {strides = array<i32>} : memref<512xf32, #tpu.memory_space<vmem>>, vector<16xf32>,
    %broadcast_in_dim3A_121 = arith.constant 1073741824 : i32
    %broadcast_in_dim3A_122 = vector.broadcast %broadcast_in_dim3A_121 : i32 to vector<16xi32>
    %swap3A_123 = arith.constant 16 : index
    %swap3A_124 = tpu.vector_load %arg11[%swap3A_123] {strides = array<i32>} : memref<512xi32, #tpu.memory_space<vmem>>, vector<16xi32>,
    tpu.vector_store %arg11[%swap3A_123], %broadcast_in_dim3A_122 {strides = array<i32>} : memref<512xi32, #tpu.memory_space<vmem>>, vector<16xi32>,
    %swap3A_125 = arith.constant 32 : index
    %swap3A_126 = tpu.vector_load %arg10[%swap3A_125] {strides = array<i32>} : memref<512xf32, #tpu.memory_space<vmem>>, vector<16xf32>,
    tpu.vector_store %arg10[%swap3A_125], %broadcast_in_dim3A_24 {strides = array<i32>} : memref<512xf32, #tpu.memory_space<vmem>>, vector<16xf32>,
    %broadcast_in_dim3A_127 = arith.constant 1073741824 : i32
    %broadcast_in_dim3A_128 = vector.broadcast %broadcast_in_dim3A_127 : i32 to vector<16xi32>
    %swap3A_129 = arith.constant 32 : index
    %swap3A_130 = tpu.vector_load %arg11[%swap3A_129] {strides = array<i32>} : memref<512xi32, #tpu.memory_space<vmem>>, vector<16xi32>,
    tpu.vector_store %arg11[%swap3A_129], %broadcast_in_dim3A_128 {strides = array<i32>} : memref<512xi32, #tpu.memory_space<vmem>>, vector<16xi32>,
    %swap3A_131 = arith.constant 48 : index
    %swap3A_132 = tpu.vector_load %arg10[%swap3A_131] {strides = array<i32>} : memref<512xf32, #tpu.memory_space<vmem>>, vector<16xf32>,
    tpu.vector_store %arg10[%swap3A_131], %broadcast_in_dim3A_24 {strides = array<i32>} : memref<512xf32, #tpu.memory_space<vmem>>, vector<16xf32>,
    %broadcast_in_dim3A_133 = arith.constant 1073741824 : i32
    %broadcast_in_dim3A_134 = vector.broadcast %broadcast_in_dim3A_133 : i32 to vector<16xi32>
    %swap3A_135 = arith.constant 48 : index
    %swap3A_136 = tpu.vector_load %arg11[%swap3A_135] {strides = array<i32>} : memref<512xi32, #tpu.memory_space<vmem>>, vector<16xi32>,
    tpu.vector_store %arg11[%swap3A_135], %broadcast_in_dim3A_134 {strides = array<i32>} : memref<512xi32, #tpu.memory_space<vmem>>, vector<16xi32>,
    %swap3A_137 = arith.constant 64 : index
    %swap3A_138 = tpu.vector_load %arg10[%swap3A_137] {strides = array<i32>} : memref<512xf32, #tpu.memory_space<vmem>>, vector<16xf32>,
    tpu.vector_store %arg10[%swap3A_137], %broadcast_in_dim3A_24 {strides = array<i32>} : memref<512xf32, #tpu.memory_space<vmem>>, vector<16xf32>,
    %broadcast_in_dim3A_139 = arith.constant 1073741824 : i32
    %broadcast_in_dim3A_140 = vector.broadcast %broadcast_in_dim3A_139 : i32 to vector<16xi32>
    %swap3A_141 = arith.constant 64 : index
    %swap3A_142 = tpu.vector_load %arg11[%swap3A_141] {strides = array<i32>} : memref<512xi32, #tpu.memory_space<vmem>>, vector<16xi32>,
    tpu.vector_store %arg11[%swap3A_141], %broadcast_in_dim3A_140 {strides = array<i32>} : memref<512xi32, #tpu.memory_space<vmem>>, vector<16xi32>,
    %swap3A_143 = arith.constant 80 : index
    %swap3A_144 = tpu.vector_load %arg10[%swap3A_143] {strides = array<i32>} : memref<512xf32, #tpu.memory_space<vmem>>, vector<16xf32>,
    tpu.vector_store %arg10[%swap3A_143], %broadcast_in_dim3A_24 {strides = array<i32>} : memref<512xf32, #tpu.memory_space<vmem>>, vector<16xf32>,
    %broadcast_in_dim3A_145 = arith.constant 1073741824 : i32
    %broadcast_in_dim3A_146 = vector.broadcast %broadcast_in_dim3A_145 : i32 to vector<16xi32>
    %swap3A_147 = arith.constant 80 : index
    %swap3A_148 = tpu.vector_load %arg11[%swap3A_147] {strides = array<i32>} : memref<512xi32, #tpu.memory_space<vmem>>, vector<16xi32>,
    tpu.vector_store %arg11[%swap3A_147], %broadcast_in_dim3A_146 {strides = array<i32>} : memref<512xi32, #tpu.memory_space<vmem>>, vector<16xi32>,
    %swap3A_149 = arith.constant 96 : index
    %swap3A_150 = tpu.vector_load %arg10[%swap3A_149] {strides = array<i32>} : memref<512xf32, #tpu.memory_space<vmem>>, vector<16xf32>,
    tpu.vector_store %arg10[%swap3A_149], %broadcast_in_dim3A_24 {strides = array<i32>} : memref<512xf32, #tpu.memory_space<vmem>>, vector<16xf32>,
    %broadcast_in_dim3A_151 = arith.constant 1073741824 : i32
    %broadcast_in_dim3A_152 = vector.broadcast %broadcast_in_dim3A_151 : i32 to vector<16xi32>
    %swap3A_153 = arith.constant 96 : index
    %swap3A_154 = tpu.vector_load %arg11[%swap3A_153] {strides = array<i32>} : memref<512xi32, #tpu.memory_space<vmem>>, vector<16xi32>,
    tpu.vector_store %arg11[%swap3A_153], %broadcast_in_dim3A_152 {strides = array<i32>} : memref<512xi32, #tpu.memory_space<vmem>>, vector<16xi32>,
    %swap3A_155 = arith.constant 112 : index
    %swap3A_156 = tpu.vector_load %arg10[%swap3A_155] {strides = array<i32>} : memref<512xf32, #tpu.memory_space<vmem>>, vector<16xf32>,
    tpu.vector_store %arg10[%swap3A_155], %broadcast_in_dim3A_24 {strides = array<i32>} : memref<512xf32, #tpu.memory_space<vmem>>, vector<16xf32>,
    %broadcast_in_dim3A_157 = arith.constant 1073741824 : i32
    %broadcast_in_dim3A_158 = vector.broadcast %broadcast_in_dim3A_157 : i32 to vector<16xi32>
    %swap3A_159 = arith.constant 112 : index
    %swap3A_160 = tpu.vector_load %arg11[%swap3A_159] {strides = array<i32>} : memref<512xi32, #tpu.memory_space<vmem>>, vector<16xi32>,
    tpu.vector_store %arg11[%swap3A_159], %broadcast_in_dim3A_158 {strides = array<i32>} : memref<512xi32, #tpu.memory_space<vmem>>, vector<16xi32>,
    %swap3A_161 = arith.constant 128 : index
    %swap3A_162 = tpu.vector_load %arg10[%swap3A_161] {strides = array<i32>} : memref<512xf32, #tpu.memory_space<vmem>>, vector<16xf32>,
    tpu.vector_store %arg10[%swap3A_161], %broadcast_in_dim3A_24 {strides = array<i32>} : memref<512xf32, #tpu.memory_space<vmem>>, vector<16xf32>,
    %broadcast_in_dim3A_163 = arith.constant 1073741824 : i32
    %broadcast_in_dim3A_164 = vector.broadcast %broadcast_in_dim3A_163 : i32 to vector<16xi32>
    %swap3A_165 = arith.constant 128 : index
    %swap3A_166 = tpu.vector_load %arg11[%swap3A_165] {strides = array<i32>} : memref<512xi32, #tpu.memory_space<vmem>>, vector<16xi32>,
    tpu.vector_store %arg11[%swap3A_165], %broadcast_in_dim3A_164 {strides = array<i32>} : memref<512xi32, #tpu.memory_space<vmem>>, vector<16xi32>,
    %swap3A_167 = arith.constant 144 : index
    %swap3A_168 = tpu.vector_load %arg10[%swap3A_167] {strides = array<i32>} : memref<512xf32, #tpu.memory_space<vmem>>, vector<16xf32>,
    tpu.vector_store %arg10[%swap3A_167], %broadcast_in_dim3A_24 {strides = array<i32>} : memref<512xf32, #tpu.memory_space<vmem>>, vector<16xf32>,
    %broadcast_in_dim3A_169 = arith.constant 1073741824 : i32
    %broadcast_in_dim3A_170 = vector.broadcast %broadcast_in_dim3A_169 : i32 to vector<16xi32>
    %swap3A_171 = arith.constant 144 : index
    %swap3A_172 = tpu.vector_load %arg11[%swap3A_171] {strides = array<i32>} : memref<512xi32, #tpu.memory_space<vmem>>, vector<16xi32>,
    tpu.vector_store %arg11[%swap3A_171], %broadcast_in_dim3A_170 {strides = array<i32>} : memref<512xi32, #tpu.memory_space<vmem>>, vector<16xi32>,
    %swap3A_173 = arith.constant 160 : index
    %swap3A_174 = tpu.vector_load %arg10[%swap3A_173] {strides = array<i32>} : memref<512xf32, #tpu.memory_space<vmem>>, vector<16xf32>,
    tpu.vector_store %arg10[%swap3A_173], %broadcast_in_dim3A_24 {strides = array<i32>} : memref<512xf32, #tpu.memory_space<vmem>>, vector<16xf32>,
    %broadcast_in_dim3A_175 = arith.constant 1073741824 : i32
    %broadcast_in_dim3A_176 = vector.broadcast %broadcast_in_dim3A_175 : i32 to vector<16xi32>
    %swap3A_177 = arith.constant 160 : index
    %swap3A_178 = tpu.vector_load %arg11[%swap3A_177] {strides = array<i32>} : memref<512xi32, #tpu.memory_space<vmem>>, vector<16xi32>,
    tpu.vector_store %arg11[%swap3A_177], %broadcast_in_dim3A_176 {strides = array<i32>} : memref<512xi32, #tpu.memory_space<vmem>>, vector<16xi32>,
    %swap3A_179 = arith.constant 176 : index
    %swap3A_180 = tpu.vector_load %arg10[%swap3A_179] {strides = array<i32>} : memref<512xf32, #tpu.memory_space<vmem>>, vector<16xf32>,
    tpu.vector_store %arg10[%swap3A_179], %broadcast_in_dim3A_24 {strides = array<i32>} : memref<512xf32, #tpu.memory_space<vmem>>, vector<16xf32>,
    %broadcast_in_dim3A_181 = arith.constant 1073741824 : i32
    %broadcast_in_dim3A_182 = vector.broadcast %broadcast_in_dim3A_181 : i32 to vector<16xi32>
    %swap3A_183 = arith.constant 176 : index
    %swap3A_184 = tpu.vector_load %arg11[%swap3A_183] {strides = array<i32>} : memref<512xi32, #tpu.memory_space<vmem>>, vector<16xi32>,
    tpu.vector_store %arg11[%swap3A_183], %broadcast_in_dim3A_182 {strides = array<i32>} : memref<512xi32, #tpu.memory_space<vmem>>, vector<16xi32>,
    %swap3A_185 = arith.constant 192 : index
    %swap3A_186 = tpu.vector_load %arg10[%swap3A_185] {strides = array<i32>} : memref<512xf32, #tpu.memory_space<vmem>>, vector<16xf32>,
    tpu.vector_store %arg10[%swap3A_185], %broadcast_in_dim3A_24 {strides = array<i32>} : memref<512xf32, #tpu.memory_space<vmem>>, vector<16xf32>,
    %broadcast_in_dim3A_187 = arith.constant 1073741824 : i32
    %broadcast_in_dim3A_188 = vector.broadcast %broadcast_in_dim3A_187 : i32 to vector<16xi32>
    %swap3A_189 = arith.constant 192 : index
    %swap3A_190 = tpu.vector_load %arg11[%swap3A_189] {strides = array<i32>} : memref<512xi32, #tpu.memory_space<vmem>>, vector<16xi32>,
    tpu.vector_store %arg11[%swap3A_189], %broadcast_in_dim3A_188 {strides = array<i32>} : memref<512xi32, #tpu.memory_space<vmem>>, vector<16xi32>,
    %swap3A_191 = arith.constant 208 : index
    %swap3A_192 = tpu.vector_load %arg10[%swap3A_191] {strides = array<i32>} : memref<512xf32, #tpu.memory_space<vmem>>, vector<16xf32>,
    tpu.vector_store %arg10[%swap3A_191], %broadcast_in_dim3A_24 {strides = array<i32>} : memref<512xf32, #tpu.memory_space<vmem>>, vector<16xf32>,
    %broadcast_in_dim3A_193 = arith.constant 1073741824 : i32
    %broadcast_in_dim3A_194 = vector.broadcast %broadcast_in_dim3A_193 : i32 to vector<16xi32>
    %swap3A_195 = arith.constant 208 : index
    %swap3A_196 = tpu.vector_load %arg11[%swap3A_195] {strides = array<i32>} : memref<512xi32, #tpu.memory_space<vmem>>, vector<16xi32>,
    tpu.vector_store %arg11[%swap3A_195], %broadcast_in_dim3A_194 {strides = array<i32>} : memref<512xi32, #tpu.memory_space<vmem>>, vector<16xi32>,
    %swap3A_197 = arith.constant 224 : index
    %swap3A_198 = tpu.vector_load %arg10[%swap3A_197] {strides = array<i32>} : memref<512xf32, #tpu.memory_space<vmem>>, vector<16xf32>,
    tpu.vector_store %arg10[%swap3A_197], %broadcast_in_dim3A_24 {strides = array<i32>} : memref<512xf32, #tpu.memory_space<vmem>>, vector<16xf32>,
    %broadcast_in_dim3A_199 = arith.constant 1073741824 : i32
    %broadcast_in_dim3A_200 = vector.broadcast %broadcast_in_dim3A_199 : i32 to vector<16xi32>
    %swap3A_201 = arith.constant 224 : index
    %swap3A_202 = tpu.vector_load %arg11[%swap3A_201] {strides = array<i32>} : memref<512xi32, #tpu.memory_space<vmem>>, vector<16xi32>,
    tpu.vector_store %arg11[%swap3A_201], %broadcast_in_dim3A_200 {strides = array<i32>} : memref<512xi32, #tpu.memory_space<vmem>>, vector<16xi32>,
    %swap3A_203 = arith.constant 240 : index
    %swap3A_204 = tpu.vector_load %arg10[%swap3A_203] {strides = array<i32>} : memref<512xf32, #tpu.memory_space<vmem>>, vector<16xf32>,
    tpu.vector_store %arg10[%swap3A_203], %broadcast_in_dim3A_24 {strides = array<i32>} : memref<512xf32, #tpu.memory_space<vmem>>, vector<16xf32>,
    %broadcast_in_dim3A_205 = arith.constant 1073741824 : i32
    %broadcast_in_dim3A_206 = vector.broadcast %broadcast_in_dim3A_205 : i32 to vector<16xi32>
    %swap3A_207 = arith.constant 240 : index
    %swap3A_208 = tpu.vector_load %arg11[%swap3A_207] {strides = array<i32>} : memref<512xi32, #tpu.memory_space<vmem>>, vector<16xi32>,
    tpu.vector_store %arg11[%swap3A_207], %broadcast_in_dim3A_206 {strides = array<i32>} : memref<512xi32, #tpu.memory_space<vmem>>, vector<16xi32>,
    %swap3A_209 = arith.constant 256 : index
    %swap3A_210 = tpu.vector_load %arg10[%swap3A_209] {strides = array<i32>} : memref<512xf32, #tpu.memory_space<vmem>>, vector<16xf32>,
    tpu.vector_store %arg10[%swap3A_209], %broadcast_in_dim3A_24 {strides = array<i32>} : memref<512xf32, #tpu.memory_space<vmem>>, vector<16xf32>,
    %broadcast_in_dim3A_211 = arith.constant 1073741824 : i32
    %broadcast_in_dim3A_212 = vector.broadcast %broadcast_in_dim3A_211 : i32 to vector<16xi32>
    %swap3A_213 = arith.constant 256 : index
    %swap3A_214 = tpu.vector_load %arg11[%swap3A_213] {strides = array<i32>} : memref<512xi32, #tpu.memory_space<vmem>>, vector<16xi32>,
    tpu.vector_store %arg11[%swap3A_213], %broadcast_in_dim3A_212 {strides = array<i32>} : memref<512xi32, #tpu.memory_space<vmem>>, vector<16xi32>,
    %swap3A_215 = arith.constant 272 : index
    %swap3A_216 = tpu.vector_load %arg10[%swap3A_215] {strides = array<i32>} : memref<512xf32, #tpu.memory_space<vmem>>, vector<16xf32>,
    tpu.vector_store %arg10[%swap3A_215], %broadcast_in_dim3A_24 {strides = array<i32>} : memref<512xf32, #tpu.memory_space<vmem>>, vector<16xf32>,
    %broadcast_in_dim3A_217 = arith.constant 1073741824 : i32
    %broadcast_in_dim3A_218 = vector.broadcast %broadcast_in_dim3A_217 : i32 to vector<16xi32>
    %swap3A_219 = arith.constant 272 : index
    %swap3A_220 = tpu.vector_load %arg11[%swap3A_219] {strides = array<i32>} : memref<512xi32, #tpu.memory_space<vmem>>, vector<16xi32>,
    tpu.vector_store %arg11[%swap3A_219], %broadcast_in_dim3A_218 {strides = array<i32>} : memref<512xi32, #tpu.memory_space<vmem>>, vector<16xi32>,
    %swap3A_221 = arith.constant 288 : index
    %swap3A_222 = tpu.vector_load %arg10[%swap3A_221] {strides = array<i32>} : memref<512xf32, #tpu.memory_space<vmem>>, vector<16xf32>,
    tpu.vector_store %arg10[%swap3A_221], %broadcast_in_dim3A_24 {strides = array<i32>} : memref<512xf32, #tpu.memory_space<vmem>>, vector<16xf32>,
    %broadcast_in_dim3A_223 = arith.constant 1073741824 : i32
    %broadcast_in_dim3A_224 = vector.broadcast %broadcast_in_dim3A_223 : i32 to vector<16xi32>
    %swap3A_225 = arith.constant 288 : index
    %swap3A_226 = tpu.vector_load %arg11[%swap3A_225] {strides = array<i32>} : memref<512xi32, #tpu.memory_space<vmem>>, vector<16xi32>,
    tpu.vector_store %arg11[%swap3A_225], %broadcast_in_dim3A_224 {strides = array<i32>} : memref<512xi32, #tpu.memory_space<vmem>>, vector<16xi32>,
    %swap3A_227 = arith.constant 304 : index
    %swap3A_228 = tpu.vector_load %arg10[%swap3A_227] {strides = array<i32>} : memref<512xf32, #tpu.memory_space<vmem>>, vector<16xf32>,
    tpu.vector_store %arg10[%swap3A_227], %broadcast_in_dim3A_24 {strides = array<i32>} : memref<512xf32, #tpu.memory_space<vmem>>, vector<16xf32>,
    %broadcast_in_dim3A_229 = arith.constant 1073741824 : i32
    %broadcast_in_dim3A_230 = vector.broadcast %broadcast_in_dim3A_229 : i32 to vector<16xi32>
    %swap3A_231 = arith.constant 304 : index
    %swap3A_232 = tpu.vector_load %arg11[%swap3A_231] {strides = array<i32>} : memref<512xi32, #tpu.memory_space<vmem>>, vector<16xi32>,
    tpu.vector_store %arg11[%swap3A_231], %broadcast_in_dim3A_230 {strides = array<i32>} : memref<512xi32, #tpu.memory_space<vmem>>, vector<16xi32>,
    %swap3A_233 = arith.constant 320 : index
    %swap3A_234 = tpu.vector_load %arg10[%swap3A_233] {strides = array<i32>} : memref<512xf32, #tpu.memory_space<vmem>>, vector<16xf32>,
    tpu.vector_store %arg10[%swap3A_233], %broadcast_in_dim3A_24 {strides = array<i32>} : memref<512xf32, #tpu.memory_space<vmem>>, vector<16xf32>,
    %broadcast_in_dim3A_235 = arith.constant 1073741824 : i32
    %broadcast_in_dim3A_236 = vector.broadcast %broadcast_in_dim3A_235 : i32 to vector<16xi32>
    %swap3A_237 = arith.constant 320 : index
    %swap3A_238 = tpu.vector_load %arg11[%swap3A_237] {strides = array<i32>} : memref<512xi32, #tpu.memory_space<vmem>>, vector<16xi32>,
    tpu.vector_store %arg11[%swap3A_237], %broadcast_in_dim3A_236 {strides = array<i32>} : memref<512xi32, #tpu.memory_space<vmem>>, vector<16xi32>,
    %swap3A_239 = arith.constant 336 : index
    %swap3A_240 = tpu.vector_load %arg10[%swap3A_239] {strides = array<i32>} : memref<512xf32, #tpu.memory_space<vmem>>, vector<16xf32>,
    tpu.vector_store %arg10[%swap3A_239], %broadcast_in_dim3A_24 {strides = array<i32>} : memref<512xf32, #tpu.memory_space<vmem>>, vector<16xf32>,
    %broadcast_in_dim3A_241 = arith.constant 1073741824 : i32
    %broadcast_in_dim3A_242 = vector.broadcast %broadcast_in_dim3A_241 : i32 to vector<16xi32>
    %swap3A_243 = arith.constant 336 : index
    %swap3A_244 = tpu.vector_load %arg11[%swap3A_243] {strides = array<i32>} : memref<512xi32, #tpu.memory_space<vmem>>, vector<16xi32>,
    tpu.vector_store %arg11[%swap3A_243], %broadcast_in_dim3A_242 {strides = array<i32>} : memref<512xi32, #tpu.memory_space<vmem>>, vector<16xi32>,
    %swap3A_245 = arith.constant 352 : index
    %swap3A_246 = tpu.vector_load %arg10[%swap3A_245] {strides = array<i32>} : memref<512xf32, #tpu.memory_space<vmem>>, vector<16xf32>,
    tpu.vector_store %arg10[%swap3A_245], %broadcast_in_dim3A_24 {strides = array<i32>} : memref<512xf32, #tpu.memory_space<vmem>>, vector<16xf32>,
    %broadcast_in_dim3A_247 = arith.constant 1073741824 : i32
    %broadcast_in_dim3A_248 = vector.broadcast %broadcast_in_dim3A_247 : i32 to vector<16xi32>
    %swap3A_249 = arith.constant 352 : index
    %swap3A_250 = tpu.vector_load %arg11[%swap3A_249] {strides = array<i32>} : memref<512xi32, #tpu.memory_space<vmem>>, vector<16xi32>,
    tpu.vector_store %arg11[%swap3A_249], %broadcast_in_dim3A_248 {strides = array<i32>} : memref<512xi32, #tpu.memory_space<vmem>>, vector<16xi32>,
    %swap3A_251 = arith.constant 368 : index
    %swap3A_252 = tpu.vector_load %arg10[%swap3A_251] {strides = array<i32>} : memref<512xf32, #tpu.memory_space<vmem>>, vector<16xf32>,
    tpu.vector_store %arg10[%swap3A_251], %broadcast_in_dim3A_24 {strides = array<i32>} : memref<512xf32, #tpu.memory_space<vmem>>, vector<16xf32>,
    %broadcast_in_dim3A_253 = arith.constant 1073741824 : i32
    %broadcast_in_dim3A_254 = vector.broadcast %broadcast_in_dim3A_253 : i32 to vector<16xi32>
    %swap3A_255 = arith.constant 368 : index
    %swap3A_256 = tpu.vector_load %arg11[%swap3A_255] {strides = array<i32>} : memref<512xi32, #tpu.memory_space<vmem>>, vector<16xi32>,
    tpu.vector_store %arg11[%swap3A_255], %broadcast_in_dim3A_254 {strides = array<i32>} : memref<512xi32, #tpu.memory_space<vmem>>, vector<16xi32>,
    %swap3A_257 = arith.constant 384 : index
    %swap3A_258 = tpu.vector_load %arg10[%swap3A_257] {strides = array<i32>} : memref<512xf32, #tpu.memory_space<vmem>>, vector<16xf32>,
    tpu.vector_store %arg10[%swap3A_257], %broadcast_in_dim3A_24 {strides = array<i32>} : memref<512xf32, #tpu.memory_space<vmem>>, vector<16xf32>,
    %broadcast_in_dim3A_259 = arith.constant 1073741824 : i32
    %broadcast_in_dim3A_260 = vector.broadcast %broadcast_in_dim3A_259 : i32 to vector<16xi32>
    %swap3A_261 = arith.constant 384 : index
    %swap3A_262 = tpu.vector_load %arg11[%swap3A_261] {strides = array<i32>} : memref<512xi32, #tpu.memory_space<vmem>>, vector<16xi32>,
    tpu.vector_store %arg11[%swap3A_261], %broadcast_in_dim3A_260 {strides = array<i32>} : memref<512xi32, #tpu.memory_space<vmem>>, vector<16xi32>,
    %swap3A_263 = arith.constant 400 : index
    %swap3A_264 = tpu.vector_load %arg10[%swap3A_263] {strides = array<i32>} : memref<512xf32, #tpu.memory_space<vmem>>, vector<16xf32>,
    tpu.vector_store %arg10[%swap3A_263], %broadcast_in_dim3A_24 {strides = array<i32>} : memref<512xf32, #tpu.memory_space<vmem>>, vector<16xf32>,
    %broadcast_in_dim3A_265 = arith.constant 1073741824 : i32
    %broadcast_in_dim3A_266 = vector.broadcast %broadcast_in_dim3A_265 : i32 to vector<16xi32>
    %swap3A_267 = arith.constant 400 : index
    %swap3A_268 = tpu.vector_load %arg11[%swap3A_267] {strides = array<i32>} : memref<512xi32, #tpu.memory_space<vmem>>, vector<16xi32>,
    tpu.vector_store %arg11[%swap3A_267], %broadcast_in_dim3A_266 {strides = array<i32>} : memref<512xi32, #tpu.memory_space<vmem>>, vector<16xi32>,
    %swap3A_269 = arith.constant 416 : index
    %swap3A_270 = tpu.vector_load %arg10[%swap3A_269] {strides = array<i32>} : memref<512xf32, #tpu.memory_space<vmem>>, vector<16xf32>,
    tpu.vector_store %arg10[%swap3A_269], %broadcast_in_dim3A_24 {strides = array<i32>} : memref<512xf32, #tpu.memory_space<vmem>>, vector<16xf32>,
    %broadcast_in_dim3A_271 = arith.constant 1073741824 : i32
    %broadcast_in_dim3A_272 = vector.broadcast %broadcast_in_dim3A_271 : i32 to vector<16xi32>
    %swap3A_273 = arith.constant 416 : index
    %swap3A_274 = tpu.vector_load %arg11[%swap3A_273] {strides = array<i32>} : memref<512xi32, #tpu.memory_space<vmem>>, vector<16xi32>,
    tpu.vector_store %arg11[%swap3A_273], %broadcast_in_dim3A_272 {strides = array<i32>} : memref<512xi32, #tpu.memory_space<vmem>>, vector<16xi32>,
    %swap3A_275 = arith.constant 432 : index
    %swap3A_276 = tpu.vector_load %arg10[%swap3A_275] {strides = array<i32>} : memref<512xf32, #tpu.memory_space<vmem>>, vector<16xf32>,
    tpu.vector_store %arg10[%swap3A_275], %broadcast_in_dim3A_24 {strides = array<i32>} : memref<512xf32, #tpu.memory_space<vmem>>, vector<16xf32>,
    %broadcast_in_dim3A_277 = arith.constant 1073741824 : i32
    %broadcast_in_dim3A_278 = vector.broadcast %broadcast_in_dim3A_277 : i32 to vector<16xi32>
    %swap3A_279 = arith.constant 432 : index
    %swap3A_280 = tpu.vector_load %arg11[%swap3A_279] {strides = array<i32>} : memref<512xi32, #tpu.memory_space<vmem>>, vector<16xi32>,
    tpu.vector_store %arg11[%swap3A_279], %broadcast_in_dim3A_278 {strides = array<i32>} : memref<512xi32, #tpu.memory_space<vmem>>, vector<16xi32>,
    %swap3A_281 = arith.constant 448 : index
    %swap3A_282 = tpu.vector_load %arg10[%swap3A_281] {strides = array<i32>} : memref<512xf32, #tpu.memory_space<vmem>>, vector<16xf32>,
    tpu.vector_store %arg10[%swap3A_281], %broadcast_in_dim3A_24 {strides = array<i32>} : memref<512xf32, #tpu.memory_space<vmem>>, vector<16xf32>,
    %broadcast_in_dim3A_283 = arith.constant 1073741824 : i32
    %broadcast_in_dim3A_284 = vector.broadcast %broadcast_in_dim3A_283 : i32 to vector<16xi32>
    %swap3A_285 = arith.constant 448 : index
    %swap3A_286 = tpu.vector_load %arg11[%swap3A_285] {strides = array<i32>} : memref<512xi32, #tpu.memory_space<vmem>>, vector<16xi32>,
    tpu.vector_store %arg11[%swap3A_285], %broadcast_in_dim3A_284 {strides = array<i32>} : memref<512xi32, #tpu.memory_space<vmem>>, vector<16xi32>,
    %swap3A_287 = arith.constant 464 : index
    %swap3A_288 = tpu.vector_load %arg10[%swap3A_287] {strides = array<i32>} : memref<512xf32, #tpu.memory_space<vmem>>, vector<16xf32>,
    tpu.vector_store %arg10[%swap3A_287], %broadcast_in_dim3A_24 {strides = array<i32>} : memref<512xf32, #tpu.memory_space<vmem>>, vector<16xf32>,
    %broadcast_in_dim3A_289 = arith.constant 1073741824 : i32
    %broadcast_in_dim3A_290 = vector.broadcast %broadcast_in_dim3A_289 : i32 to vector<16xi32>
    %swap3A_291 = arith.constant 464 : index
    %swap3A_292 = tpu.vector_load %arg11[%swap3A_291] {strides = array<i32>} : memref<512xi32, #tpu.memory_space<vmem>>, vector<16xi32>,
    tpu.vector_store %arg11[%swap3A_291], %broadcast_in_dim3A_290 {strides = array<i32>} : memref<512xi32, #tpu.memory_space<vmem>>, vector<16xi32>,
    %swap3A_293 = arith.constant 480 : index
    %swap3A_294 = tpu.vector_load %arg10[%swap3A_293] {strides = array<i32>} : memref<512xf32, #tpu.memory_space<vmem>>, vector<16xf32>,
    tpu.vector_store %arg10[%swap3A_293], %broadcast_in_dim3A_24 {strides = array<i32>} : memref<512xf32, #tpu.memory_space<vmem>>, vector<16xf32>,
    %broadcast_in_dim3A_295 = arith.constant 1073741824 : i32
    %broadcast_in_dim3A_296 = vector.broadcast %broadcast_in_dim3A_295 : i32 to vector<16xi32>
    %swap3A_297 = arith.constant 480 : index
    %swap3A_298 = tpu.vector_load %arg11[%swap3A_297] {strides = array<i32>} : memref<512xi32, #tpu.memory_space<vmem>>, vector<16xi32>,
    tpu.vector_store %arg11[%swap3A_297], %broadcast_in_dim3A_296 {strides = array<i32>} : memref<512xi32, #tpu.memory_space<vmem>>, vector<16xi32>,
    %swap3A_299 = arith.constant 496 : index
    %swap3A_300 = tpu.vector_load %arg10[%swap3A_299] {strides = array<i32>} : memref<512xf32, #tpu.memory_space<vmem>>, vector<16xf32>,
    tpu.vector_store %arg10[%swap3A_299], %broadcast_in_dim3A_24 {strides = array<i32>} : memref<512xf32, #tpu.memory_space<vmem>>, vector<16xf32>,
    %broadcast_in_dim3A_301 = arith.constant 1073741824 : i32
    %broadcast_in_dim3A_302 = vector.broadcast %broadcast_in_dim3A_301 : i32 to vector<16xi32>
    %swap3A_303 = arith.constant 496 : index
    %swap3A_304 = tpu.vector_load %arg11[%swap3A_303] {strides = array<i32>} : memref<512xi32, #tpu.memory_space<vmem>>, vector<16xi32>,
    tpu.vector_store %arg11[%swap3A_303], %broadcast_in_dim3A_302 {strides = array<i32>} : memref<512xi32, #tpu.memory_space<vmem>>, vector<16xi32>,
    %scan3A_305 = arith.constant 0 : i32
    %scan3A_306 = arith.constant 0 : i32
    %scan3A_307 = arith.constant 200 : i32
    %scan3A_308 = arith.addi %scan3A_306, %scan3A_307 : i32
    %scan3A_309 = arith.constant 1 : i32
    %scan3A_310 = scf.for %scan3A_950 = %scan3A_306 to %scan3A_308 step %scan3A_309 iter_args(%scan3A_951 = %scan3A_305) -> (i32)  : i32 {
      %mul3A_952 = arith.constant 16 : i32
      %mul3A_953 = arith.muli %scan3A_950, %mul3A_952 : i32
      %add3A_954 = arith.constant 0 : i32
      %add3A_955 = arith.addi %add3A_954, %mul3A_953 : i32
      %get3A_956 = arith.index_cast %add3A_955 : i32 to index
      %get3A_957 = tpu.vector_load %arg8[%get3A_956] {strides = array<i32>} : memref<6400xf32, #tpu.memory_space<vmem>>, vector<16xf32>,
      %lt3A = arith.constant 50 : i32
      %lt3A_958 = arith.cmpi slt, %scan3A_950, %lt3A : i32
      %lt3A_959 = arith.constant 100 : i32
      %lt3A_960 = arith.cmpi slt, %scan3A_950, %lt3A_959 : i32
      %lt3A_961 = arith.constant 150 : i32
      %lt3A_962 = arith.cmpi slt, %scan3A_950, %lt3A_961 : i32
      %select_n3A_963 = arith.select %lt3A_962, %squeeze3A_20, %squeeze3A_22 : f32
      %select_n3A_964 = arith.select %lt3A_960, %squeeze3A_18, %select_n3A_963 : f32
      %select_n3A_965 = arith.select %lt3A_958, %squeeze3A, %select_n3A_964 : f32
      %reduce_max3A_966 = arith.constant true
      %reduce_max3A_967 = vector.broadcast %reduce_max3A_966 : i1 to vector<16xi1>
      %reduce_max3A_968 = tpu.scan <max>, %get3A_957 masked %reduce_max3A_967 : vector<16xf32>, vector<16xi1> -> vector<16xf32>
      %reduce_max3A_969 = vector.extract %reduce_max3A_968[15] : f32 from vector<16xf32>
      %add3A_970 = arith.addf %reduce_max3A_969, %select_n3A_965 : f32
      %ge3A = arith.cmpf oge, %add3A_970, %reduce_max3A_113 : f32
      %convert_element_type3A = arith.extui %ge3A : i1 to i32
      %cond3A = arith.constant 0 : i32
      %cond3A_971 = arith.cmpi ne, %convert_element_type3A, %cond3A : i32
      %cond3A_972 = scf.if %cond3A_971 -> (i32) {
        %add3A_973 = arith.constant 0 : i32
        %add3A_974 = arith.addi %mul3A_2, %add3A_973 : i32
        %mul3A_975 = arith.constant 2000 : i32
        %mul3A_976 = arith.muli %scan3A_950, %mul3A_975 : i32
        %add3A_977 = arith.addi %add3A_974, %mul3A_976 : i32
        "tpu.region"() ({
          %run_scoped3A = tpu.sem_alloc : memref<!tpu.dma_semaphore, #tpu.memory_space<semaphore_mem>>
          %dma_start3A_984 = tpu.memref_slice %arg2[%add3A_977] : memref<25600000xf32, #tpu.memory_space<hbm>> -> memref<2000xf32, #tpu.memory_space<hbm>>
          %dma_start3A_985 = tpu.memref_slice %arg2[%add3A_977] : memref<25600000xf32, #tpu.memory_space<hbm>> -> memref<2000xf32, #tpu.memory_space<hbm>>
          tpu.enqueue_dma source(%dma_start3A_985 : memref<2000xf32, #tpu.memory_space<hbm>>) target(%arg9 : memref<2000xf32, #tpu.memory_space<vmem>>) target_semaphore(%run_scoped3A : memref<!tpu.dma_semaphore, #tpu.memory_space<semaphore_mem>>)
          %dma_wait3A = tpu.memref_slice %arg2[%add3A_977] : memref<25600000xf32, #tpu.memory_space<hbm>> -> memref<2000xf32, #tpu.memory_space<hbm>>
          %dma_wait3A_986 = tpu.memref_slice %arg2[%add3A_977] : memref<25600000xf32, #tpu.memory_space<hbm>> -> memref<2000xf32, #tpu.memory_space<hbm>>
          tpu.wait_dma2 semaphore(%run_scoped3A : memref<!tpu.dma_semaphore, #tpu.memory_space<semaphore_mem>>) src(%dma_wait3A_986 : memref<2000xf32, #tpu.memory_space<hbm>>) dst(%arg9 : memref<2000xf32, #tpu.memory_space<vmem>>)
          tpu.yield
        }) : () -> ()
        %scan3A_978 = arith.constant 0 : i32
        %scan3A_979 = arith.constant 125 : i32
        %scan3A_980 = arith.addi %scan3A_978, %scan3A_979 : i32
        %scan3A_981 = arith.constant 1 : i32
        %scan3A_982 = scf.for %scan3A_984 = %scan3A_978 to %scan3A_980 step %scan3A_981 iter_args(%scan3A_985 = %scan3A_951) -> (i32)  : i32 {
          %mul3A_986 = arith.constant 16 : i32
          %mul3A_987 = arith.muli %scan3A_984, %mul3A_986 : i32
          %get3A_988 = arith.index_cast %mul3A_987 : i32 to index
          %get3A_989 = tpu.vector_load %arg9[%get3A_988] {strides = array<i32>} : memref<2000xf32, #tpu.memory_space<vmem>>, vector<16xf32>,
          %add3A_990 = vector.broadcast %select_n3A_965 : f32 to vector<16xf32>
          %add3A_991 = arith.addf %get3A_989, %add3A_990 : vector<16xf32>
          %ge3A_992 = vector.broadcast %reduce_max3A_113 : f32 to vector<16xf32>
          %ge3A_993 = arith.cmpf oge, %add3A_991, %ge3A_992 : vector<16xf32>
          %mul3A_994 = arith.constant 2000 : i32
          %mul3A_995 = arith.muli %scan3A_950, %mul3A_994 : i32
          %mul3A_996 = arith.constant 16 : i32
          %mul3A_997 = arith.muli %scan3A_984, %mul3A_996 : i32
          %add3A_998 = arith.addi %mul3A_995, %mul3A_997 : i32
          %add3A_999 = vector.broadcast %add3A_998 : i32 to vector<16xi32>
          %add3A_1000 = arith.addi %iota3A, %add3A_999 : vector<16xi32>
          %swap3A_1001 = arith.index_cast %scan3A_985 : i32 to index
          %swap3A_1002 = tpu.vector_load %arg10[%swap3A_1001] masked %ge3A_993 {strides = array<i32>} : memref<512xf32, #tpu.memory_space<vmem>>, vector<16xf32>, vector<16xi1>
          tpu.vector_store %arg10[%swap3A_1001], %add3A_991 masked %ge3A_993 {strides = array<i32>} : memref<512xf32, #tpu.memory_space<vmem>>, vector<16xf32>, vector<16xi1>
          %swap3A_1003 = arith.index_cast %scan3A_985 : i32 to index
          %swap3A_1004 = tpu.vector_load %arg11[%swap3A_1003] masked %ge3A_993 {strides = array<i32>} : memref<512xi32, #tpu.memory_space<vmem>>, vector<16xi32>, vector<16xi1>
          tpu.vector_store %arg11[%swap3A_1003], %add3A_1000 masked %ge3A_993 {strides = array<i32>} : memref<512xi32, #tpu.memory_space<vmem>>, vector<16xi32>, vector<16xi1>
          %all_reduce_population_count3A = tpu.all_reduce %ge3A_993 {dim = 0 : i64, kind = #tpu.reduction_kind<sum>} : vector<16xi1> -> vector<16xi32>
          %reduce_max3A_1005 = arith.constant true
          %reduce_max3A_1006 = vector.broadcast %reduce_max3A_1005 : i1 to vector<16xi1>
          %reduce_max3A_1007 = arith.constant -2147483648 : i32
          %reduce_max3A_1008 = vector.broadcast %reduce_max3A_1007 : i32 to vector<16xi32>
          %reduce_max3A_1009 = arith.xori %all_reduce_population_count3A, %reduce_max3A_1008 : vector<16xi32>
          %reduce_max3A_1010 = tpu.scan <max>, %reduce_max3A_1009 masked %reduce_max3A_1006 : vector<16xi32>, vector<16xi1> -> vector<16xi32>
          %reduce_max3A_1011 = arith.xori %reduce_max3A_1010, %reduce_max3A_1008 : vector<16xi32>
          %reduce_max3A_1012 = vector.extract %reduce_max3A_1011[15] : i32 from vector<16xi32>
          %add3A_1013 = arith.addi %scan3A_985, %reduce_max3A_1012 : i32
          %min3A = arith.constant 496 : i32
          %min3A_1014 = arith.minsi %add3A_1013, %min3A : i32
          scf.yield %min3A_1014 : i32
        }
        %scan3A_983 = arith.constant 125 : i32
        scf.yield %scan3A_982 : i32
      } else {
        scf.yield %scan3A_951 : i32
      }
      scf.yield %cond3A_972 : i32
    }
    %scan3A_311 = arith.constant 200 : i32
    %broadcast_in_dim3A_312 = arith.constant 1073741824 : i32
    %broadcast_in_dim3A_313 = vector.broadcast %broadcast_in_dim3A_312 : i32 to vector<16xi32>
    %scan3A_314 = arith.constant 0 : i32
    %scan3A_315 = arith.constant 32 : i32
    %scan3A_316 = arith.addi %scan3A_314, %scan3A_315 : i32
    %scan3A_317 = arith.constant 1 : i32
    %scan3A_318:2 = scf.for %scan3A_950 = %scan3A_314 to %scan3A_316 step %scan3A_317 iter_args(%scan3A_951 = %broadcast_in_dim3A_24, %scan3A_952 = %broadcast_in_dim3A_313) -> (vector<16xf32>, vector<16xi32>)  : i32 {
      %mul3A_953 = arith.constant 16 : i32
      %mul3A_954 = arith.muli %scan3A_950, %mul3A_953 : i32
      %get3A_955 = arith.index_cast %mul3A_954 : i32 to index
      %get3A_956 = tpu.vector_load %arg10[%get3A_955] {strides = array<i32>} : memref<512xf32, #tpu.memory_space<vmem>>, vector<16xf32>,
      %mul3A_957 = arith.constant 16 : i32
      %mul3A_958 = arith.muli %scan3A_950, %mul3A_957 : i32
      %get3A_959 = arith.index_cast %mul3A_958 : i32 to index
      %get3A_960 = tpu.vector_load %arg11[%get3A_959] {strides = array<i32>} : memref<512xi32, #tpu.memory_space<vmem>>, vector<16xi32>,
      %gt3A = arith.cmpf ogt, %get3A_956, %scan3A_951 : vector<16xf32>
      %eq3A_961 = arith.cmpf oeq, %get3A_956, %scan3A_951 : vector<16xf32>
      %lt3A = arith.cmpi slt, %get3A_960, %scan3A_952 : vector<16xi32>
      %and3A = arith.andi %eq3A_961, %lt3A : vector<16xi1>
      %or3A = arith.ori %gt3A, %and3A : vector<16xi1>
      %select_n3A_962 = arith.select %or3A, %get3A_956, %scan3A_951 : vector<16xi1>, vector<16xf32>
      %select_n3A_963 = arith.select %or3A, %get3A_960, %scan3A_952 : vector<16xi1>, vector<16xi32>
      scf.yield %select_n3A_962, %select_n3A_963 : vector<16xf32>, vector<16xi32>
    }
    %scan3A_319 = arith.constant 32 : i32
    %reduce_max3A_320 = arith.constant true
    %reduce_max3A_321 = vector.broadcast %reduce_max3A_320 : i1 to vector<16xi1>
    %reduce_max3A_322 = tpu.scan <max>, %scan3A_318#0 masked %reduce_max3A_321 : vector<16xf32>, vector<16xi1> -> vector<16xf32>
    %reduce_max3A_323 = vector.extract %reduce_max3A_322[15] : f32 from vector<16xf32>
    %eq3A_324 = vector.broadcast %reduce_max3A_323 : f32 to vector<16xf32>
    %eq3A_325 = arith.cmpf oeq, %scan3A_318#0, %eq3A_324 : vector<16xf32>
    %jit3A_326 = arith.constant 1073741824 : i32
    %broadcast_in_dim3A_327 = vector.broadcast %jit3A_326 : i32 to vector<16xi32>
    %select_n3A_328 = arith.select %eq3A_325, %scan3A_318#1, %broadcast_in_dim3A_327 : vector<16xi1>, vector<16xi32>
    %reduce_min3A = arith.constant true
    %reduce_min3A_329 = vector.broadcast %reduce_min3A : i1 to vector<16xi1>
    %reduce_min3A_330 = arith.constant -2147483648 : i32
    %reduce_min3A_331 = vector.broadcast %reduce_min3A_330 : i32 to vector<16xi32>
    %reduce_min3A_332 = arith.xori %select_n3A_328, %reduce_min3A_331 : vector<16xi32>
    %reduce_min3A_333 = tpu.scan <min>, %reduce_min3A_332 masked %reduce_min3A_329 : vector<16xi32>, vector<16xi1> -> vector<16xi32>
    %reduce_min3A_334 = arith.xori %reduce_min3A_333, %reduce_min3A_331 : vector<16xi32>
    %reduce_min3A_335 = vector.extract %reduce_min3A_334[15] : i32 from vector<16xi32>
    %scan3A_336 = arith.constant 0 : i32
    %scan3A_337 = arith.constant 0 : i32
    %scan3A_338 = arith.constant 32 : i32
    %scan3A_339 = arith.addi %scan3A_337, %scan3A_338 : i32
    %scan3A_340 = arith.constant 1 : i32
    scf.for %scan3A_950 = %scan3A_337 to %scan3A_339 step %scan3A_340  : i32 {
      %mul3A_951 = arith.constant 16 : i32
      %mul3A_952 = arith.muli %scan3A_950, %mul3A_951 : i32
      %get3A_953 = arith.index_cast %mul3A_952 : i32 to index
      %get3A_954 = tpu.vector_load %arg11[%get3A_953] {strides = array<i32>} : memref<512xi32, #tpu.memory_space<vmem>>, vector<16xi32>,
      %mul3A_955 = arith.constant 16 : i32
      %mul3A_956 = arith.muli %scan3A_950, %mul3A_955 : i32
      %get3A_957 = arith.index_cast %mul3A_956 : i32 to index
      %get3A_958 = tpu.vector_load %arg10[%get3A_957] {strides = array<i32>} : memref<512xf32, #tpu.memory_space<vmem>>, vector<16xf32>,
      %eq3A_959 = vector.broadcast %reduce_min3A_335 : i32 to vector<16xi32>
      %eq3A_960 = arith.cmpi eq, %get3A_954, %eq3A_959 : vector<16xi32>
      %jit3A_961 = arith.constant -1.000000e+30 : f32
      %broadcast_in_dim3A_962 = vector.broadcast %jit3A_961 : f32 to vector<16xf32>
      %select_n3A_963 = arith.select %eq3A_960, %broadcast_in_dim3A_962, %get3A_958 : vector<16xi1>, vector<16xf32>
      %mul3A_964 = arith.constant 16 : i32
      %mul3A_965 = arith.muli %scan3A_950, %mul3A_964 : i32
      %swap3A_966 = arith.index_cast %mul3A_965 : i32 to index
      %swap3A_967 = tpu.vector_load %arg10[%swap3A_966] {strides = array<i32>} : memref<512xf32, #tpu.memory_space<vmem>>, vector<16xf32>,
      tpu.vector_store %arg10[%swap3A_966], %select_n3A_963 {strides = array<i32>} : memref<512xf32, #tpu.memory_space<vmem>>, vector<16xf32>,
    }
    %scan3A_341 = arith.constant 32 : i32
    %eq3A_342 = arith.constant 0 : i32
    %eq3A_343 = vector.broadcast %eq3A_342 : i32 to vector<16xi32>
    %eq3A_344 = arith.cmpi eq, %iota3A, %eq3A_343 : vector<16xi32>
    %broadcast_in_dim3A_345 = vector.broadcast %reduce_max3A_323 : f32 to vector<16xf32>
    %select_n3A_346 = arith.select %eq3A_344, %broadcast_in_dim3A_345, %broadcast_in_dim3A_14 : vector<16xi1>, vector<16xf32>
    %eq3A_347 = arith.constant 0 : i32
    %eq3A_348 = vector.broadcast %eq3A_347 : i32 to vector<16xi32>
    %eq3A_349 = arith.cmpi eq, %iota3A, %eq3A_348 : vector<16xi32>
    %broadcast_in_dim3A_350 = vector.broadcast %reduce_min3A_335 : i32 to vector<16xi32>
    %select_n3A_351 = arith.select %eq3A_349, %broadcast_in_dim3A_350, %broadcast_in_dim3A_16 : vector<16xi1>, vector<16xi32>
    %broadcast_in_dim3A_352 = arith.constant 1073741824 : i32
    %broadcast_in_dim3A_353 = vector.broadcast %broadcast_in_dim3A_352 : i32 to vector<16xi32>
    %scan3A_354 = arith.constant 0 : i32
    %scan3A_355 = arith.constant 32 : i32
    %scan3A_356 = arith.addi %scan3A_354, %scan3A_355 : i32
    %scan3A_357 = arith.constant 1 : i32
    %scan3A_358:2 = scf.for %scan3A_950 = %scan3A_354 to %scan3A_356 step %scan3A_357 iter_args(%scan3A_951 = %broadcast_in_dim3A_24, %scan3A_952 = %broadcast_in_dim3A_353) -> (vector<16xf32>, vector<16xi32>)  : i32 {
      %mul3A_953 = arith.constant 16 : i32
      %mul3A_954 = arith.muli %scan3A_950, %mul3A_953 : i32
      %get3A_955 = arith.index_cast %mul3A_954 : i32 to index
      %get3A_956 = tpu.vector_load %arg10[%get3A_955] {strides = array<i32>} : memref<512xf32, #tpu.memory_space<vmem>>, vector<16xf32>,
      %mul3A_957 = arith.constant 16 : i32
      %mul3A_958 = arith.muli %scan3A_950, %mul3A_957 : i32
      %get3A_959 = arith.index_cast %mul3A_958 : i32 to index
      %get3A_960 = tpu.vector_load %arg11[%get3A_959] {strides = array<i32>} : memref<512xi32, #tpu.memory_space<vmem>>, vector<16xi32>,
      %gt3A = arith.cmpf ogt, %get3A_956, %scan3A_951 : vector<16xf32>
      %eq3A_961 = arith.cmpf oeq, %get3A_956, %scan3A_951 : vector<16xf32>
      %lt3A = arith.cmpi slt, %get3A_960, %scan3A_952 : vector<16xi32>
      %and3A = arith.andi %eq3A_961, %lt3A : vector<16xi1>
      %or3A = arith.ori %gt3A, %and3A : vector<16xi1>
      %select_n3A_962 = arith.select %or3A, %get3A_956, %scan3A_951 : vector<16xi1>, vector<16xf32>
      %select_n3A_963 = arith.select %or3A, %get3A_960, %scan3A_952 : vector<16xi1>, vector<16xi32>
      scf.yield %select_n3A_962, %select_n3A_963 : vector<16xf32>, vector<16xi32>
    }
    %scan3A_359 = arith.constant 32 : i32
    %reduce_max3A_360 = arith.constant true
    %reduce_max3A_361 = vector.broadcast %reduce_max3A_360 : i1 to vector<16xi1>
    %reduce_max3A_362 = tpu.scan <max>, %scan3A_358#0 masked %reduce_max3A_361 : vector<16xf32>, vector<16xi1> -> vector<16xf32>
    %reduce_max3A_363 = vector.extract %reduce_max3A_362[15] : f32 from vector<16xf32>
    %eq3A_364 = vector.broadcast %reduce_max3A_363 : f32 to vector<16xf32>
    %eq3A_365 = arith.cmpf oeq, %scan3A_358#0, %eq3A_364 : vector<16xf32>
    %jit3A_366 = arith.constant 1073741824 : i32
    %broadcast_in_dim3A_367 = vector.broadcast %jit3A_366 : i32 to vector<16xi32>
    %select_n3A_368 = arith.select %eq3A_365, %scan3A_358#1, %broadcast_in_dim3A_367 : vector<16xi1>, vector<16xi32>
    %reduce_min3A_369 = arith.constant true
    %reduce_min3A_370 = vector.broadcast %reduce_min3A_369 : i1 to vector<16xi1>
    %reduce_min3A_371 = arith.constant -2147483648 : i32
    %reduce_min3A_372 = vector.broadcast %reduce_min3A_371 : i32 to vector<16xi32>
    %reduce_min3A_373 = arith.xori %select_n3A_368, %reduce_min3A_372 : vector<16xi32>
    %reduce_min3A_374 = tpu.scan <min>, %reduce_min3A_373 masked %reduce_min3A_370 : vector<16xi32>, vector<16xi1> -> vector<16xi32>
    %reduce_min3A_375 = arith.xori %reduce_min3A_374, %reduce_min3A_372 : vector<16xi32>
    %reduce_min3A_376 = vector.extract %reduce_min3A_375[15] : i32 from vector<16xi32>
    %scan3A_377 = arith.constant 0 : i32
    %scan3A_378 = arith.constant 0 : i32
    %scan3A_379 = arith.constant 32 : i32
    %scan3A_380 = arith.addi %scan3A_378, %scan3A_379 : i32
    %scan3A_381 = arith.constant 1 : i32
    scf.for %scan3A_950 = %scan3A_378 to %scan3A_380 step %scan3A_381  : i32 {
      %mul3A_951 = arith.constant 16 : i32
      %mul3A_952 = arith.muli %scan3A_950, %mul3A_951 : i32
      %get3A_953 = arith.index_cast %mul3A_952 : i32 to index
      %get3A_954 = tpu.vector_load %arg11[%get3A_953] {strides = array<i32>} : memref<512xi32, #tpu.memory_space<vmem>>, vector<16xi32>,
      %mul3A_955 = arith.constant 16 : i32
      %mul3A_956 = arith.muli %scan3A_950, %mul3A_955 : i32
      %get3A_957 = arith.index_cast %mul3A_956 : i32 to index
      %get3A_958 = tpu.vector_load %arg10[%get3A_957] {strides = array<i32>} : memref<512xf32, #tpu.memory_space<vmem>>, vector<16xf32>,
      %eq3A_959 = vector.broadcast %reduce_min3A_376 : i32 to vector<16xi32>
      %eq3A_960 = arith.cmpi eq, %get3A_954, %eq3A_959 : vector<16xi32>
      %jit3A_961 = arith.constant -1.000000e+30 : f32
      %broadcast_in_dim3A_962 = vector.broadcast %jit3A_961 : f32 to vector<16xf32>
      %select_n3A_963 = arith.select %eq3A_960, %broadcast_in_dim3A_962, %get3A_958 : vector<16xi1>, vector<16xf32>
      %mul3A_964 = arith.constant 16 : i32
      %mul3A_965 = arith.muli %scan3A_950, %mul3A_964 : i32
      %swap3A_966 = arith.index_cast %mul3A_965 : i32 to index
      %swap3A_967 = tpu.vector_load %arg10[%swap3A_966] {strides = array<i32>} : memref<512xf32, #tpu.memory_space<vmem>>, vector<16xf32>,
      tpu.vector_store %arg10[%swap3A_966], %select_n3A_963 {strides = array<i32>} : memref<512xf32, #tpu.memory_space<vmem>>, vector<16xf32>,
    }
    %scan3A_382 = arith.constant 32 : i32
    %eq3A_383 = arith.constant 1 : i32
    %eq3A_384 = vector.broadcast %eq3A_383 : i32 to vector<16xi32>
    %eq3A_385 = arith.cmpi eq, %iota3A, %eq3A_384 : vector<16xi32>
    %broadcast_in_dim3A_386 = vector.broadcast %reduce_max3A_363 : f32 to vector<16xf32>
    %select_n3A_387 = arith.select %eq3A_385, %broadcast_in_dim3A_386, %select_n3A_346 : vector<16xi1>, vector<16xf32>
    %eq3A_388 = arith.constant 1 : i32
    %eq3A_389 = vector.broadcast %eq3A_388 : i32 to vector<16xi32>
    %eq3A_390 = arith.cmpi eq, %iota3A, %eq3A_389 : vector<16xi32>
    %broadcast_in_dim3A_391 = vector.broadcast %reduce_min3A_376 : i32 to vector<16xi32>
    %select_n3A_392 = arith.select %eq3A_390, %broadcast_in_dim3A_391, %select_n3A_351 : vector<16xi1>, vector<16xi32>
    %broadcast_in_dim3A_393 = arith.constant 1073741824 : i32
    %broadcast_in_dim3A_394 = vector.broadcast %broadcast_in_dim3A_393 : i32 to vector<16xi32>
    %scan3A_395 = arith.constant 0 : i32
    %scan3A_396 = arith.constant 32 : i32
    %scan3A_397 = arith.addi %scan3A_395, %scan3A_396 : i32
    %scan3A_398 = arith.constant 1 : i32
    %scan3A_399:2 = scf.for %scan3A_950 = %scan3A_395 to %scan3A_397 step %scan3A_398 iter_args(%scan3A_951 = %broadcast_in_dim3A_24, %scan3A_952 = %broadcast_in_dim3A_394) -> (vector<16xf32>, vector<16xi32>)  : i32 {
      %mul3A_953 = arith.constant 16 : i32
      %mul3A_954 = arith.muli %scan3A_950, %mul3A_953 : i32
      %get3A_955 = arith.index_cast %mul3A_954 : i32 to index
      %get3A_956 = tpu.vector_load %arg10[%get3A_955] {strides = array<i32>} : memref<512xf32, #tpu.memory_space<vmem>>, vector<16xf32>,
      %mul3A_957 = arith.constant 16 : i32
      %mul3A_958 = arith.muli %scan3A_950, %mul3A_957 : i32
      %get3A_959 = arith.index_cast %mul3A_958 : i32 to index
      %get3A_960 = tpu.vector_load %arg11[%get3A_959] {strides = array<i32>} : memref<512xi32, #tpu.memory_space<vmem>>, vector<16xi32>,
      %gt3A = arith.cmpf ogt, %get3A_956, %scan3A_951 : vector<16xf32>
      %eq3A_961 = arith.cmpf oeq, %get3A_956, %scan3A_951 : vector<16xf32>
      %lt3A = arith.cmpi slt, %get3A_960, %scan3A_952 : vector<16xi32>
      %and3A = arith.andi %eq3A_961, %lt3A : vector<16xi1>
      %or3A = arith.ori %gt3A, %and3A : vector<16xi1>
      %select_n3A_962 = arith.select %or3A, %get3A_956, %scan3A_951 : vector<16xi1>, vector<16xf32>
      %select_n3A_963 = arith.select %or3A, %get3A_960, %scan3A_952 : vector<16xi1>, vector<16xi32>
      scf.yield %select_n3A_962, %select_n3A_963 : vector<16xf32>, vector<16xi32>
    }
    %scan3A_400 = arith.constant 32 : i32
    %reduce_max3A_401 = arith.constant true
    %reduce_max3A_402 = vector.broadcast %reduce_max3A_401 : i1 to vector<16xi1>
    %reduce_max3A_403 = tpu.scan <max>, %scan3A_399#0 masked %reduce_max3A_402 : vector<16xf32>, vector<16xi1> -> vector<16xf32>
    %reduce_max3A_404 = vector.extract %reduce_max3A_403[15] : f32 from vector<16xf32>
    %eq3A_405 = vector.broadcast %reduce_max3A_404 : f32 to vector<16xf32>
    %eq3A_406 = arith.cmpf oeq, %scan3A_399#0, %eq3A_405 : vector<16xf32>
    %jit3A_407 = arith.constant 1073741824 : i32
    %broadcast_in_dim3A_408 = vector.broadcast %jit3A_407 : i32 to vector<16xi32>
    %select_n3A_409 = arith.select %eq3A_406, %scan3A_399#1, %broadcast_in_dim3A_408 : vector<16xi1>, vector<16xi32>
    %reduce_min3A_410 = arith.constant true
    %reduce_min3A_411 = vector.broadcast %reduce_min3A_410 : i1 to vector<16xi1>
    %reduce_min3A_412 = arith.constant -2147483648 : i32
    %reduce_min3A_413 = vector.broadcast %reduce_min3A_412 : i32 to vector<16xi32>
    %reduce_min3A_414 = arith.xori %select_n3A_409, %reduce_min3A_413 : vector<16xi32>
    %reduce_min3A_415 = tpu.scan <min>, %reduce_min3A_414 masked %reduce_min3A_411 : vector<16xi32>, vector<16xi1> -> vector<16xi32>
    %reduce_min3A_416 = arith.xori %reduce_min3A_415, %reduce_min3A_413 : vector<16xi32>
    %reduce_min3A_417 = vector.extract %reduce_min3A_416[15] : i32 from vector<16xi32>
    %scan3A_418 = arith.constant 0 : i32
    %scan3A_419 = arith.constant 0 : i32
    %scan3A_420 = arith.constant 32 : i32
    %scan3A_421 = arith.addi %scan3A_419, %scan3A_420 : i32
    %scan3A_422 = arith.constant 1 : i32
    scf.for %scan3A_950 = %scan3A_419 to %scan3A_421 step %scan3A_422  : i32 {
      %mul3A_951 = arith.constant 16 : i32
      %mul3A_952 = arith.muli %scan3A_950, %mul3A_951 : i32
      %get3A_953 = arith.index_cast %mul3A_952 : i32 to index
      %get3A_954 = tpu.vector_load %arg11[%get3A_953] {strides = array<i32>} : memref<512xi32, #tpu.memory_space<vmem>>, vector<16xi32>,
      %mul3A_955 = arith.constant 16 : i32
      %mul3A_956 = arith.muli %scan3A_950, %mul3A_955 : i32
      %get3A_957 = arith.index_cast %mul3A_956 : i32 to index
      %get3A_958 = tpu.vector_load %arg10[%get3A_957] {strides = array<i32>} : memref<512xf32, #tpu.memory_space<vmem>>, vector<16xf32>,
      %eq3A_959 = vector.broadcast %reduce_min3A_417 : i32 to vector<16xi32>
      %eq3A_960 = arith.cmpi eq, %get3A_954, %eq3A_959 : vector<16xi32>
      %jit3A_961 = arith.constant -1.000000e+30 : f32
      %broadcast_in_dim3A_962 = vector.broadcast %jit3A_961 : f32 to vector<16xf32>
      %select_n3A_963 = arith.select %eq3A_960, %broadcast_in_dim3A_962, %get3A_958 : vector<16xi1>, vector<16xf32>
      %mul3A_964 = arith.constant 16 : i32
      %mul3A_965 = arith.muli %scan3A_950, %mul3A_964 : i32
      %swap3A_966 = arith.index_cast %mul3A_965 : i32 to index
      %swap3A_967 = tpu.vector_load %arg10[%swap3A_966] {strides = array<i32>} : memref<512xf32, #tpu.memory_space<vmem>>, vector<16xf32>,
      tpu.vector_store %arg10[%swap3A_966], %select_n3A_963 {strides = array<i32>} : memref<512xf32, #tpu.memory_space<vmem>>, vector<16xf32>,
    }
    %scan3A_423 = arith.constant 32 : i32
    %eq3A_424 = arith.constant 2 : i32
    %eq3A_425 = vector.broadcast %eq3A_424 : i32 to vector<16xi32>
    %eq3A_426 = arith.cmpi eq, %iota3A, %eq3A_425 : vector<16xi32>
    %broadcast_in_dim3A_427 = vector.broadcast %reduce_max3A_404 : f32 to vector<16xf32>
    %select_n3A_428 = arith.select %eq3A_426, %broadcast_in_dim3A_427, %select_n3A_387 : vector<16xi1>, vector<16xf32>
    %eq3A_429 = arith.constant 2 : i32
    %eq3A_430 = vector.broadcast %eq3A_429 : i32 to vector<16xi32>
    %eq3A_431 = arith.cmpi eq, %iota3A, %eq3A_430 : vector<16xi32>
    %broadcast_in_dim3A_432 = vector.broadcast %reduce_min3A_417 : i32 to vector<16xi32>
    %select_n3A_433 = arith.select %eq3A_431, %broadcast_in_dim3A_432, %select_n3A_392 : vector<16xi1>, vector<16xi32>
    %broadcast_in_dim3A_434 = arith.constant 1073741824 : i32
    %broadcast_in_dim3A_435 = vector.broadcast %broadcast_in_dim3A_434 : i32 to vector<16xi32>
    %scan3A_436 = arith.constant 0 : i32
    %scan3A_437 = arith.constant 32 : i32
    %scan3A_438 = arith.addi %scan3A_436, %scan3A_437 : i32
    %scan3A_439 = arith.constant 1 : i32
    %scan3A_440:2 = scf.for %scan3A_950 = %scan3A_436 to %scan3A_438 step %scan3A_439 iter_args(%scan3A_951 = %broadcast_in_dim3A_24, %scan3A_952 = %broadcast_in_dim3A_435) -> (vector<16xf32>, vector<16xi32>)  : i32 {
      %mul3A_953 = arith.constant 16 : i32
      %mul3A_954 = arith.muli %scan3A_950, %mul3A_953 : i32
      %get3A_955 = arith.index_cast %mul3A_954 : i32 to index
      %get3A_956 = tpu.vector_load %arg10[%get3A_955] {strides = array<i32>} : memref<512xf32, #tpu.memory_space<vmem>>, vector<16xf32>,
      %mul3A_957 = arith.constant 16 : i32
      %mul3A_958 = arith.muli %scan3A_950, %mul3A_957 : i32
      %get3A_959 = arith.index_cast %mul3A_958 : i32 to index
      %get3A_960 = tpu.vector_load %arg11[%get3A_959] {strides = array<i32>} : memref<512xi32, #tpu.memory_space<vmem>>, vector<16xi32>,
      %gt3A = arith.cmpf ogt, %get3A_956, %scan3A_951 : vector<16xf32>
      %eq3A_961 = arith.cmpf oeq, %get3A_956, %scan3A_951 : vector<16xf32>
      %lt3A = arith.cmpi slt, %get3A_960, %scan3A_952 : vector<16xi32>
      %and3A = arith.andi %eq3A_961, %lt3A : vector<16xi1>
      %or3A = arith.ori %gt3A, %and3A : vector<16xi1>
      %select_n3A_962 = arith.select %or3A, %get3A_956, %scan3A_951 : vector<16xi1>, vector<16xf32>
      %select_n3A_963 = arith.select %or3A, %get3A_960, %scan3A_952 : vector<16xi1>, vector<16xi32>
      scf.yield %select_n3A_962, %select_n3A_963 : vector<16xf32>, vector<16xi32>
    }
    %scan3A_441 = arith.constant 32 : i32
    %reduce_max3A_442 = arith.constant true
    %reduce_max3A_443 = vector.broadcast %reduce_max3A_442 : i1 to vector<16xi1>
    %reduce_max3A_444 = tpu.scan <max>, %scan3A_440#0 masked %reduce_max3A_443 : vector<16xf32>, vector<16xi1> -> vector<16xf32>
    %reduce_max3A_445 = vector.extract %reduce_max3A_444[15] : f32 from vector<16xf32>
    %eq3A_446 = vector.broadcast %reduce_max3A_445 : f32 to vector<16xf32>
    %eq3A_447 = arith.cmpf oeq, %scan3A_440#0, %eq3A_446 : vector<16xf32>
    %jit3A_448 = arith.constant 1073741824 : i32
    %broadcast_in_dim3A_449 = vector.broadcast %jit3A_448 : i32 to vector<16xi32>
    %select_n3A_450 = arith.select %eq3A_447, %scan3A_440#1, %broadcast_in_dim3A_449 : vector<16xi1>, vector<16xi32>
    %reduce_min3A_451 = arith.constant true
    %reduce_min3A_452 = vector.broadcast %reduce_min3A_451 : i1 to vector<16xi1>
    %reduce_min3A_453 = arith.constant -2147483648 : i32
    %reduce_min3A_454 = vector.broadcast %reduce_min3A_453 : i32 to vector<16xi32>
    %reduce_min3A_455 = arith.xori %select_n3A_450, %reduce_min3A_454 : vector<16xi32>
    %reduce_min3A_456 = tpu.scan <min>, %reduce_min3A_455 masked %reduce_min3A_452 : vector<16xi32>, vector<16xi1> -> vector<16xi32>
    %reduce_min3A_457 = arith.xori %reduce_min3A_456, %reduce_min3A_454 : vector<16xi32>
    %reduce_min3A_458 = vector.extract %reduce_min3A_457[15] : i32 from vector<16xi32>
    %scan3A_459 = arith.constant 0 : i32
    %scan3A_460 = arith.constant 0 : i32
    %scan3A_461 = arith.constant 32 : i32
    %scan3A_462 = arith.addi %scan3A_460, %scan3A_461 : i32
    %scan3A_463 = arith.constant 1 : i32
    scf.for %scan3A_950 = %scan3A_460 to %scan3A_462 step %scan3A_463  : i32 {
      %mul3A_951 = arith.constant 16 : i32
      %mul3A_952 = arith.muli %scan3A_950, %mul3A_951 : i32
      %get3A_953 = arith.index_cast %mul3A_952 : i32 to index
      %get3A_954 = tpu.vector_load %arg11[%get3A_953] {strides = array<i32>} : memref<512xi32, #tpu.memory_space<vmem>>, vector<16xi32>,
      %mul3A_955 = arith.constant 16 : i32
      %mul3A_956 = arith.muli %scan3A_950, %mul3A_955 : i32
      %get3A_957 = arith.index_cast %mul3A_956 : i32 to index
      %get3A_958 = tpu.vector_load %arg10[%get3A_957] {strides = array<i32>} : memref<512xf32, #tpu.memory_space<vmem>>, vector<16xf32>,
      %eq3A_959 = vector.broadcast %reduce_min3A_458 : i32 to vector<16xi32>
      %eq3A_960 = arith.cmpi eq, %get3A_954, %eq3A_959 : vector<16xi32>
      %jit3A_961 = arith.constant -1.000000e+30 : f32
      %broadcast_in_dim3A_962 = vector.broadcast %jit3A_961 : f32 to vector<16xf32>
      %select_n3A_963 = arith.select %eq3A_960, %broadcast_in_dim3A_962, %get3A_958 : vector<16xi1>, vector<16xf32>
      %mul3A_964 = arith.constant 16 : i32
      %mul3A_965 = arith.muli %scan3A_950, %mul3A_964 : i32
      %swap3A_966 = arith.index_cast %mul3A_965 : i32 to index
      %swap3A_967 = tpu.vector_load %arg10[%swap3A_966] {strides = array<i32>} : memref<512xf32, #tpu.memory_space<vmem>>, vector<16xf32>,
      tpu.vector_store %arg10[%swap3A_966], %select_n3A_963 {strides = array<i32>} : memref<512xf32, #tpu.memory_space<vmem>>, vector<16xf32>,
    }
    %scan3A_464 = arith.constant 32 : i32
    %eq3A_465 = arith.constant 3 : i32
    %eq3A_466 = vector.broadcast %eq3A_465 : i32 to vector<16xi32>
    %eq3A_467 = arith.cmpi eq, %iota3A, %eq3A_466 : vector<16xi32>
    %broadcast_in_dim3A_468 = vector.broadcast %reduce_max3A_445 : f32 to vector<16xf32>
    %select_n3A_469 = arith.select %eq3A_467, %broadcast_in_dim3A_468, %select_n3A_428 : vector<16xi1>, vector<16xf32>
    %eq3A_470 = arith.constant 3 : i32
    %eq3A_471 = vector.broadcast %eq3A_470 : i32 to vector<16xi32>
    %eq3A_472 = arith.cmpi eq, %iota3A, %eq3A_471 : vector<16xi32>
    %broadcast_in_dim3A_473 = vector.broadcast %reduce_min3A_458 : i32 to vector<16xi32>
    %select_n3A_474 = arith.select %eq3A_472, %broadcast_in_dim3A_473, %select_n3A_433 : vector<16xi1>, vector<16xi32>
    %slice3A_475 = vector.extract_strided_slice %get3A_5 {offsets = [4], sizes = [1], strides = [1]} : vector<16xf32> to vector<1xf32>
    %squeeze3A_476 = vector.extract %slice3A_475[0] : f32 from vector<1xf32>
    %slice3A_477 = vector.extract_strided_slice %get3A_5 {offsets = [5], sizes = [1], strides = [1]} : vector<16xf32> to vector<1xf32>
    %squeeze3A_478 = vector.extract %slice3A_477[0] : f32 from vector<1xf32>
    %slice3A_479 = vector.extract_strided_slice %get3A_5 {offsets = [6], sizes = [1], strides = [1]} : vector<16xf32> to vector<1xf32>
    %squeeze3A_480 = vector.extract %slice3A_479[0] : f32 from vector<1xf32>
    %slice3A_481 = vector.extract_strided_slice %get3A_5 {offsets = [7], sizes = [1], strides = [1]} : vector<16xf32> to vector<1xf32>
    %squeeze3A_482 = vector.extract %slice3A_481[0] : f32 from vector<1xf32>
    %broadcast_in_dim3A_483 = arith.constant -1.000000e+30 : f32
    %broadcast_in_dim3A_484 = vector.broadcast %broadcast_in_dim3A_483 : f32 to vector<16xf32>
    %scan3A_485 = arith.constant 0 : i32
    %scan3A_486 = arith.constant 200 : i32
    %scan3A_487 = arith.addi %scan3A_485, %scan3A_486 : i32
    %scan3A_488 = arith.constant 1 : i32
    %scan3A_489:4 = scf.for %scan3A_950 = %scan3A_485 to %scan3A_487 step %scan3A_488 iter_args(%scan3A_951 = %broadcast_in_dim3A_484, %scan3A_952 = %broadcast_in_dim3A_484, %scan3A_953 = %broadcast_in_dim3A_484, %scan3A_954 = %broadcast_in_dim3A_484) -> (vector<16xf32>, vector<16xf32>, vector<16xf32>, vector<16xf32>)  : i32 {
      %mul3A_955 = arith.constant 16 : i32
      %mul3A_956 = arith.muli %scan3A_950, %mul3A_955 : i32
      %add3A_957 = arith.constant 3200 : i32
      %add3A_958 = arith.addi %add3A_957, %mul3A_956 : i32
      %get3A_959 = arith.index_cast %add3A_958 : i32 to index
      %get3A_960 = tpu.vector_load %arg8[%get3A_959] {strides = array<i32>} : memref<6400xf32, #tpu.memory_space<vmem>>, vector<16xf32>,
      %lt3A = arith.constant 50 : i32
      %lt3A_961 = arith.cmpi slt, %scan3A_950, %lt3A : i32
      %lt3A_962 = arith.constant 100 : i32
      %lt3A_963 = arith.cmpi slt, %scan3A_950, %lt3A_962 : i32
      %lt3A_964 = arith.constant 150 : i32
      %lt3A_965 = arith.cmpi slt, %scan3A_950, %lt3A_964 : i32
      %select_n3A_966 = arith.select %lt3A_965, %squeeze3A_480, %squeeze3A_482 : f32
      %select_n3A_967 = arith.select %lt3A_963, %squeeze3A_478, %select_n3A_966 : f32
      %select_n3A_968 = arith.select %lt3A_961, %squeeze3A_476, %select_n3A_967 : f32
      %add3A_969 = vector.broadcast %select_n3A_968 : f32 to vector<16xf32>
      %add3A_970 = arith.addf %get3A_960, %add3A_969 : vector<16xf32>
      %min3A = arith.minimumf %scan3A_951, %add3A_970 : vector<16xf32>
      %max3A_971 = arith.maximumf %scan3A_951, %add3A_970 : vector<16xf32>
      %min3A_972 = arith.minimumf %scan3A_952, %min3A : vector<16xf32>
      %max3A_973 = arith.maximumf %scan3A_952, %min3A : vector<16xf32>
      %min3A_974 = arith.minimumf %scan3A_953, %min3A_972 : vector<16xf32>
      %max3A_975 = arith.maximumf %scan3A_953, %min3A_972 : vector<16xf32>
      %max3A_976 = arith.maximumf %scan3A_954, %min3A_974 : vector<16xf32>
      scf.yield %max3A_971, %max3A_973, %max3A_975, %max3A_976 : vector<16xf32>, vector<16xf32>, vector<16xf32>, vector<16xf32>
    }
    %scan3A_490 = arith.constant 200 : i32
    %max3A_491 = arith.maximumf %scan3A_489#0, %scan3A_489#1 : vector<16xf32>
    %max3A_492 = arith.maximumf %scan3A_489#2, %scan3A_489#3 : vector<16xf32>
    %max3A_493 = arith.maximumf %max3A_491, %max3A_492 : vector<16xf32>
    %reduce_max3A_494 = arith.constant true
    %reduce_max3A_495 = vector.broadcast %reduce_max3A_494 : i1 to vector<16xi1>
    %reduce_max3A_496 = tpu.scan <max>, %max3A_493 masked %reduce_max3A_495 : vector<16xf32>, vector<16xi1> -> vector<16xf32>
    %reduce_max3A_497 = vector.extract %reduce_max3A_496[15] : f32 from vector<16xf32>
    %eq3A_498 = vector.broadcast %reduce_max3A_497 : f32 to vector<16xf32>
    %eq3A_499 = arith.cmpf oeq, %scan3A_489#0, %eq3A_498 : vector<16xf32>
    %jit3A_500 = arith.constant -1.000000e+30 : f32
    %broadcast_in_dim3A_501 = vector.broadcast %jit3A_500 : f32 to vector<16xf32>
    %select_n3A_502 = arith.select %eq3A_499, %broadcast_in_dim3A_501, %scan3A_489#0 : vector<16xi1>, vector<16xf32>
    %eq3A_503 = vector.broadcast %reduce_max3A_497 : f32 to vector<16xf32>
    %eq3A_504 = arith.cmpf oeq, %scan3A_489#1, %eq3A_503 : vector<16xf32>
    %jit3A_505 = arith.constant -1.000000e+30 : f32
    %broadcast_in_dim3A_506 = vector.broadcast %jit3A_505 : f32 to vector<16xf32>
    %select_n3A_507 = arith.select %eq3A_504, %broadcast_in_dim3A_506, %scan3A_489#1 : vector<16xi1>, vector<16xf32>
    %eq3A_508 = vector.broadcast %reduce_max3A_497 : f32 to vector<16xf32>
    %eq3A_509 = arith.cmpf oeq, %scan3A_489#2, %eq3A_508 : vector<16xf32>
    %jit3A_510 = arith.constant -1.000000e+30 : f32
    %broadcast_in_dim3A_511 = vector.broadcast %jit3A_510 : f32 to vector<16xf32>
    %select_n3A_512 = arith.select %eq3A_509, %broadcast_in_dim3A_511, %scan3A_489#2 : vector<16xi1>, vector<16xf32>
    %eq3A_513 = vector.broadcast %reduce_max3A_497 : f32 to vector<16xf32>
    %eq3A_514 = arith.cmpf oeq, %scan3A_489#3, %eq3A_513 : vector<16xf32>
    %jit3A_515 = arith.constant -1.000000e+30 : f32
    %broadcast_in_dim3A_516 = vector.broadcast %jit3A_515 : f32 to vector<16xf32>
    %select_n3A_517 = arith.select %eq3A_514, %broadcast_in_dim3A_516, %scan3A_489#3 : vector<16xi1>, vector<16xf32>
    %max3A_518 = arith.maximumf %select_n3A_502, %select_n3A_507 : vector<16xf32>
    %max3A_519 = arith.maximumf %select_n3A_512, %select_n3A_517 : vector<16xf32>
    %max3A_520 = arith.maximumf %max3A_518, %max3A_519 : vector<16xf32>
    %reduce_max3A_521 = arith.constant true
    %reduce_max3A_522 = vector.broadcast %reduce_max3A_521 : i1 to vector<16xi1>
    %reduce_max3A_523 = tpu.scan <max>, %max3A_520 masked %reduce_max3A_522 : vector<16xf32>, vector<16xi1> -> vector<16xf32>
    %reduce_max3A_524 = vector.extract %reduce_max3A_523[15] : f32 from vector<16xf32>
    %eq3A_525 = vector.broadcast %reduce_max3A_524 : f32 to vector<16xf32>
    %eq3A_526 = arith.cmpf oeq, %select_n3A_502, %eq3A_525 : vector<16xf32>
    %jit3A_527 = arith.constant -1.000000e+30 : f32
    %broadcast_in_dim3A_528 = vector.broadcast %jit3A_527 : f32 to vector<16xf32>
    %select_n3A_529 = arith.select %eq3A_526, %broadcast_in_dim3A_528, %select_n3A_502 : vector<16xi1>, vector<16xf32>
    %eq3A_530 = vector.broadcast %reduce_max3A_524 : f32 to vector<16xf32>
    %eq3A_531 = arith.cmpf oeq, %select_n3A_507, %eq3A_530 : vector<16xf32>
    %jit3A_532 = arith.constant -1.000000e+30 : f32
    %broadcast_in_dim3A_533 = vector.broadcast %jit3A_532 : f32 to vector<16xf32>
    %select_n3A_534 = arith.select %eq3A_531, %broadcast_in_dim3A_533, %select_n3A_507 : vector<16xi1>, vector<16xf32>
    %eq3A_535 = vector.broadcast %reduce_max3A_524 : f32 to vector<16xf32>
    %eq3A_536 = arith.cmpf oeq, %select_n3A_512, %eq3A_535 : vector<16xf32>
    %jit3A_537 = arith.constant -1.000000e+30 : f32
    %broadcast_in_dim3A_538 = vector.broadcast %jit3A_537 : f32 to vector<16xf32>
    %select_n3A_539 = arith.select %eq3A_536, %broadcast_in_dim3A_538, %select_n3A_512 : vector<16xi1>, vector<16xf32>
    %eq3A_540 = vector.broadcast %reduce_max3A_524 : f32 to vector<16xf32>
    %eq3A_541 = arith.cmpf oeq, %select_n3A_517, %eq3A_540 : vector<16xf32>
    %jit3A_542 = arith.constant -1.000000e+30 : f32
    %broadcast_in_dim3A_543 = vector.broadcast %jit3A_542 : f32 to vector<16xf32>
    %select_n3A_544 = arith.select %eq3A_541, %broadcast_in_dim3A_543, %select_n3A_517 : vector<16xi1>, vector<16xf32>
    %max3A_545 = arith.maximumf %select_n3A_529, %select_n3A_534 : vector<16xf32>
    %max3A_546 = arith.maximumf %select_n3A_539, %select_n3A_544 : vector<16xf32>
    %max3A_547 = arith.maximumf %max3A_545, %max3A_546 : vector<16xf32>
    %reduce_max3A_548 = arith.constant true
    %reduce_max3A_549 = vector.broadcast %reduce_max3A_548 : i1 to vector<16xi1>
    %reduce_max3A_550 = tpu.scan <max>, %max3A_547 masked %reduce_max3A_549 : vector<16xf32>, vector<16xi1> -> vector<16xf32>
    %reduce_max3A_551 = vector.extract %reduce_max3A_550[15] : f32 from vector<16xf32>
    %eq3A_552 = vector.broadcast %reduce_max3A_551 : f32 to vector<16xf32>
    %eq3A_553 = arith.cmpf oeq, %select_n3A_529, %eq3A_552 : vector<16xf32>
    %jit3A_554 = arith.constant -1.000000e+30 : f32
    %broadcast_in_dim3A_555 = vector.broadcast %jit3A_554 : f32 to vector<16xf32>
    %select_n3A_556 = arith.select %eq3A_553, %broadcast_in_dim3A_555, %select_n3A_529 : vector<16xi1>, vector<16xf32>
    %eq3A_557 = vector.broadcast %reduce_max3A_551 : f32 to vector<16xf32>
    %eq3A_558 = arith.cmpf oeq, %select_n3A_534, %eq3A_557 : vector<16xf32>
    %jit3A_559 = arith.constant -1.000000e+30 : f32
    %broadcast_in_dim3A_560 = vector.broadcast %jit3A_559 : f32 to vector<16xf32>
    %select_n3A_561 = arith.select %eq3A_558, %broadcast_in_dim3A_560, %select_n3A_534 : vector<16xi1>, vector<16xf32>
    %eq3A_562 = vector.broadcast %reduce_max3A_551 : f32 to vector<16xf32>
    %eq3A_563 = arith.cmpf oeq, %select_n3A_539, %eq3A_562 : vector<16xf32>
    %jit3A_564 = arith.constant -1.000000e+30 : f32
    %broadcast_in_dim3A_565 = vector.broadcast %jit3A_564 : f32 to vector<16xf32>
    %select_n3A_566 = arith.select %eq3A_563, %broadcast_in_dim3A_565, %select_n3A_539 : vector<16xi1>, vector<16xf32>
    %eq3A_567 = vector.broadcast %reduce_max3A_551 : f32 to vector<16xf32>
    %eq3A_568 = arith.cmpf oeq, %select_n3A_544, %eq3A_567 : vector<16xf32>
    %jit3A_569 = arith.constant -1.000000e+30 : f32
    %broadcast_in_dim3A_570 = vector.broadcast %jit3A_569 : f32 to vector<16xf32>
    %select_n3A_571 = arith.select %eq3A_568, %broadcast_in_dim3A_570, %select_n3A_544 : vector<16xi1>, vector<16xf32>
    %max3A_572 = arith.maximumf %select_n3A_556, %select_n3A_561 : vector<16xf32>
    %max3A_573 = arith.maximumf %select_n3A_566, %select_n3A_571 : vector<16xf32>
    %max3A_574 = arith.maximumf %max3A_572, %max3A_573 : vector<16xf32>
    %reduce_max3A_575 = arith.constant true
    %reduce_max3A_576 = vector.broadcast %reduce_max3A_575 : i1 to vector<16xi1>
    %reduce_max3A_577 = tpu.scan <max>, %max3A_574 masked %reduce_max3A_576 : vector<16xf32>, vector<16xi1> -> vector<16xf32>
    %reduce_max3A_578 = vector.extract %reduce_max3A_577[15] : f32 from vector<16xf32>
    %swap3A_579 = arith.constant 0 : index
    %swap3A_580 = tpu.vector_load %arg10[%swap3A_579] {strides = array<i32>} : memref<512xf32, #tpu.memory_space<vmem>>, vector<16xf32>,
    tpu.vector_store %arg10[%swap3A_579], %broadcast_in_dim3A_484 {strides = array<i32>} : memref<512xf32, #tpu.memory_space<vmem>>, vector<16xf32>,
    %broadcast_in_dim3A_581 = arith.constant 1073741824 : i32
    %broadcast_in_dim3A_582 = vector.broadcast %broadcast_in_dim3A_581 : i32 to vector<16xi32>
    %swap3A_583 = arith.constant 0 : index
    %swap3A_584 = tpu.vector_load %arg11[%swap3A_583] {strides = array<i32>} : memref<512xi32, #tpu.memory_space<vmem>>, vector<16xi32>,
    tpu.vector_store %arg11[%swap3A_583], %broadcast_in_dim3A_582 {strides = array<i32>} : memref<512xi32, #tpu.memory_space<vmem>>, vector<16xi32>,
    %swap3A_585 = arith.constant 16 : index
    %swap3A_586 = tpu.vector_load %arg10[%swap3A_585] {strides = array<i32>} : memref<512xf32, #tpu.memory_space<vmem>>, vector<16xf32>,
    tpu.vector_store %arg10[%swap3A_585], %broadcast_in_dim3A_484 {strides = array<i32>} : memref<512xf32, #tpu.memory_space<vmem>>, vector<16xf32>,
    %broadcast_in_dim3A_587 = arith.constant 1073741824 : i32
    %broadcast_in_dim3A_588 = vector.broadcast %broadcast_in_dim3A_587 : i32 to vector<16xi32>
    %swap3A_589 = arith.constant 16 : index
    %swap3A_590 = tpu.vector_load %arg11[%swap3A_589] {strides = array<i32>} : memref<512xi32, #tpu.memory_space<vmem>>, vector<16xi32>,
    tpu.vector_store %arg11[%swap3A_589], %broadcast_in_dim3A_588 {strides = array<i32>} : memref<512xi32, #tpu.memory_space<vmem>>, vector<16xi32>,
    %swap3A_591 = arith.constant 32 : index
    %swap3A_592 = tpu.vector_load %arg10[%swap3A_591] {strides = array<i32>} : memref<512xf32, #tpu.memory_space<vmem>>, vector<16xf32>,
    tpu.vector_store %arg10[%swap3A_591], %broadcast_in_dim3A_484 {strides = array<i32>} : memref<512xf32, #tpu.memory_space<vmem>>, vector<16xf32>,
    %broadcast_in_dim3A_593 = arith.constant 1073741824 : i32
    %broadcast_in_dim3A_594 = vector.broadcast %broadcast_in_dim3A_593 : i32 to vector<16xi32>
    %swap3A_595 = arith.constant 32 : index
    %swap3A_596 = tpu.vector_load %arg11[%swap3A_595] {strides = array<i32>} : memref<512xi32, #tpu.memory_space<vmem>>, vector<16xi32>,
    tpu.vector_store %arg11[%swap3A_595], %broadcast_in_dim3A_594 {strides = array<i32>} : memref<512xi32, #tpu.memory_space<vmem>>, vector<16xi32>,
    %swap3A_597 = arith.constant 48 : index
    %swap3A_598 = tpu.vector_load %arg10[%swap3A_597] {strides = array<i32>} : memref<512xf32, #tpu.memory_space<vmem>>, vector<16xf32>,
    tpu.vector_store %arg10[%swap3A_597], %broadcast_in_dim3A_484 {strides = array<i32>} : memref<512xf32, #tpu.memory_space<vmem>>, vector<16xf32>,
    %broadcast_in_dim3A_599 = arith.constant 1073741824 : i32
    %broadcast_in_dim3A_600 = vector.broadcast %broadcast_in_dim3A_599 : i32 to vector<16xi32>
    %swap3A_601 = arith.constant 48 : index
    %swap3A_602 = tpu.vector_load %arg11[%swap3A_601] {strides = array<i32>} : memref<512xi32, #tpu.memory_space<vmem>>, vector<16xi32>,
    tpu.vector_store %arg11[%swap3A_601], %broadcast_in_dim3A_600 {strides = array<i32>} : memref<512xi32, #tpu.memory_space<vmem>>, vector<16xi32>,
    %swap3A_603 = arith.constant 64 : index
    %swap3A_604 = tpu.vector_load %arg10[%swap3A_603] {strides = array<i32>} : memref<512xf32, #tpu.memory_space<vmem>>, vector<16xf32>,
    tpu.vector_store %arg10[%swap3A_603], %broadcast_in_dim3A_484 {strides = array<i32>} : memref<512xf32, #tpu.memory_space<vmem>>, vector<16xf32>,
    %broadcast_in_dim3A_605 = arith.constant 1073741824 : i32
    %broadcast_in_dim3A_606 = vector.broadcast %broadcast_in_dim3A_605 : i32 to vector<16xi32>
    %swap3A_607 = arith.constant 64 : index
    %swap3A_608 = tpu.vector_load %arg11[%swap3A_607] {strides = array<i32>} : memref<512xi32, #tpu.memory_space<vmem>>, vector<16xi32>,
    tpu.vector_store %arg11[%swap3A_607], %broadcast_in_dim3A_606 {strides = array<i32>} : memref<512xi32, #tpu.memory_space<vmem>>, vector<16xi32>,
    %swap3A_609 = arith.constant 80 : index
    %swap3A_610 = tpu.vector_load %arg10[%swap3A_609] {strides = array<i32>} : memref<512xf32, #tpu.memory_space<vmem>>, vector<16xf32>,
    tpu.vector_store %arg10[%swap3A_609], %broadcast_in_dim3A_484 {strides = array<i32>} : memref<512xf32, #tpu.memory_space<vmem>>, vector<16xf32>,
    %broadcast_in_dim3A_611 = arith.constant 1073741824 : i32
    %broadcast_in_dim3A_612 = vector.broadcast %broadcast_in_dim3A_611 : i32 to vector<16xi32>
    %swap3A_613 = arith.constant 80 : index
    %swap3A_614 = tpu.vector_load %arg11[%swap3A_613] {strides = array<i32>} : memref<512xi32, #tpu.memory_space<vmem>>, vector<16xi32>,
    tpu.vector_store %arg11[%swap3A_613], %broadcast_in_dim3A_612 {strides = array<i32>} : memref<512xi32, #tpu.memory_space<vmem>>, vector<16xi32>,
    %swap3A_615 = arith.constant 96 : index
    %swap3A_616 = tpu.vector_load %arg10[%swap3A_615] {strides = array<i32>} : memref<512xf32, #tpu.memory_space<vmem>>, vector<16xf32>,
    tpu.vector_store %arg10[%swap3A_615], %broadcast_in_dim3A_484 {strides = array<i32>} : memref<512xf32, #tpu.memory_space<vmem>>, vector<16xf32>,
    %broadcast_in_dim3A_617 = arith.constant 1073741824 : i32
    %broadcast_in_dim3A_618 = vector.broadcast %broadcast_in_dim3A_617 : i32 to vector<16xi32>
    %swap3A_619 = arith.constant 96 : index
    %swap3A_620 = tpu.vector_load %arg11[%swap3A_619] {strides = array<i32>} : memref<512xi32, #tpu.memory_space<vmem>>, vector<16xi32>,
    tpu.vector_store %arg11[%swap3A_619], %broadcast_in_dim3A_618 {strides = array<i32>} : memref<512xi32, #tpu.memory_space<vmem>>, vector<16xi32>,
    %swap3A_621 = arith.constant 112 : index
    %swap3A_622 = tpu.vector_load %arg10[%swap3A_621] {strides = array<i32>} : memref<512xf32, #tpu.memory_space<vmem>>, vector<16xf32>,
    tpu.vector_store %arg10[%swap3A_621], %broadcast_in_dim3A_484 {strides = array<i32>} : memref<512xf32, #tpu.memory_space<vmem>>, vector<16xf32>,
    %broadcast_in_dim3A_623 = arith.constant 1073741824 : i32
    %broadcast_in_dim3A_624 = vector.broadcast %broadcast_in_dim3A_623 : i32 to vector<16xi32>
    %swap3A_625 = arith.constant 112 : index
    %swap3A_626 = tpu.vector_load %arg11[%swap3A_625] {strides = array<i32>} : memref<512xi32, #tpu.memory_space<vmem>>, vector<16xi32>,
    tpu.vector_store %arg11[%swap3A_625], %broadcast_in_dim3A_624 {strides = array<i32>} : memref<512xi32, #tpu.memory_space<vmem>>, vector<16xi32>,
    %swap3A_627 = arith.constant 128 : index
    %swap3A_628 = tpu.vector_load %arg10[%swap3A_627] {strides = array<i32>} : memref<512xf32, #tpu.memory_space<vmem>>, vector<16xf32>,
    tpu.vector_store %arg10[%swap3A_627], %broadcast_in_dim3A_484 {strides = array<i32>} : memref<512xf32, #tpu.memory_space<vmem>>, vector<16xf32>,
    %broadcast_in_dim3A_629 = arith.constant 1073741824 : i32
    %broadcast_in_dim3A_630 = vector.broadcast %broadcast_in_dim3A_629 : i32 to vector<16xi32>
    %swap3A_631 = arith.constant 128 : index
    %swap3A_632 = tpu.vector_load %arg11[%swap3A_631] {strides = array<i32>} : memref<512xi32, #tpu.memory_space<vmem>>, vector<16xi32>,
    tpu.vector_store %arg11[%swap3A_631], %broadcast_in_dim3A_630 {strides = array<i32>} : memref<512xi32, #tpu.memory_space<vmem>>, vector<16xi32>,
    %swap3A_633 = arith.constant 144 : index
    %swap3A_634 = tpu.vector_load %arg10[%swap3A_633] {strides = array<i32>} : memref<512xf32, #tpu.memory_space<vmem>>, vector<16xf32>,
    tpu.vector_store %arg10[%swap3A_633], %broadcast_in_dim3A_484 {strides = array<i32>} : memref<512xf32, #tpu.memory_space<vmem>>, vector<16xf32>,
    %broadcast_in_dim3A_635 = arith.constant 1073741824 : i32
    %broadcast_in_dim3A_636 = vector.broadcast %broadcast_in_dim3A_635 : i32 to vector<16xi32>
    %swap3A_637 = arith.constant 144 : index
    %swap3A_638 = tpu.vector_load %arg11[%swap3A_637] {strides = array<i32>} : memref<512xi32, #tpu.memory_space<vmem>>, vector<16xi32>,
    tpu.vector_store %arg11[%swap3A_637], %broadcast_in_dim3A_636 {strides = array<i32>} : memref<512xi32, #tpu.memory_space<vmem>>, vector<16xi32>,
    %swap3A_639 = arith.constant 160 : index
    %swap3A_640 = tpu.vector_load %arg10[%swap3A_639] {strides = array<i32>} : memref<512xf32, #tpu.memory_space<vmem>>, vector<16xf32>,
    tpu.vector_store %arg10[%swap3A_639], %broadcast_in_dim3A_484 {strides = array<i32>} : memref<512xf32, #tpu.memory_space<vmem>>, vector<16xf32>,
    %broadcast_in_dim3A_641 = arith.constant 1073741824 : i32
    %broadcast_in_dim3A_642 = vector.broadcast %broadcast_in_dim3A_641 : i32 to vector<16xi32>
    %swap3A_643 = arith.constant 160 : index
    %swap3A_644 = tpu.vector_load %arg11[%swap3A_643] {strides = array<i32>} : memref<512xi32, #tpu.memory_space<vmem>>, vector<16xi32>,
    tpu.vector_store %arg11[%swap3A_643], %broadcast_in_dim3A_642 {strides = array<i32>} : memref<512xi32, #tpu.memory_space<vmem>>, vector<16xi32>,
    %swap3A_645 = arith.constant 176 : index
    %swap3A_646 = tpu.vector_load %arg10[%swap3A_645] {strides = array<i32>} : memref<512xf32, #tpu.memory_space<vmem>>, vector<16xf32>,
    tpu.vector_store %arg10[%swap3A_645], %broadcast_in_dim3A_484 {strides = array<i32>} : memref<512xf32, #tpu.memory_space<vmem>>, vector<16xf32>,
    %broadcast_in_dim3A_647 = arith.constant 1073741824 : i32
    %broadcast_in_dim3A_648 = vector.broadcast %broadcast_in_dim3A_647 : i32 to vector<16xi32>
    %swap3A_649 = arith.constant 176 : index
    %swap3A_650 = tpu.vector_load %arg11[%swap3A_649] {strides = array<i32>} : memref<512xi32, #tpu.memory_space<vmem>>, vector<16xi32>,
    tpu.vector_store %arg11[%swap3A_649], %broadcast_in_dim3A_648 {strides = array<i32>} : memref<512xi32, #tpu.memory_space<vmem>>, vector<16xi32>,
    %swap3A_651 = arith.constant 192 : index
    %swap3A_652 = tpu.vector_load %arg10[%swap3A_651] {strides = array<i32>} : memref<512xf32, #tpu.memory_space<vmem>>, vector<16xf32>,
    tpu.vector_store %arg10[%swap3A_651], %broadcast_in_dim3A_484 {strides = array<i32>} : memref<512xf32, #tpu.memory_space<vmem>>, vector<16xf32>,
    %broadcast_in_dim3A_653 = arith.constant 1073741824 : i32
    %broadcast_in_dim3A_654 = vector.broadcast %broadcast_in_dim3A_653 : i32 to vector<16xi32>
    %swap3A_655 = arith.constant 192 : index
    %swap3A_656 = tpu.vector_load %arg11[%swap3A_655] {strides = array<i32>} : memref<512xi32, #tpu.memory_space<vmem>>, vector<16xi32>,
    tpu.vector_store %arg11[%swap3A_655], %broadcast_in_dim3A_654 {strides = array<i32>} : memref<512xi32, #tpu.memory_space<vmem>>, vector<16xi32>,
    %swap3A_657 = arith.constant 208 : index
    %swap3A_658 = tpu.vector_load %arg10[%swap3A_657] {strides = array<i32>} : memref<512xf32, #tpu.memory_space<vmem>>, vector<16xf32>,
    tpu.vector_store %arg10[%swap3A_657], %broadcast_in_dim3A_484 {strides = array<i32>} : memref<512xf32, #tpu.memory_space<vmem>>, vector<16xf32>,
    %broadcast_in_dim3A_659 = arith.constant 1073741824 : i32
    %broadcast_in_dim3A_660 = vector.broadcast %broadcast_in_dim3A_659 : i32 to vector<16xi32>
    %swap3A_661 = arith.constant 208 : index
    %swap3A_662 = tpu.vector_load %arg11[%swap3A_661] {strides = array<i32>} : memref<512xi32, #tpu.memory_space<vmem>>, vector<16xi32>,
    tpu.vector_store %arg11[%swap3A_661], %broadcast_in_dim3A_660 {strides = array<i32>} : memref<512xi32, #tpu.memory_space<vmem>>, vector<16xi32>,
    %swap3A_663 = arith.constant 224 : index
    %swap3A_664 = tpu.vector_load %arg10[%swap3A_663] {strides = array<i32>} : memref<512xf32, #tpu.memory_space<vmem>>, vector<16xf32>,
    tpu.vector_store %arg10[%swap3A_663], %broadcast_in_dim3A_484 {strides = array<i32>} : memref<512xf32, #tpu.memory_space<vmem>>, vector<16xf32>,
    %broadcast_in_dim3A_665 = arith.constant 1073741824 : i32
    %broadcast_in_dim3A_666 = vector.broadcast %broadcast_in_dim3A_665 : i32 to vector<16xi32>
    %swap3A_667 = arith.constant 224 : index
    %swap3A_668 = tpu.vector_load %arg11[%swap3A_667] {strides = array<i32>} : memref<512xi32, #tpu.memory_space<vmem>>, vector<16xi32>,
    tpu.vector_store %arg11[%swap3A_667], %broadcast_in_dim3A_666 {strides = array<i32>} : memref<512xi32, #tpu.memory_space<vmem>>, vector<16xi32>,
    %swap3A_669 = arith.constant 240 : index
    %swap3A_670 = tpu.vector_load %arg10[%swap3A_669] {strides = array<i32>} : memref<512xf32, #tpu.memory_space<vmem>>, vector<16xf32>,
    tpu.vector_store %arg10[%swap3A_669], %broadcast_in_dim3A_484 {strides = array<i32>} : memref<512xf32, #tpu.memory_space<vmem>>, vector<16xf32>,
    %broadcast_in_dim3A_671 = arith.constant 1073741824 : i32
    %broadcast_in_dim3A_672 = vector.broadcast %broadcast_in_dim3A_671 : i32 to vector<16xi32>
    %swap3A_673 = arith.constant 240 : index
    %swap3A_674 = tpu.vector_load %arg11[%swap3A_673] {strides = array<i32>} : memref<512xi32, #tpu.memory_space<vmem>>, vector<16xi32>,
    tpu.vector_store %arg11[%swap3A_673], %broadcast_in_dim3A_672 {strides = array<i32>} : memref<512xi32, #tpu.memory_space<vmem>>, vector<16xi32>,
    %swap3A_675 = arith.constant 256 : index
    %swap3A_676 = tpu.vector_load %arg10[%swap3A_675] {strides = array<i32>} : memref<512xf32, #tpu.memory_space<vmem>>, vector<16xf32>,
    tpu.vector_store %arg10[%swap3A_675], %broadcast_in_dim3A_484 {strides = array<i32>} : memref<512xf32, #tpu.memory_space<vmem>>, vector<16xf32>,
    %broadcast_in_dim3A_677 = arith.constant 1073741824 : i32
    %broadcast_in_dim3A_678 = vector.broadcast %broadcast_in_dim3A_677 : i32 to vector<16xi32>
    %swap3A_679 = arith.constant 256 : index
    %swap3A_680 = tpu.vector_load %arg11[%swap3A_679] {strides = array<i32>} : memref<512xi32, #tpu.memory_space<vmem>>, vector<16xi32>,
    tpu.vector_store %arg11[%swap3A_679], %broadcast_in_dim3A_678 {strides = array<i32>} : memref<512xi32, #tpu.memory_space<vmem>>, vector<16xi32>,
    %swap3A_681 = arith.constant 272 : index
    %swap3A_682 = tpu.vector_load %arg10[%swap3A_681] {strides = array<i32>} : memref<512xf32, #tpu.memory_space<vmem>>, vector<16xf32>,
    tpu.vector_store %arg10[%swap3A_681], %broadcast_in_dim3A_484 {strides = array<i32>} : memref<512xf32, #tpu.memory_space<vmem>>, vector<16xf32>,
    %broadcast_in_dim3A_683 = arith.constant 1073741824 : i32
    %broadcast_in_dim3A_684 = vector.broadcast %broadcast_in_dim3A_683 : i32 to vector<16xi32>
    %swap3A_685 = arith.constant 272 : index
    %swap3A_686 = tpu.vector_load %arg11[%swap3A_685] {strides = array<i32>} : memref<512xi32, #tpu.memory_space<vmem>>, vector<16xi32>,
    tpu.vector_store %arg11[%swap3A_685], %broadcast_in_dim3A_684 {strides = array<i32>} : memref<512xi32, #tpu.memory_space<vmem>>, vector<16xi32>,
    %swap3A_687 = arith.constant 288 : index
    %swap3A_688 = tpu.vector_load %arg10[%swap3A_687] {strides = array<i32>} : memref<512xf32, #tpu.memory_space<vmem>>, vector<16xf32>,
    tpu.vector_store %arg10[%swap3A_687], %broadcast_in_dim3A_484 {strides = array<i32>} : memref<512xf32, #tpu.memory_space<vmem>>, vector<16xf32>,
    %broadcast_in_dim3A_689 = arith.constant 1073741824 : i32
    %broadcast_in_dim3A_690 = vector.broadcast %broadcast_in_dim3A_689 : i32 to vector<16xi32>
    %swap3A_691 = arith.constant 288 : index
    %swap3A_692 = tpu.vector_load %arg11[%swap3A_691] {strides = array<i32>} : memref<512xi32, #tpu.memory_space<vmem>>, vector<16xi32>,
    tpu.vector_store %arg11[%swap3A_691], %broadcast_in_dim3A_690 {strides = array<i32>} : memref<512xi32, #tpu.memory_space<vmem>>, vector<16xi32>,
    %swap3A_693 = arith.constant 304 : index
    %swap3A_694 = tpu.vector_load %arg10[%swap3A_693] {strides = array<i32>} : memref<512xf32, #tpu.memory_space<vmem>>, vector<16xf32>,
    tpu.vector_store %arg10[%swap3A_693], %broadcast_in_dim3A_484 {strides = array<i32>} : memref<512xf32, #tpu.memory_space<vmem>>, vector<16xf32>,
    %broadcast_in_dim3A_695 = arith.constant 1073741824 : i32
    %broadcast_in_dim3A_696 = vector.broadcast %broadcast_in_dim3A_695 : i32 to vector<16xi32>
    %swap3A_697 = arith.constant 304 : index
    %swap3A_698 = tpu.vector_load %arg11[%swap3A_697] {strides = array<i32>} : memref<512xi32, #tpu.memory_space<vmem>>, vector<16xi32>,
    tpu.vector_store %arg11[%swap3A_697], %broadcast_in_dim3A_696 {strides = array<i32>} : memref<512xi32, #tpu.memory_space<vmem>>, vector<16xi32>,
    %swap3A_699 = arith.constant 320 : index
    %swap3A_700 = tpu.vector_load %arg10[%swap3A_699] {strides = array<i32>} : memref<512xf32, #tpu.memory_space<vmem>>, vector<16xf32>,
    tpu.vector_store %arg10[%swap3A_699], %broadcast_in_dim3A_484 {strides = array<i32>} : memref<512xf32, #tpu.memory_space<vmem>>, vector<16xf32>,
    %broadcast_in_dim3A_701 = arith.constant 1073741824 : i32
    %broadcast_in_dim3A_702 = vector.broadcast %broadcast_in_dim3A_701 : i32 to vector<16xi32>
    %swap3A_703 = arith.constant 320 : index
    %swap3A_704 = tpu.vector_load %arg11[%swap3A_703] {strides = array<i32>} : memref<512xi32, #tpu.memory_space<vmem>>, vector<16xi32>,
    tpu.vector_store %arg11[%swap3A_703], %broadcast_in_dim3A_702 {strides = array<i32>} : memref<512xi32, #tpu.memory_space<vmem>>, vector<16xi32>,
    %swap3A_705 = arith.constant 336 : index
    %swap3A_706 = tpu.vector_load %arg10[%swap3A_705] {strides = array<i32>} : memref<512xf32, #tpu.memory_space<vmem>>, vector<16xf32>,
    tpu.vector_store %arg10[%swap3A_705], %broadcast_in_dim3A_484 {strides = array<i32>} : memref<512xf32, #tpu.memory_space<vmem>>, vector<16xf32>,
    %broadcast_in_dim3A_707 = arith.constant 1073741824 : i32
    %broadcast_in_dim3A_708 = vector.broadcast %broadcast_in_dim3A_707 : i32 to vector<16xi32>
    %swap3A_709 = arith.constant 336 : index
    %swap3A_710 = tpu.vector_load %arg11[%swap3A_709] {strides = array<i32>} : memref<512xi32, #tpu.memory_space<vmem>>, vector<16xi32>,
    tpu.vector_store %arg11[%swap3A_709], %broadcast_in_dim3A_708 {strides = array<i32>} : memref<512xi32, #tpu.memory_space<vmem>>, vector<16xi32>,
    %swap3A_711 = arith.constant 352 : index
    %swap3A_712 = tpu.vector_load %arg10[%swap3A_711] {strides = array<i32>} : memref<512xf32, #tpu.memory_space<vmem>>, vector<16xf32>,
    tpu.vector_store %arg10[%swap3A_711], %broadcast_in_dim3A_484 {strides = array<i32>} : memref<512xf32, #tpu.memory_space<vmem>>, vector<16xf32>,
    %broadcast_in_dim3A_713 = arith.constant 1073741824 : i32
    %broadcast_in_dim3A_714 = vector.broadcast %broadcast_in_dim3A_713 : i32 to vector<16xi32>
    %swap3A_715 = arith.constant 352 : index
    %swap3A_716 = tpu.vector_load %arg11[%swap3A_715] {strides = array<i32>} : memref<512xi32, #tpu.memory_space<vmem>>, vector<16xi32>,
    tpu.vector_store %arg11[%swap3A_715], %broadcast_in_dim3A_714 {strides = array<i32>} : memref<512xi32, #tpu.memory_space<vmem>>, vector<16xi32>,
    %swap3A_717 = arith.constant 368 : index
    %swap3A_718 = tpu.vector_load %arg10[%swap3A_717] {strides = array<i32>} : memref<512xf32, #tpu.memory_space<vmem>>, vector<16xf32>,
    tpu.vector_store %arg10[%swap3A_717], %broadcast_in_dim3A_484 {strides = array<i32>} : memref<512xf32, #tpu.memory_space<vmem>>, vector<16xf32>,
    %broadcast_in_dim3A_719 = arith.constant 1073741824 : i32
    %broadcast_in_dim3A_720 = vector.broadcast %broadcast_in_dim3A_719 : i32 to vector<16xi32>
    %swap3A_721 = arith.constant 368 : index
    %swap3A_722 = tpu.vector_load %arg11[%swap3A_721] {strides = array<i32>} : memref<512xi32, #tpu.memory_space<vmem>>, vector<16xi32>,
    tpu.vector_store %arg11[%swap3A_721], %broadcast_in_dim3A_720 {strides = array<i32>} : memref<512xi32, #tpu.memory_space<vmem>>, vector<16xi32>,
    %swap3A_723 = arith.constant 384 : index
    %swap3A_724 = tpu.vector_load %arg10[%swap3A_723] {strides = array<i32>} : memref<512xf32, #tpu.memory_space<vmem>>, vector<16xf32>,
    tpu.vector_store %arg10[%swap3A_723], %broadcast_in_dim3A_484 {strides = array<i32>} : memref<512xf32, #tpu.memory_space<vmem>>, vector<16xf32>,
    %broadcast_in_dim3A_725 = arith.constant 1073741824 : i32
    %broadcast_in_dim3A_726 = vector.broadcast %broadcast_in_dim3A_725 : i32 to vector<16xi32>
    %swap3A_727 = arith.constant 384 : index
    %swap3A_728 = tpu.vector_load %arg11[%swap3A_727] {strides = array<i32>} : memref<512xi32, #tpu.memory_space<vmem>>, vector<16xi32>,
    tpu.vector_store %arg11[%swap3A_727], %broadcast_in_dim3A_726 {strides = array<i32>} : memref<512xi32, #tpu.memory_space<vmem>>, vector<16xi32>,
    %swap3A_729 = arith.constant 400 : index
    %swap3A_730 = tpu.vector_load %arg10[%swap3A_729] {strides = array<i32>} : memref<512xf32, #tpu.memory_space<vmem>>, vector<16xf32>,
    tpu.vector_store %arg10[%swap3A_729], %broadcast_in_dim3A_484 {strides = array<i32>} : memref<512xf32, #tpu.memory_space<vmem>>, vector<16xf32>,
    %broadcast_in_dim3A_731 = arith.constant 1073741824 : i32
    %broadcast_in_dim3A_732 = vector.broadcast %broadcast_in_dim3A_731 : i32 to vector<16xi32>
    %swap3A_733 = arith.constant 400 : index
    %swap3A_734 = tpu.vector_load %arg11[%swap3A_733] {strides = array<i32>} : memref<512xi32, #tpu.memory_space<vmem>>, vector<16xi32>,
    tpu.vector_store %arg11[%swap3A_733], %broadcast_in_dim3A_732 {strides = array<i32>} : memref<512xi32, #tpu.memory_space<vmem>>, vector<16xi32>,
    %swap3A_735 = arith.constant 416 : index
    %swap3A_736 = tpu.vector_load %arg10[%swap3A_735] {strides = array<i32>} : memref<512xf32, #tpu.memory_space<vmem>>, vector<16xf32>,
    tpu.vector_store %arg10[%swap3A_735], %broadcast_in_dim3A_484 {strides = array<i32>} : memref<512xf32, #tpu.memory_space<vmem>>, vector<16xf32>,
    %broadcast_in_dim3A_737 = arith.constant 1073741824 : i32
    %broadcast_in_dim3A_738 = vector.broadcast %broadcast_in_dim3A_737 : i32 to vector<16xi32>
    %swap3A_739 = arith.constant 416 : index
    %swap3A_740 = tpu.vector_load %arg11[%swap3A_739] {strides = array<i32>} : memref<512xi32, #tpu.memory_space<vmem>>, vector<16xi32>,
    tpu.vector_store %arg11[%swap3A_739], %broadcast_in_dim3A_738 {strides = array<i32>} : memref<512xi32, #tpu.memory_space<vmem>>, vector<16xi32>,
    %swap3A_741 = arith.constant 432 : index
    %swap3A_742 = tpu.vector_load %arg10[%swap3A_741] {strides = array<i32>} : memref<512xf32, #tpu.memory_space<vmem>>, vector<16xf32>,
    tpu.vector_store %arg10[%swap3A_741], %broadcast_in_dim3A_484 {strides = array<i32>} : memref<512xf32, #tpu.memory_space<vmem>>, vector<16xf32>,
    %broadcast_in_dim3A_743 = arith.constant 1073741824 : i32
    %broadcast_in_dim3A_744 = vector.broadcast %broadcast_in_dim3A_743 : i32 to vector<16xi32>
    %swap3A_745 = arith.constant 432 : index
    %swap3A_746 = tpu.vector_load %arg11[%swap3A_745] {strides = array<i32>} : memref<512xi32, #tpu.memory_space<vmem>>, vector<16xi32>,
    tpu.vector_store %arg11[%swap3A_745], %broadcast_in_dim3A_744 {strides = array<i32>} : memref<512xi32, #tpu.memory_space<vmem>>, vector<16xi32>,
    %swap3A_747 = arith.constant 448 : index
    %swap3A_748 = tpu.vector_load %arg10[%swap3A_747] {strides = array<i32>} : memref<512xf32, #tpu.memory_space<vmem>>, vector<16xf32>,
    tpu.vector_store %arg10[%swap3A_747], %broadcast_in_dim3A_484 {strides = array<i32>} : memref<512xf32, #tpu.memory_space<vmem>>, vector<16xf32>,
    %broadcast_in_dim3A_749 = arith.constant 1073741824 : i32
    %broadcast_in_dim3A_750 = vector.broadcast %broadcast_in_dim3A_749 : i32 to vector<16xi32>
    %swap3A_751 = arith.constant 448 : index
    %swap3A_752 = tpu.vector_load %arg11[%swap3A_751] {strides = array<i32>} : memref<512xi32, #tpu.memory_space<vmem>>, vector<16xi32>,
    tpu.vector_store %arg11[%swap3A_751], %broadcast_in_dim3A_750 {strides = array<i32>} : memref<512xi32, #tpu.memory_space<vmem>>, vector<16xi32>,
    %swap3A_753 = arith.constant 464 : index
    %swap3A_754 = tpu.vector_load %arg10[%swap3A_753] {strides = array<i32>} : memref<512xf32, #tpu.memory_space<vmem>>, vector<16xf32>,
    tpu.vector_store %arg10[%swap3A_753], %broadcast_in_dim3A_484 {strides = array<i32>} : memref<512xf32, #tpu.memory_space<vmem>>, vector<16xf32>,
    %broadcast_in_dim3A_755 = arith.constant 1073741824 : i32
    %broadcast_in_dim3A_756 = vector.broadcast %broadcast_in_dim3A_755 : i32 to vector<16xi32>
    %swap3A_757 = arith.constant 464 : index
    %swap3A_758 = tpu.vector_load %arg11[%swap3A_757] {strides = array<i32>} : memref<512xi32, #tpu.memory_space<vmem>>, vector<16xi32>,
    tpu.vector_store %arg11[%swap3A_757], %broadcast_in_dim3A_756 {strides = array<i32>} : memref<512xi32, #tpu.memory_space<vmem>>, vector<16xi32>,
    %swap3A_759 = arith.constant 480 : index
    %swap3A_760 = tpu.vector_load %arg10[%swap3A_759] {strides = array<i32>} : memref<512xf32, #tpu.memory_space<vmem>>, vector<16xf32>,
    tpu.vector_store %arg10[%swap3A_759], %broadcast_in_dim3A_484 {strides = array<i32>} : memref<512xf32, #tpu.memory_space<vmem>>, vector<16xf32>,
    %broadcast_in_dim3A_761 = arith.constant 1073741824 : i32
    %broadcast_in_dim3A_762 = vector.broadcast %broadcast_in_dim3A_761 : i32 to vector<16xi32>
    %swap3A_763 = arith.constant 480 : index
    %swap3A_764 = tpu.vector_load %arg11[%swap3A_763] {strides = array<i32>} : memref<512xi32, #tpu.memory_space<vmem>>, vector<16xi32>,
    tpu.vector_store %arg11[%swap3A_763], %broadcast_in_dim3A_762 {strides = array<i32>} : memref<512xi32, #tpu.memory_space<vmem>>, vector<16xi32>,
    %swap3A_765 = arith.constant 496 : index
    %swap3A_766 = tpu.vector_load %arg10[%swap3A_765] {strides = array<i32>} : memref<512xf32, #tpu.memory_space<vmem>>, vector<16xf32>,
    tpu.vector_store %arg10[%swap3A_765], %broadcast_in_dim3A_484 {strides = array<i32>} : memref<512xf32, #tpu.memory_space<vmem>>, vector<16xf32>,
    %broadcast_in_dim3A_767 = arith.constant 1073741824 : i32
    %broadcast_in_dim3A_768 = vector.broadcast %broadcast_in_dim3A_767 : i32 to vector<16xi32>
    %swap3A_769 = arith.constant 496 : index
    %swap3A_770 = tpu.vector_load %arg11[%swap3A_769] {strides = array<i32>} : memref<512xi32, #tpu.memory_space<vmem>>, vector<16xi32>,
    tpu.vector_store %arg11[%swap3A_769], %broadcast_in_dim3A_768 {strides = array<i32>} : memref<512xi32, #tpu.memory_space<vmem>>, vector<16xi32>,
    %scan3A_771 = arith.constant 0 : i32
    %scan3A_772 = arith.constant 0 : i32
    %scan3A_773 = arith.constant 200 : i32
    %scan3A_774 = arith.addi %scan3A_772, %scan3A_773 : i32
    %scan3A_775 = arith.constant 1 : i32
    %scan3A_776 = scf.for %scan3A_950 = %scan3A_772 to %scan3A_774 step %scan3A_775 iter_args(%scan3A_951 = %scan3A_771) -> (i32)  : i32 {
      %mul3A_952 = arith.constant 16 : i32
      %mul3A_953 = arith.muli %scan3A_950, %mul3A_952 : i32
      %add3A_954 = arith.constant 3200 : i32
      %add3A_955 = arith.addi %add3A_954, %mul3A_953 : i32
      %get3A_956 = arith.index_cast %add3A_955 : i32 to index
      %get3A_957 = tpu.vector_load %arg8[%get3A_956] {strides = array<i32>} : memref<6400xf32, #tpu.memory_space<vmem>>, vector<16xf32>,
      %lt3A = arith.constant 50 : i32
      %lt3A_958 = arith.cmpi slt, %scan3A_950, %lt3A : i32
      %lt3A_959 = arith.constant 100 : i32
      %lt3A_960 = arith.cmpi slt, %scan3A_950, %lt3A_959 : i32
      %lt3A_961 = arith.constant 150 : i32
      %lt3A_962 = arith.cmpi slt, %scan3A_950, %lt3A_961 : i32
      %select_n3A_963 = arith.select %lt3A_962, %squeeze3A_480, %squeeze3A_482 : f32
      %select_n3A_964 = arith.select %lt3A_960, %squeeze3A_478, %select_n3A_963 : f32
      %select_n3A_965 = arith.select %lt3A_958, %squeeze3A_476, %select_n3A_964 : f32
      %reduce_max3A_966 = arith.constant true
      %reduce_max3A_967 = vector.broadcast %reduce_max3A_966 : i1 to vector<16xi1>
      %reduce_max3A_968 = tpu.scan <max>, %get3A_957 masked %reduce_max3A_967 : vector<16xf32>, vector<16xi1> -> vector<16xf32>
      %reduce_max3A_969 = vector.extract %reduce_max3A_968[15] : f32 from vector<16xf32>
      %add3A_970 = arith.addf %reduce_max3A_969, %select_n3A_965 : f32
      %ge3A = arith.cmpf oge, %add3A_970, %reduce_max3A_578 : f32
      %convert_element_type3A = arith.extui %ge3A : i1 to i32
      %cond3A = arith.constant 0 : i32
      %cond3A_971 = arith.cmpi ne, %convert_element_type3A, %cond3A : i32
      %cond3A_972 = scf.if %cond3A_971 -> (i32) {
        %add3A_973 = arith.constant 400000 : i32
        %add3A_974 = arith.addi %mul3A_2, %add3A_973 : i32
        %mul3A_975 = arith.constant 2000 : i32
        %mul3A_976 = arith.muli %scan3A_950, %mul3A_975 : i32
        %add3A_977 = arith.addi %add3A_974, %mul3A_976 : i32
        "tpu.region"() ({
          %run_scoped3A = tpu.sem_alloc : memref<!tpu.dma_semaphore, #tpu.memory_space<semaphore_mem>>
          %dma_start3A_984 = tpu.memref_slice %arg2[%add3A_977] : memref<25600000xf32, #tpu.memory_space<hbm>> -> memref<2000xf32, #tpu.memory_space<hbm>>
          %dma_start3A_985 = tpu.memref_slice %arg2[%add3A_977] : memref<25600000xf32, #tpu.memory_space<hbm>> -> memref<2000xf32, #tpu.memory_space<hbm>>
          tpu.enqueue_dma source(%dma_start3A_985 : memref<2000xf32, #tpu.memory_space<hbm>>) target(%arg9 : memref<2000xf32, #tpu.memory_space<vmem>>) target_semaphore(%run_scoped3A : memref<!tpu.dma_semaphore, #tpu.memory_space<semaphore_mem>>)
          %dma_wait3A = tpu.memref_slice %arg2[%add3A_977] : memref<25600000xf32, #tpu.memory_space<hbm>> -> memref<2000xf32, #tpu.memory_space<hbm>>
          %dma_wait3A_986 = tpu.memref_slice %arg2[%add3A_977] : memref<25600000xf32, #tpu.memory_space<hbm>> -> memref<2000xf32, #tpu.memory_space<hbm>>
          tpu.wait_dma2 semaphore(%run_scoped3A : memref<!tpu.dma_semaphore, #tpu.memory_space<semaphore_mem>>) src(%dma_wait3A_986 : memref<2000xf32, #tpu.memory_space<hbm>>) dst(%arg9 : memref<2000xf32, #tpu.memory_space<vmem>>)
          tpu.yield
        }) : () -> ()
        %scan3A_978 = arith.constant 0 : i32
        %scan3A_979 = arith.constant 125 : i32
        %scan3A_980 = arith.addi %scan3A_978, %scan3A_979 : i32
        %scan3A_981 = arith.constant 1 : i32
        %scan3A_982 = scf.for %scan3A_984 = %scan3A_978 to %scan3A_980 step %scan3A_981 iter_args(%scan3A_985 = %scan3A_951) -> (i32)  : i32 {
          %mul3A_986 = arith.constant 16 : i32
          %mul3A_987 = arith.muli %scan3A_984, %mul3A_986 : i32
          %get3A_988 = arith.index_cast %mul3A_987 : i32 to index
          %get3A_989 = tpu.vector_load %arg9[%get3A_988] {strides = array<i32>} : memref<2000xf32, #tpu.memory_space<vmem>>, vector<16xf32>,
          %add3A_990 = vector.broadcast %select_n3A_965 : f32 to vector<16xf32>
          %add3A_991 = arith.addf %get3A_989, %add3A_990 : vector<16xf32>
          %ge3A_992 = vector.broadcast %reduce_max3A_578 : f32 to vector<16xf32>
          %ge3A_993 = arith.cmpf oge, %add3A_991, %ge3A_992 : vector<16xf32>
          %mul3A_994 = arith.constant 2000 : i32
          %mul3A_995 = arith.muli %scan3A_950, %mul3A_994 : i32
          %mul3A_996 = arith.constant 16 : i32
          %mul3A_997 = arith.muli %scan3A_984, %mul3A_996 : i32
          %add3A_998 = arith.addi %mul3A_995, %mul3A_997 : i32
          %add3A_999 = vector.broadcast %add3A_998 : i32 to vector<16xi32>
          %add3A_1000 = arith.addi %iota3A, %add3A_999 : vector<16xi32>
          %swap3A_1001 = arith.index_cast %scan3A_985 : i32 to index
          %swap3A_1002 = tpu.vector_load %arg10[%swap3A_1001] masked %ge3A_993 {strides = array<i32>} : memref<512xf32, #tpu.memory_space<vmem>>, vector<16xf32>, vector<16xi1>
          tpu.vector_store %arg10[%swap3A_1001], %add3A_991 masked %ge3A_993 {strides = array<i32>} : memref<512xf32, #tpu.memory_space<vmem>>, vector<16xf32>, vector<16xi1>
          %swap3A_1003 = arith.index_cast %scan3A_985 : i32 to index
          %swap3A_1004 = tpu.vector_load %arg11[%swap3A_1003] masked %ge3A_993 {strides = array<i32>} : memref<512xi32, #tpu.memory_space<vmem>>, vector<16xi32>, vector<16xi1>
          tpu.vector_store %arg11[%swap3A_1003], %add3A_1000 masked %ge3A_993 {strides = array<i32>} : memref<512xi32, #tpu.memory_space<vmem>>, vector<16xi32>, vector<16xi1>
          %all_reduce_population_count3A = tpu.all_reduce %ge3A_993 {dim = 0 : i64, kind = #tpu.reduction_kind<sum>} : vector<16xi1> -> vector<16xi32>
          %reduce_max3A_1005 = arith.constant true
          %reduce_max3A_1006 = vector.broadcast %reduce_max3A_1005 : i1 to vector<16xi1>
          %reduce_max3A_1007 = arith.constant -2147483648 : i32
          %reduce_max3A_1008 = vector.broadcast %reduce_max3A_1007 : i32 to vector<16xi32>
          %reduce_max3A_1009 = arith.xori %all_reduce_population_count3A, %reduce_max3A_1008 : vector<16xi32>
          %reduce_max3A_1010 = tpu.scan <max>, %reduce_max3A_1009 masked %reduce_max3A_1006 : vector<16xi32>, vector<16xi1> -> vector<16xi32>
          %reduce_max3A_1011 = arith.xori %reduce_max3A_1010, %reduce_max3A_1008 : vector<16xi32>
          %reduce_max3A_1012 = vector.extract %reduce_max3A_1011[15] : i32 from vector<16xi32>
          %add3A_1013 = arith.addi %scan3A_985, %reduce_max3A_1012 : i32
          %min3A = arith.constant 496 : i32
          %min3A_1014 = arith.minsi %add3A_1013, %min3A : i32
          scf.yield %min3A_1014 : i32
        }
        %scan3A_983 = arith.constant 125 : i32
        scf.yield %scan3A_982 : i32
      } else {
        scf.yield %scan3A_951 : i32
      }
      scf.yield %cond3A_972 : i32
    }
    %scan3A_777 = arith.constant 200 : i32
    %broadcast_in_dim3A_778 = arith.constant 1073741824 : i32
    %broadcast_in_dim3A_779 = vector.broadcast %broadcast_in_dim3A_778 : i32 to vector<16xi32>
    %scan3A_780 = arith.constant 0 : i32
    %scan3A_781 = arith.constant 32 : i32
    %scan3A_782 = arith.addi %scan3A_780, %scan3A_781 : i32
    %scan3A_783 = arith.constant 1 : i32
    %scan3A_784:2 = scf.for %scan3A_950 = %scan3A_780 to %scan3A_782 step %scan3A_783 iter_args(%scan3A_951 = %broadcast_in_dim3A_484, %scan3A_952 = %broadcast_in_dim3A_779) -> (vector<16xf32>, vector<16xi32>)  : i32 {
      %mul3A_953 = arith.constant 16 : i32
      %mul3A_954 = arith.muli %scan3A_950, %mul3A_953 : i32
      %get3A_955 = arith.index_cast %mul3A_954 : i32 to index
      %get3A_956 = tpu.vector_load %arg10[%get3A_955] {strides = array<i32>} : memref<512xf32, #tpu.memory_space<vmem>>, vector<16xf32>,
      %mul3A_957 = arith.constant 16 : i32
      %mul3A_958 = arith.muli %scan3A_950, %mul3A_957 : i32
      %get3A_959 = arith.index_cast %mul3A_958 : i32 to index
      %get3A_960 = tpu.vector_load %arg11[%get3A_959] {strides = array<i32>} : memref<512xi32, #tpu.memory_space<vmem>>, vector<16xi32>,
      %gt3A = arith.cmpf ogt, %get3A_956, %scan3A_951 : vector<16xf32>
      %eq3A_961 = arith.cmpf oeq, %get3A_956, %scan3A_951 : vector<16xf32>
      %lt3A = arith.cmpi slt, %get3A_960, %scan3A_952 : vector<16xi32>
      %and3A = arith.andi %eq3A_961, %lt3A : vector<16xi1>
      %or3A = arith.ori %gt3A, %and3A : vector<16xi1>
      %select_n3A_962 = arith.select %or3A, %get3A_956, %scan3A_951 : vector<16xi1>, vector<16xf32>
      %select_n3A_963 = arith.select %or3A, %get3A_960, %scan3A_952 : vector<16xi1>, vector<16xi32>
      scf.yield %select_n3A_962, %select_n3A_963 : vector<16xf32>, vector<16xi32>
    }
    %scan3A_785 = arith.constant 32 : i32
    %reduce_max3A_786 = arith.constant true
    %reduce_max3A_787 = vector.broadcast %reduce_max3A_786 : i1 to vector<16xi1>
    %reduce_max3A_788 = tpu.scan <max>, %scan3A_784#0 masked %reduce_max3A_787 : vector<16xf32>, vector<16xi1> -> vector<16xf32>
    %reduce_max3A_789 = vector.extract %reduce_max3A_788[15] : f32 from vector<16xf32>
    %eq3A_790 = vector.broadcast %reduce_max3A_789 : f32 to vector<16xf32>
    %eq3A_791 = arith.cmpf oeq, %scan3A_784#0, %eq3A_790 : vector<16xf32>
    %jit3A_792 = arith.constant 1073741824 : i32
    %broadcast_in_dim3A_793 = vector.broadcast %jit3A_792 : i32 to vector<16xi32>
    %select_n3A_794 = arith.select %eq3A_791, %scan3A_784#1, %broadcast_in_dim3A_793 : vector<16xi1>, vector<16xi32>
    %reduce_min3A_795 = arith.constant true
    %reduce_min3A_796 = vector.broadcast %reduce_min3A_795 : i1 to vector<16xi1>
    %reduce_min3A_797 = arith.constant -2147483648 : i32
    %reduce_min3A_798 = vector.broadcast %reduce_min3A_797 : i32 to vector<16xi32>
    %reduce_min3A_799 = arith.xori %select_n3A_794, %reduce_min3A_798 : vector<16xi32>
    %reduce_min3A_800 = tpu.scan <min>, %reduce_min3A_799 masked %reduce_min3A_796 : vector<16xi32>, vector<16xi1> -> vector<16xi32>
    %reduce_min3A_801 = arith.xori %reduce_min3A_800, %reduce_min3A_798 : vector<16xi32>
    %reduce_min3A_802 = vector.extract %reduce_min3A_801[15] : i32 from vector<16xi32>
    %scan3A_803 = arith.constant 0 : i32
    %scan3A_804 = arith.constant 0 : i32
    %scan3A_805 = arith.constant 32 : i32
    %scan3A_806 = arith.addi %scan3A_804, %scan3A_805 : i32
    %scan3A_807 = arith.constant 1 : i32
    scf.for %scan3A_950 = %scan3A_804 to %scan3A_806 step %scan3A_807  : i32 {
      %mul3A_951 = arith.constant 16 : i32
      %mul3A_952 = arith.muli %scan3A_950, %mul3A_951 : i32
      %get3A_953 = arith.index_cast %mul3A_952 : i32 to index
      %get3A_954 = tpu.vector_load %arg11[%get3A_953] {strides = array<i32>} : memref<512xi32, #tpu.memory_space<vmem>>, vector<16xi32>,
      %mul3A_955 = arith.constant 16 : i32
      %mul3A_956 = arith.muli %scan3A_950, %mul3A_955 : i32
      %get3A_957 = arith.index_cast %mul3A_956 : i32 to index
      %get3A_958 = tpu.vector_load %arg10[%get3A_957] {strides = array<i32>} : memref<512xf32, #tpu.memory_space<vmem>>, vector<16xf32>,
      %eq3A_959 = vector.broadcast %reduce_min3A_802 : i32 to vector<16xi32>
      %eq3A_960 = arith.cmpi eq, %get3A_954, %eq3A_959 : vector<16xi32>
      %jit3A_961 = arith.constant -1.000000e+30 : f32
      %broadcast_in_dim3A_962 = vector.broadcast %jit3A_961 : f32 to vector<16xf32>
      %select_n3A_963 = arith.select %eq3A_960, %broadcast_in_dim3A_962, %get3A_958 : vector<16xi1>, vector<16xf32>
      %mul3A_964 = arith.constant 16 : i32
      %mul3A_965 = arith.muli %scan3A_950, %mul3A_964 : i32
      %swap3A_966 = arith.index_cast %mul3A_965 : i32 to index
      %swap3A_967 = tpu.vector_load %arg10[%swap3A_966] {strides = array<i32>} : memref<512xf32, #tpu.memory_space<vmem>>, vector<16xf32>,
      tpu.vector_store %arg10[%swap3A_966], %select_n3A_963 {strides = array<i32>} : memref<512xf32, #tpu.memory_space<vmem>>, vector<16xf32>,
    }
    %scan3A_808 = arith.constant 32 : i32
    %eq3A_809 = arith.constant 4 : i32
    %eq3A_810 = vector.broadcast %eq3A_809 : i32 to vector<16xi32>
    %eq3A_811 = arith.cmpi eq, %iota3A, %eq3A_810 : vector<16xi32>
    %broadcast_in_dim3A_812 = vector.broadcast %reduce_max3A_789 : f32 to vector<16xf32>
    %select_n3A_813 = arith.select %eq3A_811, %broadcast_in_dim3A_812, %select_n3A_469 : vector<16xi1>, vector<16xf32>
    %eq3A_814 = arith.constant 4 : i32
    %eq3A_815 = vector.broadcast %eq3A_814 : i32 to vector<16xi32>
    %eq3A_816 = arith.cmpi eq, %iota3A, %eq3A_815 : vector<16xi32>
    %broadcast_in_dim3A_817 = vector.broadcast %reduce_min3A_802 : i32 to vector<16xi32>
    %select_n3A_818 = arith.select %eq3A_816, %broadcast_in_dim3A_817, %select_n3A_474 : vector<16xi1>, vector<16xi32>
    %broadcast_in_dim3A_819 = arith.constant 1073741824 : i32
    %broadcast_in_dim3A_820 = vector.broadcast %broadcast_in_dim3A_819 : i32 to vector<16xi32>
    %scan3A_821 = arith.constant 0 : i32
    %scan3A_822 = arith.constant 32 : i32
    %scan3A_823 = arith.addi %scan3A_821, %scan3A_822 : i32
    %scan3A_824 = arith.constant 1 : i32
    %scan3A_825:2 = scf.for %scan3A_950 = %scan3A_821 to %scan3A_823 step %scan3A_824 iter_args(%scan3A_951 = %broadcast_in_dim3A_484, %scan3A_952 = %broadcast_in_dim3A_820) -> (vector<16xf32>, vector<16xi32>)  : i32 {
      %mul3A_953 = arith.constant 16 : i32
      %mul3A_954 = arith.muli %scan3A_950, %mul3A_953 : i32
      %get3A_955 = arith.index_cast %mul3A_954 : i32 to index
      %get3A_956 = tpu.vector_load %arg10[%get3A_955] {strides = array<i32>} : memref<512xf32, #tpu.memory_space<vmem>>, vector<16xf32>,
      %mul3A_957 = arith.constant 16 : i32
      %mul3A_958 = arith.muli %scan3A_950, %mul3A_957 : i32
      %get3A_959 = arith.index_cast %mul3A_958 : i32 to index
      %get3A_960 = tpu.vector_load %arg11[%get3A_959] {strides = array<i32>} : memref<512xi32, #tpu.memory_space<vmem>>, vector<16xi32>,
      %gt3A = arith.cmpf ogt, %get3A_956, %scan3A_951 : vector<16xf32>
      %eq3A_961 = arith.cmpf oeq, %get3A_956, %scan3A_951 : vector<16xf32>
      %lt3A = arith.cmpi slt, %get3A_960, %scan3A_952 : vector<16xi32>
      %and3A = arith.andi %eq3A_961, %lt3A : vector<16xi1>
      %or3A = arith.ori %gt3A, %and3A : vector<16xi1>
      %select_n3A_962 = arith.select %or3A, %get3A_956, %scan3A_951 : vector<16xi1>, vector<16xf32>
      %select_n3A_963 = arith.select %or3A, %get3A_960, %scan3A_952 : vector<16xi1>, vector<16xi32>
      scf.yield %select_n3A_962, %select_n3A_963 : vector<16xf32>, vector<16xi32>
    }
    %scan3A_826 = arith.constant 32 : i32
    %reduce_max3A_827 = arith.constant true
    %reduce_max3A_828 = vector.broadcast %reduce_max3A_827 : i1 to vector<16xi1>
    %reduce_max3A_829 = tpu.scan <max>, %scan3A_825#0 masked %reduce_max3A_828 : vector<16xf32>, vector<16xi1> -> vector<16xf32>
    %reduce_max3A_830 = vector.extract %reduce_max3A_829[15] : f32 from vector<16xf32>
    %eq3A_831 = vector.broadcast %reduce_max3A_830 : f32 to vector<16xf32>
    %eq3A_832 = arith.cmpf oeq, %scan3A_825#0, %eq3A_831 : vector<16xf32>
    %jit3A_833 = arith.constant 1073741824 : i32
    %broadcast_in_dim3A_834 = vector.broadcast %jit3A_833 : i32 to vector<16xi32>
    %select_n3A_835 = arith.select %eq3A_832, %scan3A_825#1, %broadcast_in_dim3A_834 : vector<16xi1>, vector<16xi32>
    %reduce_min3A_836 = arith.constant true
    %reduce_min3A_837 = vector.broadcast %reduce_min3A_836 : i1 to vector<16xi1>
    %reduce_min3A_838 = arith.constant -2147483648 : i32
    %reduce_min3A_839 = vector.broadcast %reduce_min3A_838 : i32 to vector<16xi32>
    %reduce_min3A_840 = arith.xori %select_n3A_835, %reduce_min3A_839 : vector<16xi32>
    %reduce_min3A_841 = tpu.scan <min>, %reduce_min3A_840 masked %reduce_min3A_837 : vector<16xi32>, vector<16xi1> -> vector<16xi32>
    %reduce_min3A_842 = arith.xori %reduce_min3A_841, %reduce_min3A_839 : vector<16xi32>
    %reduce_min3A_843 = vector.extract %reduce_min3A_842[15] : i32 from vector<16xi32>
    %scan3A_844 = arith.constant 0 : i32
    %scan3A_845 = arith.constant 0 : i32
    %scan3A_846 = arith.constant 32 : i32
    %scan3A_847 = arith.addi %scan3A_845, %scan3A_846 : i32
    %scan3A_848 = arith.constant 1 : i32
    scf.for %scan3A_950 = %scan3A_845 to %scan3A_847 step %scan3A_848  : i32 {
      %mul3A_951 = arith.constant 16 : i32
      %mul3A_952 = arith.muli %scan3A_950, %mul3A_951 : i32
      %get3A_953 = arith.index_cast %mul3A_952 : i32 to index
      %get3A_954 = tpu.vector_load %arg11[%get3A_953] {strides = array<i32>} : memref<512xi32, #tpu.memory_space<vmem>>, vector<16xi32>,
      %mul3A_955 = arith.constant 16 : i32
      %mul3A_956 = arith.muli %scan3A_950, %mul3A_955 : i32
      %get3A_957 = arith.index_cast %mul3A_956 : i32 to index
      %get3A_958 = tpu.vector_load %arg10[%get3A_957] {strides = array<i32>} : memref<512xf32, #tpu.memory_space<vmem>>, vector<16xf32>,
      %eq3A_959 = vector.broadcast %reduce_min3A_843 : i32 to vector<16xi32>
      %eq3A_960 = arith.cmpi eq, %get3A_954, %eq3A_959 : vector<16xi32>
      %jit3A_961 = arith.constant -1.000000e+30 : f32
      %broadcast_in_dim3A_962 = vector.broadcast %jit3A_961 : f32 to vector<16xf32>
      %select_n3A_963 = arith.select %eq3A_960, %broadcast_in_dim3A_962, %get3A_958 : vector<16xi1>, vector<16xf32>
      %mul3A_964 = arith.constant 16 : i32
      %mul3A_965 = arith.muli %scan3A_950, %mul3A_964 : i32
      %swap3A_966 = arith.index_cast %mul3A_965 : i32 to index
      %swap3A_967 = tpu.vector_load %arg10[%swap3A_966] {strides = array<i32>} : memref<512xf32, #tpu.memory_space<vmem>>, vector<16xf32>,
      tpu.vector_store %arg10[%swap3A_966], %select_n3A_963 {strides = array<i32>} : memref<512xf32, #tpu.memory_space<vmem>>, vector<16xf32>,
    }
    %scan3A_849 = arith.constant 32 : i32
    %eq3A_850 = arith.constant 5 : i32
    %eq3A_851 = vector.broadcast %eq3A_850 : i32 to vector<16xi32>
    %eq3A_852 = arith.cmpi eq, %iota3A, %eq3A_851 : vector<16xi32>
    %broadcast_in_dim3A_853 = vector.broadcast %reduce_max3A_830 : f32 to vector<16xf32>
    %select_n3A_854 = arith.select %eq3A_852, %broadcast_in_dim3A_853, %select_n3A_813 : vector<16xi1>, vector<16xf32>
    %eq3A_855 = arith.constant 5 : i32
    %eq3A_856 = vector.broadcast %eq3A_855 : i32 to vector<16xi32>
    %eq3A_857 = arith.cmpi eq, %iota3A, %eq3A_856 : vector<16xi32>
    %broadcast_in_dim3A_858 = vector.broadcast %reduce_min3A_843 : i32 to vector<16xi32>
    %select_n3A_859 = arith.select %eq3A_857, %broadcast_in_dim3A_858, %select_n3A_818 : vector<16xi1>, vector<16xi32>
    %broadcast_in_dim3A_860 = arith.constant 1073741824 : i32
    %broadcast_in_dim3A_861 = vector.broadcast %broadcast_in_dim3A_860 : i32 to vector<16xi32>
    %scan3A_862 = arith.constant 0 : i32
    %scan3A_863 = arith.constant 32 : i32
    %scan3A_864 = arith.addi %scan3A_862, %scan3A_863 : i32
    %scan3A_865 = arith.constant 1 : i32
    %scan3A_866:2 = scf.for %scan3A_950 = %scan3A_862 to %scan3A_864 step %scan3A_865 iter_args(%scan3A_951 = %broadcast_in_dim3A_484, %scan3A_952 = %broadcast_in_dim3A_861) -> (vector<16xf32>, vector<16xi32>)  : i32 {
      %mul3A_953 = arith.constant 16 : i32
      %mul3A_954 = arith.muli %scan3A_950, %mul3A_953 : i32
      %get3A_955 = arith.index_cast %mul3A_954 : i32 to index
      %get3A_956 = tpu.vector_load %arg10[%get3A_955] {strides = array<i32>} : memref<512xf32, #tpu.memory_space<vmem>>, vector<16xf32>,
      %mul3A_957 = arith.constant 16 : i32
      %mul3A_958 = arith.muli %scan3A_950, %mul3A_957 : i32
      %get3A_959 = arith.index_cast %mul3A_958 : i32 to index
      %get3A_960 = tpu.vector_load %arg11[%get3A_959] {strides = array<i32>} : memref<512xi32, #tpu.memory_space<vmem>>, vector<16xi32>,
      %gt3A = arith.cmpf ogt, %get3A_956, %scan3A_951 : vector<16xf32>
      %eq3A_961 = arith.cmpf oeq, %get3A_956, %scan3A_951 : vector<16xf32>
      %lt3A = arith.cmpi slt, %get3A_960, %scan3A_952 : vector<16xi32>
      %and3A = arith.andi %eq3A_961, %lt3A : vector<16xi1>
      %or3A = arith.ori %gt3A, %and3A : vector<16xi1>
      %select_n3A_962 = arith.select %or3A, %get3A_956, %scan3A_951 : vector<16xi1>, vector<16xf32>
      %select_n3A_963 = arith.select %or3A, %get3A_960, %scan3A_952 : vector<16xi1>, vector<16xi32>
      scf.yield %select_n3A_962, %select_n3A_963 : vector<16xf32>, vector<16xi32>
    }
    %scan3A_867 = arith.constant 32 : i32
    %reduce_max3A_868 = arith.constant true
    %reduce_max3A_869 = vector.broadcast %reduce_max3A_868 : i1 to vector<16xi1>
    %reduce_max3A_870 = tpu.scan <max>, %scan3A_866#0 masked %reduce_max3A_869 : vector<16xf32>, vector<16xi1> -> vector<16xf32>
    %reduce_max3A_871 = vector.extract %reduce_max3A_870[15] : f32 from vector<16xf32>
    %eq3A_872 = vector.broadcast %reduce_max3A_871 : f32 to vector<16xf32>
    %eq3A_873 = arith.cmpf oeq, %scan3A_866#0, %eq3A_872 : vector<16xf32>
    %jit3A_874 = arith.constant 1073741824 : i32
    %broadcast_in_dim3A_875 = vector.broadcast %jit3A_874 : i32 to vector<16xi32>
    %select_n3A_876 = arith.select %eq3A_873, %scan3A_866#1, %broadcast_in_dim3A_875 : vector<16xi1>, vector<16xi32>
    %reduce_min3A_877 = arith.constant true
    %reduce_min3A_878 = vector.broadcast %reduce_min3A_877 : i1 to vector<16xi1>
    %reduce_min3A_879 = arith.constant -2147483648 : i32
    %reduce_min3A_880 = vector.broadcast %reduce_min3A_879 : i32 to vector<16xi32>
    %reduce_min3A_881 = arith.xori %select_n3A_876, %reduce_min3A_880 : vector<16xi32>
    %reduce_min3A_882 = tpu.scan <min>, %reduce_min3A_881 masked %reduce_min3A_878 : vector<16xi32>, vector<16xi1> -> vector<16xi32>
    %reduce_min3A_883 = arith.xori %reduce_min3A_882, %reduce_min3A_880 : vector<16xi32>
    %reduce_min3A_884 = vector.extract %reduce_min3A_883[15] : i32 from vector<16xi32>
    %scan3A_885 = arith.constant 0 : i32
    %scan3A_886 = arith.constant 0 : i32
    %scan3A_887 = arith.constant 32 : i32
    %scan3A_888 = arith.addi %scan3A_886, %scan3A_887 : i32
    %scan3A_889 = arith.constant 1 : i32
    scf.for %scan3A_950 = %scan3A_886 to %scan3A_888 step %scan3A_889  : i32 {
      %mul3A_951 = arith.constant 16 : i32
      %mul3A_952 = arith.muli %scan3A_950, %mul3A_951 : i32
      %get3A_953 = arith.index_cast %mul3A_952 : i32 to index
      %get3A_954 = tpu.vector_load %arg11[%get3A_953] {strides = array<i32>} : memref<512xi32, #tpu.memory_space<vmem>>, vector<16xi32>,
      %mul3A_955 = arith.constant 16 : i32
      %mul3A_956 = arith.muli %scan3A_950, %mul3A_955 : i32
      %get3A_957 = arith.index_cast %mul3A_956 : i32 to index
      %get3A_958 = tpu.vector_load %arg10[%get3A_957] {strides = array<i32>} : memref<512xf32, #tpu.memory_space<vmem>>, vector<16xf32>,
      %eq3A_959 = vector.broadcast %reduce_min3A_884 : i32 to vector<16xi32>
      %eq3A_960 = arith.cmpi eq, %get3A_954, %eq3A_959 : vector<16xi32>
      %jit3A_961 = arith.constant -1.000000e+30 : f32
      %broadcast_in_dim3A_962 = vector.broadcast %jit3A_961 : f32 to vector<16xf32>
      %select_n3A_963 = arith.select %eq3A_960, %broadcast_in_dim3A_962, %get3A_958 : vector<16xi1>, vector<16xf32>
      %mul3A_964 = arith.constant 16 : i32
      %mul3A_965 = arith.muli %scan3A_950, %mul3A_964 : i32
      %swap3A_966 = arith.index_cast %mul3A_965 : i32 to index
      %swap3A_967 = tpu.vector_load %arg10[%swap3A_966] {strides = array<i32>} : memref<512xf32, #tpu.memory_space<vmem>>, vector<16xf32>,
      tpu.vector_store %arg10[%swap3A_966], %select_n3A_963 {strides = array<i32>} : memref<512xf32, #tpu.memory_space<vmem>>, vector<16xf32>,
    }
    %scan3A_890 = arith.constant 32 : i32
    %eq3A_891 = arith.constant 6 : i32
    %eq3A_892 = vector.broadcast %eq3A_891 : i32 to vector<16xi32>
    %eq3A_893 = arith.cmpi eq, %iota3A, %eq3A_892 : vector<16xi32>
    %broadcast_in_dim3A_894 = vector.broadcast %reduce_max3A_871 : f32 to vector<16xf32>
    %select_n3A_895 = arith.select %eq3A_893, %broadcast_in_dim3A_894, %select_n3A_854 : vector<16xi1>, vector<16xf32>
    %eq3A_896 = arith.constant 6 : i32
    %eq3A_897 = vector.broadcast %eq3A_896 : i32 to vector<16xi32>
    %eq3A_898 = arith.cmpi eq, %iota3A, %eq3A_897 : vector<16xi32>
    %broadcast_in_dim3A_899 = vector.broadcast %reduce_min3A_884 : i32 to vector<16xi32>
    %select_n3A_900 = arith.select %eq3A_898, %broadcast_in_dim3A_899, %select_n3A_859 : vector<16xi1>, vector<16xi32>
    %broadcast_in_dim3A_901 = arith.constant 1073741824 : i32
    %broadcast_in_dim3A_902 = vector.broadcast %broadcast_in_dim3A_901 : i32 to vector<16xi32>
    %scan3A_903 = arith.constant 0 : i32
    %scan3A_904 = arith.constant 32 : i32
    %scan3A_905 = arith.addi %scan3A_903, %scan3A_904 : i32
    %scan3A_906 = arith.constant 1 : i32
    %scan3A_907:2 = scf.for %scan3A_950 = %scan3A_903 to %scan3A_905 step %scan3A_906 iter_args(%scan3A_951 = %broadcast_in_dim3A_484, %scan3A_952 = %broadcast_in_dim3A_902) -> (vector<16xf32>, vector<16xi32>)  : i32 {
      %mul3A_953 = arith.constant 16 : i32
      %mul3A_954 = arith.muli %scan3A_950, %mul3A_953 : i32
      %get3A_955 = arith.index_cast %mul3A_954 : i32 to index
      %get3A_956 = tpu.vector_load %arg10[%get3A_955] {strides = array<i32>} : memref<512xf32, #tpu.memory_space<vmem>>, vector<16xf32>,
      %mul3A_957 = arith.constant 16 : i32
      %mul3A_958 = arith.muli %scan3A_950, %mul3A_957 : i32
      %get3A_959 = arith.index_cast %mul3A_958 : i32 to index
      %get3A_960 = tpu.vector_load %arg11[%get3A_959] {strides = array<i32>} : memref<512xi32, #tpu.memory_space<vmem>>, vector<16xi32>,
      %gt3A = arith.cmpf ogt, %get3A_956, %scan3A_951 : vector<16xf32>
      %eq3A_961 = arith.cmpf oeq, %get3A_956, %scan3A_951 : vector<16xf32>
      %lt3A = arith.cmpi slt, %get3A_960, %scan3A_952 : vector<16xi32>
      %and3A = arith.andi %eq3A_961, %lt3A : vector<16xi1>
      %or3A = arith.ori %gt3A, %and3A : vector<16xi1>
      %select_n3A_962 = arith.select %or3A, %get3A_956, %scan3A_951 : vector<16xi1>, vector<16xf32>
      %select_n3A_963 = arith.select %or3A, %get3A_960, %scan3A_952 : vector<16xi1>, vector<16xi32>
      scf.yield %select_n3A_962, %select_n3A_963 : vector<16xf32>, vector<16xi32>
    }
    %scan3A_908 = arith.constant 32 : i32
    %reduce_max3A_909 = arith.constant true
    %reduce_max3A_910 = vector.broadcast %reduce_max3A_909 : i1 to vector<16xi1>
    %reduce_max3A_911 = tpu.scan <max>, %scan3A_907#0 masked %reduce_max3A_910 : vector<16xf32>, vector<16xi1> -> vector<16xf32>
    %reduce_max3A_912 = vector.extract %reduce_max3A_911[15] : f32 from vector<16xf32>
    %eq3A_913 = vector.broadcast %reduce_max3A_912 : f32 to vector<16xf32>
    %eq3A_914 = arith.cmpf oeq, %scan3A_907#0, %eq3A_913 : vector<16xf32>
    %jit3A_915 = arith.constant 1073741824 : i32
    %broadcast_in_dim3A_916 = vector.broadcast %jit3A_915 : i32 to vector<16xi32>
    %select_n3A_917 = arith.select %eq3A_914, %scan3A_907#1, %broadcast_in_dim3A_916 : vector<16xi1>, vector<16xi32>
    %reduce_min3A_918 = arith.constant true
    %reduce_min3A_919 = vector.broadcast %reduce_min3A_918 : i1 to vector<16xi1>
    %reduce_min3A_920 = arith.constant -2147483648 : i32
    %reduce_min3A_921 = vector.broadcast %reduce_min3A_920 : i32 to vector<16xi32>
    %reduce_min3A_922 = arith.xori %select_n3A_917, %reduce_min3A_921 : vector<16xi32>
    %reduce_min3A_923 = tpu.scan <min>, %reduce_min3A_922 masked %reduce_min3A_919 : vector<16xi32>, vector<16xi1> -> vector<16xi32>
    %reduce_min3A_924 = arith.xori %reduce_min3A_923, %reduce_min3A_921 : vector<16xi32>
    %reduce_min3A_925 = vector.extract %reduce_min3A_924[15] : i32 from vector<16xi32>
    %scan3A_926 = arith.constant 0 : i32
    %scan3A_927 = arith.constant 0 : i32
    %scan3A_928 = arith.constant 32 : i32
    %scan3A_929 = arith.addi %scan3A_927, %scan3A_928 : i32
    %scan3A_930 = arith.constant 1 : i32
    scf.for %scan3A_950 = %scan3A_927 to %scan3A_929 step %scan3A_930  : i32 {
      %mul3A_951 = arith.constant 16 : i32
      %mul3A_952 = arith.muli %scan3A_950, %mul3A_951 : i32
      %get3A_953 = arith.index_cast %mul3A_952 : i32 to index
      %get3A_954 = tpu.vector_load %arg11[%get3A_953] {strides = array<i32>} : memref<512xi32, #tpu.memory_space<vmem>>, vector<16xi32>,
      %mul3A_955 = arith.constant 16 : i32
      %mul3A_956 = arith.muli %scan3A_950, %mul3A_955 : i32
      %get3A_957 = arith.index_cast %mul3A_956 : i32 to index
      %get3A_958 = tpu.vector_load %arg10[%get3A_957] {strides = array<i32>} : memref<512xf32, #tpu.memory_space<vmem>>, vector<16xf32>,
      %eq3A_959 = vector.broadcast %reduce_min3A_925 : i32 to vector<16xi32>
      %eq3A_960 = arith.cmpi eq, %get3A_954, %eq3A_959 : vector<16xi32>
      %jit3A_961 = arith.constant -1.000000e+30 : f32
      %broadcast_in_dim3A_962 = vector.broadcast %jit3A_961 : f32 to vector<16xf32>
      %select_n3A_963 = arith.select %eq3A_960, %broadcast_in_dim3A_962, %get3A_958 : vector<16xi1>, vector<16xf32>
      %mul3A_964 = arith.constant 16 : i32
      %mul3A_965 = arith.muli %scan3A_950, %mul3A_964 : i32
      %swap3A_966 = arith.index_cast %mul3A_965 : i32 to index
      %swap3A_967 = tpu.vector_load %arg10[%swap3A_966] {strides = array<i32>} : memref<512xf32, #tpu.memory_space<vmem>>, vector<16xf32>,
      tpu.vector_store %arg10[%swap3A_966], %select_n3A_963 {strides = array<i32>} : memref<512xf32, #tpu.memory_space<vmem>>, vector<16xf32>,
    }
    %scan3A_931 = arith.constant 32 : i32
    %eq3A_932 = arith.constant 7 : i32
    %eq3A_933 = vector.broadcast %eq3A_932 : i32 to vector<16xi32>
    %eq3A_934 = arith.cmpi eq, %iota3A, %eq3A_933 : vector<16xi32>
    %broadcast_in_dim3A_935 = vector.broadcast %reduce_max3A_912 : f32 to vector<16xf32>
    %select_n3A_936 = arith.select %eq3A_934, %broadcast_in_dim3A_935, %select_n3A_895 : vector<16xi1>, vector<16xf32>
    %eq3A_937 = arith.constant 7 : i32
    %eq3A_938 = vector.broadcast %eq3A_937 : i32 to vector<16xi32>
    %eq3A_939 = arith.cmpi eq, %iota3A, %eq3A_938 : vector<16xi32>
    %broadcast_in_dim3A_940 = vector.broadcast %reduce_min3A_925 : i32 to vector<16xi32>
    %select_n3A_941 = arith.select %eq3A_939, %broadcast_in_dim3A_940, %select_n3A_900 : vector<16xi1>, vector<16xi32>
    %swap3A_942 = arith.constant 0 : index
    %swap3A_943 = tpu.vector_load %arg13[%swap3A_942] {strides = array<i32>} : memref<16xf32, #tpu.memory_space<vmem>>, vector<16xf32>,
    tpu.vector_store %arg13[%swap3A_942], %select_n3A_936 {strides = array<i32>} : memref<16xf32, #tpu.memory_space<vmem>>, vector<16xf32>,
    %swap3A_944 = arith.constant 0 : index
    %swap3A_945 = tpu.vector_load %arg14[%swap3A_944] {strides = array<i32>} : memref<16xi32, #tpu.memory_space<vmem>>, vector<16xi32>,
    tpu.vector_store %arg14[%swap3A_944], %select_n3A_941 {strides = array<i32>} : memref<16xi32, #tpu.memory_space<vmem>>, vector<16xi32>,
    %mul3A_946 = arith.constant 8 : i32
    %mul3A_947 = arith.muli %add3A, %mul3A_946 : i32
    "tpu.region"() ({
      %run_scoped3A = tpu.sem_alloc : memref<!tpu.dma_semaphore, #tpu.memory_space<semaphore_mem>>
      %dma_start3A_950 = arith.constant 0 : i32
      %dma_start3A_951 = tpu.memref_slice %arg13[%dma_start3A_950] : memref<16xf32, #tpu.memory_space<vmem>> -> memref<8xf32, #tpu.memory_space<vmem>>
      %dma_start3A_952 = tpu.memref_slice %arg4[%mul3A_947] : memref<256xf32, #tpu.memory_space<hbm>> -> memref<8xf32, #tpu.memory_space<hbm>>
      %dma_start3A_953 = tpu.memref_slice %arg4[%mul3A_947] : memref<256xf32, #tpu.memory_space<hbm>> -> memref<8xf32, #tpu.memory_space<hbm>>
      %dma_start3A_954 = arith.constant 0 : i32
      %dma_start3A_955 = tpu.memref_slice %arg13[%dma_start3A_954] : memref<16xf32, #tpu.memory_space<vmem>> -> memref<8xf32, #tpu.memory_space<vmem>>
      tpu.enqueue_dma source(%dma_start3A_955 : memref<8xf32, #tpu.memory_space<vmem>>) target(%dma_start3A_953 : memref<8xf32, #tpu.memory_space<hbm>>) target_semaphore(%run_scoped3A : memref<!tpu.dma_semaphore, #tpu.memory_space<semaphore_mem>>)
      %dma_wait3A = arith.constant 0 : i32
      %dma_wait3A_956 = tpu.memref_slice %arg13[%dma_wait3A] : memref<16xf32, #tpu.memory_space<vmem>> -> memref<8xf32, #tpu.memory_space<vmem>>
      %dma_wait3A_957 = tpu.memref_slice %arg4[%mul3A_947] : memref<256xf32, #tpu.memory_space<hbm>> -> memref<8xf32, #tpu.memory_space<hbm>>
      %dma_wait3A_958 = tpu.memref_slice %arg4[%mul3A_947] : memref<256xf32, #tpu.memory_space<hbm>> -> memref<8xf32, #tpu.memory_space<hbm>>
      %dma_wait3A_959 = arith.constant 0 : i32
      %dma_wait3A_960 = tpu.memref_slice %arg13[%dma_wait3A_959] : memref<16xf32, #tpu.memory_space<vmem>> -> memref<8xf32, #tpu.memory_space<vmem>>
      tpu.wait_dma2 semaphore(%run_scoped3A : memref<!tpu.dma_semaphore, #tpu.memory_space<semaphore_mem>>) src(%dma_wait3A_960 : memref<8xf32, #tpu.memory_space<vmem>>) dst(%dma_wait3A_958 : memref<8xf32, #tpu.memory_space<hbm>>)
      tpu.yield
    }) : () -> ()
    %mul3A_948 = arith.constant 8 : i32
    %mul3A_949 = arith.muli %add3A, %mul3A_948 : i32
    "tpu.region"() ({
      %run_scoped3A = tpu.sem_alloc : memref<!tpu.dma_semaphore, #tpu.memory_space<semaphore_mem>>
      %dma_start3A_950 = arith.constant 0 : i32
      %dma_start3A_951 = tpu.memref_slice %arg14[%dma_start3A_950] : memref<16xi32, #tpu.memory_space<vmem>> -> memref<8xi32, #tpu.memory_space<vmem>>
      %dma_start3A_952 = tpu.memref_slice %arg5[%mul3A_949] : memref<256xi32, #tpu.memory_space<hbm>> -> memref<8xi32, #tpu.memory_space<hbm>>
      %dma_start3A_953 = tpu.memref_slice %arg5[%mul3A_949] : memref<256xi32, #tpu.memory_space<hbm>> -> memref<8xi32, #tpu.memory_space<hbm>>
      %dma_start3A_954 = arith.constant 0 : i32
      %dma_start3A_955 = tpu.memref_slice %arg14[%dma_start3A_954] : memref<16xi32, #tpu.memory_space<vmem>> -> memref<8xi32, #tpu.memory_space<vmem>>
      tpu.enqueue_dma source(%dma_start3A_955 : memref<8xi32, #tpu.memory_space<vmem>>) target(%dma_start3A_953 : memref<8xi32, #tpu.memory_space<hbm>>) target_semaphore(%run_scoped3A : memref<!tpu.dma_semaphore, #tpu.memory_space<semaphore_mem>>)
      %dma_wait3A = arith.constant 0 : i32
      %dma_wait3A_956 = tpu.memref_slice %arg14[%dma_wait3A] : memref<16xi32, #tpu.memory_space<vmem>> -> memref<8xi32, #tpu.memory_space<vmem>>
      %dma_wait3A_957 = tpu.memref_slice %arg5[%mul3A_949] : memref<256xi32, #tpu.memory_space<hbm>> -> memref<8xi32, #tpu.memory_space<hbm>>
      %dma_wait3A_958 = tpu.memref_slice %arg5[%mul3A_949] : memref<256xi32, #tpu.memory_space<hbm>> -> memref<8xi32, #tpu.memory_space<hbm>>
      %dma_wait3A_959 = arith.constant 0 : i32
      %dma_wait3A_960 = tpu.memref_slice %arg14[%dma_wait3A_959] : memref<16xi32, #tpu.memory_space<vmem>> -> memref<8xi32, #tpu.memory_space<vmem>>
      tpu.wait_dma2 semaphore(%run_scoped3A : memref<!tpu.dma_semaphore, #tpu.memory_space<semaphore_mem>>) src(%dma_wait3A_960 : memref<8xi32, #tpu.memory_space<vmem>>) dst(%dma_wait3A_958 : memref<8xi32, #tpu.memory_space<hbm>>)
      tpu.yield
    }) : () -> ()
    return
  }
}

module attributes {stable_mosaic.version = 14 : i64} {
  func.func @_finish_body(%arg0: memref<64x1x4xf32, #tpu.memory_space<vmem>>, %arg1: memref<64x1x4xi32, #tpu.memory_space<vmem>>, %arg2: memref<64x32xi32, #tpu.memory_space<vmem>>, %arg3: memref<64x4xf32, #tpu.memory_space<vmem>>, %arg4: memref<64x4xf32, #tpu.memory_space<vmem>>, %arg5: memref<64x4xf32, #tpu.memory_space<vmem>>, %arg6: memref<64x4xi32, #tpu.memory_space<vmem>>, %arg7: memref<64x36xi32, #tpu.memory_space<vmem>>) attributes {dimension_semantics = [], scalar_prefetch = 0 : i64, scratch_operands = 0 : i64, tpu.core_type = #tpu.core_type<tc>} {
    %get3A = arith.constant 0 : index
    %get3A_0 = arith.constant 0 : index
    %get3A_1 = arith.constant 0 : index
    %get3A_2 = vector.load %arg0[%get3A, %get3A_0, %get3A_1] : memref<64x1x4xf32, #tpu.memory_space<vmem>>, vector<64x1x4xf32>
    %get3A_3 = vector.shape_cast %get3A_2 : vector<64x1x4xf32> to vector<64x4xf32>
    %get3A_4 = arith.constant 0 : index
    %get3A_5 = arith.constant 0 : index
    %get3A_6 = arith.constant 0 : index
    %get3A_7 = vector.load %arg1[%get3A_4, %get3A_5, %get3A_6] : memref<64x1x4xi32, #tpu.memory_space<vmem>>, vector<64x1x4xi32>
    %get3A_8 = vector.shape_cast %get3A_7 : vector<64x1x4xi32> to vector<64x4xi32>
    %jit3A = arith.constant 100000 : i32
    %eq3A = arith.constant 0 : i32
    %eq3A_9 = arith.cmpi eq, %jit3A, %eq3A : i32
    %jit3A_10 = arith.constant 1 : i32
    %select_n3A = arith.select %eq3A_9, %jit3A_10, %jit3A : i32
    %rem3A = vector.broadcast %select_n3A : i32 to vector<64x4xi32>
    %rem3A_11 = arith.remsi %get3A_8, %rem3A : vector<64x4xi32>
    %ne3A = arith.constant 0 : i32
    %ne3A_12 = vector.broadcast %ne3A : i32 to vector<64x4xi32>
    %ne3A_13 = arith.cmpi ne, %rem3A_11, %ne3A_12 : vector<64x4xi32>
    %lt3A = arith.constant 0 : i32
    %lt3A_14 = vector.broadcast %lt3A : i32 to vector<64x4xi32>
    %lt3A_15 = arith.cmpi slt, %rem3A_11, %lt3A_14 : vector<64x4xi32>
    %lt3A_16 = arith.constant 0 : i32
    %lt3A_17 = arith.cmpi slt, %select_n3A, %lt3A_16 : i32
    %ne3A_18 = vector.broadcast %lt3A_17 : i1 to vector<64x4xi1>
    %ne3A_19 = vector.broadcast %ne3A_18 : vector<64x4xi1> to vector<64x4xi1>
    %ne3A_20 = arith.xori %lt3A_15, %ne3A_19 : vector<64x4xi1>
    %and3A = arith.andi %ne3A_20, %ne3A_13 : vector<64x4xi1>
    %add3A = vector.broadcast %select_n3A : i32 to vector<64x4xi32>
    %add3A_21 = arith.addi %rem3A_11, %add3A : vector<64x4xi32>
    %select_n3A_22 = arith.select %and3A, %add3A_21, %rem3A_11 : vector<64x4xi1>, vector<64x4xi32>
    %jit3A_23 = arith.constant 100000 : i32
    %div3A = vector.broadcast %jit3A_23 : i32 to vector<64x4xi32>
    %div3A_24 = arith.divsi %get3A_8, %div3A : vector<64x4xi32>
    %sign3A = arith.constant 0 : i32
    %sign3A_25 = vector.broadcast %sign3A : i32 to vector<64x4xi32>
    %sign3A_26 = arith.cmpi sgt, %get3A_8, %sign3A_25 : vector<64x4xi32>
    %sign3A_27 = arith.extui %sign3A_26 : vector<64x4xi1> to vector<64x4xi32>
    %sign3A_28 = arith.constant 0 : i32
    %sign3A_29 = vector.broadcast %sign3A_28 : i32 to vector<64x4xi32>
    %sign3A_30 = arith.cmpi slt, %get3A_8, %sign3A_29 : vector<64x4xi32>
    %sign3A_31 = arith.extui %sign3A_30 : vector<64x4xi1> to vector<64x4xi32>
    %sign3A_32 = arith.subi %sign3A_27, %sign3A_31 : vector<64x4xi32>
    %sign3A_33 = arith.constant 0 : i32
    %sign3A_34 = arith.cmpi sgt, %jit3A_23, %sign3A_33 : i32
    %sign3A_35 = arith.extui %sign3A_34 : i1 to i32
    %sign3A_36 = arith.constant 0 : i32
    %sign3A_37 = arith.cmpi slt, %jit3A_23, %sign3A_36 : i32
    %sign3A_38 = arith.extui %sign3A_37 : i1 to i32
    %sign3A_39 = arith.subi %sign3A_35, %sign3A_38 : i32
    %ne3A_40 = vector.broadcast %sign3A_39 : i32 to vector<64x4xi32>
    %ne3A_41 = arith.cmpi ne, %sign3A_32, %ne3A_40 : vector<64x4xi32>
    %rem3A_42 = vector.broadcast %jit3A_23 : i32 to vector<64x4xi32>
    %rem3A_43 = arith.remsi %get3A_8, %rem3A_42 : vector<64x4xi32>
    %ne3A_44 = arith.constant 0 : i32
    %ne3A_45 = vector.broadcast %ne3A_44 : i32 to vector<64x4xi32>
    %ne3A_46 = arith.cmpi ne, %rem3A_43, %ne3A_45 : vector<64x4xi32>
    %and3A_47 = arith.andi %ne3A_41, %ne3A_46 : vector<64x4xi1>
    %sub3A = arith.constant 1 : i32
    %sub3A_48 = vector.broadcast %sub3A : i32 to vector<64x4xi32>
    %sub3A_49 = arith.subi %div3A_24, %sub3A_48 : vector<64x4xi32>
    %select_n3A_50 = arith.select %and3A_47, %sub3A_49, %div3A_24 : vector<64x4xi1>, vector<64x4xi32>
    %get3A_51 = arith.constant 0 : index
    %get3A_52 = arith.constant 0 : index
    %get3A_53 = vector.load %arg2[%get3A_51, %get3A_52] : memref<64x32xi32, #tpu.memory_space<vmem>>, vector<64x32xi32>
    %iota3A = tpu.iota {dimensions = array<i32: 1>} : vector<64x32xi32>
    %jit3A_54 = arith.constant 8 : i32
    %div3A_55 = vector.broadcast %jit3A_54 : i32 to vector<64x32xi32>
    %div3A_56 = arith.divsi %iota3A, %div3A_55 : vector<64x32xi32>
    %sign3A_57 = arith.constant 0 : i32
    %sign3A_58 = vector.broadcast %sign3A_57 : i32 to vector<64x32xi32>
    %sign3A_59 = arith.cmpi sgt, %iota3A, %sign3A_58 : vector<64x32xi32>
    %sign3A_60 = arith.extui %sign3A_59 : vector<64x32xi1> to vector<64x32xi32>
    %sign3A_61 = arith.constant 0 : i32
    %sign3A_62 = vector.broadcast %sign3A_61 : i32 to vector<64x32xi32>
    %sign3A_63 = arith.cmpi slt, %iota3A, %sign3A_62 : vector<64x32xi32>
    %sign3A_64 = arith.extui %sign3A_63 : vector<64x32xi1> to vector<64x32xi32>
    %sign3A_65 = arith.subi %sign3A_60, %sign3A_64 : vector<64x32xi32>
    %sign3A_66 = arith.constant 0 : i32
    %sign3A_67 = arith.cmpi sgt, %jit3A_54, %sign3A_66 : i32
    %sign3A_68 = arith.extui %sign3A_67 : i1 to i32
    %sign3A_69 = arith.constant 0 : i32
    %sign3A_70 = arith.cmpi slt, %jit3A_54, %sign3A_69 : i32
    %sign3A_71 = arith.extui %sign3A_70 : i1 to i32
    %sign3A_72 = arith.subi %sign3A_68, %sign3A_71 : i32
    %ne3A_73 = vector.broadcast %sign3A_72 : i32 to vector<64x32xi32>
    %ne3A_74 = arith.cmpi ne, %sign3A_65, %ne3A_73 : vector<64x32xi32>
    %rem3A_75 = vector.broadcast %jit3A_54 : i32 to vector<64x32xi32>
    %rem3A_76 = arith.remsi %iota3A, %rem3A_75 : vector<64x32xi32>
    %ne3A_77 = arith.constant 0 : i32
    %ne3A_78 = vector.broadcast %ne3A_77 : i32 to vector<64x32xi32>
    %ne3A_79 = arith.cmpi ne, %rem3A_76, %ne3A_78 : vector<64x32xi32>
    %and3A_80 = arith.andi %ne3A_74, %ne3A_79 : vector<64x32xi1>
    %sub3A_81 = arith.constant 1 : i32
    %sub3A_82 = vector.broadcast %sub3A_81 : i32 to vector<64x32xi32>
    %sub3A_83 = arith.subi %div3A_56, %sub3A_82 : vector<64x32xi32>
    %select_n3A_84 = arith.select %and3A_80, %sub3A_83, %div3A_56 : vector<64x32xi1>, vector<64x32xi32>
    %broadcast_in_dim3A = arith.constant 0 : i32
    %broadcast_in_dim3A_85 = vector.broadcast %broadcast_in_dim3A : i32 to vector<64x32xi32>
    %eq3A_86 = arith.constant 0 : i32
    %eq3A_87 = vector.broadcast %eq3A_86 : i32 to vector<64x32xi32>
    %eq3A_88 = arith.cmpi eq, %select_n3A_84, %eq3A_87 : vector<64x32xi32>
    %slice3A = vector.extract_strided_slice %select_n3A_50 {offsets = [0, 0], sizes = [64, 1], strides = [1, 1]} : vector<64x4xi32> to vector<64x1xi32>
    %broadcast_in_dim3A_89 = vector.shape_cast %slice3A : vector<64x1xi32> to vector<64x1xi32>
    %broadcast_in_dim3A_90 = vector.broadcast %broadcast_in_dim3A_89 : vector<64x1xi32> to vector<64x32xi32>
    %select_n3A_91 = arith.select %eq3A_88, %broadcast_in_dim3A_90, %broadcast_in_dim3A_85 : vector<64x32xi1>, vector<64x32xi32>
    %eq3A_92 = arith.constant 1 : i32
    %eq3A_93 = vector.broadcast %eq3A_92 : i32 to vector<64x32xi32>
    %eq3A_94 = arith.cmpi eq, %select_n3A_84, %eq3A_93 : vector<64x32xi32>
    %slice3A_95 = vector.extract_strided_slice %select_n3A_50 {offsets = [0, 1], sizes = [64, 1], strides = [1, 1]} : vector<64x4xi32> to vector<64x1xi32>
    %broadcast_in_dim3A_96 = vector.shape_cast %slice3A_95 : vector<64x1xi32> to vector<64x1xi32>
    %broadcast_in_dim3A_97 = vector.broadcast %broadcast_in_dim3A_96 : vector<64x1xi32> to vector<64x32xi32>
    %select_n3A_98 = arith.select %eq3A_94, %broadcast_in_dim3A_97, %select_n3A_91 : vector<64x32xi1>, vector<64x32xi32>
    %eq3A_99 = arith.constant 2 : i32
    %eq3A_100 = vector.broadcast %eq3A_99 : i32 to vector<64x32xi32>
    %eq3A_101 = arith.cmpi eq, %select_n3A_84, %eq3A_100 : vector<64x32xi32>
    %slice3A_102 = vector.extract_strided_slice %select_n3A_50 {offsets = [0, 2], sizes = [64, 1], strides = [1, 1]} : vector<64x4xi32> to vector<64x1xi32>
    %broadcast_in_dim3A_103 = vector.shape_cast %slice3A_102 : vector<64x1xi32> to vector<64x1xi32>
    %broadcast_in_dim3A_104 = vector.broadcast %broadcast_in_dim3A_103 : vector<64x1xi32> to vector<64x32xi32>
    %select_n3A_105 = arith.select %eq3A_101, %broadcast_in_dim3A_104, %select_n3A_98 : vector<64x32xi1>, vector<64x32xi32>
    %eq3A_106 = arith.constant 3 : i32
    %eq3A_107 = vector.broadcast %eq3A_106 : i32 to vector<64x32xi32>
    %eq3A_108 = arith.cmpi eq, %select_n3A_84, %eq3A_107 : vector<64x32xi32>
    %slice3A_109 = vector.extract_strided_slice %select_n3A_50 {offsets = [0, 3], sizes = [64, 1], strides = [1, 1]} : vector<64x4xi32> to vector<64x1xi32>
    %broadcast_in_dim3A_110 = vector.shape_cast %slice3A_109 : vector<64x1xi32> to vector<64x1xi32>
    %broadcast_in_dim3A_111 = vector.broadcast %broadcast_in_dim3A_110 : vector<64x1xi32> to vector<64x32xi32>
    %select_n3A_112 = arith.select %eq3A_108, %broadcast_in_dim3A_111, %select_n3A_105 : vector<64x32xi1>, vector<64x32xi32>
    %slice3A_113 = vector.extract_strided_slice %get3A_53 {offsets = [0, 0], sizes = [64, 8], strides = [1, 1]} : vector<64x32xi32> to vector<64x8xi32>
    %concatenate3A = tpu.concatenate %slice3A_113, %slice3A_113, %slice3A_113, %slice3A_113 in 1 : vector<64x8xi32>, vector<64x8xi32>, vector<64x8xi32>, vector<64x8xi32> -> vector<64x32xi32>
    %eq3A_114 = arith.constant 0 : i32
    %eq3A_115 = vector.broadcast %eq3A_114 : i32 to vector<64x32xi32>
    %eq3A_116 = arith.cmpi eq, %select_n3A_112, %eq3A_115 : vector<64x32xi32>
    %select_n3A_117 = arith.select %eq3A_116, %concatenate3A, %broadcast_in_dim3A_85 : vector<64x32xi1>, vector<64x32xi32>
    %slice3A_118 = vector.extract_strided_slice %get3A_53 {offsets = [0, 8], sizes = [64, 8], strides = [1, 1]} : vector<64x32xi32> to vector<64x8xi32>
    %concatenate3A_119 = tpu.concatenate %slice3A_118, %slice3A_118, %slice3A_118, %slice3A_118 in 1 : vector<64x8xi32>, vector<64x8xi32>, vector<64x8xi32>, vector<64x8xi32> -> vector<64x32xi32>
    %eq3A_120 = arith.constant 1 : i32
    %eq3A_121 = vector.broadcast %eq3A_120 : i32 to vector<64x32xi32>
    %eq3A_122 = arith.cmpi eq, %select_n3A_112, %eq3A_121 : vector<64x32xi32>
    %select_n3A_123 = arith.select %eq3A_122, %concatenate3A_119, %select_n3A_117 : vector<64x32xi1>, vector<64x32xi32>
    %slice3A_124 = vector.extract_strided_slice %get3A_53 {offsets = [0, 16], sizes = [64, 8], strides = [1, 1]} : vector<64x32xi32> to vector<64x8xi32>
    %concatenate3A_125 = tpu.concatenate %slice3A_124, %slice3A_124, %slice3A_124, %slice3A_124 in 1 : vector<64x8xi32>, vector<64x8xi32>, vector<64x8xi32>, vector<64x8xi32> -> vector<64x32xi32>
    %eq3A_126 = arith.constant 2 : i32
    %eq3A_127 = vector.broadcast %eq3A_126 : i32 to vector<64x32xi32>
    %eq3A_128 = arith.cmpi eq, %select_n3A_112, %eq3A_127 : vector<64x32xi32>
    %select_n3A_129 = arith.select %eq3A_128, %concatenate3A_125, %select_n3A_123 : vector<64x32xi1>, vector<64x32xi32>
    %slice3A_130 = vector.extract_strided_slice %get3A_53 {offsets = [0, 24], sizes = [64, 8], strides = [1, 1]} : vector<64x32xi32> to vector<64x8xi32>
    %concatenate3A_131 = tpu.concatenate %slice3A_130, %slice3A_130, %slice3A_130, %slice3A_130 in 1 : vector<64x8xi32>, vector<64x8xi32>, vector<64x8xi32>, vector<64x8xi32> -> vector<64x32xi32>
    %eq3A_132 = arith.constant 3 : i32
    %eq3A_133 = vector.broadcast %eq3A_132 : i32 to vector<64x32xi32>
    %eq3A_134 = arith.cmpi eq, %select_n3A_112, %eq3A_133 : vector<64x32xi32>
    %select_n3A_135 = arith.select %eq3A_134, %concatenate3A_131, %select_n3A_129 : vector<64x32xi1>, vector<64x32xi32>
    %eq3A_136 = arith.constant 2 : i32
    %eq3A_137 = vector.broadcast %eq3A_136 : i32 to vector<64x4xi32>
    %eq3A_138 = arith.cmpi eq, %select_n3A_22, %eq3A_137 : vector<64x4xi32>
    %convert_element_type3A = arith.extui %eq3A_138 : vector<64x4xi1> to vector<64x4xi32>
    %convert_element_type3A_139 = arith.sitofp %convert_element_type3A : vector<64x4xi32> to vector<64x4xf32>
    %mul3A = arith.constant -1.000000e+20 : f32
    %mul3A_140 = vector.broadcast %mul3A : f32 to vector<64x4xf32>
    %mul3A_141 = arith.mulf %convert_element_type3A_139, %mul3A_140 : vector<64x4xf32>
    %add3A_142 = arith.addf %get3A_3, %mul3A_141 : vector<64x4xf32>
    %sub3A_143 = arith.constant 1.000000e+00 : f32
    %sub3A_144 = vector.broadcast %sub3A_143 : f32 to vector<64x4xf32>
    %sub3A_145 = arith.subf %sub3A_144, %convert_element_type3A_139 : vector<64x4xf32>
    %mul3A_146 = arith.constant -1.000000e+20 : f32
    %mul3A_147 = vector.broadcast %mul3A_146 : f32 to vector<64x4xf32>
    %mul3A_148 = arith.mulf %sub3A_145, %mul3A_147 : vector<64x4xf32>
    %add3A_149 = arith.addf %get3A_3, %mul3A_148 : vector<64x4xf32>
    %iota3A_150 = tpu.iota {dimensions = array<i32: 1>} : vector<64x4xi32>
    %reduce_max3A = arith.constant dense<0xFF800000> : vector<64xf32>
    %reduce_max3A_151 = vector.multi_reduction <maximumf>, %add3A_142, %reduce_max3A [1] : vector<64x4xf32> to vector<64xf32>
    %broadcast_in_dim3A_152 = vector.shape_cast %reduce_max3A_151 : vector<64xf32> to vector<64x1xf32>
    %eq3A_153 = vector.broadcast %broadcast_in_dim3A_152 : vector<64x1xf32> to vector<64x4xf32>
    %eq3A_154 = arith.cmpf oeq, %add3A_142, %eq3A_153 : vector<64x4xf32>
    %jit3A_155 = arith.constant 4 : i32
    %broadcast_in_dim3A_156 = vector.broadcast %jit3A_155 : i32 to vector<64x4xi32>
    %select_n3A_157 = arith.select %eq3A_154, %iota3A_150, %broadcast_in_dim3A_156 : vector<64x4xi1>, vector<64x4xi32>
    %reduce_min3A = arith.constant dense<2147483647> : vector<64xi32>
    %reduce_min3A_158 = vector.multi_reduction <minsi>, %select_n3A_157, %reduce_min3A [1] : vector<64x4xi32> to vector<64xi32>
    %broadcast_in_dim3A_159 = vector.shape_cast %reduce_min3A_158 : vector<64xi32> to vector<64x1xi32>
    %eq3A_160 = vector.broadcast %broadcast_in_dim3A_159 : vector<64x1xi32> to vector<64x4xi32>
    %eq3A_161 = arith.cmpi eq, %iota3A_150, %eq3A_160 : vector<64x4xi32>
    %jit3A_162 = arith.constant -1.000000e+20 : f32
    %broadcast_in_dim3A_163 = vector.broadcast %jit3A_162 : f32 to vector<64x4xf32>
    %select_n3A_164 = arith.select %eq3A_161, %broadcast_in_dim3A_163, %add3A_142 : vector<64x4xi1>, vector<64x4xf32>
    %reduce_max3A_165 = arith.constant dense<0xFF800000> : vector<64xf32>
    %reduce_max3A_166 = vector.multi_reduction <maximumf>, %select_n3A_164, %reduce_max3A_165 [1] : vector<64x4xf32> to vector<64xf32>
    %broadcast_in_dim3A_167 = vector.shape_cast %reduce_max3A_166 : vector<64xf32> to vector<64x1xf32>
    %eq3A_168 = vector.broadcast %broadcast_in_dim3A_167 : vector<64x1xf32> to vector<64x4xf32>
    %eq3A_169 = arith.cmpf oeq, %select_n3A_164, %eq3A_168 : vector<64x4xf32>
    %jit3A_170 = arith.constant 4 : i32
    %broadcast_in_dim3A_171 = vector.broadcast %jit3A_170 : i32 to vector<64x4xi32>
    %select_n3A_172 = arith.select %eq3A_169, %iota3A_150, %broadcast_in_dim3A_171 : vector<64x4xi1>, vector<64x4xi32>
    %reduce_min3A_173 = arith.constant dense<2147483647> : vector<64xi32>
    %reduce_min3A_174 = vector.multi_reduction <minsi>, %select_n3A_172, %reduce_min3A_173 [1] : vector<64x4xi32> to vector<64xi32>
    %broadcast_in_dim3A_175 = vector.shape_cast %reduce_min3A_174 : vector<64xi32> to vector<64x1xi32>
    %eq3A_176 = vector.broadcast %broadcast_in_dim3A_175 : vector<64x1xi32> to vector<64x4xi32>
    %eq3A_177 = arith.cmpi eq, %iota3A_150, %eq3A_176 : vector<64x4xi32>
    %jit3A_178 = arith.constant -1.000000e+20 : f32
    %broadcast_in_dim3A_179 = vector.broadcast %jit3A_178 : f32 to vector<64x4xf32>
    %select_n3A_180 = arith.select %eq3A_177, %broadcast_in_dim3A_179, %select_n3A_164 : vector<64x4xi1>, vector<64x4xf32>
    %reduce_max3A_181 = arith.constant dense<0xFF800000> : vector<64xf32>
    %reduce_max3A_182 = vector.multi_reduction <maximumf>, %select_n3A_180, %reduce_max3A_181 [1] : vector<64x4xf32> to vector<64xf32>
    %broadcast_in_dim3A_183 = vector.shape_cast %reduce_max3A_182 : vector<64xf32> to vector<64x1xf32>
    %eq3A_184 = vector.broadcast %broadcast_in_dim3A_183 : vector<64x1xf32> to vector<64x4xf32>
    %eq3A_185 = arith.cmpf oeq, %select_n3A_180, %eq3A_184 : vector<64x4xf32>
    %jit3A_186 = arith.constant 4 : i32
    %broadcast_in_dim3A_187 = vector.broadcast %jit3A_186 : i32 to vector<64x4xi32>
    %select_n3A_188 = arith.select %eq3A_185, %iota3A_150, %broadcast_in_dim3A_187 : vector<64x4xi1>, vector<64x4xi32>
    %reduce_min3A_189 = arith.constant dense<2147483647> : vector<64xi32>
    %reduce_min3A_190 = vector.multi_reduction <minsi>, %select_n3A_188, %reduce_min3A_189 [1] : vector<64x4xi32> to vector<64xi32>
    %broadcast_in_dim3A_191 = vector.shape_cast %reduce_min3A_190 : vector<64xi32> to vector<64x1xi32>
    %eq3A_192 = vector.broadcast %broadcast_in_dim3A_191 : vector<64x1xi32> to vector<64x4xi32>
    %eq3A_193 = arith.cmpi eq, %iota3A_150, %eq3A_192 : vector<64x4xi32>
    %jit3A_194 = arith.constant -1.000000e+20 : f32
    %broadcast_in_dim3A_195 = vector.broadcast %jit3A_194 : f32 to vector<64x4xf32>
    %select_n3A_196 = arith.select %eq3A_193, %broadcast_in_dim3A_195, %select_n3A_180 : vector<64x4xi1>, vector<64x4xf32>
    %reduce_max3A_197 = arith.constant dense<0xFF800000> : vector<64xf32>
    %reduce_max3A_198 = vector.multi_reduction <maximumf>, %select_n3A_196, %reduce_max3A_197 [1] : vector<64x4xf32> to vector<64xf32>
    %broadcast_in_dim3A_199 = vector.shape_cast %reduce_max3A_198 : vector<64xf32> to vector<64x1xf32>
    %eq3A_200 = vector.broadcast %broadcast_in_dim3A_199 : vector<64x1xf32> to vector<64x4xf32>
    %eq3A_201 = arith.cmpf oeq, %select_n3A_196, %eq3A_200 : vector<64x4xf32>
    %jit3A_202 = arith.constant 4 : i32
    %broadcast_in_dim3A_203 = vector.broadcast %jit3A_202 : i32 to vector<64x4xi32>
    %select_n3A_204 = arith.select %eq3A_201, %iota3A_150, %broadcast_in_dim3A_203 : vector<64x4xi1>, vector<64x4xi32>
    %reduce_min3A_205 = arith.constant dense<2147483647> : vector<64xi32>
    %reduce_min3A_206 = vector.multi_reduction <minsi>, %select_n3A_204, %reduce_min3A_205 [1] : vector<64x4xi32> to vector<64xi32>
    %broadcast_in_dim3A_207 = vector.shape_cast %reduce_min3A_206 : vector<64xi32> to vector<64x1xi32>
    %concatenate3A_208 = tpu.concatenate %broadcast_in_dim3A_152, %broadcast_in_dim3A_167, %broadcast_in_dim3A_183, %broadcast_in_dim3A_199 in 1 : vector<64x1xf32>, vector<64x1xf32>, vector<64x1xf32>, vector<64x1xf32> -> vector<64x4xf32>
    %concatenate3A_209 = tpu.concatenate %broadcast_in_dim3A_159, %broadcast_in_dim3A_175, %broadcast_in_dim3A_191, %broadcast_in_dim3A_207 in 1 : vector<64x1xi32>, vector<64x1xi32>, vector<64x1xi32>, vector<64x1xi32> -> vector<64x4xi32>
    %eq3A_210 = arith.constant 0 : i32
    %eq3A_211 = vector.broadcast %eq3A_210 : i32 to vector<64x32xi32>
    %eq3A_212 = arith.cmpi eq, %select_n3A_84, %eq3A_211 : vector<64x32xi32>
    %slice3A_213 = vector.extract_strided_slice %concatenate3A_209 {offsets = [0, 0], sizes = [64, 1], strides = [1, 1]} : vector<64x4xi32> to vector<64x1xi32>
    %broadcast_in_dim3A_214 = vector.shape_cast %slice3A_213 : vector<64x1xi32> to vector<64x1xi32>
    %broadcast_in_dim3A_215 = vector.broadcast %broadcast_in_dim3A_214 : vector<64x1xi32> to vector<64x32xi32>
    %select_n3A_216 = arith.select %eq3A_212, %broadcast_in_dim3A_215, %broadcast_in_dim3A_85 : vector<64x32xi1>, vector<64x32xi32>
    %eq3A_217 = arith.constant 1 : i32
    %eq3A_218 = vector.broadcast %eq3A_217 : i32 to vector<64x32xi32>
    %eq3A_219 = arith.cmpi eq, %select_n3A_84, %eq3A_218 : vector<64x32xi32>
    %slice3A_220 = vector.extract_strided_slice %concatenate3A_209 {offsets = [0, 1], sizes = [64, 1], strides = [1, 1]} : vector<64x4xi32> to vector<64x1xi32>
    %broadcast_in_dim3A_221 = vector.shape_cast %slice3A_220 : vector<64x1xi32> to vector<64x1xi32>
    %broadcast_in_dim3A_222 = vector.broadcast %broadcast_in_dim3A_221 : vector<64x1xi32> to vector<64x32xi32>
    %select_n3A_223 = arith.select %eq3A_219, %broadcast_in_dim3A_222, %select_n3A_216 : vector<64x32xi1>, vector<64x32xi32>
    %eq3A_224 = arith.constant 2 : i32
    %eq3A_225 = vector.broadcast %eq3A_224 : i32 to vector<64x32xi32>
    %eq3A_226 = arith.cmpi eq, %select_n3A_84, %eq3A_225 : vector<64x32xi32>
    %slice3A_227 = vector.extract_strided_slice %concatenate3A_209 {offsets = [0, 2], sizes = [64, 1], strides = [1, 1]} : vector<64x4xi32> to vector<64x1xi32>
    %broadcast_in_dim3A_228 = vector.shape_cast %slice3A_227 : vector<64x1xi32> to vector<64x1xi32>
    %broadcast_in_dim3A_229 = vector.broadcast %broadcast_in_dim3A_228 : vector<64x1xi32> to vector<64x32xi32>
    %select_n3A_230 = arith.select %eq3A_226, %broadcast_in_dim3A_229, %select_n3A_223 : vector<64x32xi1>, vector<64x32xi32>
    %eq3A_231 = arith.constant 3 : i32
    %eq3A_232 = vector.broadcast %eq3A_231 : i32 to vector<64x32xi32>
    %eq3A_233 = arith.cmpi eq, %select_n3A_84, %eq3A_232 : vector<64x32xi32>
    %slice3A_234 = vector.extract_strided_slice %concatenate3A_209 {offsets = [0, 3], sizes = [64, 1], strides = [1, 1]} : vector<64x4xi32> to vector<64x1xi32>
    %broadcast_in_dim3A_235 = vector.shape_cast %slice3A_234 : vector<64x1xi32> to vector<64x1xi32>
    %broadcast_in_dim3A_236 = vector.broadcast %broadcast_in_dim3A_235 : vector<64x1xi32> to vector<64x32xi32>
    %select_n3A_237 = arith.select %eq3A_233, %broadcast_in_dim3A_236, %select_n3A_230 : vector<64x32xi1>, vector<64x32xi32>
    %broadcast_in_dim3A_238 = arith.constant 0 : i32
    %broadcast_in_dim3A_239 = vector.broadcast %broadcast_in_dim3A_238 : i32 to vector<64x4xi32>
    %slice3A_240 = vector.extract_strided_slice %select_n3A_135 {offsets = [0, 0], sizes = [64, 8], strides = [1, 1]} : vector<64x32xi32> to vector<64x8xi32>
    %concatenate3A_241 = tpu.concatenate %slice3A_240, %slice3A_240, %slice3A_240, %slice3A_240 in 1 : vector<64x8xi32>, vector<64x8xi32>, vector<64x8xi32>, vector<64x8xi32> -> vector<64x32xi32>
    %eq3A_242 = arith.constant 0 : i32
    %eq3A_243 = vector.broadcast %eq3A_242 : i32 to vector<64x32xi32>
    %eq3A_244 = arith.cmpi eq, %select_n3A_237, %eq3A_243 : vector<64x32xi32>
    %select_n3A_245 = arith.select %eq3A_244, %concatenate3A_241, %broadcast_in_dim3A_85 : vector<64x32xi1>, vector<64x32xi32>
    %eq3A_246 = arith.constant 0 : i32
    %eq3A_247 = vector.broadcast %eq3A_246 : i32 to vector<64x4xi32>
    %eq3A_248 = arith.cmpi eq, %concatenate3A_209, %eq3A_247 : vector<64x4xi32>
    %slice3A_249 = vector.extract_strided_slice %select_n3A_22 {offsets = [0, 0], sizes = [64, 1], strides = [1, 1]} : vector<64x4xi32> to vector<64x1xi32>
    %broadcast_in_dim3A_250 = vector.shape_cast %slice3A_249 : vector<64x1xi32> to vector<64x1xi32>
    %broadcast_in_dim3A_251 = vector.broadcast %broadcast_in_dim3A_250 : vector<64x1xi32> to vector<64x4xi32>
    %select_n3A_252 = arith.select %eq3A_248, %broadcast_in_dim3A_251, %broadcast_in_dim3A_239 : vector<64x4xi1>, vector<64x4xi32>
    %slice3A_253 = vector.extract_strided_slice %select_n3A_135 {offsets = [0, 8], sizes = [64, 8], strides = [1, 1]} : vector<64x32xi32> to vector<64x8xi32>
    %concatenate3A_254 = tpu.concatenate %slice3A_253, %slice3A_253, %slice3A_253, %slice3A_253 in 1 : vector<64x8xi32>, vector<64x8xi32>, vector<64x8xi32>, vector<64x8xi32> -> vector<64x32xi32>
    %eq3A_255 = arith.constant 1 : i32
    %eq3A_256 = vector.broadcast %eq3A_255 : i32 to vector<64x32xi32>
    %eq3A_257 = arith.cmpi eq, %select_n3A_237, %eq3A_256 : vector<64x32xi32>
    %select_n3A_258 = arith.select %eq3A_257, %concatenate3A_254, %select_n3A_245 : vector<64x32xi1>, vector<64x32xi32>
    %eq3A_259 = arith.constant 1 : i32
    %eq3A_260 = vector.broadcast %eq3A_259 : i32 to vector<64x4xi32>
    %eq3A_261 = arith.cmpi eq, %concatenate3A_209, %eq3A_260 : vector<64x4xi32>
    %slice3A_262 = vector.extract_strided_slice %select_n3A_22 {offsets = [0, 1], sizes = [64, 1], strides = [1, 1]} : vector<64x4xi32> to vector<64x1xi32>
    %broadcast_in_dim3A_263 = vector.shape_cast %slice3A_262 : vector<64x1xi32> to vector<64x1xi32>
    %broadcast_in_dim3A_264 = vector.broadcast %broadcast_in_dim3A_263 : vector<64x1xi32> to vector<64x4xi32>
    %select_n3A_265 = arith.select %eq3A_261, %broadcast_in_dim3A_264, %select_n3A_252 : vector<64x4xi1>, vector<64x4xi32>
    %slice3A_266 = vector.extract_strided_slice %select_n3A_135 {offsets = [0, 16], sizes = [64, 8], strides = [1, 1]} : vector<64x32xi32> to vector<64x8xi32>
    %concatenate3A_267 = tpu.concatenate %slice3A_266, %slice3A_266, %slice3A_266, %slice3A_266 in 1 : vector<64x8xi32>, vector<64x8xi32>, vector<64x8xi32>, vector<64x8xi32> -> vector<64x32xi32>
    %eq3A_268 = arith.constant 2 : i32
    %eq3A_269 = vector.broadcast %eq3A_268 : i32 to vector<64x32xi32>
    %eq3A_270 = arith.cmpi eq, %select_n3A_237, %eq3A_269 : vector<64x32xi32>
    %select_n3A_271 = arith.select %eq3A_270, %concatenate3A_267, %select_n3A_258 : vector<64x32xi1>, vector<64x32xi32>
    %eq3A_272 = arith.constant 2 : i32
    %eq3A_273 = vector.broadcast %eq3A_272 : i32 to vector<64x4xi32>
    %eq3A_274 = arith.cmpi eq, %concatenate3A_209, %eq3A_273 : vector<64x4xi32>
    %slice3A_275 = vector.extract_strided_slice %select_n3A_22 {offsets = [0, 2], sizes = [64, 1], strides = [1, 1]} : vector<64x4xi32> to vector<64x1xi32>
    %broadcast_in_dim3A_276 = vector.shape_cast %slice3A_275 : vector<64x1xi32> to vector<64x1xi32>
    %broadcast_in_dim3A_277 = vector.broadcast %broadcast_in_dim3A_276 : vector<64x1xi32> to vector<64x4xi32>
    %select_n3A_278 = arith.select %eq3A_274, %broadcast_in_dim3A_277, %select_n3A_265 : vector<64x4xi1>, vector<64x4xi32>
    %slice3A_279 = vector.extract_strided_slice %select_n3A_135 {offsets = [0, 24], sizes = [64, 8], strides = [1, 1]} : vector<64x32xi32> to vector<64x8xi32>
    %concatenate3A_280 = tpu.concatenate %slice3A_279, %slice3A_279, %slice3A_279, %slice3A_279 in 1 : vector<64x8xi32>, vector<64x8xi32>, vector<64x8xi32>, vector<64x8xi32> -> vector<64x32xi32>
    %eq3A_281 = arith.constant 3 : i32
    %eq3A_282 = vector.broadcast %eq3A_281 : i32 to vector<64x32xi32>
    %eq3A_283 = arith.cmpi eq, %select_n3A_237, %eq3A_282 : vector<64x32xi32>
    %select_n3A_284 = arith.select %eq3A_283, %concatenate3A_280, %select_n3A_271 : vector<64x32xi1>, vector<64x32xi32>
    %eq3A_285 = arith.constant 3 : i32
    %eq3A_286 = vector.broadcast %eq3A_285 : i32 to vector<64x4xi32>
    %eq3A_287 = arith.cmpi eq, %concatenate3A_209, %eq3A_286 : vector<64x4xi32>
    %slice3A_288 = vector.extract_strided_slice %select_n3A_22 {offsets = [0, 3], sizes = [64, 1], strides = [1, 1]} : vector<64x4xi32> to vector<64x1xi32>
    %broadcast_in_dim3A_289 = vector.shape_cast %slice3A_288 : vector<64x1xi32> to vector<64x1xi32>
    %broadcast_in_dim3A_290 = vector.broadcast %broadcast_in_dim3A_289 : vector<64x1xi32> to vector<64x4xi32>
    %select_n3A_291 = arith.select %eq3A_287, %broadcast_in_dim3A_290, %select_n3A_278 : vector<64x4xi1>, vector<64x4xi32>
    %swap3A = arith.constant 0 : index
    %swap3A_292 = arith.constant 0 : index
    %swap3A_293 = vector.load %arg3[%swap3A, %swap3A_292] : memref<64x4xf32, #tpu.memory_space<vmem>>, vector<64x4xf32>
    tpu.vector_store %arg3[%swap3A, %swap3A_292], %get3A_3 {strides = array<i32>} : memref<64x4xf32, #tpu.memory_space<vmem>>, vector<64x4xf32>,
    %swap3A_294 = arith.constant 0 : index
    %swap3A_295 = arith.constant 0 : index
    %swap3A_296 = vector.load %arg4[%swap3A_294, %swap3A_295] : memref<64x4xf32, #tpu.memory_space<vmem>>, vector<64x4xf32>
    tpu.vector_store %arg4[%swap3A_294, %swap3A_295], %concatenate3A_208 {strides = array<i32>} : memref<64x4xf32, #tpu.memory_space<vmem>>, vector<64x4xf32>,
    %swap3A_297 = arith.constant 0 : index
    %swap3A_298 = arith.constant 0 : index
    %swap3A_299 = vector.load %arg5[%swap3A_297, %swap3A_298] : memref<64x4xf32, #tpu.memory_space<vmem>>, vector<64x4xf32>
    tpu.vector_store %arg5[%swap3A_297, %swap3A_298], %add3A_149 {strides = array<i32>} : memref<64x4xf32, #tpu.memory_space<vmem>>, vector<64x4xf32>,
    %swap3A_300 = arith.constant 0 : index
    %swap3A_301 = arith.constant 0 : index
    %swap3A_302 = vector.load %arg6[%swap3A_300, %swap3A_301] : memref<64x4xi32, #tpu.memory_space<vmem>>, vector<64x4xi32>
    tpu.vector_store %arg6[%swap3A_300, %swap3A_301], %select_n3A_22 {strides = array<i32>} : memref<64x4xi32, #tpu.memory_space<vmem>>, vector<64x4xi32>,
    %slice3A_303 = vector.extract_strided_slice %select_n3A_284 {offsets = [0, 0], sizes = [64, 8], strides = [1, 1]} : vector<64x32xi32> to vector<64x8xi32>
    %slice3A_304 = vector.extract_strided_slice %select_n3A_291 {offsets = [0, 0], sizes = [64, 1], strides = [1, 1]} : vector<64x4xi32> to vector<64x1xi32>
    %concatenate3A_305 = tpu.concatenate %slice3A_303, %slice3A_304 in 1 : vector<64x8xi32>, vector<64x1xi32> -> vector<64x9xi32>
    %slice3A_306 = vector.extract_strided_slice %select_n3A_284 {offsets = [0, 8], sizes = [64, 8], strides = [1, 1]} : vector<64x32xi32> to vector<64x8xi32>
    %slice3A_307 = vector.extract_strided_slice %select_n3A_291 {offsets = [0, 1], sizes = [64, 1], strides = [1, 1]} : vector<64x4xi32> to vector<64x1xi32>
    %concatenate3A_308 = tpu.concatenate %slice3A_306, %slice3A_307 in 1 : vector<64x8xi32>, vector<64x1xi32> -> vector<64x9xi32>
    %slice3A_309 = vector.extract_strided_slice %select_n3A_284 {offsets = [0, 16], sizes = [64, 8], strides = [1, 1]} : vector<64x32xi32> to vector<64x8xi32>
    %slice3A_310 = vector.extract_strided_slice %select_n3A_291 {offsets = [0, 2], sizes = [64, 1], strides = [1, 1]} : vector<64x4xi32> to vector<64x1xi32>
    %concatenate3A_311 = tpu.concatenate %slice3A_309, %slice3A_310 in 1 : vector<64x8xi32>, vector<64x1xi32> -> vector<64x9xi32>
    %slice3A_312 = vector.extract_strided_slice %select_n3A_284 {offsets = [0, 24], sizes = [64, 8], strides = [1, 1]} : vector<64x32xi32> to vector<64x8xi32>
    %slice3A_313 = vector.extract_strided_slice %select_n3A_291 {offsets = [0, 3], sizes = [64, 1], strides = [1, 1]} : vector<64x4xi32> to vector<64x1xi32>
    %concatenate3A_314 = tpu.concatenate %slice3A_312, %slice3A_313 in 1 : vector<64x8xi32>, vector<64x1xi32> -> vector<64x9xi32>
    %concatenate3A_315 = tpu.concatenate %concatenate3A_305, %concatenate3A_308, %concatenate3A_311, %concatenate3A_314 in 1 : vector<64x9xi32>, vector<64x9xi32>, vector<64x9xi32>, vector<64x9xi32> -> vector<64x36xi32>
    %swap3A_316 = arith.constant 0 : index
    %swap3A_317 = arith.constant 0 : index
    %swap3A_318 = vector.load %arg7[%swap3A_316, %swap3A_317] : memref<64x36xi32, #tpu.memory_space<vmem>>, vector<64x36xi32>
    tpu.vector_store %arg7[%swap3A_316, %swap3A_317], %concatenate3A_315 {strides = array<i32>} : memref<64x36xi32, #tpu.memory_space<vmem>>, vector<64x36xi32>,
    return
  }
}

</mosaic_0001>

<sc_bundles>
// kernel: kernel.4.cloned.1.call-start
scs
__scs_entry_jumppad:
0x0: {  	(pc) =	sbr.rel $0x88, $3  }
0x1: {  	(tag) =	ssettag $0x0;
	lr =	simm.s32 $0x1  }
0x2: {  	[smem:$0x3F9E] =	sst lr;
	_ =	strace $0xD0000000  }
0x3: {  	_ = 	snop  }
0x4: {  	_ = 	snop  }
0x5: {  	_ = 	snop  }
0x6: {  	_ = 	snop  }
0x7: {  	_ = 	snop  }
__scs_overlays_trampoline_lowered:
0x8: {  	[smem:$0x3FAD] =	sst s0  }
0x9: {  	[smem:$0x3FAE] =	sst s1  }
0xa: {  	[smem:$0x3FAF] =	sst s2  }
0xb: {  	[smem:$0x3FB0] =	sst s3  }
0xc: {  	[smem:$0x3FB1] =	sst s4  }
0xd: {  	[smem:$0x3FB2] =	sst s5  }
0xe: {  	[smem:$0x3FB3] =	sst s6  }
0xf: {  	[smem:$0x3FB4] =	sst s7  }
0x10: {  	[smem:$0x3FB5] =	sst s8  }
0x11: {  	[smem:$0x3FB6] =	sst s9;
	s0 =	simm.s32 @!p0 $0x0  }
0x12: {  	s1 =	sld [smem:$0x3F9C];
	s0 =	simm.s32 @p0 $0x1  }
0x13: {  	[smem:$0x3FB7] =	sst s0;
	s0 =	simm.s32 @!p1 $0x0  }
0x14: {  	s2 =	sld [smem:$0x3F9B];
	s0 =	simm.s32 @p1 $0x1  }
0x15: {  	[smem:$0x3FB8] =	sst s0;
	s0 =	simm.s32 @!p2 $0x0  }
0x16: {  	s3 =	sld [smem:$0x3FDB];
	s0 =	simm.s32 @p2 $0x1  }
0x17: {  	s4 =	simm.s32 $0x1BF5;
	[smem:$0x3FBA] =	sst s0  }
0x18: {  	s0 =	sld [smem:$0x3F9D];
	_ =	swait.ge [sflag:s4], $0x0  }
0x19: {  	s7 =	sld [smem:$0x3F9E]  }
0x1a: {  	s8 =	sadd.s32 $0xFFFFE003, lr  }
0x1b: {  	s9 =	sadd.s32 $0xFFFFFEF7, lr;
	s5 =	simm.s32 $0xFFFFFFFF;
	p2 =	slt.u32 s8, $0xFFFFF086  }
0x1c: {  	p1 =	slt.u32 s9, $0xF7A;
	s5 =	simm.s32 @!p2 $0x0  }
0x1d: {  	s5 =	simm.s32 @p1 $0x1;
	p0 =	seq.s32 s7, s2  }
0x1e: {  	s7 =	smul.u32 @!p0 $0xF7A, s2;
	p2 =	seq.s32 @!p0 s5, $0x0  }
0x1f: {  	s9 =	smul.u32 $0xF7A, s1;
	s8 =	simm.s32 @!p0 $0x1BF5;
	p2 =	por !p2, p0  }
0x20: {  	[sflag:s8] =	ssyncset.s32 @!p0 $0xFFFFF086;
	s6 =	sadd.s32 @!p0 s3, s7;
	s7 =	simm.s32 @!p0 $0x108  }
0x21: {  	s3 =	sadd.s32 s3, s9;
	s6 =	sadd.s32 @!p0 $0x88, s6;
	s7 =	simm.s32 @p2 $0x1082  }
0x22: {  	[simem:s7], [sflag:s8] =	dma.local @!p0 [hbm:s6], $0xF7A  }
0x23: {  	s9 =	sor.u32 $0xD0000000, s2;
	s6 =	simm.s32 $0x108;
	_ =	swait.ge @!p0 [sflag:s8], $0x0  }
0x24: {  	s3 =	sadd.s32 $0x88, s3;
	s6 =	simm.s32 @!p1 $0x1082;
	[sflag:s4] =	ssyncset.s32 $0xFFFFF086  }
0x25: {  	[simem:s6], [sflag:s4] =	dma.local [hbm:s3], $0xF7A  }
0x26: {  	[smem:$0x3F9E] =	sst s1;
	(tag) =	ssettag s2;
	_ =	strace s9  }
0x27: {  	s1 =	sld [smem:$0x3FAE]  }
0x28: {  	s2 =	sld [smem:$0x3FAF]  }
0x29: {  	s4 =	sld [smem:$0x3FB1]  }
0x2a: {  	p0 =	seq.s32 s5, $0x0;
	s5 =	sld [smem:$0x3FB2]  }
0x2b: {  	s6 =	sld [smem:$0x3FB3]  }
0x2c: {  	s7 =	sld [smem:$0x3FB4]  }
0x2d: {  	s3 =	simm.s32 $0x108;
	s8 =	sld [smem:$0x3FB5]  }
0x2e: {  	s3 =	simm.s32 @!p0 $0x1082;
	s9 =	sld [smem:$0x3FB6]  }
0x2f: {  	lr =	sadd.s32 s0, s3;
	s0 =	sld [smem:$0x3FAD]  }
0x30: {  	s3 =	sld [smem:$0x3FB0]  }
0x31: {  	[smem:$0x3FB9] =	sst s10  }
0x32: {  	s10 =	sld [smem:$0x3FB7];
	_ =	sdelay $0x3  }
0x33: {  	p0 =	seq.s32 s10, $0x1;
	s10 =	sld [smem:$0x3FB9];
	_ =	sdelay $0x3  }
0x34: {  	[smem:$0x3FB9] =	sst s10  }
0x35: {  	s10 =	sld [smem:$0x3FB8];
	_ =	sdelay $0x3  }
0x36: {  	p1 =	seq.s32 s10, $0x1;
	s10 =	sld [smem:$0x3FB9];
	_ =	sdelay $0x3  }
0x37: {  	[smem:$0x3FB9] =	sst s10  }
0x38: {  	s10 =	sld [smem:$0x3FBA]  }
0x39: {  	_ = 	snop;
	(pc) =	sbr.ind lr, $3  }
0x3a: {  	_ = 	snop  }
0x3b: {  	_ = 	snop  }
0x3c: {  	p2 =	seq.s32 s10, $0x1;
	s10 =	sld [smem:$0x3FB9]  }
0x3d: {  	_ =	shalt  }
0x3e: {  	_ =	shalt  }
0x3f: {  	_ =	shalt  }
0x40: {  	_ =	shalt  }
0x41: {  	_ =	shalt  }
0x42: {  	_ =	shalt  }
0x43: {  	_ =	shalt  }
0x44: {  	_ =	shalt  }
0x45: {  	_ =	shalt  }
0x46: {  	_ =	shalt  }
0x47: {  	_ =	shalt  }
0x48: {  	_ =	shalt  }
0x49: {  	_ =	shalt  }
0x4a: {  	_ =	shalt  }
0x4b: {  	_ =	shalt  }
0x4c: {  	_ =	shalt  }
0x4d: {  	_ =	shalt  }
0x4e: {  	_ =	shalt  }
0x4f: {  	_ =	shalt  }
0x50: {  	_ =	shalt  }
0x51: {  	_ =	shalt  }
0x52: {  	_ =	shalt  }
0x53: {  	_ =	shalt  }
0x54: {  	_ =	shalt  }
0x55: {  	_ =	shalt  }
0x56: {  	_ =	shalt  }
0x57: {  	_ =	shalt  }
0x58: {  	_ =	shalt  }
0x59: {  	_ =	shalt  }
0x5a: {  	_ =	shalt  }
0x5b: {  	_ =	shalt  }
0x5c: {  	_ =	shalt  }
0x5d: {  	_ =	shalt  }
0x5e: {  	_ =	shalt  }
0x5f: {  	_ =	shalt  }
0x60: {  	_ =	shalt  }
0x61: {  	_ =	shalt  }
0x62: {  	_ =	shalt  }
0x63: {  	_ =	shalt  }
0x64: {  	_ =	shalt  }
0x65: {  	_ =	shalt  }
0x66: {  	_ =	shalt  }
0x67: {  	_ =	shalt  }
0x68: {  	_ =	shalt  }
0x69: {  	_ =	shalt  }
0x6a: {  	_ =	shalt  }
0x6b: {  	_ =	shalt  }
0x6c: {  	_ =	shalt  }
0x6d: {  	_ =	shalt  }
0x6e: {  	_ =	shalt  }
0x6f: {  	_ =	shalt  }
0x70: {  	_ =	shalt  }
0x71: {  	_ =	shalt  }
0x72: {  	_ =	shalt  }
0x73: {  	_ =	shalt  }
0x74: {  	_ =	shalt  }
0x75: {  	_ =	shalt  }
0x76: {  	_ =	shalt  }
0x77: {  	_ =	shalt  }
0x78: {  	_ =	shalt  }
0x79: {  	_ =	shalt  }
0x7a: {  	_ =	shalt  }
0x7b: {  	_ =	shalt  }
0x7c: {  	_ =	shalt  }
0x7d: {  	_ =	shalt  }
0x7e: {  	_ =	shalt  }
0x7f: {  	_ =	shalt  }
0x80: {  	_ =	shalt  }
0x81: {  	_ =	shalt  }
0x82: {  	_ =	shalt  }
0x83: {  	_ =	shalt  }
0x84: {  	_ =	shalt  }
0x85: {  	_ =	shalt  }
0x86: {  	_ =	shalt  }
0x87: {  	_ =	shalt  }
.Lfunc_end0:
.L_simem_size_0:
called_computation_lowered:
.L_overlay_start_0:
0x88: {  	s2 =	sld [smem:$0x3FD9]  }
0x89: {  	s3 =	sld [smem:$0x3FFE];
	_ =	sdelay $0x1  }
0x8a: {  	s1 =	srdreg.scid  }
0x8b: {  	s0 =	sand.u32 $0x1, s1  }
0x8c: {  	s14 =	sshll.u32 s0, $0xA;
	s2 =	sadd.s32 s3, s2  }
0x8d: {  	s2 =	sadd.s32 s2, s14  }
0x8e: {  	[smem:$0x3FC5] =	sst s2  }
0x8f: {  	_ = 	snop  }
0x90: {  	s2 =	sld [smem:$0x3FD0];
	_ =	sdelay $0x2  }
0x91: {  	s15 =	simm.s32 $0xA;
	s4 =	simm.s32 $0x10  }
0x92: {  	[smem:s4], [sflag:s15] =	dma.local [hbm:s2], $0x1  }
0x93: {  	_ =	swait.eq [sflag:s15], $0x1  }
0x94: {  	s16 =	sld [smem:$0x11];
	[sflag:s15] =	ssyncset.done $0x0  }
0x95: {  	s17 =	sld [smem:$0x12];
	[sflag:s15] =	ssyncadd.s32 $0xFFFFFFFF  }
0x96: {  	s18 =	sld [smem:$0x13];
	(tm) =	ssettm $0x1  }
0x97: {  	s5 =	sld [smem:$0x3FFB];
	_ =	sdelay $0x3  }
0x98: {  	_ =	strace s5  }
0x99: {  	s5 =	sld [smem:$0x3FFC];
	_ =	sdelay $0x3  }
0x9a: {  	_ =	strace s5  }
0x9b: {  	s5 =	sld [smem:$0x3FFD];
	_ =	sdelay $0x3  }
0x9c: {  	_ =	strace s5  }
0x9d: {  	_ =	strace $0x8FFFFFFF  }
0x9e: {  	s19 =	sld [smem:$0x3FDB];
	_ =	sdelay $0x1  }
0x9f: {  	s6 =	simm.s32 $_scs_section_size  }
0xa0: {  	s7 =	simm.s32 $_size__tile_overlayer_lowered;
	s8 =	simm.s32 $_tile_overlayer_lowered  }
0xa1: {  	s22 =	simm.s32 $0x1BFF;
	s21 =	sshll.u32 s8, $0x1;
	s5 =	sadd.s32 s6, s19  }
0xa2: {  	s9 =	simm.s32 $0x0;
	s20 =	sshll.u32 s7, $0x1;
	s7 =	sadd.s32 s21, s5  }
0xa3: {  	[timem:s9], [sflag:s22] =	dma.local [hbm:s7], s20  }
0xa4: {  	_ =	swait.ge [sflag:s22], s20  }
0xa5: {  	s6 =	ssub.s32 $0x0, s20;
	[sflag:s22] =	ssyncset.done $0x0  }
0xa6: {  	[sflag:s22] =	ssyncadd.s32 s6;
	_ =	sdelay $0x1  }
0xa7: {  	s23 =	simm.s32 $0x1B8B  }
0xa8: {  	_ =	swait.ge [sflag:s23], $0x1  }
0xa9: {  	[sflag:s23] =	ssyncset.done $0x0  }
0xaa: {  	s25 =	simm.s32 $0x1B8E;
	s24 =	sld [smem:$0x3FFE];
	[sflag:s23] =	ssyncadd.s32 $0xFFFFFFFF  }
0xab: {  	s26 =	simm.s32 $execute0_lowered;
	[smem:$0x3FD2] =	sst s25  }
0xac: {  	s7 =	sshll.u32 s26, $0x1;
	_ =	strace $0x80000046;
	[dreg:$0x1] =	wrdreg $0xFFFFFFFF  }
0xad: {  	s28 =	simm.s32 $_size_execute0_lowered;
	s5 =	sadd.s32 s5, s7;
	[dreg:$0x0] =	wrdreg $0x0  }
0xae: {  	s7 =	sshll.u32 s28, $0x1;
	[dreg:$0x2] =	wrdreg s5  }
0xaf: {  	[dreg:$0x3] =	wrdreg s7  }
0xb0: {  	[dreg:$0x4] =	wrdreg $0xC0  }
0xb1: {  	_ =	task [dreg:s9], $0x5FFFF  }
0xb2: {  	[dreg:$0x1] =	wrdreg $0xFFFFFFFF  }
0xb3: {  	[dreg:$0x0] =	wrdreg $0x60  }
0xb4: {  	[dreg:$0x2] =	wrdreg s24  }
0xb5: {  	[dreg:$0x3] =	wrdreg s18  }
0xb6: {  	[dreg:$0x4] =	wrdreg s17  }
0xb7: {  	[dreg:$0x5] =	wrdreg s16  }
0xb8: {  	[dreg:$0x6] =	wrdreg $0x9  }
0xb9: {  	_ =	task.clear_ibuf [dreg:s9], $0x7FFFF;
	_ =	strace $0x90000046  }
0xba: {  	s29 =	simm.s32 $0x9;
	_ =	strace $0x80000048  }
0xbb: {  	_ =	swait.ge [sflag:s29], $0x1  }
0xbc: {  	[sflag:s29] =	ssyncadd.s32 $0xFFFFFFFF  }
0xbd: {  	_ =	strace $0x90000048  }
0xbe: {  	_ =	sfence  }
0xbf: {  	s30 =	sld [smem:$0x0];
	_ =	sdelay $0x2  }
0xc0: {  	s31 =	sshll.u32 s1, $0xD;
	s1 =	sshrl.u32 s1, $0x2  }
0xc1: {  	s3 =	sand.u32 $0x4000, s31;
	s1 =	sadd.s32 s1, s30  }
0xc2: {  	s0 =	sor.u32 s3, s0;
	s1 =	sshll.u32 s1, $0x11  }
0xc3: {  	s0 =	sor.u32 s1, s0  }
0xc4: {  	s0 =	sadd.s32 $0x8F2B, s0  }
0xc5: {  	[sflag:s0] =	ssyncadd.remote.s32 $0x1  }
0xc6: {  	_ =	sfence.sel $0xFFFF  }
0xc7: {  	[dreg:$0x0] =	wrdreg $0xFFFFFFFF;
	(pc) =	sbr.abs _section_cstart, $3  }
0xc8: {  	[dreg:$0x1] =	wrdreg $0xFFFFFFFF  }
0xc9: {  	_ =	task.clear_ibuf [dreg:s9], $0x2FFFF;
	_ =	strace $0x9FFFFFFF  }
0xca: {  	(tm) =	ssettm $0x7FFFFFFF  }
0xcb: {  	_ =	shalt  }
tec
execute0_lowered:
.L_overlay_start_1:
0x0: {  	(tag) =	ssettag $0x1  }
0x1: {  	s0 =	rddreg [dreg:$0x0]  }
0x2: {  	s1 =	rddreg [dreg:$0x1]  }
0x3: {  	s9 =	rddreg [dreg:$0x2]  }
0x4: {  	s2 =	srdreg.scid;
	s4 =	stileid.u32  }
0x5: {  	s10 =	rddreg [dreg:$0x3];
	s13 =	simm.s32 $0x3;
	s14 =	simm.s32 $0x4E80  }
0x6: {  	s15 =	simm.s32 $0x1;
	s16 =	simm.s32 $0x2;
	s18 =	simm.s32 $0xC300  }
0x7: {  	s19 =	simm.s32 $0xB600;
	s3 =	sand.u32 $0x1, s2;
	s4 =	sshll.u32 s4, $0x1  }
0x8: {  	v0 =	vimm.f32 $-1.000000020e+30;
	s20 =	simm.s32 $0x0;
	s2 =	simm.s32 $0x0;
	s11 =	sor.u32 s3, s4  }
0x9: {  	v1 =	vimm.s32 $0x40000000;
	vm2 =	vcmask $0xB20;
	vm3 =	vcmask $0xF20;
	[smem:$0x7FF] =	sst s2;
	s5 =	ssub.s32 $0x2, s3;
	s4 =	sadd.s32 $0xE00, s0  }
0xa: {  	vm4 =	vcmask $0x1320;
	vm5 =	vcmask $0x1720;
	vm6 =	vcmask $0x1B20;
	s3 =	smul.u32 $0xC3500, s11;
	_ =	strace $0x80000047;
	s30 =	sshrl.u32 s5, $0x1  }
0xb: {  	vm7 =	vcmask $0x300;
	vm8 =	vcmask $0x704;
	vm9 =	vcmask $0xB08;
	s9 =	sadd.s32 s9, s11;
	s10 =	sadd.s32 s10, s11;
	s0 =	ssub.s32 s5, s30  }
0xc: {  	vm10 =	vcmask $0xF0C;
	vm11 =	vcmask $0x1310;
	vm12 =	vcmask $0x1714;
	s5 =	sadd.s32 s1, s11;
	s31 =	sshrl.u32 s3, $0x3;
	s7 =	sadd.s32 $0x9C40, s3  }
0xd: {  	vm13 =	vcmask $0x1B18;
	vm14 =	vcmask $0x1F1C;
	v2 =	vlaneseq.u32;
	s8 =	sadd.s32 $0x61A80, s3;
	s11 =	smax.u32 s0, $0x1;
	s6 =	sadd.s32 s4, s31  }
.LBB2_1:
0xe: {  	s0 =	simm.s32 $0xC200  }
0xf: {  	[tilespmem:s0], [sflag:$0x3] =	stream.linear.gather [hbm4b:s5+s2], $0x8, $0x38;
	[tilespmem:$0xC380] =	vst v63  }
0x10: {  	_ =	swait.ge [sflag:s13], $0x8  }
0x11: {  	[sflag:s13] =	ssyncset.done $0x0  }
0x12: {  	s21 =	simm.s32 $0x0;
	[sflag:s13] =	ssyncadd.s32 $0xFFFFFFF8  }
0x13: {  	v3 =	vld [tilespmem:$0xC200];
	[tilespmem:s2], [sflag:$0x1] =	stream.linear.gather [hbm4b:s6+s2], $0x4E20, $0x38  }
.LBB2_2:
0x14: {  	s22 =	sshllo.u32 s21, $0x1  }
0x15: {  	s0 =	smul.u32 $0x4E20, s22;
	_ =	sdelay $0x1  }
0x16: {  	s0 =	sadd.s32 s3, s0  }
0x17: {  	s0 =	sshrl.u32 s0, $0x3  }
0x18: {  	s1 =	simm.s32 $0x0;
	s0 =	sadd.s32 s4, s0  }
0x19: {  	[tilespmem:s14], [sflag:$0x2] =	stream.linear.gather [hbm4b:s0+s1], $0x4E20, $0x38;
	[tilespmem:$0xC380] =	vst v63  }
0x1a: {  	_ =	swait.ge [sflag:s15], $0x4E20  }
0x1b: {  	[sflag:s15] =	ssyncset.done $0x0  }
0x1c: {  	s31 =	simm.s32 $0x0;
	[sflag:s15] =	ssyncadd.s32 $0xFFFFB1E0  }
0x1d: {  	v4 =	vld [tilespmem:s31+$0x40]  }
0x1e: {  	v6 =	vld [tilespmem:s31+$0x0]  }
0x1f: {  	v7 =	vld [tilespmem:s31+$0x10]  }
0x20: {  	v5 =	vimm.f32 $-1.000000020e+30;
	v9 =	vimm.f32 $-1.000000020e+30;
	v8 =	vld [tilespmem:s31+$0x20]  }
0x21: {  	v11 =	vimm.f32 $-1.000000020e+30;
	v12 =	vimm.f32 $-1.000000020e+30;
	v13 =	vimm.f32 $-1.000000020e+30;
	s0 =	simm.s32 $0x140;
	v10 =	vld [tilespmem:s31+$0x30]  }
.LBB2_3:
0x22: {  	s1 =	sshra.s32 s0, $0x2;
	p0 =	sne.s32 s0, $0x1E00;
	s0 =	sadd.s32 $0x140, s0;
	v5 =	vmax.f32 v5, v4  }
.Ltmp0:
0x23: {  	v4 =	vld [tilespmem:s1+$0x40];
	v9 =	vmax.f32 v9, v6;
	(pc) =	sbr.rel @p0 .LBB2_3-.Ltmp0, $4  }
0x24: {  	v6 =	vld [tilespmem:s1+$0x0];
	v11 =	vmax.f32 v11, v7  }
0x25: {  	v7 =	vld [tilespmem:s1+$0x10];
	v12 =	vmax.f32 v12, v8  }
0x26: {  	v8 =	vld [tilespmem:s1+$0x20];
	v13 =	vmax.f32 v13, v10  }
0x27: {  	v10 =	vld [tilespmem:s1+$0x30]  }
0x28: {  	_ =	sdelay $0x2  }
0x29: {  	v6 =	vmax.f32 v9, v6  }
0x2a: {  	v7 =	vmax.f32 v11, v7;
	v8 =	vmax.f32 v12, v8;
	v9 =	vmax.f32 v13, v10  }
0x2b: {  	s0 =	smul.u32 $0x500, s21;
	v6 =	vmax.f32 v6, v7;
	v7 =	vmax.f32 v8, v9  }
0x2c: {  	v4 =	vmax.f32 v5, v4;
	v5 =	vmax.f32 v6, v7  }
0x2d: {  	s31 =	simm.s32 $0x0;
	s23 =	sshra.s32 s0, $0x2;
	v4 =	vmax.f32 v5, v4  }
0x2e: {  	s1 =	sand.u32 $0xFF0, s31;
	[tilespmem:s23+$0x9D00] =	vst v4  }
0x2f: {  	s0 =	simm.s32 $0x810;
	v6 =	vld [tilespmem:s1+$0x800]  }
0x30: {  	v4 =	vld [tilespmem:s0+$0x0]  }
0x31: {  	v8 =	vld [tilespmem:s0+$0xFFFFFFD0]  }
0x32: {  	v11 =	vimm.f32 $-1.000000020e+30;
	v12 =	vimm.f32 $-1.000000020e+30;
	v9 =	vld [tilespmem:s0+$0xFFFFFFE0]  }
0x33: {  	v13 =	vimm.f32 $-1.000000020e+30;
	v7 =	vimm.f32 $-1.000000020e+30;
	v5 =	vimm.f32 $-1.000000020e+30;
	s1 =	simm.s32 $0x50;
	v10 =	vld [tilespmem:s0+$0xFFFFFFC0]  }
.LBB2_5:
0x34: {  	s12 =	sand.u32 $0xFF0, s1;
	p0 =	sne.s32 s1, $0x780  }
.Ltmp1:
0x35: {  	s1 =	sadd.s32 $0x50, s1;
	v7 =	vmax.f32 v7, v6;
	s0 =	sadd.s32 $0x50, s0;
	v6 =	vld [tilespmem:s12+$0x800];
	v5 =	vmax.f32 v5, v4;
	(pc) =	sbr.rel @p0 .LBB2_5-.Ltmp1, $4  }
0x36: {  	v4 =	vld [tilespmem:s0+$0x0];
	v11 =	vmax.f32 v11, v8  }
0x37: {  	v8 =	vld [tilespmem:s0+$0xFFFFFFD0];
	v12 =	vmax.f32 v12, v9  }
0x38: {  	v9 =	vld [tilespmem:s0+$0xFFFFFFE0];
	v13 =	vmax.f32 v13, v10  }
0x39: {  	v10 =	vld [tilespmem:s0+$0xFFFFFFC0]  }
0x3a: {  	_ =	sdelay $0x2  }
0x3b: {  	v6 =	vmax.f32 v7, v6  }
0x3c: {  	v7 =	vmax.f32 v11, v8;
	v8 =	vmax.f32 v12, v9;
	v9 =	vmax.f32 v13, v10  }
0x3d: {  	v6 =	vmax.f32 v8, v6;
	v7 =	vmax.f32 v9, v7  }
0x3e: {  	v4 =	vmax.f32 v5, v4;
	v5 =	vmax.f32 v7, v6  }
0x3f: {  	v4 =	vmax.f32 v5, v4  }
0x40: {  	s1 =	simm.s32 $0x0;
	[tilespmem:s23+$0x9D10] =	vst v4  }
0x41: {  	v4 =	vld [tilespmem:s1+$0xFE0]  }
0x42: {  	v6 =	vld [tilespmem:s1+$0xFA0]  }
0x43: {  	v7 =	vld [tilespmem:s1+$0xFB0]  }
0x44: {  	v11 =	vimm.f32 $-1.000000020e+30;
	v12 =	vimm.f32 $-1.000000020e+30;
	v8 =	vld [tilespmem:s1+$0xFC0]  }
0x45: {  	s0 =	simm.s32 $0x140;
	v13 =	vimm.f32 $-1.000000020e+30;
	v9 =	vimm.f32 $-1.000000020e+30;
	v5 =	vimm.f32 $-1.000000020e+30;
	v10 =	vld [tilespmem:s1+$0xFD0]  }
.LBB2_7:
0x46: {  	s1 =	sshra.s32 s0, $0x2;
	p0 =	sne.s32 s0, $0x1E00;
	s0 =	sadd.s32 $0x140, s0;
	v5 =	vmax.f32 v5, v4  }
.Ltmp2:
0x47: {  	v4 =	vld [tilespmem:s1+$0xFE0];
	v9 =	vmax.f32 v9, v6;
	(pc) =	sbr.rel @p0 .LBB2_7-.Ltmp2, $4  }
0x48: {  	v6 =	vld [tilespmem:s1+$0xFA0];
	v11 =	vmax.f32 v11, v7  }
0x49: {  	v7 =	vld [tilespmem:s1+$0xFB0];
	v12 =	vmax.f32 v12, v8  }
0x4a: {  	v8 =	vld [tilespmem:s1+$0xFC0];
	v13 =	vmax.f32 v13, v10  }
0x4b: {  	v10 =	vld [tilespmem:s1+$0xFD0]  }
0x4c: {  	_ =	sdelay $0x2  }
0x4d: {  	v6 =	vmax.f32 v9, v6  }
0x4e: {  	v7 =	vmax.f32 v11, v7;
	v8 =	vmax.f32 v12, v8;
	v9 =	vmax.f32 v13, v10  }
0x4f: {  	v6 =	vmax.f32 v6, v7;
	v7 =	vmax.f32 v8, v9  }
0x50: {  	v4 =	vmax.f32 v5, v4;
	v5 =	vmax.f32 v6, v7  }
0x51: {  	s0 =	simm.s32 $0x0;
	v4 =	vmax.f32 v5, v4  }
0x52: {  	s1 =	sand.u32 $0xFF0, s0;
	[tilespmem:s23+$0x9D20] =	vst v4  }
0x53: {  	s0 =	simm.s32 $0x17B0;
	v6 =	vld [tilespmem:s1+$0x1780]  }
0x54: {  	v4 =	vld [tilespmem:s0+$0x0]  }
0x55: {  	v8 =	vld [tilespmem:s0+$0xFFFFFFE0]  }
0x56: {  	v11 =	vimm.f32 $-1.000000020e+30;
	v12 =	vimm.f32 $-1.000000020e+30;
	v9 =	vld [tilespmem:s0+$0xFFFFFFF0]  }
0x57: {  	v13 =	vimm.f32 $-1.000000020e+30;
	v7 =	vimm.f32 $-1.000000020e+30;
	v5 =	vimm.f32 $-1.000000020e+30;
	s1 =	simm.s32 $0x50;
	v10 =	vld [tilespmem:s0+$0xFFFFFFC0]  }
.LBB2_9:
0x58: {  	s12 =	sand.u32 $0xFF0, s1;
	p0 =	sne.s32 s1, $0x780  }
.Ltmp3:
0x59: {  	s1 =	sadd.s32 $0x50, s1;
	v7 =	vmax.f32 v7, v6;
	s0 =	sadd.s32 $0x50, s0;
	v6 =	vld [tilespmem:s12+$0x1780];
	v5 =	vmax.f32 v5, v4;
	(pc) =	sbr.rel @p0 .LBB2_9-.Ltmp3, $4  }
0x5a: {  	v4 =	vld [tilespmem:s0+$0x0];
	v11 =	vmax.f32 v11, v8  }
0x5b: {  	v8 =	vld [tilespmem:s0+$0xFFFFFFE0];
	v12 =	vmax.f32 v12, v9  }
0x5c: {  	v9 =	vld [tilespmem:s0+$0xFFFFFFF0];
	v13 =	vmax.f32 v13, v10  }
0x5d: {  	v10 =	vld [tilespmem:s0+$0xFFFFFFC0]  }
0x5e: {  	_ =	sdelay $0x2  }
0x5f: {  	v6 =	vmax.f32 v7, v6  }
0x60: {  	v7 =	vmax.f32 v11, v8;
	v8 =	vmax.f32 v12, v9;
	v9 =	vmax.f32 v13, v10  }
0x61: {  	v7 =	vmax.f32 v7, v8;
	v6 =	vmax.f32 v9, v6  }
0x62: {  	v4 =	vmax.f32 v5, v4;
	v5 =	vmax.f32 v6, v7  }
0x63: {  	s0 =	simm.s32 $0x0;
	v4 =	vmax.f32 v5, v4  }
0x64: {  	s1 =	sand.u32 $0xFF0, s0;
	[tilespmem:s23+$0x9D30] =	vst v4  }
0x65: {  	s0 =	simm.s32 $0x1F70;
	v4 =	vld [tilespmem:s1+$0x1F80]  }
0x66: {  	v9 =	vld [tilespmem:s0+$0x0]  }
0x67: {  	v7 =	vld [tilespmem:s0+$0xFFFFFFE0]  }
0x68: {  	v11 =	vimm.f32 $-1.000000020e+30;
	v12 =	vimm.f32 $-1.000000020e+30;
	v8 =	vld [tilespmem:s0+$0xFFFFFFF0]  }
0x69: {  	v13 =	vimm.f32 $-1.000000020e+30;
	v6 =	vimm.f32 $-1.000000020e+30;
	v5 =	vimm.f32 $-1.000000020e+30;
	s1 =	simm.s32 $0x50;
	v10 =	vld [tilespmem:s0+$0xFFFFFFD0]  }
.LBB2_11:
0x6a: {  	s12 =	sand.u32 $0xFF0, s1;
	p0 =	sne.s32 s1, $0x780  }
.Ltmp4:
0x6b: {  	s1 =	sadd.s32 $0x50, s1;
	v5 =	vmax.f32 v5, v4;
	s0 =	sadd.s32 $0x50, s0;
	v6 =	vmax.f32 v6, v9;
	v4 =	vld [tilespmem:s12+$0x1F80];
	(pc) =	sbr.rel @p0 .LBB2_11-.Ltmp4, $4  }
0x6c: {  	v9 =	vld [tilespmem:s0+$0x0];
	v11 =	vmax.f32 v11, v7  }
0x6d: {  	v7 =	vld [tilespmem:s0+$0xFFFFFFE0];
	v12 =	vmax.f32 v12, v8  }
0x6e: {  	v8 =	vld [tilespmem:s0+$0xFFFFFFF0];
	v13 =	vmax.f32 v13, v10  }
0x6f: {  	v10 =	vld [tilespmem:s0+$0xFFFFFFD0]  }
0x70: {  	_ =	sdelay $0x2  }
0x71: {  	v6 =	vmax.f32 v6, v9  }
0x72: {  	v7 =	vmax.f32 v11, v7;
	v8 =	vmax.f32 v12, v8;
	v9 =	vmax.f32 v13, v10  }
0x73: {  	v6 =	vmax.f32 v8, v6;
	v7 =	vmax.f32 v9, v7  }
0x74: {  	v4 =	vmax.f32 v5, v4;
	v5 =	vmax.f32 v7, v6  }
0x75: {  	v4 =	vmax.f32 v5, v4  }
0x76: {  	s1 =	simm.s32 $0x0;
	[tilespmem:s23+$0x9D40] =	vst v4  }
0x77: {  	v4 =	vld [tilespmem:s1+$0x2750]  }
0x78: {  	v6 =	vld [tilespmem:s1+$0x2710]  }
0x79: {  	v7 =	vld [tilespmem:s1+$0x2720]  }
0x7a: {  	v11 =	vimm.f32 $-1.000000020e+30;
	v12 =	vimm.f32 $-1.000000020e+30;
	v8 =	vld [tilespmem:s1+$0x2730]  }
0x7b: {  	s0 =	simm.s32 $0x140;
	v13 =	vimm.f32 $-1.000000020e+30;
	v9 =	vimm.f32 $-1.000000020e+30;
	v5 =	vimm.f32 $-1.000000020e+30;
	v10 =	vld [tilespmem:s1+$0x2740]  }
.LBB2_13:
0x7c: {  	s1 =	sshra.s32 s0, $0x2;
	p0 =	sne.s32 s0, $0x1E00;
	s0 =	sadd.s32 $0x140, s0;
	v5 =	vmax.f32 v5, v4  }
.Ltmp5:
0x7d: {  	v4 =	vld [tilespmem:s1+$0x2750];
	v9 =	vmax.f32 v9, v6;
	(pc) =	sbr.rel @p0 .LBB2_13-.Ltmp5, $4  }
0x7e: {  	v6 =	vld [tilespmem:s1+$0x2710];
	v11 =	vmax.f32 v11, v7  }
0x7f: {  	v7 =	vld [tilespmem:s1+$0x2720];
	v12 =	vmax.f32 v12, v8  }
0x80: {  	v8 =	vld [tilespmem:s1+$0x2730];
	v13 =	vmax.f32 v13, v10  }
0x81: {  	v10 =	vld [tilespmem:s1+$0x2740]  }
0x82: {  	_ =	sdelay $0x2  }
0x83: {  	v6 =	vmax.f32 v9, v6  }
0x84: {  	v7 =	vmax.f32 v11, v7;
	v8 =	vmax.f32 v12, v8;
	v9 =	vmax.f32 v13, v10  }
0x85: {  	v6 =	vmax.f32 v6, v7;
	v7 =	vmax.f32 v8, v9  }
0x86: {  	v4 =	vmax.f32 v5, v4;
	v5 =	vmax.f32 v6, v7  }
0x87: {  	s0 =	simm.s32 $0x0;
	v4 =	vmax.f32 v5, v4  }
0x88: {  	s1 =	sand.u32 $0xFF0, s0;
	[tilespmem:s23+$0x9D50] =	vst v4  }
0x89: {  	s0 =	simm.s32 $0x2F20;
	v6 =	vld [tilespmem:s1+$0x2F00]  }
0x8a: {  	v4 =	vld [tilespmem:s0+$0x0]  }
0x8b: {  	v8 =	vld [tilespmem:s0+$0xFFFFFFD0]  }
0x8c: {  	v11 =	vimm.f32 $-1.000000020e+30;
	v12 =	vimm.f32 $-1.000000020e+30;
	v9 =	vld [tilespmem:s0+$0xFFFFFFF0]  }
0x8d: {  	v13 =	vimm.f32 $-1.000000020e+30;
	v7 =	vimm.f32 $-1.000000020e+30;
	v5 =	vimm.f32 $-1.000000020e+30;
	s1 =	simm.s32 $0x50;
	v10 =	vld [tilespmem:s0+$0xFFFFFFC0]  }
.LBB2_15:
0x8e: {  	s12 =	sand.u32 $0xFF0, s1;
	p0 =	sne.s32 s1, $0x780  }
.Ltmp6:
0x8f: {  	s1 =	sadd.s32 $0x50, s1;
	v7 =	vmax.f32 v7, v6;
	s0 =	sadd.s32 $0x50, s0;
	v6 =	vld [tilespmem:s12+$0x2F00];
	v5 =	vmax.f32 v5, v4;
	(pc) =	sbr.rel @p0 .LBB2_15-.Ltmp6, $4  }
0x90: {  	v4 =	vld [tilespmem:s0+$0x0];
	v11 =	vmax.f32 v11, v8  }
0x91: {  	v8 =	vld [tilespmem:s0+$0xFFFFFFD0];
	v12 =	vmax.f32 v12, v9  }
0x92: {  	v9 =	vld [tilespmem:s0+$0xFFFFFFF0];
	v13 =	vmax.f32 v13, v10  }
0x93: {  	v10 =	vld [tilespmem:s0+$0xFFFFFFC0]  }
0x94: {  	_ =	sdelay $0x2  }
0x95: {  	v6 =	vmax.f32 v7, v6  }
0x96: {  	v7 =	vmax.f32 v11, v8;
	v8 =	vmax.f32 v12, v9;
	v9 =	vmax.f32 v13, v10  }
0x97: {  	v6 =	vmax.f32 v6, v8;
	v7 =	vmax.f32 v9, v7  }
0x98: {  	v4 =	vmax.f32 v5, v4;
	v5 =	vmax.f32 v7, v6  }
0x99: {  	v4 =	vmax.f32 v5, v4  }
0x9a: {  	s1 =	simm.s32 $0x0;
	[tilespmem:s23+$0x9D60] =	vst v4  }
0x9b: {  	v4 =	vld [tilespmem:s1+$0x36F0]  }
0x9c: {  	v6 =	vld [tilespmem:s1+$0x36B0]  }
0x9d: {  	v7 =	vld [tilespmem:s1+$0x36C0]  }
0x9e: {  	v11 =	vimm.f32 $-1.000000020e+30;
	v12 =	vimm.f32 $-1.000000020e+30;
	v8 =	vld [tilespmem:s1+$0x36D0]  }
0x9f: {  	s0 =	simm.s32 $0x140;
	v13 =	vimm.f32 $-1.000000020e+30;
	v9 =	vimm.f32 $-1.000000020e+30;
	v5 =	vimm.f32 $-1.000000020e+30;
	v10 =	vld [tilespmem:s1+$0x36E0]  }
.LBB2_17:
0xa0: {  	s1 =	sshra.s32 s0, $0x2;
	p0 =	sne.s32 s0, $0x1E00;
	s0 =	sadd.s32 $0x140, s0;
	v5 =	vmax.f32 v5, v4  }
.Ltmp7:
0xa1: {  	v4 =	vld [tilespmem:s1+$0x36F0];
	v9 =	vmax.f32 v9, v6;
	(pc) =	sbr.rel @p0 .LBB2_17-.Ltmp7, $4  }
0xa2: {  	v6 =	vld [tilespmem:s1+$0x36B0];
	v11 =	vmax.f32 v11, v7  }
0xa3: {  	v7 =	vld [tilespmem:s1+$0x36C0];
	v12 =	vmax.f32 v12, v8  }
0xa4: {  	v8 =	vld [tilespmem:s1+$0x36D0];
	v13 =	vmax.f32 v13, v10  }
0xa5: {  	v10 =	vld [tilespmem:s1+$0x36E0]  }
0xa6: {  	_ =	sdelay $0x2  }
0xa7: {  	v6 =	vmax.f32 v9, v6  }
0xa8: {  	v7 =	vmax.f32 v11, v7;
	v8 =	vmax.f32 v12, v8;
	v9 =	vmax.f32 v13, v10  }
0xa9: {  	v6 =	vmax.f32 v6, v7;
	v7 =	vmax.f32 v8, v9  }
0xaa: {  	v4 =	vmax.f32 v5, v4;
	v5 =	vmax.f32 v6, v7  }
0xab: {  	s0 =	simm.s32 $0x0;
	v4 =	vmax.f32 v5, v4  }
0xac: {  	s1 =	sand.u32 $0xFF0, s0;
	[tilespmem:s23+$0x9D70] =	vst v4  }
0xad: {  	s0 =	simm.s32 $0x3EC0;
	v6 =	vld [tilespmem:s1+$0x3E80]  }
0xae: {  	v4 =	vld [tilespmem:s0+$0x0]  }
0xaf: {  	v8 =	vld [tilespmem:s0+$0xFFFFFFD0]  }
0xb0: {  	v11 =	vimm.f32 $-1.000000020e+30;
	v12 =	vimm.f32 $-1.000000020e+30;
	v9 =	vld [tilespmem:s0+$0xFFFFFFE0]  }
0xb1: {  	v13 =	vimm.f32 $-1.000000020e+30;
	v7 =	vimm.f32 $-1.000000020e+30;
	v5 =	vimm.f32 $-1.000000020e+30;
	s1 =	simm.s32 $0x50;
	v10 =	vld [tilespmem:s0+$0xFFFFFFF0]  }
.LBB2_19:
0xb2: {  	s12 =	sand.u32 $0xFF0, s1;
	p0 =	sne.s32 s1, $0x780  }
.Ltmp8:
0xb3: {  	s1 =	sadd.s32 $0x50, s1;
	v7 =	vmax.f32 v7, v6;
	s0 =	sadd.s32 $0x50, s0;
	v6 =	vld [tilespmem:s12+$0x3E80];
	v5 =	vmax.f32 v5, v4;
	(pc) =	sbr.rel @p0 .LBB2_19-.Ltmp8, $4  }
0xb4: {  	v4 =	vld [tilespmem:s0+$0x0];
	v11 =	vmax.f32 v11, v8  }
0xb5: {  	v8 =	vld [tilespmem:s0+$0xFFFFFFD0];
	v12 =	vmax.f32 v12, v9  }
0xb6: {  	v9 =	vld [tilespmem:s0+$0xFFFFFFE0];
	v13 =	vmax.f32 v13, v10  }
0xb7: {  	v10 =	vld [tilespmem:s0+$0xFFFFFFF0]  }
0xb8: {  	_ =	sdelay $0x2  }
0xb9: {  	v6 =	vmax.f32 v7, v6  }
0xba: {  	v7 =	vmax.f32 v11, v8;
	v8 =	vmax.f32 v12, v9;
	v9 =	vmax.f32 v13, v10  }
0xbb: {  	s0 =	smul.u32 $0x140, s21;
	v6 =	vmax.f32 v6, v7;
	v7 =	vmax.f32 v8, v9  }
0xbc: {  	v4 =	vmax.f32 v5, v4;
	v5 =	vmax.f32 v6, v7  }
0xbd: {  	s1 =	simm.s32 $0x0;
	s0 =	sand.u32 $0x3FC0, s0;
	v4 =	vmax.f32 v5, v4  }
0xbe: {  	s1 =	sand.u32 $0xFF0, s1;
	[tilespmem:s0+$0x9D80] =	vst v4  }
0xbf: {  	s0 =	simm.s32 $0x4690;
	v6 =	vld [tilespmem:s1+$0x4680]  }
0xc0: {  	v4 =	vld [tilespmem:s0+$0x0]  }
0xc1: {  	v7 =	vld [tilespmem:s0+$0xFFFFFFD0]  }
0xc2: {  	v11 =	vimm.f32 $-1.000000020e+30;
	v12 =	vimm.f32 $-1.000000020e+30;
	v9 =	vld [tilespmem:s0+$0xFFFFFFE0]  }
0xc3: {  	v13 =	vimm.f32 $-1.000000020e+30;
	v8 =	vimm.f32 $-1.000000020e+30;
	v5 =	vimm.f32 $-1.000000020e+30;
	s1 =	simm.s32 $0x50;
	v10 =	vld [tilespmem:s0+$0xFFFFFFC0]  }
.LBB2_21:
0xc4: {  	s12 =	sand.u32 $0xFF0, s1;
	p0 =	sne.s32 s1, $0x780  }
.Ltmp9:
0xc5: {  	s1 =	sadd.s32 $0x50, s1;
	v8 =	vmax.f32 v8, v6;
	s0 =	sadd.s32 $0x50, s0;
	v6 =	vld [tilespmem:s12+$0x4680];
	v5 =	vmax.f32 v5, v4;
	(pc) =	sbr.rel @p0 .LBB2_21-.Ltmp9, $4  }
0xc6: {  	v4 =	vld [tilespmem:s0+$0x0];
	v11 =	vmax.f32 v11, v7  }
0xc7: {  	v7 =	vld [tilespmem:s0+$0xFFFFFFD0];
	v12 =	vmax.f32 v12, v9  }
0xc8: {  	v9 =	vld [tilespmem:s0+$0xFFFFFFE0];
	v13 =	vmax.f32 v13, v10  }
0xc9: {  	v10 =	vld [tilespmem:s0+$0xFFFFFFC0]  }
0xca: {  	_ =	sdelay $0x2  }
0xcb: {  	v6 =	vmax.f32 v8, v6;
	p0 =	seq.s32 s21, $0x13  }
0xcc: {  	s0 =	smul.u32 @!p0 $0x9C40, s21;
	v7 =	vmax.f32 v11, v7;
	v8 =	vmax.f32 v12, v9;
	v9 =	vmax.f32 v13, v10  }
0xcd: {  	v6 =	vmax.f32 v8, v6;
	v7 =	vmax.f32 v9, v7  }
0xce: {  	v4 =	vmax.f32 v5, v4;
	s0 =	sadd.s32 @!p0 s0, s7;
	v5 =	vmax.f32 v7, v6  }
0xcf: {  	s0 =	sshrl.u32 @!p0 s0, $0x3;
	v4 =	vmax.f32 v5, v4  }
0xd0: {  	s1 =	simm.s32 @!p0 $0x0;
	s0 =	sadd.s32 @!p0 s4, s0;
	[tilespmem:s23+$0x9D90] =	vst v4  }
0xd1: {  	[tilespmem:s1], [sflag:$0x1] =	stream.linear.gather @!p0 [hbm4b:s0+s1], $0x4E20, $0x38;
	[tilespmem:$0xC380] =	vst v63  }
0xd2: {  	_ =	swait.ge [sflag:s16], $0x4E20  }
0xd3: {  	[sflag:s16] =	ssyncset.done $0x0  }
0xd4: {  	s31 =	simm.s32 $0x0;
	[sflag:s16] =	ssyncadd.s32 $0xFFFFB1E0  }
0xd5: {  	v4 =	vld [tilespmem:s31+$0x4EC0]  }
0xd6: {  	v6 =	vld [tilespmem:s31+$0x4E80]  }
0xd7: {  	v7 =	vld [tilespmem:s31+$0x4E90]  }
0xd8: {  	v11 =	vimm.f32 $-1.000000020e+30;
	v12 =	vimm.f32 $-1.000000020e+30;
	v8 =	vld [tilespmem:s31+$0x4EA0]  }
0xd9: {  	v13 =	vimm.f32 $-1.000000020e+30;
	v9 =	vimm.f32 $-1.000000020e+30;
	v5 =	vimm.f32 $-1.000000020e+30;
	s0 =	simm.s32 $0x140;
	v10 =	vld [tilespmem:s31+$0x4EB0]  }
.LBB2_23:
0xda: {  	s1 =	sshra.s32 s0, $0x2;
	p0 =	sne.s32 s0, $0x1E00;
	s0 =	sadd.s32 $0x140, s0;
	v5 =	vmax.f32 v5, v4  }
.Ltmp10:
0xdb: {  	v4 =	vld [tilespmem:s1+$0x4EC0];
	v9 =	vmax.f32 v9, v6;
	(pc) =	sbr.rel @p0 .LBB2_23-.Ltmp10, $4  }
0xdc: {  	v6 =	vld [tilespmem:s1+$0x4E80];
	v11 =	vmax.f32 v11, v7  }
0xdd: {  	v7 =	vld [tilespmem:s1+$0x4E90];
	v12 =	vmax.f32 v12, v8  }
0xde: {  	v8 =	vld [tilespmem:s1+$0x4EA0];
	v13 =	vmax.f32 v13, v10  }
0xdf: {  	v10 =	vld [tilespmem:s1+$0x4EB0]  }
0xe0: {  	_ =	sdelay $0x2  }
0xe1: {  	v6 =	vmax.f32 v9, v6  }
0xe2: {  	v7 =	vmax.f32 v11, v7;
	v8 =	vmax.f32 v12, v8;
	v9 =	vmax.f32 v13, v10  }
0xe3: {  	s0 =	smul.u32 $0x280, s22;
	v6 =	vmax.f32 v6, v7;
	v7 =	vmax.f32 v8, v9  }
0xe4: {  	v4 =	vmax.f32 v5, v4;
	v5 =	vmax.f32 v6, v7  }
0xe5: {  	s31 =	simm.s32 $0x0;
	s23 =	sshra.s32 s0, $0x2;
	v4 =	vmax.f32 v5, v4  }
0xe6: {  	s1 =	sand.u32 $0xFF0, s31;
	[tilespmem:s23+$0x9D00] =	vst v4  }
0xe7: {  	s0 =	simm.s32 $0x5690;
	v6 =	vld [tilespmem:s1+$0x5680]  }
0xe8: {  	v4 =	vld [tilespmem:s0+$0x0]  }
0xe9: {  	v8 =	vld [tilespmem:s0+$0xFFFFFFD0]  }
0xea: {  	v11 =	vimm.f32 $-1.000000020e+30;
	v12 =	vimm.f32 $-1.000000020e+30;
	v9 =	vld [tilespmem:s0+$0xFFFFFFE0]  }
0xeb: {  	v13 =	vimm.f32 $-1.000000020e+30;
	v7 =	vimm.f32 $-1.000000020e+30;
	v5 =	vimm.f32 $-1.000000020e+30;
	s1 =	simm.s32 $0x50;
	v10 =	vld [tilespmem:s0+$0xFFFFFFC0]  }
.LBB2_25:
0xec: {  	s12 =	sand.u32 $0xFF0, s1;
	p0 =	sne.s32 s1, $0x780  }
.Ltmp11:
0xed: {  	s1 =	sadd.s32 $0x50, s1;
	v7 =	vmax.f32 v7, v6;
	s0 =	sadd.s32 $0x50, s0;
	v6 =	vld [tilespmem:s12+$0x5680];
	v5 =	vmax.f32 v5, v4;
	(pc) =	sbr.rel @p0 .LBB2_25-.Ltmp11, $4  }
0xee: {  	v4 =	vld [tilespmem:s0+$0x0];
	v11 =	vmax.f32 v11, v8  }
0xef: {  	v8 =	vld [tilespmem:s0+$0xFFFFFFD0];
	v12 =	vmax.f32 v12, v9  }
0xf0: {  	v9 =	vld [tilespmem:s0+$0xFFFFFFE0];
	v13 =	vmax.f32 v13, v10  }
0xf1: {  	v10 =	vld [tilespmem:s0+$0xFFFFFFC0]  }
0xf2: {  	_ =	sdelay $0x2  }
0xf3: {  	v6 =	vmax.f32 v7, v6  }
0xf4: {  	v7 =	vmax.f32 v11, v8;
	v8 =	vmax.f32 v12, v9;
	v9 =	vmax.f32 v13, v10  }
0xf5: {  	v6 =	vmax.f32 v8, v6;
	v7 =	vmax.f32 v9, v7  }
0xf6: {  	v4 =	vmax.f32 v5, v4;
	v5 =	vmax.f32 v7, v6  }
0xf7: {  	v4 =	vmax.f32 v5, v4  }
0xf8: {  	s1 =	simm.s32 $0x0;
	[tilespmem:s23+$0x9D10] =	vst v4  }
0xf9: {  	v4 =	vld [tilespmem:s1+$0x5E60]  }
0xfa: {  	v6 =	vld [tilespmem:s1+$0x5E20]  }
0xfb: {  	v7 =	vld [tilespmem:s1+$0x5E30]  }
0xfc: {  	v11 =	vimm.f32 $-1.000000020e+30;
	v12 =	vimm.f32 $-1.000000020e+30;
	v8 =	vld [tilespmem:s1+$0x5E40]  }
0xfd: {  	s0 =	simm.s32 $0x140;
	v13 =	vimm.f32 $-1.000000020e+30;
	v9 =	vimm.f32 $-1.000000020e+30;
	v5 =	vimm.f32 $-1.000000020e+30;
	v10 =	vld [tilespmem:s1+$0x5E50]  }
.LBB2_27:
0xfe: {  	s1 =	sshra.s32 s0, $0x2;
	p0 =	sne.s32 s0, $0x1E00;
	s0 =	sadd.s32 $0x140, s0;
	v5 =	vmax.f32 v5, v4  }
.Ltmp12:
0xff: {  	v4 =	vld [tilespmem:s1+$0x5E60];
	v9 =	vmax.f32 v9, v6;
	(pc) =	sbr.rel @p0 .LBB2_27-.Ltmp12, $4  }
0x100: {  	v6 =	vld [tilespmem:s1+$0x5E20];
	v11 =	vmax.f32 v11, v7  }
0x101: {  	v7 =	vld [tilespmem:s1+$0x5E30];
	v12 =	vmax.f32 v12, v8  }
0x102: {  	v8 =	vld [tilespmem:s1+$0x5E40];
	v13 =	vmax.f32 v13, v10  }
0x103: {  	v10 =	vld [tilespmem:s1+$0x5E50]  }
0x104: {  	_ =	sdelay $0x2  }
0x105: {  	v6 =	vmax.f32 v9, v6  }
0x106: {  	v7 =	vmax.f32 v11, v7;
	v8 =	vmax.f32 v12, v8;
	v9 =	vmax.f32 v13, v10  }
0x107: {  	v6 =	vmax.f32 v6, v7;
	v7 =	vmax.f32 v8, v9  }
0x108: {  	v4 =	vmax.f32 v5, v4;
	v5 =	vmax.f32 v6, v7  }
0x109: {  	s0 =	simm.s32 $0x0;
	v4 =	vmax.f32 v5, v4  }
0x10a: {  	s1 =	sand.u32 $0xFF0, s0;
	[tilespmem:s23+$0x9D20] =	vst v4  }
0x10b: {  	s0 =	simm.s32 $0x6630;
	v6 =	vld [tilespmem:s1+$0x6600]  }
0x10c: {  	v4 =	vld [tilespmem:s0+$0x0]  }
0x10d: {  	v8 =	vld [tilespmem:s0+$0xFFFFFFE0]  }
0x10e: {  	v11 =	vimm.f32 $-1.000000020e+30;
	v12 =	vimm.f32 $-1.000000020e+30;
	v9 =	vld [tilespmem:s0+$0xFFFFFFF0]  }
0x10f: {  	v13 =	vimm.f32 $-1.000000020e+30;
	v7 =	vimm.f32 $-1.000000020e+30;
	v5 =	vimm.f32 $-1.000000020e+30;
	s1 =	simm.s32 $0x50;
	v10 =	vld [tilespmem:s0+$0xFFFFFFC0]  }
.LBB2_29:
0x110: {  	s12 =	sand.u32 $0xFF0, s1;
	p0 =	sne.s32 s1, $0x780  }
.Ltmp13:
0x111: {  	s1 =	sadd.s32 $0x50, s1;
	v7 =	vmax.f32 v7, v6;
	s0 =	sadd.s32 $0x50, s0;
	v6 =	vld [tilespmem:s12+$0x6600];
	v5 =	vmax.f32 v5, v4;
	(pc) =	sbr.rel @p0 .LBB2_29-.Ltmp13, $4  }
0x112: {  	v4 =	vld [tilespmem:s0+$0x0];
	v11 =	vmax.f32 v11, v8  }
0x113: {  	v8 =	vld [tilespmem:s0+$0xFFFFFFE0];
	v12 =	vmax.f32 v12, v9  }
0x114: {  	v9 =	vld [tilespmem:s0+$0xFFFFFFF0];
	v13 =	vmax.f32 v13, v10  }
0x115: {  	v10 =	vld [tilespmem:s0+$0xFFFFFFC0]  }
0x116: {  	_ =	sdelay $0x2  }
0x117: {  	v6 =	vmax.f32 v7, v6  }
0x118: {  	v7 =	vmax.f32 v11, v8;
	v8 =	vmax.f32 v12, v9;
	v9 =	vmax.f32 v13, v10  }
0x119: {  	v7 =	vmax.f32 v7, v8;
	v6 =	vmax.f32 v9, v6  }
0x11a: {  	v4 =	vmax.f32 v5, v4;
	v5 =	vmax.f32 v6, v7  }
0x11b: {  	s0 =	simm.s32 $0x0;
	v4 =	vmax.f32 v5, v4  }
0x11c: {  	s1 =	sand.u32 $0xFF0, s0;
	[tilespmem:s23+$0x9D30] =	vst v4  }
0x11d: {  	s0 =	simm.s32 $0x6DF0;
	v4 =	vld [tilespmem:s1+$0x6E00]  }
0x11e: {  	v9 =	vld [tilespmem:s0+$0x0]  }
0x11f: {  	v7 =	vld [tilespmem:s0+$0xFFFFFFE0]  }
0x120: {  	v11 =	vimm.f32 $-1.000000020e+30;
	v12 =	vimm.f32 $-1.000000020e+30;
	v8 =	vld [tilespmem:s0+$0xFFFFFFF0]  }
0x121: {  	v13 =	vimm.f32 $-1.000000020e+30;
	v6 =	vimm.f32 $-1.000000020e+30;
	v5 =	vimm.f32 $-1.000000020e+30;
	s1 =	simm.s32 $0x50;
	v10 =	vld [tilespmem:s0+$0xFFFFFFD0]  }
.LBB2_31:
0x122: {  	s12 =	sand.u32 $0xFF0, s1;
	p0 =	sne.s32 s1, $0x780  }
.Ltmp14:
0x123: {  	s1 =	sadd.s32 $0x50, s1;
	v5 =	vmax.f32 v5, v4;
	s0 =	sadd.s32 $0x50, s0;
	v6 =	vmax.f32 v6, v9;
	v4 =	vld [tilespmem:s12+$0x6E00];
	(pc) =	sbr.rel @p0 .LBB2_31-.Ltmp14, $4  }
0x124: {  	v9 =	vld [tilespmem:s0+$0x0];
	v11 =	vmax.f32 v11, v7  }
0x125: {  	v7 =	vld [tilespmem:s0+$0xFFFFFFE0];
	v12 =	vmax.f32 v12, v8  }
0x126: {  	v8 =	vld [tilespmem:s0+$0xFFFFFFF0];
	v13 =	vmax.f32 v13, v10  }
0x127: {  	v10 =	vld [tilespmem:s0+$0xFFFFFFD0]  }
0x128: {  	_ =	sdelay $0x2  }
0x129: {  	v6 =	vmax.f32 v6, v9  }
0x12a: {  	v7 =	vmax.f32 v11, v7;
	v8 =	vmax.f32 v12, v8;
	v9 =	vmax.f32 v13, v10  }
0x12b: {  	v6 =	vmax.f32 v8, v6;
	v7 =	vmax.f32 v9, v7  }
0x12c: {  	v4 =	vmax.f32 v5, v4;
	v5 =	vmax.f32 v7, v6  }
0x12d: {  	v4 =	vmax.f32 v5, v4  }
0x12e: {  	s1 =	simm.s32 $0x0;
	[tilespmem:s23+$0x9D40] =	vst v4  }
0x12f: {  	v4 =	vld [tilespmem:s1+$0x75D0]  }
0x130: {  	v6 =	vld [tilespmem:s1+$0x7590]  }
0x131: {  	v7 =	vld [tilespmem:s1+$0x75A0]  }
0x132: {  	v11 =	vimm.f32 $-1.000000020e+30;
	v12 =	vimm.f32 $-1.000000020e+30;
	v8 =	vld [tilespmem:s1+$0x75B0]  }
0x133: {  	s0 =	simm.s32 $0x140;
	v13 =	vimm.f32 $-1.000000020e+30;
	v9 =	vimm.f32 $-1.000000020e+30;
	v5 =	vimm.f32 $-1.000000020e+30;
	v10 =	vld [tilespmem:s1+$0x75C0]  }
.LBB2_33:
0x134: {  	s1 =	sshra.s32 s0, $0x2;
	p0 =	sne.s32 s0, $0x1E00;
	s0 =	sadd.s32 $0x140, s0;
	v5 =	vmax.f32 v5, v4  }
.Ltmp15:
0x135: {  	v4 =	vld [tilespmem:s1+$0x75D0];
	v9 =	vmax.f32 v9, v6;
	(pc) =	sbr.rel @p0 .LBB2_33-.Ltmp15, $4  }
0x136: {  	v6 =	vld [tilespmem:s1+$0x7590];
	v11 =	vmax.f32 v11, v7  }
0x137: {  	v7 =	vld [tilespmem:s1+$0x75A0];
	v12 =	vmax.f32 v12, v8  }
0x138: {  	v8 =	vld [tilespmem:s1+$0x75B0];
	v13 =	vmax.f32 v13, v10  }
0x139: {  	v10 =	vld [tilespmem:s1+$0x75C0]  }
0x13a: {  	_ =	sdelay $0x2  }
0x13b: {  	v6 =	vmax.f32 v9, v6  }
0x13c: {  	v7 =	vmax.f32 v11, v7;
	v8 =	vmax.f32 v12, v8;
	v9 =	vmax.f32 v13, v10  }
0x13d: {  	v6 =	vmax.f32 v6, v7;
	v7 =	vmax.f32 v8, v9  }
0x13e: {  	v4 =	vmax.f32 v5, v4;
	v5 =	vmax.f32 v6, v7  }
0x13f: {  	s0 =	simm.s32 $0x0;
	v4 =	vmax.f32 v5, v4  }
0x140: {  	s1 =	sand.u32 $0xFF0, s0;
	[tilespmem:s23+$0x9D50] =	vst v4  }
0x141: {  	s0 =	simm.s32 $0x7DA0;
	v6 =	vld [tilespmem:s1+$0x7D80]  }
0x142: {  	v4 =	vld [tilespmem:s0+$0x0]  }
0x143: {  	v8 =	vld [tilespmem:s0+$0xFFFFFFD0]  }
0x144: {  	v11 =	vimm.f32 $-1.000000020e+30;
	v12 =	vimm.f32 $-1.000000020e+30;
	v9 =	vld [tilespmem:s0+$0xFFFFFFF0]  }
0x145: {  	v13 =	vimm.f32 $-1.000000020e+30;
	v7 =	vimm.f32 $-1.000000020e+30;
	v5 =	vimm.f32 $-1.000000020e+30;
	s1 =	simm.s32 $0x50;
	v10 =	vld [tilespmem:s0+$0xFFFFFFC0]  }
.LBB2_35:
0x146: {  	s12 =	sand.u32 $0xFF0, s1;
	p0 =	sne.s32 s1, $0x780  }
.Ltmp16:
0x147: {  	s1 =	sadd.s32 $0x50, s1;
	v7 =	vmax.f32 v7, v6;
	s0 =	sadd.s32 $0x50, s0;
	v6 =	vld [tilespmem:s12+$0x7D80];
	v5 =	vmax.f32 v5, v4;
	(pc) =	sbr.rel @p0 .LBB2_35-.Ltmp16, $4  }
0x148: {  	v4 =	vld [tilespmem:s0+$0x0];
	v11 =	vmax.f32 v11, v8  }
0x149: {  	v8 =	vld [tilespmem:s0+$0xFFFFFFD0];
	v12 =	vmax.f32 v12, v9  }
0x14a: {  	v9 =	vld [tilespmem:s0+$0xFFFFFFF0];
	v13 =	vmax.f32 v13, v10  }
0x14b: {  	v10 =	vld [tilespmem:s0+$0xFFFFFFC0]  }
0x14c: {  	_ =	sdelay $0x2  }
0x14d: {  	v6 =	vmax.f32 v7, v6  }
0x14e: {  	v7 =	vmax.f32 v11, v8;
	v8 =	vmax.f32 v12, v9;
	v9 =	vmax.f32 v13, v10  }
0x14f: {  	v6 =	vmax.f32 v6, v8;
	v7 =	vmax.f32 v9, v7  }
0x150: {  	v4 =	vmax.f32 v5, v4;
	v5 =	vmax.f32 v7, v6  }
0x151: {  	v4 =	vmax.f32 v5, v4  }
0x152: {  	s1 =	simm.s32 $0x0;
	[tilespmem:s23+$0x9D60] =	vst v4  }
0x153: {  	v4 =	vld [tilespmem:s1+$0x8570]  }
0x154: {  	v6 =	vld [tilespmem:s1+$0x8530]  }
0x155: {  	v7 =	vld [tilespmem:s1+$0x8540]  }
0x156: {  	v11 =	vimm.f32 $-1.000000020e+30;
	v12 =	vimm.f32 $-1.000000020e+30;
	v8 =	vld [tilespmem:s1+$0x8550]  }
0x157: {  	s0 =	simm.s32 $0x140;
	v13 =	vimm.f32 $-1.000000020e+30;
	v9 =	vimm.f32 $-1.000000020e+30;
	v5 =	vimm.f32 $-1.000000020e+30;
	v10 =	vld [tilespmem:s1+$0x8560]  }
.LBB2_37:
0x158: {  	s1 =	sshra.s32 s0, $0x2;
	p0 =	sne.s32 s0, $0x1E00;
	s0 =	sadd.s32 $0x140, s0;
	v5 =	vmax.f32 v5, v4  }
.Ltmp17:
0x159: {  	v4 =	vld [tilespmem:s1+$0x8570];
	v9 =	vmax.f32 v9, v6;
	(pc) =	sbr.rel @p0 .LBB2_37-.Ltmp17, $4  }
0x15a: {  	v6 =	vld [tilespmem:s1+$0x8530];
	v11 =	vmax.f32 v11, v7  }
0x15b: {  	v7 =	vld [tilespmem:s1+$0x8540];
	v12 =	vmax.f32 v12, v8  }
0x15c: {  	v8 =	vld [tilespmem:s1+$0x8550];
	v13 =	vmax.f32 v13, v10  }
0x15d: {  	v10 =	vld [tilespmem:s1+$0x8560]  }
0x15e: {  	_ =	sdelay $0x2  }
0x15f: {  	v6 =	vmax.f32 v9, v6  }
0x160: {  	v7 =	vmax.f32 v11, v7;
	v8 =	vmax.f32 v12, v8;
	v9 =	vmax.f32 v13, v10  }
0x161: {  	v6 =	vmax.f32 v6, v7;
	v7 =	vmax.f32 v8, v9  }
0x162: {  	v4 =	vmax.f32 v5, v4;
	v5 =	vmax.f32 v6, v7  }
0x163: {  	s0 =	simm.s32 $0x0;
	v4 =	vmax.f32 v5, v4  }
0x164: {  	s1 =	sand.u32 $0xFF0, s0;
	[tilespmem:s23+$0x9D70] =	vst v4  }
0x165: {  	s0 =	simm.s32 $0x8D40;
	v6 =	vld [tilespmem:s1+$0x8D00]  }
0x166: {  	v4 =	vld [tilespmem:s0+$0x0]  }
0x167: {  	v8 =	vld [tilespmem:s0+$0xFFFFFFD0]  }
0x168: {  	v11 =	vimm.f32 $-1.000000020e+30;
	v12 =	vimm.f32 $-1.000000020e+30;
	v9 =	vld [tilespmem:s0+$0xFFFFFFE0]  }
0x169: {  	v13 =	vimm.f32 $-1.000000020e+30;
	v7 =	vimm.f32 $-1.000000020e+30;
	v5 =	vimm.f32 $-1.000000020e+30;
	s1 =	simm.s32 $0x50;
	v10 =	vld [tilespmem:s0+$0xFFFFFFF0]  }
.LBB2_39:
0x16a: {  	s12 =	sand.u32 $0xFF0, s1;
	p0 =	sne.s32 s1, $0x780  }
.Ltmp18:
0x16b: {  	s1 =	sadd.s32 $0x50, s1;
	v7 =	vmax.f32 v7, v6;
	s0 =	sadd.s32 $0x50, s0;
	v6 =	vld [tilespmem:s12+$0x8D00];
	v5 =	vmax.f32 v5, v4;
	(pc) =	sbr.rel @p0 .LBB2_39-.Ltmp18, $4  }
0x16c: {  	v4 =	vld [tilespmem:s0+$0x0];
	v11 =	vmax.f32 v11, v8  }
0x16d: {  	v8 =	vld [tilespmem:s0+$0xFFFFFFD0];
	v12 =	vmax.f32 v12, v9  }
0x16e: {  	v9 =	vld [tilespmem:s0+$0xFFFFFFE0];
	v13 =	vmax.f32 v13, v10  }
0x16f: {  	v10 =	vld [tilespmem:s0+$0xFFFFFFF0]  }
0x170: {  	_ =	sdelay $0x2  }
0x171: {  	v6 =	vmax.f32 v7, v6  }
0x172: {  	v7 =	vmax.f32 v11, v8;
	v8 =	vmax.f32 v12, v9;
	v9 =	vmax.f32 v13, v10  }
0x173: {  	s0 =	smul.u32 $0xA0, s22;
	v6 =	vmax.f32 v6, v7;
	v7 =	vmax.f32 v8, v9  }
0x174: {  	v4 =	vmax.f32 v5, v4;
	v5 =	vmax.f32 v6, v7  }
0x175: {  	s1 =	simm.s32 $0x0;
	s0 =	sand.u32 $0x3FE0, s0;
	v4 =	vmax.f32 v5, v4  }
0x176: {  	s1 =	sand.u32 $0xFF0, s1;
	[tilespmem:s0+$0x9D80] =	vst v4  }
0x177: {  	s0 =	simm.s32 $0x9510;
	v6 =	vld [tilespmem:s1+$0x9500]  }
0x178: {  	v4 =	vld [tilespmem:s0+$0x0]  }
0x179: {  	v8 =	vld [tilespmem:s0+$0xFFFFFFD0]  }
0x17a: {  	v11 =	vimm.f32 $-1.000000020e+30;
	v12 =	vimm.f32 $-1.000000020e+30;
	v9 =	vld [tilespmem:s0+$0xFFFFFFE0]  }
0x17b: {  	v13 =	vimm.f32 $-1.000000020e+30;
	v7 =	vimm.f32 $-1.000000020e+30;
	v5 =	vimm.f32 $-1.000000020e+30;
	s1 =	simm.s32 $0x50;
	v10 =	vld [tilespmem:s0+$0xFFFFFFC0]  }
.LBB2_41:
0x17c: {  	s12 =	sand.u32 $0xFF0, s1;
	p0 =	sne.s32 s1, $0x780  }
.Ltmp19:
0x17d: {  	s1 =	sadd.s32 $0x50, s1;
	v7 =	vmax.f32 v7, v6;
	s0 =	sadd.s32 $0x50, s0;
	v6 =	vld [tilespmem:s12+$0x9500];
	v5 =	vmax.f32 v5, v4;
	(pc) =	sbr.rel @p0 .LBB2_41-.Ltmp19, $4  }
0x17e: {  	v4 =	vld [tilespmem:s0+$0x0];
	v11 =	vmax.f32 v11, v8  }
0x17f: {  	v8 =	vld [tilespmem:s0+$0xFFFFFFD0];
	v12 =	vmax.f32 v12, v9  }
0x180: {  	v9 =	vld [tilespmem:s0+$0xFFFFFFE0];
	v13 =	vmax.f32 v13, v10  }
0x181: {  	v10 =	vld [tilespmem:s0+$0xFFFFFFC0]  }
0x182: {  	_ =	sdelay $0x1  }
0x183: {  	s21 =	sadd.s32 $0x1, s21  }
0x184: {  	v6 =	vmax.f32 v7, v6;
	p0 =	sne.s32 s21, $0x14  }
.Ltmp20:
0x185: {  	v61 =	vmax.f32 v11, v8;
	v62 =	vmax.f32 v12, v9;
	v63 =	vmax.f32 v13, v10;
	(pc) =	sbr.rel @p0 .LBB2_2-.Ltmp20, $4  }
0x186: {  	v6 =	vmax.f32 v62, v6;
	v7 =	vmax.f32 v63, v61  }
0x187: {  	v4 =	vmax.f32 v5, v4;
	v5 =	vmax.f32 v7, v6  }
0x188: {  	v4 =	vmax.f32 v5, v4  }
0x189: {  	[tilespmem:s23+$0x9D90] =	vst v4  }
0x18a: {  	(v2sf) =	vpush v3, $0x0  }
0x18b: {  	(v2sf) =	vpush v3, $0x1  }
0x18c: {  	(v2sf) =	vpush v3, $0x2  }
0x18d: {  	(v2sf) =	vpush v3, $0x3;
	_ =	sdelay $0xb  }
0x18e: {  	s21 =	spop (v2sf)  }
0x18f: {  	s22 =	spop (v2sf)  }
0x190: {  	s0 =	simm.s32 $0x9D00;
	s23 =	spop (v2sf)  }
0x191: {  	v4 =	vld [tilespmem:s0+$0x0];
	s24 =	spop (v2sf)  }
0x192: {  	p0 =	por $0x1, $0x1;
	s0 =	smov.u32 s24  }
0x193: {  	p1 =	por $0x1, $0x1;
	s0 =	smov.u32 @p0 s23  }
0x194: {  	p0 =	por $0x1, $0x1;
	s0 =	smov.u32 @p1 s22  }
0x195: {  	s31 =	simm.s32 $0x9D10;
	s0 =	smov.u32 @p0 s21  }
0x196: {  	v9 =	vld [tilespmem:s31+$0x0];
	v7 =	vadd.f32 s0, v4  }
0x197: {  	s1 =	smov.u32 s24;
	p0 =	por $0x1, $0x1;
	v4 =	vimm.f32 $-1.000000020e+30  }
0x198: {  	p1 =	por $0x1, $0x1;
	s1 =	smov.u32 @p0 s23;
	v5 =	vmin.f32 v4, v7  }
0x199: {  	p0 =	por $0x1, $0x1;
	s1 =	smov.u32 @p1 s22;
	v6 =	vmin.f32 v4, v5  }
0x19a: {  	v10 =	vimm.f32 $-1.000000020e+30;
	s1 =	smov.u32 @p0 s21;
	v8 =	vmin.f32 v4, v6  }
0x19b: {  	s0 =	simm.s32 $0x2;
	v11 =	vadd.f32 s1, v9;
	s1 =	simm.s32 $0x9D20;
	v9 =	vimm.f32 $-1.000000020e+30;
	v8 =	vmax.f32 v4, v8  }
.LBB2_44:
0x19c: {  	v12 =	vld [tilespmem:s1+$0x0];
	p0 =	sne.s32 s0, $0xC7;
	v4 =	vmax.f32 v4, v7;
	s12 =	smov.u32 s0;
	s0 =	sadd.s32 $0x1, s0  }
.Ltmp21:
0x19d: {  	v10 =	vmax.f32 v10, v5;
	s17 =	smov.u32 s24;
	p1 =	slt.u32 s12, $0x96;
	v5 =	vmin.f32 v4, v11;
	v7 =	vmov v11;
	(pc) =	sbr.rel @p0 .LBB2_44-.Ltmp21, $4  }
0x19e: {  	v9 =	vmax.f32 v9, v6;
	p2 =	slt.u32 s12, $0x64;
	s17 =	smov.u32 @p1 s23;
	v6 =	vmin.f32 v10, v5  }
0x19f: {  	p1 =	slt.u32 s12, $0x32;
	s17 =	smov.u32 @p2 s22;
	v11 =	vmin.f32 v9, v6  }
0x1a0: {  	s17 =	smov.u32 @p1 s21;
	v8 =	vmax.f32 v8, v11  }
0x1a1: {  	s1 =	sadd.s32 $0x10, s1;
	v11 =	vadd.f32 s17, v12  }
0x1a2: {  	v4 =	vmax.f32 v4, v7  }
0x1a3: {  	v5 =	vmax.f32 v10, v5;
	v7 =	vmin.f32 v4, v11  }
0x1a4: {  	v6 =	vmax.f32 v9, v6;
	v10 =	vmin.f32 v5, v7  }
0x1a5: {  	v4 =	vmax.f32 v4, v11;
	v9 =	vmin.f32 v6, v10  }
0x1a6: {  	v5 =	vmax.f32 v5, v7;
	v6 =	vmax.f32 v6, v10;
	v8 =	vmax.f32 v8, v9  }
0x1a7: {  	v7 =	vmax.f32 v4, v5;
	v9 =	vmax.f32 v6, v8  }
0x1a8: {  	v7 =	vmax.f32 v7, v9  }
0x1a9: {  	(xrf0) =	vmax.scan.msk.f32 $0xffff, v7  }
0x1aa: {  	[tilespmem:$0xBE00] =	vst v0  }
0x1ab: {  	[tilespmem:$0xC000] =	vst v1  }
0x1ac: {  	[tilespmem:$0xBE10] =	vst v0  }
0x1ad: {  	[tilespmem:$0xC010] =	vst v1  }
0x1ae: {  	[tilespmem:$0xBE20] =	vst v0  }
0x1af: {  	[tilespmem:$0xC020] =	vst v1;
	v7, _, _ =	vpop (xrf0)  }
0x1b0: {  	[tilespmem:$0xBE30] =	vst v0;
	v7 =	vbroadcast v7, $0xF  }
0x1b1: {  	[tilespmem:$0xC030] =	vst v1  }
0x1b2: {  	[tilespmem:$0xBE40] =	vst v0;
	vm15 =	veq.f32 v4, v7;
	vm0 =	veq.f32 v6, v7  }
0x1b3: {  	[tilespmem:$0xC040] =	vst v1;
	vm1 =	veq.f32 v8, v7;
	v4 =	vsel vm15, $0xF149F2CA, v4;
	vm15 =	veq.f32 v5, v7  }
0x1b4: {  	[tilespmem:$0xBE50] =	vst v0;
	v6 =	vsel vm0, $0xF149F2CA, v6;
	v7 =	vsel vm1, $0xF149F2CA, v8;
	v5 =	vsel vm15, $0xF149F2CA, v5  }
0x1b5: {  	[tilespmem:$0xC050] =	vst v1;
	v61 =	vmax.f32 v6, v7;
	v60 =	vmax.f32 v4, v5  }
0x1b6: {  	[tilespmem:$0xBE60] =	vst v0;
	v8 =	vmax.f32 v60, v61  }
0x1b7: {  	[tilespmem:$0xC060] =	vst v1;
	(xrf0) =	vmax.scan.msk.f32 $0xffff, v8  }
0x1b8: {  	[tilespmem:$0xBE70] =	vst v0  }
0x1b9: {  	[tilespmem:$0xC070] =	vst v1  }
0x1ba: {  	[tilespmem:$0xBE80] =	vst v0  }
0x1bb: {  	[tilespmem:$0xC080] =	vst v1  }
0x1bc: {  	[tilespmem:$0xBE90] =	vst v0  }
0x1bd: {  	[tilespmem:$0xC090] =	vst v1;
	v8, _, _ =	vpop (xrf0)  }
0x1be: {  	[tilespmem:$0xBEA0] =	vst v0;
	v8 =	vbroadcast v8, $0xF  }
0x1bf: {  	[tilespmem:$0xC0A0] =	vst v1  }
0x1c0: {  	[tilespmem:$0xBEB0] =	vst v0;
	vm0 =	veq.f32 v4, v8;
	vm1 =	veq.f32 v6, v8  }
0x1c1: {  	[tilespmem:$0xC0B0] =	vst v1;
	vm15 =	veq.f32 v7, v8;
	v4 =	vsel vm0, $0xF149F2CA, v4;
	vm0 =	veq.f32 v5, v8  }
0x1c2: {  	[tilespmem:$0xBEC0] =	vst v0;
	v6 =	vsel vm1, $0xF149F2CA, v6;
	v7 =	vsel vm15, $0xF149F2CA, v7;
	v5 =	vsel vm0, $0xF149F2CA, v5  }
0x1c3: {  	[tilespmem:$0xC0C0] =	vst v1;
	v63 =	vmax.f32 v6, v7;
	v62 =	vmax.f32 v4, v5  }
0x1c4: {  	[tilespmem:$0xBED0] =	vst v0;
	v8 =	vmax.f32 v62, v63  }
0x1c5: {  	[tilespmem:$0xC0D0] =	vst v1;
	(xrf0) =	vmax.scan.msk.f32 $0xffff, v8  }
0x1c6: {  	[tilespmem:$0xBEE0] =	vst v0  }
0x1c7: {  	[tilespmem:$0xC0E0] =	vst v1  }
0x1c8: {  	[tilespmem:$0xBEF0] =	vst v0  }
0x1c9: {  	[tilespmem:$0xC0F0] =	vst v1  }
0x1ca: {  	[tilespmem:$0xBF00] =	vst v0  }
0x1cb: {  	[tilespmem:$0xC100] =	vst v1;
	v8, _, _ =	vpop (xrf0)  }
0x1cc: {  	[tilespmem:$0xBF10] =	vst v0;
	v8 =	vbroadcast v8, $0xF  }
0x1cd: {  	[tilespmem:$0xC110] =	vst v1  }
0x1ce: {  	[tilespmem:$0xBF20] =	vst v0;
	vm0 =	veq.f32 v4, v8;
	vm1 =	veq.f32 v6, v8  }
0x1cf: {  	[tilespmem:$0xC120] =	vst v1;
	vm15 =	veq.f32 v7, v8;
	v4 =	vsel vm0, $0xF149F2CA, v4;
	vm0 =	veq.f32 v5, v8  }
0x1d0: {  	[tilespmem:$0xBF30] =	vst v0;
	v6 =	vsel vm1, $0xF149F2CA, v6;
	v7 =	vsel vm15, $0xF149F2CA, v7;
	v5 =	vsel vm0, $0xF149F2CA, v5  }
0x1d1: {  	[tilespmem:$0xC130] =	vst v1;
	v4 =	vmax.f32 v4, v5;
	v5 =	vmax.f32 v6, v7  }
0x1d2: {  	[tilespmem:$0xBF40] =	vst v0;
	v4 =	vmax.f32 v4, v5  }
0x1d3: {  	[tilespmem:$0xC140] =	vst v1;
	(xrf0) =	vmax.scan.msk.f32 $0xffff, v4  }
0x1d4: {  	[tilespmem:$0xBF50] =	vst v0  }
0x1d5: {  	[tilespmem:$0xC150] =	vst v1  }
0x1d6: {  	[tilespmem:$0xBF60] =	vst v0  }
0x1d7: {  	[tilespmem:$0xC160] =	vst v1  }
0x1d8: {  	[tilespmem:$0xBF70] =	vst v0  }
0x1d9: {  	[tilespmem:$0xC170] =	vst v1;
	v4, _, _ =	vpop (xrf0)  }
0x1da: {  	[tilespmem:$0xBF80] =	vst v0;
	(v2sf) =	vpush v4, $0xF  }
0x1db: {  	[tilespmem:$0xC180] =	vst v1  }
0x1dc: {  	[tilespmem:$0xBF90] =	vst v0  }
0x1dd: {  	[tilespmem:$0xC190] =	vst v1  }
0x1de: {  	[tilespmem:$0xBFA0] =	vst v0  }
0x1df: {  	[tilespmem:$0xC1A0] =	vst v1  }
0x1e0: {  	[tilespmem:$0xBFB0] =	vst v0  }
0x1e1: {  	[tilespmem:$0xC1B0] =	vst v1  }
0x1e2: {  	[tilespmem:$0xBFC0] =	vst v0  }
0x1e3: {  	[tilespmem:$0xC1C0] =	vst v1  }
0x1e4: {  	[tilespmem:$0xBFD0] =	vst v0  }
.Ltmp22:
0x1e5: {  	[tilespmem:$0xC1D0] =	vst v1;
	(pc) =	sbr.rel .LBB2_46-.Ltmp22, $4  }
0x1e6: {  	[tilespmem:$0xBFE0] =	vst v0  }
0x1e7: {  	[tilespmem:$0xC1E0] =	vst v1  }
0x1e8: {  	[tilespmem:$0xBFF0] =	vst v0;
	s26 =	simm.s32 $0x0  }
0x1e9: {  	[tilespmem:$0xC1F0] =	vst v1;
	s29 =	simm.s32 $0x0;
	s28 =	simm.s32 $0x0;
	v4 =	vbroadcast v4, $0xF;
	s25 =	spop (v2sf)  }
.LBB2_50:
0x1ea: {  	s28 =	sadd.s32 $0x1, s28  }
0x1eb: {  	p0 =	sne.s32 s28, $0xC8  }
.Ltmp23:
0x1ec: {  	_ = 	snop;
	(pc) =	sbr.rel @!p0 .LBB2_51-.Ltmp23, $2  }
0x1ed: {  	_ =	sdelay $0x2  }
0x1ee: {  	s26 =	sadd.s32 $0x7D0, s26  }
.LBB2_46:
0x1ef: {  	s0 =	sshll.u32 s28, $0x4  }
0x1f0: {  	s0 =	sand.u32 $0x3FFFFFF0, s0  }
0x1f1: {  	v5 =	vld [tilespmem:s0+$0x9D00];
	_ =	sdelay $0x4  }
0x1f2: {  	(xrf0) =	vmax.scan.msk.f32 $0xffff, v5;
	_ =	sdelay $0x5  }
0x1f3: {  	v5, _, _ =	vpop (xrf0)  }
0x1f4: {  	(v2sf) =	vpush v5, $0xF;
	_ =	sdelay $0xb  }
0x1f5: {  	p0 =	slt.u32 s28, $0x96;
	s0 =	smov.u32 s24  }
0x1f6: {  	p1 =	slt.u32 s28, $0x64;
	s0 =	smov.u32 @p0 s23  }
0x1f7: {  	p0 =	slt.u32 s28, $0x32;
	s0 =	smov.u32 @p1 s22  }
0x1f8: {  	s0 =	smov.u32 @p0 s21;
	s1 =	spop (v2sf)  }
0x1f9: {  	s1 =	sadd.f32 s1, s0;
	_ =	sdelay $0x1  }
0x1fa: {  	p0 =	sge.f32 s1, s25  }
.Ltmp24:
0x1fb: {  	_ = 	snop;
	(pc) =	sbr.rel @!p0 .LBB2_50-.Ltmp24, $1  }
0x1fc: {  	_ =	sdelay $0x3  }
0x1fd: {  	s1 =	smul.u32 $0x7D0, s28;
	_ =	sdelay $0x1  }
0x1fe: {  	s1 =	sadd.s32 s3, s1  }
0x1ff: {  	s1 =	sshrl.u32 s1, $0x3  }
0x200: {  	s12 =	simm.s32 $0x0;
	s1 =	sadd.s32 s4, s1  }
0x201: {  	[tilespmem:s19], [sflag:$0x3] =	stream.linear.gather [hbm4b:s1+s12], $0x7D0, $0x38;
	[tilespmem:$0xC380] =	vst v63  }
0x202: {  	_ =	swait.ge [sflag:s13], $0x7D0  }
0x203: {  	[sflag:s13] =	ssyncset.done $0x0  }
0x204: {  	s31 =	simm.s32 $0x0;
	[sflag:s13] =	ssyncadd.s32 $0xFFFFF830  }
0x205: {  	v6 =	vld [tilespmem:s31+$0xB600];
	_ =	sdelay $0x3  }
0x206: {  	v5 =	vmov s0  }
0x207: {  	v6 =	vadd.f32 v6, v5;
	_ =	sdelay $0x1  }
0x208: {  	vm0 =	vge.f32 v6, v4  }
0x209: {  	v7 =	vmpcnt.ones.xlane vm0;
	_ =	sdelay $0x1  }
0x20a: {  	v7 =	vxor.u32 $0x80000000, v7  }
0x20b: {  	(xrf0) =	vmax.scan.msk.u32 $0xffff, v7;
	_ =	sdelay $0x5  }
0x20c: {  	v7, _, _ =	vpop (xrf0)  }
0x20d: {  	v8 =	vor.u32 s26, v2;
	[tilespmem:s29+$0xBE00] =	vst.msk vm0, v6;
	(v2sf) =	vpush v7, $0xF  }
0x20e: {  	s0 =	simm.s32 $0x80;
	s12 =	simm.s32 $0x10;
	s1 =	smov.u32 s26;
	[tilespmem:s29+$0xC000] =	vst.msk vm0, v8  }
.LBB2_48:
0x20f: {  	p0 =	sne.s32 s0, $0x1F00;
	v6 =	vld [tilespmem:s12+$0xB600];
	_ =	sdelay $0x4  }
0x210: {  	v6 =	vadd.f32 v6, v5;
	_ =	sdelay $0x1  }
0x211: {  	vm0 =	vge.f32 v6, v4  }
0x212: {  	v7 =	vmpcnt.ones.xlane vm0;
	_ =	sdelay $0x1  }
0x213: {  	v7 =	vxor.u32 $0x80000000, v7  }
0x214: {  	(xrf0) =	vmax.scan.msk.u32 $0xffff, v7;
	_ =	sdelay $0x1  }
0x215: {  	s12 =	spop (v2sf)  }
0x216: {  	s12 =	sadd.s32 s12, s29  }
.Ltmp25:
0x217: {  	s29 =	sadd.s32 $0x80000000, s12;
	(pc) =	sbr.rel @p0 .LBB2_48-.Ltmp25, $4  }
0x218: {  	p1 =	slt.s32 s29, $0x1F0  }
0x219: {  	s1 =	sadd.s32 $0x10, s1;
	v7, _, _ =	vpop (xrf0);
	s29 =	simm.s32 @!p1 $0x1F0  }
0x21a: {  	v8 =	vor.u32 s1, v2;
	[tilespmem:s29+$0xBE00] =	vst.msk vm0, v6;
	(v2sf) =	vpush v7, $0xF  }
0x21b: {  	s12 =	sshra.s32 s0, $0x2;
	s0 =	sadd.s32 $0x40, s0;
	[tilespmem:s29+$0xC000] =	vst.msk vm0, v8  }
0x21c: {  	v6 =	vld [tilespmem:s12+$0xB600];
	_ =	sdelay $0x4  }
0x21d: {  	v5 =	vadd.f32 v6, v5;
	_ =	sdelay $0x1  }
0x21e: {  	vm0 =	vge.f32 v5, v4  }
0x21f: {  	v6 =	vmpcnt.ones.xlane vm0;
	_ =	sdelay $0x1  }
0x220: {  	v6 =	vxor.u32 $0x80000000, v6  }
0x221: {  	(xrf0) =	vmax.scan.msk.u32 $0xffff, v6;
	_ =	sdelay $0x5  }
0x222: {  	v6, _, _ =	vpop (xrf0)  }
0x223: {  	(v2sf) =	vpush v6, $0xF;
	_ =	sdelay $0xa  }
0x224: {  	s0 =	spop (v2sf)  }
0x225: {  	s0 =	sadd.s32 s0, s29  }
0x226: {  	s0 =	sadd.s32 $0x80000000, s0  }
0x227: {  	p0 =	slt.s32 s0, $0x1F0  }
.Ltmp26:
0x228: {  	s0 =	simm.s32 @!p0 $0x1F0;
	s31 =	spop (v2sf);
	(pc) =	sbr.rel .LBB2_50-.Ltmp26, $4  }
0x229: {  	s12 =	sadd.s32 s31, s0  }
0x22a: {  	s1 =	sadd.s32 $0x10, s1;
	s29 =	sadd.s32 $0x80000000, s12  }
0x22b: {  	v6 =	vor.u32 s1, v2;
	[tilespmem:s0+$0xBE00] =	vst.msk vm0, v5;
	p0 =	slt.s32 s29, $0x1F0  }
0x22c: {  	[tilespmem:s0+$0xC000] =	vst.msk vm0, v6;
	s29 =	simm.s32 @!p0 $0x1F0  }
.LBB2_51:
0x22d: {  	s1 =	simm.s32 $0x0  }
0x22e: {  	v6 =	vld [tilespmem:s1+$0xBE00]  }
0x22f: {  	v7 =	vld [tilespmem:s1+$0xC000];
	_ =	sdelay $0x1  }
0x230: {  	v4 =	vimm.f32 $-1.000000020e+30;
	v5 =	vimm.s32 $0x40000000;
	s0 =	simm.s32 $0x40  }
.LBB2_52:
0x231: {  	p0 =	sne.s32 s0, $0x7C0  }
.Ltmp27:
0x232: {  	s1 =	sshra.s32 s0, $0x2;
	v8 =	vmov v6;
	(pc) =	sbr.rel @p0 .LBB2_52-.Ltmp27, $4  }
0x233: {  	s0 =	sadd.s32 $0x40, s0;
	v6 =	vld [tilespmem:s1+$0xBE00];
	vm0 =	veq.f32 v8, v4;
	vm1 =	vlt.s32 v7, v5;
	v9 =	vmov v7  }
0x234: {  	vm15 =	vgt.f32 v8, v4;
	v7 =	vld [tilespmem:s1+$0xC000];
	vm0 =	vmand vm0, vm1  }
0x235: {  	vm0 =	vmor vm15, vm0  }
0x236: {  	v4 =	vsel vm0, v8, v4;
	v5 =	vsel vm0, v9, v5  }
0x237: {  	_ =	sdelay $0x1  }
0x238: {  	vm0 =	veq.f32 v6, v4;
	vm1 =	vlt.s32 v7, v5  }
0x239: {  	vm15 =	vgt.f32 v6, v4;
	vm0 =	vmand vm0, vm1  }
0x23a: {  	vm0 =	vmor vm15, vm0  }
0x23b: {  	v6 =	vsel vm0, v6, v4  }
0x23c: {  	(xrf0) =	vmax.scan.msk.f32 $0xffff, v6;
	_ =	sdelay $0x5  }
0x23d: {  	v4, _, _ =	vpop (xrf0)  }
0x23e: {  	v4 =	vbroadcast v4, $0xF  }
0x23f: {  	v5 =	vsel vm0, v7, v5  }
0x240: {  	v5 =	vxor.u32 $0x80000000, v5;
	vm0 =	veq.f32 v6, v4  }
0x241: {  	v5 =	vnsel vm0, $0xC0000000, v5  }
0x242: {  	(xrf0) =	vmin.scan.msk.u32 $0xffff, v5;
	_ =	sdelay $0x5  }
0x243: {  	v5, _, _ =	vpop (xrf0)  }
0x244: {  	(v2sf) =	vpush v5, $0xF;
	_ =	sdelay $0xb  }
0x245: {  	s1 =	simm.s32 $0x0  }
0x246: {  	v6 =	vld [tilespmem:s1+$0xC000]  }
0x247: {  	v7 =	vld [tilespmem:s1+$0xBE00]  }
0x248: {  	s0 =	spop (v2sf)  }
0x249: {  	s0 =	sxor.u32 $0x80000000, s0  }
0x24a: {  	v5 =	vmov s0  }
0x24b: {  	s22 =	simm.s32 $0x10;
	vm0 =	veq.s32 v6, v5  }
0x24c: {  	s12 =	simm.s32 $0x80;
	s21 =	simm.s32 $0x0;
	s0 =	simm.s32 $0x40;
	v6 =	vsel vm0, $0xF149F2CA, v7  }
.LBB2_54:
0x24d: {  	p0 =	sne.s32 s12, $0x7C0;
	v7 =	vld [tilespmem:s22+$0xC000];
	[tilespmem:s21+$0xBE00] =	vst v6;
	s21 =	smov.u32 s22  }
0x24e: {  	v6 =	vld [tilespmem:s21+$0xBE00]  }
.Ltmp28:
0x24f: {  	(pc) =	sbr.rel @p0 .LBB2_54-.Ltmp28, $3  }
0x250: {  	_ =	sdelay $0x1  }
0x251: {  	vm0 =	veq.s32 v7, v5  }
0x252: {  	s22 =	sshra.s32 s12, $0x2;
	s12 =	sadd.s32 $0x40, s12;
	v6 =	vsel vm0, $0xF149F2CA, v6  }
0x253: {  	v7 =	vld [tilespmem:s22+$0xC000];
	[tilespmem:s21+$0xBE00] =	vst v6  }
0x254: {  	v6 =	vld [tilespmem:s22+$0xBE00];
	_ =	sdelay $0x3  }
0x255: {  	vm0 =	veq.s32 v7, v5  }
0x256: {  	v6 =	vsel vm0, $0xF149F2CA, v6  }
0x257: {  	[tilespmem:s22+$0xBE00] =	vst v6  }
0x258: {  	v9 =	vld [tilespmem:s1+$0xBE00]  }
0x259: {  	v8 =	vld [tilespmem:s1+$0xC000];
	_ =	sdelay $0x1  }
0x25a: {  	v7 =	vimm.s32 $0x40000000;
	v6 =	vimm.f32 $-1.000000020e+30  }
.LBB2_56:
0x25b: {  	p0 =	sne.s32 s0, $0x7C0  }
.Ltmp29:
0x25c: {  	s1 =	sshra.s32 s0, $0x2;
	v10 =	vmov v9;
	(pc) =	sbr.rel @p0 .LBB2_56-.Ltmp29, $4  }
0x25d: {  	s0 =	sadd.s32 $0x40, s0;
	v9 =	vld [tilespmem:s1+$0xBE00];
	vm0 =	veq.f32 v10, v6;
	vm1 =	vlt.s32 v8, v7;
	v11 =	vmov v8  }
0x25e: {  	vm15 =	vgt.f32 v10, v6;
	v8 =	vld [tilespmem:s1+$0xC000];
	vm0 =	vmand vm0, vm1  }
0x25f: {  	vm0 =	vmor vm15, vm0  }
0x260: {  	v6 =	vsel vm0, v10, v6;
	v7 =	vsel vm0, v11, v7  }
0x261: {  	_ =	sdelay $0x1  }
0x262: {  	vm0 =	veq.f32 v9, v6;
	vm1 =	vlt.s32 v8, v7  }
0x263: {  	vm15 =	vgt.f32 v9, v6;
	vm0 =	vmand vm0, vm1  }
0x264: {  	vm0 =	vmor vm15, vm0  }
0x265: {  	v9 =	vsel vm0, v9, v6  }
0x266: {  	(xrf0) =	vmax.scan.msk.f32 $0xffff, v9;
	_ =	sdelay $0x5  }
0x267: {  	v6, _, _ =	vpop (xrf0)  }
0x268: {  	v6 =	vbroadcast v6, $0xF  }
0x269: {  	v7 =	vsel vm0, v8, v7  }
0x26a: {  	v7 =	vxor.u32 $0x80000000, v7;
	vm0 =	veq.f32 v9, v6  }
0x26b: {  	v7 =	vnsel vm0, $0xC0000000, v7  }
0x26c: {  	(xrf0) =	vmin.scan.msk.u32 $0xffff, v7;
	_ =	sdelay $0x5  }
0x26d: {  	v7, _, _ =	vpop (xrf0)  }
0x26e: {  	(v2sf) =	vpush v7, $0xF;
	_ =	sdelay $0xb  }
0x26f: {  	s1 =	simm.s32 $0x0  }
0x270: {  	v8 =	vld [tilespmem:s1+$0xC000]  }
0x271: {  	v9 =	vld [tilespmem:s1+$0xBE00]  }
0x272: {  	s0 =	spop (v2sf)  }
0x273: {  	s21 =	sxor.u32 $0x80000000, s0  }
0x274: {  	v7 =	vmov s21  }
0x275: {  	s23 =	simm.s32 $0x10;
	vm0 =	veq.s32 v8, v7  }
0x276: {  	s12 =	simm.s32 $0x80;
	s22 =	simm.s32 $0x0;
	s0 =	simm.s32 $0x40;
	v8 =	vsel vm0, $0xF149F2CA, v9  }
.LBB2_58:
0x277: {  	p0 =	sne.s32 s12, $0x7C0;
	v9 =	vld [tilespmem:s23+$0xC000];
	[tilespmem:s22+$0xBE00] =	vst v8;
	s22 =	smov.u32 s23  }
0x278: {  	v8 =	vld [tilespmem:s22+$0xBE00]  }
.Ltmp30:
0x279: {  	(pc) =	sbr.rel @p0 .LBB2_58-.Ltmp30, $3  }
0x27a: {  	_ =	sdelay $0x1  }
0x27b: {  	vm0 =	veq.s32 v9, v7  }
0x27c: {  	s23 =	sshra.s32 s12, $0x2;
	s12 =	sadd.s32 $0x40, s12;
	v8 =	vsel vm0, $0xF149F2CA, v8  }
0x27d: {  	v9 =	vld [tilespmem:s23+$0xC000];
	[tilespmem:s22+$0xBE00] =	vst v8  }
0x27e: {  	v8 =	vld [tilespmem:s23+$0xBE00];
	_ =	sdelay $0x3  }
0x27f: {  	vm0 =	veq.s32 v9, v7  }
0x280: {  	v7 =	vsel vm0, $0xF149F2CA, v8  }
0x281: {  	[tilespmem:s23+$0xBE00] =	vst v7  }
0x282: {  	v10 =	vld [tilespmem:s1+$0xBE00]  }
0x283: {  	v9 =	vld [tilespmem:s1+$0xC000];
	_ =	sdelay $0x1  }
0x284: {  	v8 =	vimm.s32 $0x40000000;
	v7 =	vimm.f32 $-1.000000020e+30  }
.LBB2_60:
0x285: {  	p0 =	sne.s32 s0, $0x7C0  }
.Ltmp31:
0x286: {  	s1 =	sshra.s32 s0, $0x2;
	v11 =	vmov v10;
	(pc) =	sbr.rel @p0 .LBB2_60-.Ltmp31, $4  }
0x287: {  	s0 =	sadd.s32 $0x40, s0;
	v10 =	vld [tilespmem:s1+$0xBE00];
	vm0 =	veq.f32 v11, v7;
	vm1 =	vlt.s32 v9, v8;
	v12 =	vmov v9  }
0x288: {  	vm15 =	vgt.f32 v11, v7;
	v9 =	vld [tilespmem:s1+$0xC000];
	vm0 =	vmand vm0, vm1  }
0x289: {  	vm0 =	vmor vm15, vm0  }
0x28a: {  	v7 =	vsel vm0, v11, v7;
	v8 =	vsel vm0, v12, v8  }
0x28b: {  	_ =	sdelay $0x1  }
0x28c: {  	vm0 =	veq.f32 v10, v7;
	vm1 =	vlt.s32 v9, v8  }
0x28d: {  	vm15 =	vgt.f32 v10, v7;
	vm0 =	vmand vm0, vm1  }
0x28e: {  	vm0 =	vmor vm15, vm0  }
0x28f: {  	v10 =	vsel vm0, v10, v7  }
0x290: {  	(xrf0) =	vmax.scan.msk.f32 $0xffff, v10;
	_ =	sdelay $0x5  }
0x291: {  	v7, _, _ =	vpop (xrf0)  }
0x292: {  	v7 =	vbroadcast v7, $0xF  }
0x293: {  	v8 =	vsel vm0, v9, v8  }
0x294: {  	v8 =	vxor.u32 $0x80000000, v8;
	vm0 =	veq.f32 v10, v7  }
0x295: {  	v8 =	vnsel vm0, $0xC0000000, v8  }
0x296: {  	(xrf0) =	vmin.scan.msk.u32 $0xffff, v8;
	_ =	sdelay $0x5  }
0x297: {  	v8, _, _ =	vpop (xrf0)  }
0x298: {  	(v2sf) =	vpush v8, $0xF;
	_ =	sdelay $0xb  }
0x299: {  	s1 =	simm.s32 $0x0  }
0x29a: {  	v9 =	vld [tilespmem:s1+$0xC000]  }
0x29b: {  	v10 =	vld [tilespmem:s1+$0xBE00]  }
0x29c: {  	s0 =	spop (v2sf)  }
0x29d: {  	s22 =	sxor.u32 $0x80000000, s0  }
0x29e: {  	v8 =	vmov s22  }
0x29f: {  	s24 =	simm.s32 $0x10;
	vm0 =	veq.s32 v9, v8  }
0x2a0: {  	s12 =	simm.s32 $0x80;
	s23 =	simm.s32 $0x0;
	s0 =	simm.s32 $0x40;
	v9 =	vsel vm0, $0xF149F2CA, v10  }
.LBB2_62:
0x2a1: {  	p0 =	sne.s32 s12, $0x7C0;
	v10 =	vld [tilespmem:s24+$0xC000];
	[tilespmem:s23+$0xBE00] =	vst v9;
	s23 =	smov.u32 s24  }
0x2a2: {  	v9 =	vld [tilespmem:s23+$0xBE00]  }
.Ltmp32:
0x2a3: {  	(pc) =	sbr.rel @p0 .LBB2_62-.Ltmp32, $3  }
0x2a4: {  	_ =	sdelay $0x1  }
0x2a5: {  	vm0 =	veq.s32 v10, v8  }
0x2a6: {  	s24 =	sshra.s32 s12, $0x2;
	s12 =	sadd.s32 $0x40, s12;
	v9 =	vsel vm0, $0xF149F2CA, v9  }
0x2a7: {  	v10 =	vld [tilespmem:s24+$0xC000];
	[tilespmem:s23+$0xBE00] =	vst v9  }
0x2a8: {  	v9 =	vld [tilespmem:s24+$0xBE00];
	_ =	sdelay $0x3  }
0x2a9: {  	vm0 =	veq.s32 v10, v8  }
0x2aa: {  	v8 =	vsel vm0, $0xF149F2CA, v9  }
0x2ab: {  	[tilespmem:s24+$0xBE00] =	vst v8  }
0x2ac: {  	v11 =	vld [tilespmem:s1+$0xBE00]  }
0x2ad: {  	v10 =	vld [tilespmem:s1+$0xC000];
	_ =	sdelay $0x1  }
0x2ae: {  	v9 =	vimm.s32 $0x40000000;
	v8 =	vimm.f32 $-1.000000020e+30  }
.LBB2_64:
0x2af: {  	p0 =	sne.s32 s0, $0x7C0  }
.Ltmp33:
0x2b0: {  	s1 =	sshra.s32 s0, $0x2;
	v12 =	vmov v11;
	(pc) =	sbr.rel @p0 .LBB2_64-.Ltmp33, $4  }
0x2b1: {  	s0 =	sadd.s32 $0x40, s0;
	v11 =	vld [tilespmem:s1+$0xBE00];
	vm0 =	veq.f32 v12, v8;
	vm1 =	vlt.s32 v10, v9;
	v13 =	vmov v10  }
0x2b2: {  	vm15 =	vgt.f32 v12, v8;
	v10 =	vld [tilespmem:s1+$0xC000];
	vm0 =	vmand vm0, vm1  }
0x2b3: {  	vm0 =	vmor vm15, vm0  }
0x2b4: {  	v8 =	vsel vm0, v12, v8;
	v9 =	vsel vm0, v13, v9  }
0x2b5: {  	_ =	sdelay $0x1  }
0x2b6: {  	vm0 =	veq.f32 v11, v8;
	vm1 =	vlt.s32 v10, v9  }
0x2b7: {  	vm15 =	vgt.f32 v11, v8;
	vm0 =	vmand vm0, vm1  }
0x2b8: {  	vm0 =	vmor vm15, vm0  }
0x2b9: {  	v11 =	vsel vm0, v11, v8  }
0x2ba: {  	(xrf0) =	vmax.scan.msk.f32 $0xffff, v11;
	_ =	sdelay $0x5  }
0x2bb: {  	v8, _, _ =	vpop (xrf0)  }
0x2bc: {  	v8 =	vbroadcast v8, $0xF  }
0x2bd: {  	v9 =	vsel vm0, v10, v9  }
0x2be: {  	v9 =	vxor.u32 $0x80000000, v9;
	vm0 =	veq.f32 v11, v8  }
0x2bf: {  	v9 =	vnsel vm0, $0xC0000000, v9  }
0x2c0: {  	(xrf0) =	vmin.scan.msk.u32 $0xffff, v9;
	_ =	sdelay $0x5  }
0x2c1: {  	v9, _, _ =	vpop (xrf0)  }
0x2c2: {  	(v2sf) =	vpush v9, $0xF;
	_ =	sdelay $0xb  }
0x2c3: {  	s0 =	simm.s32 $0x0  }
0x2c4: {  	v10 =	vld [tilespmem:s0+$0xC000]  }
0x2c5: {  	v11 =	vld [tilespmem:s0+$0xBE00]  }
0x2c6: {  	s1 =	spop (v2sf)  }
0x2c7: {  	s23 =	sxor.u32 $0x80000000, s1  }
0x2c8: {  	v9 =	vmov s23  }
0x2c9: {  	vm0 =	veq.s32 v10, v9  }
0x2ca: {  	s12 =	simm.s32 $0x80;
	s1 =	simm.s32 $0x10;
	v10 =	vsel vm0, $0xF149F2CA, v11  }
.LBB2_66:
0x2cb: {  	p0 =	sne.s32 s12, $0x7C0;
	v11 =	vld [tilespmem:s1+$0xC000];
	[tilespmem:s0+$0xBE00] =	vst v10;
	s0 =	smov.u32 s1  }
0x2cc: {  	v10 =	vld [tilespmem:s0+$0xBE00]  }
.Ltmp34:
0x2cd: {  	(pc) =	sbr.rel @p0 .LBB2_66-.Ltmp34, $3  }
0x2ce: {  	_ =	sdelay $0x1  }
0x2cf: {  	vm0 =	veq.s32 v11, v9  }
0x2d0: {  	s1 =	sshra.s32 s12, $0x2;
	s12 =	sadd.s32 $0x40, s12;
	v10 =	vsel vm0, $0xF149F2CA, v10  }
0x2d1: {  	(v2sf) =	vpush v3, $0x4  }
0x2d2: {  	(v2sf) =	vpush v3, $0x5  }
0x2d3: {  	(v2sf) =	vpush v3, $0x6  }
0x2d4: {  	(v2sf) =	vpush v3, $0x7;
	_ =	sdelay $0x6  }
0x2d5: {  	v3 =	vld [tilespmem:s1+$0xC000];
	[tilespmem:s0+$0xBE00] =	vst v10  }
0x2d6: {  	v10 =	vld [tilespmem:s1+$0xBE00];
	_ =	sdelay $0x3  }
0x2d7: {  	vm0 =	veq.s32 v3, v9;
	s24 =	spop (v2sf)  }
0x2d8: {  	s30 =	simm.s32 $0x0;
	v3 =	vsel vm0, $0xF149F2CA, v10;
	s25 =	spop (v2sf)  }
0x2d9: {  	s0 =	sand.u32 $0xFF0, s30;
	[tilespmem:s1+$0xBE00] =	vst v3;
	s26 =	spop (v2sf)  }
0x2da: {  	v3 =	vld [tilespmem:s0+$0xA980];
	s28 =	spop (v2sf)  }
0x2db: {  	p0 =	por $0x1, $0x1;
	s0 =	smov.u32 s28  }
0x2dc: {  	p1 =	por $0x1, $0x1;
	s0 =	smov.u32 @p0 s26  }
0x2dd: {  	p0 =	por $0x1, $0x1;
	s0 =	smov.u32 @p1 s25  }
0x2de: {  	s0 =	smov.u32 @p0 s24  }
0x2df: {  	s31 =	simm.s32 $0x10;
	v10 =	vadd.f32 s0, v3  }
0x2e0: {  	s12 =	sand.u32 $0xFF0, s31;
	v3 =	vimm.f32 $-1.000000020e+30  }
0x2e1: {  	v15 =	vld [tilespmem:s12+$0xA980];
	s1 =	smov.u32 s28;
	p0 =	por $0x1, $0x1;
	v9 =	vmin.f32 v3, v10  }
0x2e2: {  	p1 =	por $0x1, $0x1;
	s1 =	smov.u32 @p0 s26;
	v11 =	vmin.f32 v3, v9  }
0x2e3: {  	p0 =	por $0x1, $0x1;
	s1 =	smov.u32 @p1 s25;
	v12 =	vmin.f32 v3, v11  }
0x2e4: {  	v14 =	vimm.f32 $-1.000000020e+30;
	v13 =	vimm.f32 $-1.000000020e+30;
	s12 =	simm.s32 $0x20;
	s0 =	simm.s32 $0x2;
	s1 =	smov.u32 @p0 s24;
	v12 =	vmax.f32 v3, v12  }
.LBB2_68:
0x2e5: {  	s17 =	sand.u32 $0xFF0, s12  }
0x2e6: {  	p0 =	sne.s32 s0, $0xC7;
	v16 =	vadd.f32 s1, v15;
	s29 =	smov.u32 s0;
	s0 =	sadd.s32 $0x1, s0  }
.Ltmp35:
0x2e7: {  	v3 =	vmax.f32 v3, v10;
	v15 =	vld [tilespmem:s17+$0xA980];
	(pc) =	sbr.rel @p0 .LBB2_68-.Ltmp35, $4  }
0x2e8: {  	v14 =	vmax.f32 v14, v9;
	s1 =	smov.u32 s28;
	p1 =	slt.u32 s29, $0x96;
	v9 =	vmin.f32 v3, v16;
	v10 =	vmov v16  }
0x2e9: {  	v13 =	vmax.f32 v13, v11;
	p2 =	slt.u32 s29, $0x64;
	s1 =	smov.u32 @p1 s26;
	v11 =	vmin.f32 v14, v9  }
0x2ea: {  	p1 =	slt.u32 s29, $0x32;
	s1 =	smov.u32 @p2 s25;
	v16 =	vmin.f32 v13, v11  }
0x2eb: {  	s12 =	sadd.s32 $0x10, s12;
	s1 =	smov.u32 @p1 s24;
	v12 =	vmax.f32 v12, v16  }
0x2ec: {  	v15 =	vadd.f32 s1, v15  }
0x2ed: {  	v3 =	vmax.f32 v3, v10  }
0x2ee: {  	v9 =	vmax.f32 v14, v9;
	v10 =	vmin.f32 v3, v15  }
0x2ef: {  	v11 =	vmax.f32 v13, v11;
	v14 =	vmin.f32 v9, v10  }
0x2f0: {  	v3 =	vmax.f32 v3, v15;
	v13 =	vmin.f32 v11, v14  }
0x2f1: {  	v9 =	vmax.f32 v9, v10;
	v10 =	vmax.f32 v11, v14;
	v12 =	vmax.f32 v12, v13  }
0x2f2: {  	v11 =	vmax.f32 v3, v9;
	v13 =	vmax.f32 v10, v12  }
0x2f3: {  	v11 =	vmax.f32 v11, v13  }
0x2f4: {  	(xrf0) =	vmax.scan.msk.f32 $0xffff, v11  }
0x2f5: {  	[tilespmem:$0xBE00] =	vst v0  }
0x2f6: {  	[tilespmem:$0xC000] =	vst v1  }
0x2f7: {  	[tilespmem:$0xBE10] =	vst v0  }
0x2f8: {  	[tilespmem:$0xC010] =	vst v1  }
0x2f9: {  	[tilespmem:$0xBE20] =	vst v0  }
0x2fa: {  	[tilespmem:$0xC020] =	vst v1;
	v11, _, _ =	vpop (xrf0)  }
0x2fb: {  	[tilespmem:$0xBE30] =	vst v0;
	v11 =	vbroadcast v11, $0xF  }
0x2fc: {  	[tilespmem:$0xC030] =	vst v1  }
0x2fd: {  	[tilespmem:$0xBE40] =	vst v0;
	vm0 =	veq.f32 v3, v11;
	vm1 =	veq.f32 v10, v11  }
0x2fe: {  	[tilespmem:$0xC040] =	vst v1;
	vm15 =	veq.f32 v12, v11;
	v3 =	vsel vm0, $0xF149F2CA, v3;
	vm0 =	veq.f32 v9, v11  }
0x2ff: {  	[tilespmem:$0xBE50] =	vst v0;
	v10 =	vsel vm1, $0xF149F2CA, v10;
	v11 =	vsel vm15, $0xF149F2CA, v12;
	v9 =	vsel vm0, $0xF149F2CA, v9  }
0x300: {  	[tilespmem:$0xC050] =	vst v1;
	v61 =	vmax.f32 v10, v11;
	v60 =	vmax.f32 v3, v9  }
0x301: {  	[tilespmem:$0xBE60] =	vst v0;
	v12 =	vmax.f32 v60, v61  }
0x302: {  	[tilespmem:$0xC060] =	vst v1;
	(xrf0) =	vmax.scan.msk.f32 $0xffff, v12  }
0x303: {  	[tilespmem:$0xBE70] =	vst v0  }
0x304: {  	[tilespmem:$0xC070] =	vst v1  }
0x305: {  	[tilespmem:$0xBE80] =	vst v0  }
0x306: {  	[tilespmem:$0xC080] =	vst v1  }
0x307: {  	[tilespmem:$0xBE90] =	vst v0  }
0x308: {  	[tilespmem:$0xC090] =	vst v1;
	v12, _, _ =	vpop (xrf0)  }
0x309: {  	[tilespmem:$0xBEA0] =	vst v0;
	v12 =	vbroadcast v12, $0xF  }
0x30a: {  	[tilespmem:$0xC0A0] =	vst v1  }
0x30b: {  	[tilespmem:$0xBEB0] =	vst v0;
	vm0 =	veq.f32 v3, v12;
	vm1 =	veq.f32 v10, v12  }
0x30c: {  	[tilespmem:$0xC0B0] =	vst v1;
	vm15 =	veq.f32 v11, v12;
	v3 =	vsel vm0, $0xF149F2CA, v3;
	vm0 =	veq.f32 v9, v12  }
0x30d: {  	[tilespmem:$0xBEC0] =	vst v0;
	v10 =	vsel vm1, $0xF149F2CA, v10;
	v11 =	vsel vm15, $0xF149F2CA, v11;
	v9 =	vsel vm0, $0xF149F2CA, v9  }
0x30e: {  	[tilespmem:$0xC0C0] =	vst v1;
	v63 =	vmax.f32 v10, v11;
	v62 =	vmax.f32 v3, v9  }
0x30f: {  	[tilespmem:$0xBED0] =	vst v0;
	v12 =	vmax.f32 v62, v63  }
0x310: {  	[tilespmem:$0xC0D0] =	vst v1;
	(xrf0) =	vmax.scan.msk.f32 $0xffff, v12  }
0x311: {  	[tilespmem:$0xBEE0] =	vst v0  }
0x312: {  	[tilespmem:$0xC0E0] =	vst v1  }
0x313: {  	[tilespmem:$0xBEF0] =	vst v0  }
0x314: {  	[tilespmem:$0xC0F0] =	vst v1  }
0x315: {  	[tilespmem:$0xBF00] =	vst v0  }
0x316: {  	[tilespmem:$0xC100] =	vst v1;
	v12, _, _ =	vpop (xrf0)  }
0x317: {  	[tilespmem:$0xBF10] =	vst v0;
	v12 =	vbroadcast v12, $0xF  }
0x318: {  	[tilespmem:$0xC110] =	vst v1  }
0x319: {  	[tilespmem:$0xBF20] =	vst v0;
	vm0 =	veq.f32 v3, v12;
	vm1 =	veq.f32 v10, v12  }
0x31a: {  	[tilespmem:$0xC120] =	vst v1;
	vm15 =	veq.f32 v11, v12;
	v3 =	vsel vm0, $0xF149F2CA, v3;
	vm0 =	veq.f32 v9, v12  }
0x31b: {  	[tilespmem:$0xBF30] =	vst v0;
	v10 =	vsel vm1, $0xF149F2CA, v10;
	v11 =	vsel vm15, $0xF149F2CA, v11;
	v9 =	vsel vm0, $0xF149F2CA, v9  }
0x31c: {  	[tilespmem:$0xC130] =	vst v1;
	v3 =	vmax.f32 v3, v9;
	v9 =	vmax.f32 v10, v11  }
0x31d: {  	[tilespmem:$0xBF40] =	vst v0;
	v3 =	vmax.f32 v3, v9  }
0x31e: {  	[tilespmem:$0xC140] =	vst v1;
	(xrf0) =	vmax.scan.msk.f32 $0xffff, v3  }
0x31f: {  	[tilespmem:$0xBF50] =	vst v0  }
0x320: {  	[tilespmem:$0xC150] =	vst v1  }
0x321: {  	[tilespmem:$0xBF60] =	vst v0  }
0x322: {  	[tilespmem:$0xC160] =	vst v1  }
0x323: {  	[tilespmem:$0xBF70] =	vst v0  }
0x324: {  	[tilespmem:$0xC170] =	vst v1;
	v3, _, _ =	vpop (xrf0)  }
0x325: {  	[tilespmem:$0xBF80] =	vst v0;
	(v2sf) =	vpush v3, $0xF  }
0x326: {  	[tilespmem:$0xC180] =	vst v1  }
0x327: {  	[tilespmem:$0xBF90] =	vst v0  }
0x328: {  	[tilespmem:$0xC190] =	vst v1  }
0x329: {  	[tilespmem:$0xBFA0] =	vst v0  }
0x32a: {  	[tilespmem:$0xC1A0] =	vst v1  }
0x32b: {  	[tilespmem:$0xBFB0] =	vst v0  }
0x32c: {  	[tilespmem:$0xC1B0] =	vst v1  }
0x32d: {  	[tilespmem:$0xBFC0] =	vst v0  }
0x32e: {  	[tilespmem:$0xC1C0] =	vst v1  }
0x32f: {  	[tilespmem:$0xBFD0] =	vst v0  }
.Ltmp36:
0x330: {  	[tilespmem:$0xC1D0] =	vst v1;
	(pc) =	sbr.rel .LBB2_70-.Ltmp36, $4  }
0x331: {  	[tilespmem:$0xBFE0] =	vst v0  }
0x332: {  	[tilespmem:$0xC1E0] =	vst v1  }
0x333: {  	[tilespmem:$0xBFF0] =	vst v0;
	s0 =	simm.s32 $0x0  }
0x334: {  	[tilespmem:$0xC1F0] =	vst v1;
	s1 =	simm.s32 $0x0;
	s31 =	simm.s32 $0x0;
	v3 =	vbroadcast v3, $0xF;
	s29 =	spop (v2sf)  }
.LBB2_74:
0x335: {  	s31 =	sadd.s32 $0x1, s31  }
0x336: {  	p0 =	sne.s32 s31, $0xC8  }
.Ltmp37:
0x337: {  	_ = 	snop;
	(pc) =	sbr.rel @!p0 .LBB2_75-.Ltmp37, $2  }
0x338: {  	_ =	sdelay $0x2  }
0x339: {  	s0 =	sadd.s32 $0x7D0, s0  }
.LBB2_70:
0x33a: {  	s12 =	sshll.u32 s31, $0x4  }
0x33b: {  	s12 =	sand.u32 $0xFF0, s12  }
0x33c: {  	v9 =	vld [tilespmem:s12+$0xA980];
	_ =	sdelay $0x4  }
0x33d: {  	(xrf0) =	vmax.scan.msk.f32 $0xffff, v9;
	_ =	sdelay $0x5  }
0x33e: {  	v9, _, _ =	vpop (xrf0)  }
0x33f: {  	(v2sf) =	vpush v9, $0xF;
	_ =	sdelay $0xb  }
0x340: {  	p0 =	slt.u32 s31, $0x96;
	s12 =	smov.u32 s28  }
0x341: {  	p1 =	slt.u32 s31, $0x64;
	s12 =	smov.u32 @p0 s26  }
0x342: {  	p0 =	slt.u32 s31, $0x32;
	s12 =	smov.u32 @p1 s25  }
0x343: {  	s12 =	smov.u32 @p0 s24;
	s17 =	spop (v2sf)  }
0x344: {  	s17 =	sadd.f32 s17, s12;
	_ =	sdelay $0x1  }
0x345: {  	p0 =	sge.f32 s17, s29  }
.Ltmp38:
0x346: {  	_ = 	snop;
	(pc) =	sbr.rel @!p0 .LBB2_74-.Ltmp38, $1  }
0x347: {  	_ =	sdelay $0x3  }
0x348: {  	s17 =	smul.u32 $0x7D0, s31;
	_ =	sdelay $0x1  }
0x349: {  	s17 =	sadd.s32 s17, s8  }
0x34a: {  	s17 =	sshrl.u32 s17, $0x3  }
0x34b: {  	s30 =	simm.s32 $0x0;
	s17 =	sadd.s32 s4, s17  }
0x34c: {  	[tilespmem:s19], [sflag:$0x3] =	stream.linear.gather [hbm4b:s17+s30], $0x7D0, $0x38;
	[tilespmem:$0xC380] =	vst v63  }
0x34d: {  	_ =	swait.ge [sflag:s13], $0x7D0  }
0x34e: {  	[sflag:s13] =	ssyncset.done $0x0  }
0x34f: {  	s17 =	simm.s32 $0x0;
	[sflag:s13] =	ssyncadd.s32 $0xFFFFF830  }
0x350: {  	v10 =	vld [tilespmem:s17+$0xB600];
	_ =	sdelay $0x3  }
0x351: {  	v9 =	vmov s12  }
0x352: {  	v10 =	vadd.f32 v10, v9;
	_ =	sdelay $0x1  }
0x353: {  	vm0 =	vge.f32 v10, v3  }
0x354: {  	v11 =	vmpcnt.ones.xlane vm0;
	_ =	sdelay $0x1  }
0x355: {  	v11 =	vxor.u32 $0x80000000, v11  }
0x356: {  	(xrf0) =	vmax.scan.msk.u32 $0xffff, v11;
	_ =	sdelay $0x5  }
0x357: {  	v11, _, _ =	vpop (xrf0)  }
0x358: {  	v12 =	vor.u32 s0, v2;
	[tilespmem:s1+$0xBE00] =	vst.msk vm0, v10;
	(v2sf) =	vpush v11, $0xF  }
0x359: {  	s12 =	simm.s32 $0x80;
	s30 =	smov.u32 s0;
	s17 =	simm.s32 $0x10;
	[tilespmem:s1+$0xC000] =	vst.msk vm0, v12  }
.LBB2_72:
0x35a: {  	p0 =	sne.s32 s12, $0x1F00;
	v10 =	vld [tilespmem:s17+$0xB600];
	_ =	sdelay $0x4  }
0x35b: {  	v10 =	vadd.f32 v10, v9;
	_ =	sdelay $0x1  }
0x35c: {  	vm0 =	vge.f32 v10, v3  }
0x35d: {  	v11 =	vmpcnt.ones.xlane vm0;
	_ =	sdelay $0x1  }
0x35e: {  	v11 =	vxor.u32 $0x80000000, v11  }
0x35f: {  	(xrf0) =	vmax.scan.msk.u32 $0xffff, v11;
	_ =	sdelay $0x1  }
0x360: {  	s17 =	spop (v2sf)  }
0x361: {  	s1 =	sadd.s32 s17, s1  }
.Ltmp39:
0x362: {  	s1 =	sadd.s32 $0x80000000, s1;
	(pc) =	sbr.rel @p0 .LBB2_72-.Ltmp39, $4  }
0x363: {  	p1 =	slt.s32 s1, $0x1F0  }
0x364: {  	s30 =	sadd.s32 $0x10, s30;
	v11, _, _ =	vpop (xrf0);
	s1 =	simm.s32 @!p1 $0x1F0  }
0x365: {  	v12 =	vor.u32 s30, v2;
	[tilespmem:s1+$0xBE00] =	vst.msk vm0, v10;
	(v2sf) =	vpush v11, $0xF  }
0x366: {  	s17 =	sshra.s32 s12, $0x2;
	s12 =	sadd.s32 $0x40, s12;
	[tilespmem:s1+$0xC000] =	vst.msk vm0, v12  }
0x367: {  	v10 =	vld [tilespmem:s17+$0xB600];
	_ =	sdelay $0x4  }
0x368: {  	v9 =	vadd.f32 v10, v9;
	_ =	sdelay $0x1  }
0x369: {  	vm0 =	vge.f32 v9, v3  }
0x36a: {  	v10 =	vmpcnt.ones.xlane vm0;
	_ =	sdelay $0x1  }
0x36b: {  	v10 =	vxor.u32 $0x80000000, v10  }
0x36c: {  	(xrf0) =	vmax.scan.msk.u32 $0xffff, v10;
	_ =	sdelay $0x5  }
0x36d: {  	v10, _, _ =	vpop (xrf0)  }
0x36e: {  	(v2sf) =	vpush v10, $0xF;
	_ =	sdelay $0xa  }
0x36f: {  	s12 =	spop (v2sf)  }
0x370: {  	s1 =	sadd.s32 s12, s1  }
0x371: {  	s12 =	sadd.s32 $0x80000000, s1  }
0x372: {  	p0 =	slt.s32 s12, $0x1F0  }
.Ltmp40:
0x373: {  	s12 =	simm.s32 @!p0 $0x1F0;
	s17 =	spop (v2sf);
	(pc) =	sbr.rel .LBB2_74-.Ltmp40, $4  }
0x374: {  	s1 =	sadd.s32 s17, s12  }
0x375: {  	s30 =	sadd.s32 $0x10, s30;
	s1 =	sadd.s32 $0x80000000, s1  }
0x376: {  	v10 =	vor.u32 s30, v2;
	[tilespmem:s12+$0xBE00] =	vst.msk vm0, v9;
	p0 =	slt.s32 s1, $0x1F0  }
0x377: {  	[tilespmem:s12+$0xC000] =	vst.msk vm0, v10;
	s1 =	simm.s32 @!p0 $0x1F0  }
.LBB2_75:
0x378: {  	s1 =	simm.s32 $0x0  }
0x379: {  	v10 =	vld [tilespmem:s1+$0xBE00]  }
0x37a: {  	v11 =	vld [tilespmem:s1+$0xC000];
	_ =	sdelay $0x1  }
0x37b: {  	v3 =	vimm.f32 $-1.000000020e+30;
	v9 =	vimm.s32 $0x40000000;
	s0 =	simm.s32 $0x40  }
.LBB2_76:
0x37c: {  	p0 =	sne.s32 s0, $0x7C0  }
.Ltmp41:
0x37d: {  	s1 =	sshra.s32 s0, $0x2;
	v12 =	vmov v10;
	(pc) =	sbr.rel @p0 .LBB2_76-.Ltmp41, $4  }
0x37e: {  	s0 =	sadd.s32 $0x40, s0;
	v10 =	vld [tilespmem:s1+$0xBE00];
	vm0 =	veq.f32 v12, v3;
	vm1 =	vlt.s32 v11, v9;
	v13 =	vmov v11  }
0x37f: {  	vm15 =	vgt.f32 v12, v3;
	v11 =	vld [tilespmem:s1+$0xC000];
	vm0 =	vmand vm0, vm1  }
0x380: {  	vm0 =	vmor vm15, vm0  }
0x381: {  	v3 =	vsel vm0, v12, v3;
	v9 =	vsel vm0, v13, v9  }
0x382: {  	_ =	sdelay $0x1  }
0x383: {  	vm0 =	veq.f32 v10, v3;
	vm1 =	vlt.s32 v11, v9  }
0x384: {  	vm15 =	vgt.f32 v10, v3;
	vm0 =	vmand vm0, vm1  }
0x385: {  	vm0 =	vmor vm15, vm0  }
0x386: {  	v10 =	vsel vm0, v10, v3  }
0x387: {  	(xrf0) =	vmax.scan.msk.f32 $0xffff, v10;
	_ =	sdelay $0x5  }
0x388: {  	v3, _, _ =	vpop (xrf0)  }
0x389: {  	v3 =	vbroadcast v3, $0xF  }
0x38a: {  	v9 =	vsel vm0, v11, v9  }
0x38b: {  	v9 =	vxor.u32 $0x80000000, v9;
	vm0 =	veq.f32 v10, v3  }
0x38c: {  	v9 =	vnsel vm0, $0xC0000000, v9  }
0x38d: {  	(xrf0) =	vmin.scan.msk.u32 $0xffff, v9;
	_ =	sdelay $0x5  }
0x38e: {  	v9, _, _ =	vpop (xrf0)  }
0x38f: {  	(v2sf) =	vpush v9, $0xF;
	_ =	sdelay $0xb  }
0x390: {  	s1 =	simm.s32 $0x0  }
0x391: {  	v10 =	vld [tilespmem:s1+$0xC000]  }
0x392: {  	v11 =	vld [tilespmem:s1+$0xBE00]  }
0x393: {  	s0 =	spop (v2sf)  }
0x394: {  	s24 =	sxor.u32 $0x80000000, s0  }
0x395: {  	v9 =	vmov s24  }
0x396: {  	s26 =	simm.s32 $0x10;
	vm0 =	veq.s32 v10, v9  }
0x397: {  	s12 =	simm.s32 $0x80;
	s25 =	simm.s32 $0x0;
	s0 =	simm.s32 $0x40;
	v10 =	vsel vm0, $0xF149F2CA, v11  }
.LBB2_78:
0x398: {  	p0 =	sne.s32 s12, $0x7C0;
	v11 =	vld [tilespmem:s26+$0xC000];
	[tilespmem:s25+$0xBE00] =	vst v10;
	s25 =	smov.u32 s26  }
0x399: {  	v10 =	vld [tilespmem:s25+$0xBE00]  }
.Ltmp42:
0x39a: {  	(pc) =	sbr.rel @p0 .LBB2_78-.Ltmp42, $3  }
0x39b: {  	_ =	sdelay $0x1  }
0x39c: {  	vm0 =	veq.s32 v11, v9  }
0x39d: {  	s26 =	sshra.s32 s12, $0x2;
	s12 =	sadd.s32 $0x40, s12;
	v10 =	vsel vm0, $0xF149F2CA, v10  }
0x39e: {  	v11 =	vld [tilespmem:s26+$0xC000];
	[tilespmem:s25+$0xBE00] =	vst v10  }
0x39f: {  	v10 =	vld [tilespmem:s26+$0xBE00];
	_ =	sdelay $0x3  }
0x3a0: {  	vm0 =	veq.s32 v11, v9  }
0x3a1: {  	v9 =	vsel vm0, $0xF149F2CA, v10  }
0x3a2: {  	[tilespmem:s26+$0xBE00] =	vst v9  }
0x3a3: {  	v12 =	vld [tilespmem:s1+$0xBE00]  }
0x3a4: {  	v11 =	vld [tilespmem:s1+$0xC000];
	_ =	sdelay $0x1  }
0x3a5: {  	v10 =	vimm.s32 $0x40000000;
	v9 =	vimm.f32 $-1.000000020e+30  }
.LBB2_80:
0x3a6: {  	p0 =	sne.s32 s0, $0x7C0  }
.Ltmp43:
0x3a7: {  	s1 =	sshra.s32 s0, $0x2;
	v13 =	vmov v12;
	(pc) =	sbr.rel @p0 .LBB2_80-.Ltmp43, $4  }
0x3a8: {  	s0 =	sadd.s32 $0x40, s0;
	v12 =	vld [tilespmem:s1+$0xBE00];
	vm0 =	veq.f32 v13, v9;
	vm1 =	vlt.s32 v11, v10;
	v14 =	vmov v11  }
0x3a9: {  	vm15 =	vgt.f32 v13, v9;
	v11 =	vld [tilespmem:s1+$0xC000];
	vm0 =	vmand vm0, vm1  }
0x3aa: {  	vm0 =	vmor vm15, vm0  }
0x3ab: {  	v9 =	vsel vm0, v13, v9;
	v10 =	vsel vm0, v14, v10  }
0x3ac: {  	_ =	sdelay $0x1  }
0x3ad: {  	vm0 =	veq.f32 v12, v9;
	vm1 =	vlt.s32 v11, v10  }
0x3ae: {  	vm15 =	vgt.f32 v12, v9;
	vm0 =	vmand vm0, vm1  }
0x3af: {  	vm0 =	vmor vm15, vm0  }
0x3b0: {  	v62 =	vsel vm0, v12, v9  }
0x3b1: {  	(xrf0) =	vmax.scan.msk.f32 $0xffff, v62;
	_ =	sdelay $0x5  }
0x3b2: {  	v9, _, _ =	vpop (xrf0)  }
0x3b3: {  	v9 =	vbroadcast v9, $0xF  }
0x3b4: {  	v10 =	vsel vm0, v11, v10  }
0x3b5: {  	v10 =	vxor.u32 $0x80000000, v10;
	vm0 =	veq.f32 v62, v9  }
0x3b6: {  	v10 =	vnsel vm0, $0xC0000000, v10  }
0x3b7: {  	(xrf0) =	vmin.scan.msk.u32 $0xffff, v10;
	_ =	sdelay $0x5  }
0x3b8: {  	v10, _, _ =	vpop (xrf0)  }
0x3b9: {  	(v2sf) =	vpush v10, $0xF;
	_ =	sdelay $0xb  }
0x3ba: {  	s1 =	simm.s32 $0x0  }
0x3bb: {  	v11 =	vld [tilespmem:s1+$0xC000]  }
0x3bc: {  	v63 =	vld [tilespmem:s1+$0xBE00]  }
0x3bd: {  	s0 =	spop (v2sf)  }
0x3be: {  	s25 =	sxor.u32 $0x80000000, s0  }
0x3bf: {  	v10 =	vmov s25  }
0x3c0: {  	s28 =	simm.s32 $0x10;
	vm0 =	veq.s32 v11, v10  }
0x3c1: {  	s12 =	simm.s32 $0x80;
	s26 =	simm.s32 $0x0;
	s0 =	simm.s32 $0x40;
	v11 =	vsel vm0, $0xF149F2CA, v63  }
.LBB2_82:
0x3c2: {  	p0 =	sne.s32 s12, $0x7C0;
	v12 =	vld [tilespmem:s28+$0xC000];
	[tilespmem:s26+$0xBE00] =	vst v11;
	s26 =	smov.u32 s28  }
0x3c3: {  	v11 =	vld [tilespmem:s26+$0xBE00]  }
.Ltmp44:
0x3c4: {  	(pc) =	sbr.rel @p0 .LBB2_82-.Ltmp44, $3  }
0x3c5: {  	_ =	sdelay $0x1  }
0x3c6: {  	vm0 =	veq.s32 v12, v10  }
0x3c7: {  	s28 =	sshra.s32 s12, $0x2;
	s12 =	sadd.s32 $0x40, s12;
	v11 =	vsel vm0, $0xF149F2CA, v11  }
0x3c8: {  	v12 =	vld [tilespmem:s28+$0xC000];
	[tilespmem:s26+$0xBE00] =	vst v11  }
0x3c9: {  	v11 =	vld [tilespmem:s28+$0xBE00];
	_ =	sdelay $0x3  }
0x3ca: {  	vm0 =	veq.s32 v12, v10  }
0x3cb: {  	v10 =	vsel vm0, $0xF149F2CA, v11  }
0x3cc: {  	[tilespmem:s28+$0xBE00] =	vst v10  }
0x3cd: {  	v13 =	vld [tilespmem:s1+$0xBE00]  }
0x3ce: {  	v12 =	vld [tilespmem:s1+$0xC000];
	_ =	sdelay $0x1  }
0x3cf: {  	v11 =	vimm.s32 $0x40000000;
	v10 =	vimm.f32 $-1.000000020e+30  }
.LBB2_84:
0x3d0: {  	p0 =	sne.s32 s0, $0x7C0  }
.Ltmp45:
0x3d1: {  	s1 =	sshra.s32 s0, $0x2;
	v14 =	vmov v13;
	(pc) =	sbr.rel @p0 .LBB2_84-.Ltmp45, $4  }
0x3d2: {  	s0 =	sadd.s32 $0x40, s0;
	v13 =	vld [tilespmem:s1+$0xBE00];
	vm0 =	veq.f32 v14, v10;
	vm1 =	vlt.s32 v12, v11;
	v15 =	vmov v12  }
0x3d3: {  	vm15 =	vgt.f32 v14, v10;
	v12 =	vld [tilespmem:s1+$0xC000];
	vm0 =	vmand vm0, vm1  }
0x3d4: {  	vm0 =	vmor vm15, vm0  }
0x3d5: {  	v10 =	vsel vm0, v14, v10;
	v11 =	vsel vm0, v15, v11  }
0x3d6: {  	_ =	sdelay $0x1  }
0x3d7: {  	vm0 =	veq.f32 v13, v10;
	vm1 =	vlt.s32 v12, v11  }
0x3d8: {  	vm15 =	vgt.f32 v13, v10;
	vm0 =	vmand vm0, vm1  }
0x3d9: {  	vm0 =	vmor vm15, vm0  }
0x3da: {  	v13 =	vsel vm0, v13, v10  }
0x3db: {  	(xrf0) =	vmax.scan.msk.f32 $0xffff, v13;
	_ =	sdelay $0x5  }
0x3dc: {  	v10, _, _ =	vpop (xrf0)  }
0x3dd: {  	v10 =	vbroadcast v10, $0xF  }
0x3de: {  	v11 =	vsel vm0, v12, v11  }
0x3df: {  	v11 =	vxor.u32 $0x80000000, v11;
	vm0 =	veq.f32 v13, v10  }
0x3e0: {  	v11 =	vnsel vm0, $0xC0000000, v11  }
0x3e1: {  	(xrf0) =	vmin.scan.msk.u32 $0xffff, v11;
	_ =	sdelay $0x5  }
0x3e2: {  	v11, _, _ =	vpop (xrf0)  }
0x3e3: {  	(v2sf) =	vpush v11, $0xF;
	_ =	sdelay $0xb  }
0x3e4: {  	s1 =	simm.s32 $0x0  }
0x3e5: {  	v12 =	vld [tilespmem:s1+$0xC000]  }
0x3e6: {  	v13 =	vld [tilespmem:s1+$0xBE00]  }
0x3e7: {  	s0 =	spop (v2sf)  }
0x3e8: {  	s26 =	sxor.u32 $0x80000000, s0  }
0x3e9: {  	v11 =	vmov s26  }
0x3ea: {  	s29 =	simm.s32 $0x10;
	vm0 =	veq.s32 v12, v11  }
0x3eb: {  	s12 =	simm.s32 $0x80;
	s28 =	simm.s32 $0x0;
	s0 =	simm.s32 $0x40;
	v12 =	vsel vm0, $0xF149F2CA, v13  }
.LBB2_86:
0x3ec: {  	p0 =	sne.s32 s12, $0x7C0;
	v13 =	vld [tilespmem:s29+$0xC000];
	[tilespmem:s28+$0xBE00] =	vst v12;
	s28 =	smov.u32 s29  }
0x3ed: {  	v12 =	vld [tilespmem:s28+$0xBE00]  }
.Ltmp46:
0x3ee: {  	(pc) =	sbr.rel @p0 .LBB2_86-.Ltmp46, $3  }
0x3ef: {  	_ =	sdelay $0x1  }
0x3f0: {  	vm0 =	veq.s32 v13, v11  }
0x3f1: {  	s29 =	sshra.s32 s12, $0x2;
	s12 =	sadd.s32 $0x40, s12;
	v12 =	vsel vm0, $0xF149F2CA, v12  }
0x3f2: {  	v13 =	vld [tilespmem:s29+$0xC000];
	[tilespmem:s28+$0xBE00] =	vst v12  }
0x3f3: {  	v12 =	vld [tilespmem:s29+$0xBE00];
	_ =	sdelay $0x3  }
0x3f4: {  	vm0 =	veq.s32 v13, v11  }
0x3f5: {  	v11 =	vsel vm0, $0xF149F2CA, v12  }
0x3f6: {  	[tilespmem:s29+$0xBE00] =	vst v11  }
0x3f7: {  	v14 =	vld [tilespmem:s1+$0xBE00]  }
0x3f8: {  	v13 =	vld [tilespmem:s1+$0xC000];
	_ =	sdelay $0x1  }
0x3f9: {  	v12 =	vimm.s32 $0x40000000;
	v11 =	vimm.f32 $-1.000000020e+30  }
.LBB2_88:
0x3fa: {  	p0 =	sne.s32 s0, $0x7C0  }
.Ltmp47:
0x3fb: {  	s1 =	sshra.s32 s0, $0x2;
	v15 =	vmov v14;
	(pc) =	sbr.rel @p0 .LBB2_88-.Ltmp47, $4  }
0x3fc: {  	s0 =	sadd.s32 $0x40, s0;
	v14 =	vld [tilespmem:s1+$0xBE00];
	vm0 =	veq.f32 v15, v11;
	vm1 =	vlt.s32 v13, v12;
	v16 =	vmov v13  }
0x3fd: {  	vm15 =	vgt.f32 v15, v11;
	v13 =	vld [tilespmem:s1+$0xC000];
	vm0 =	vmand vm0, vm1  }
0x3fe: {  	vm0 =	vmor vm15, vm0  }
0x3ff: {  	v11 =	vsel vm0, v15, v11;
	v12 =	vsel vm0, v16, v12  }
0x400: {  	_ =	sdelay $0x1  }
0x401: {  	vm0 =	veq.f32 v14, v11;
	vm1 =	vlt.s32 v13, v12  }
0x402: {  	vm15 =	vgt.f32 v14, v11;
	vm0 =	vmand vm0, vm1  }
0x403: {  	vm0 =	vmor vm15, vm0  }
0x404: {  	v14 =	vsel vm0, v14, v11  }
0x405: {  	(xrf0) =	vmax.scan.msk.f32 $0xffff, v14;
	_ =	sdelay $0x5  }
0x406: {  	v11, _, _ =	vpop (xrf0)  }
0x407: {  	v11 =	vbroadcast v11, $0xF  }
0x408: {  	v12 =	vsel vm0, v13, v12  }
0x409: {  	v12 =	vxor.u32 $0x80000000, v12;
	vm0 =	veq.f32 v14, v11  }
0x40a: {  	v12 =	vnsel vm0, $0xC0000000, v12  }
0x40b: {  	(xrf0) =	vmin.scan.msk.u32 $0xffff, v12;
	_ =	sdelay $0x5  }
0x40c: {  	v12, _, _ =	vpop (xrf0)  }
0x40d: {  	(v2sf) =	vpush v12, $0xF;
	_ =	sdelay $0xb  }
0x40e: {  	s12 =	simm.s32 $0x0  }
0x40f: {  	v13 =	vld [tilespmem:s12+$0xC000]  }
0x410: {  	v14 =	vld [tilespmem:s12+$0xBE00]  }
0x411: {  	s0 =	spop (v2sf)  }
0x412: {  	s0 =	sxor.u32 $0x80000000, s0  }
0x413: {  	v12 =	vmov s0  }
0x414: {  	vm0 =	veq.s32 v13, v12  }
0x415: {  	s1 =	simm.s32 $0x10;
	s28 =	simm.s32 $0x80;
	v13 =	vsel vm0, $0xF149F2CA, v14  }
.LBB2_90:
0x416: {  	p0 =	sne.s32 s28, $0x7C0;
	v14 =	vld [tilespmem:s1+$0xC000];
	[tilespmem:s12+$0xBE00] =	vst v13;
	s12 =	smov.u32 s1  }
0x417: {  	v13 =	vld [tilespmem:s12+$0xBE00]  }
.Ltmp48:
0x418: {  	(pc) =	sbr.rel @p0 .LBB2_90-.Ltmp48, $3  }
0x419: {  	_ =	sdelay $0x1  }
0x41a: {  	vm0 =	veq.s32 v14, v12  }
0x41b: {  	s1 =	sshra.s32 s28, $0x2;
	s28 =	sadd.s32 $0x40, s28;
	v13 =	vsel vm0, $0xF149F2CA, v13  }
0x41c: {  	vm0 =	vmmov $0x1  }
0x41d: {  	v14 =	vld [tilespmem:s1+$0xC000];
	[tilespmem:s12+$0xBE00] =	vst v13;
	v4 =	vnsel vm0, $0xF149F2CA, v4;
	vm0 =	vcmask $0x320  }
0x41e: {  	v5 =	vnsel vm7, $0x0, v5;
	v13 =	vld [tilespmem:s1+$0xBE00];
	v4 =	vsel vm0, v4, v6;
	vm0 =	vcmask $0x720  }
0x41f: {  	v5 =	vsel vm8, s21, v5;
	v4 =	vsel vm0, v4, v7  }
0x420: {  	v5 =	vsel vm9, s22, v5;
	v4 =	vsel vm2, v4, v8  }
0x421: {  	v62 =	vsel vm10, s23, v5;
	v3 =	vsel vm3, v4, v3  }
0x422: {  	vm0 =	veq.s32 v14, v12;
	v4 =	vsel vm11, s24, v62;
	v3 =	vsel vm4, v3, v9  }
0x423: {  	v63 =	vsel vm0, $0xF149F2CA, v13;
	v4 =	vsel vm12, s25, v4;
	v3 =	vsel vm5, v3, v10  }
0x424: {  	[tilespmem:s1+$0xBE00] =	vst v63;
	v4 =	vsel vm13, s26, v4;
	v3 =	vsel vm6, v3, v11  }
0x425: {  	v4 =	vsel vm14, s0, v4;
	[tilespmem:$0xC280] =	vst v3  }
0x426: {  	s31 =	simm.s32 $0xC280;
	[tilespmem:$0xC300] =	vst v4  }
0x427: {  	[hbm4b:s9+s2] =	stream.linear.scatter [tilespmem:s31], [sflag:$0x3], $0x8, $0x38;
	[tilespmem:$0xC380] =	vst v63  }
0x428: {  	s20 =	sadd.s32 $0x1, s20;
	_ =	swait.ge [sflag:s13], $0x8  }
0x429: {  	p0 =	sne.s32 s20, s11;
	[sflag:s13] =	ssyncset.done $0x0  }
.Ltmp49:
0x42a: {  	[sflag:s13] =	ssyncadd.s32 $0xFFFFFFF8;
	(pc) =	sbr.rel @p0 .LBB2_1-.Ltmp49, $4  }
0x42b: {  	[hbm4b:s10+s2] =	stream.linear.scatter [tilespmem:s18], [sflag:$0x3], $0x8, $0x38;
	[tilespmem:$0xC380] =	vst v63  }
0x42c: {  	_ =	swait.ge [sflag:s13], $0x8  }
0x42d: {  	[sflag:s13] =	ssyncset.done $0x0  }
0x42e: {  	[sflag:s13] =	ssyncadd.s32 $0xFFFFFFF8  }
0x42f: {  	_ =	sfence.sel $0x180000  }
0x430: {  	[bflag:$0x0] =	sbarrier.arrive $0xFFFF  }
0x431: {  	_ =	strace $0x90000047  }
0x432: {  	s0 =	stileid.u32;
	[bflag:$0x2] =	sbarrier.arrive $0xFFFF  }
0x433: {  	p0 =	sne.s32 s0, $0x0;
	s0 =	rddreg [dreg:$0x4]  }
0x434: {  	s0 =	sadd.s32 @!p0 $0x100000, s0  }
0x435: {  	[sflag:s0] =	ssyncadd.tile.s32 @!p0 $0x1;
	_ =	shalt  }
.Lfunc_end2:
_tile_overlayer_lowered:
.L_overlay_start_2:
0x436: {  	(tag) =	ssettag $0x2  }
0x437: {  	s0 =	rddreg [dreg:$0x0];
	s2 =	stileid.u32  }
0x438: {  	s1 =	rddreg [dreg:$0x1];
	p0 =	sne.s32 s2, $0x0  }
0x439: {  	s3 =	rddreg [dreg:$0x2];
	[bflag:$0x3] =	sbarrier.arrive $0xFFFF;
	s2 =	simm.s32 @!p0 $0x1C03  }
0x43a: {  	[timem:s3], [sflag:s2] =	dma.local @!p0 [hbm:s0], s1  }
0x43b: {  	s0 =	simm.s32 @!p0 $0x3  }
0x43c: {  	_ =	swait.ge @!p0 [sflag:s0], s1  }
0x43d: {  	s1 =	ssub.s32 @!p0 $0x0, s1;
	[sflag:s0] =	ssyncset.done @!p0 $0x0  }
0x43e: {  	[sflag:s0] =	ssyncadd.s32 @!p0 s1  }
0x43f: {  	[bflag:$0x3] =	sbarrier.arrive $0xFFFF  }
0x440: {  	_ =	shalt  }

</sc_bundles>
